<compile_context>
chip_gen: v7x
topology: tpu7x:2x2x1
jax: 0.10.2.dev20260603
libtpu: 0.0.44.dev20260713+nightly
codegen_flags: <defaults>
</compile_context>

<pallas_src>
import jax
import jax.numpy as jnp
from jax import lax
from jax.experimental import pallas as pl
from jax.experimental.pallas import tpu as pltpu
from jax.experimental.pallas import tpu_sc as plsc

N = 10000
E = 320000
D_IN = 128
DH = 64
K = 10

NS = 16
NC = 2
NPAD = 10240
RPT = NPAD // NS
NB = 160
NBUF = 4
EPT = E // NS
NAGG = NPAD + NS
NDEG = NAGG // NS


def _mlp_body(x_ref, w1_ref, b1_ref, w2_ref, b2_ref, o_ref):
    h1 = jnp.dot(x_ref[...], w1_ref[...], preferred_element_type=jnp.float32)
    h1 = jnp.maximum(h1 + b1_ref[...], 0.0)
    h2 = jnp.dot(h1, w2_ref[...], preferred_element_type=jnp.float32)
    h2 = h2 + b2_ref[...]
    o_ref[0] = h2[:, :DH]
    o_ref[1] = h2[:, DH:]


def _mlp(x_pad, W1, b1, W2, b2):
    R = 1024
    return pl.pallas_call(
        _mlp_body,
        grid=(NPAD // R,),
        in_specs=[
            pl.BlockSpec((R, D_IN), lambda i: (i, 0)),
            pl.BlockSpec((D_IN, D_IN), lambda i: (0, 0)),
            pl.BlockSpec((1, D_IN), lambda i: (0, 0)),
            pl.BlockSpec((D_IN, D_IN), lambda i: (0, 0)),
            pl.BlockSpec((1, D_IN), lambda i: (0, 0)),
        ],
        out_specs=pl.BlockSpec((2, R, DH), lambda i: (0, i, 0)),
        out_shape=jax.ShapeDtypeStruct((2, NPAD, DH), jnp.float32),
    )(x_pad, W1, b1.reshape(1, D_IN), W2, b2.reshape(1, D_IN))


def _rsqrt16(x):
    i = lax.bitcast_convert_type(x, jnp.int32)
    i = jnp.full((16,), 0x5F3759DF, jnp.int32) - jnp.right_shift(
        i, jnp.full((16,), 1, jnp.int32))
    y = lax.bitcast_convert_type(i, jnp.float32)
    half_x = x * 0.5
    for _ in range(3):
        y = y * (1.5 - half_x * y * y)
    return y


def _sc_body(h_hbm, src_hbm, dst_hbm, temp_hbm, out_hbm, g_hbm,
             src_v, dst_v, buf0, buf1, buf2, buf3, ones_v, temp_v,
             agg_sh, deg_sh, sem0, sem1, sem2, sem3):
    bufs = (buf0, buf1, buf2, buf3)
    sems = (sem0, sem1, sem2, sem3)
    c = lax.axis_index("c")
    s = lax.axis_index("s")
    row0 = s * RPT

    pltpu.sync_copy(src_hbm.at[c, s], src_v)
    pltpu.sync_copy(dst_hbm.at[s], dst_v)
    pltpu.sync_copy(temp_hbm, temp_v)

    ones16 = jnp.full((16,), 1.0, jnp.float32)

    def _ones_row(i, carry):
        ones_v[i] = ones16
        return carry
    lax.fori_loop(0, 128, _ones_row, 0)

    for j in range(5):
        pltpu.sync_copy(ones_v, deg_sh.at[pl.ds(s * NDEG + j * 128, 128)])
    pltpu.sync_copy(ones_v.at[pl.ds(0, 1)],
                    deg_sh.at[pl.ds(s * NDEG + 640, 1)])
    plsc.subcore_barrier()

    for b in range(NBUF):
        pltpu.async_copy(ones_v, deg_sh.at[dst_v.at[b]], sems[b], add=True)

    def _deg_blk(i, carry):
        j0 = i * NBUF
        for b in range(NBUF):
            pltpu.make_async_copy(
                ones_v, deg_sh.at[dst_v.at[j0 + b]], sems[b]).wait()
            pltpu.async_copy(ones_v, deg_sh.at[dst_v.at[j0 + b + NBUF]],
                             sems[b], add=True)
        return carry
    lax.fori_loop(0, NB // NBUF - 1, _deg_blk, 0)
    j0 = NB - NBUF
    for b in range(NBUF):
        pltpu.make_async_copy(
            ones_v, deg_sh.at[dst_v.at[j0 + b]], sems[b]).wait()
    plsc.subcore_barrier()

    for j in range(5):
        pltpu.sync_copy(deg_sh.at[pl.ds(row0 + j * 128, 128)], ones_v)

        def _dis_row(r, carry):
            ones_v[r] = _rsqrt16(ones_v[r])
            return carry
        lax.fori_loop(0, 128, _dis_row, 0)
        pltpu.sync_copy(ones_v, deg_sh.at[pl.ds(row0 + j * 128, 128)])

    tv0 = temp_v[0]
    for j in range(5):
        pltpu.sync_copy(h_hbm.at[c, pl.ds(row0 + j * 128, 128)], buf0)
        pltpu.sync_copy(deg_sh.at[pl.ds(row0 + j * 128, 128)], ones_v)

        def _init_row(r, carry):
            dsp = ones_v[r]
            for cg in range(4):
                hrow = buf0[r, pl.ds(cg * 16, 16)]
                buf1[r, pl.ds(cg * 16, 16)] = hrow * tv0
                buf2[r, pl.ds(cg * 16, 16)] = hrow * dsp
            return carry
        lax.fori_loop(0, 128, _init_row, 0)
        pltpu.sync_copy(buf1, out_hbm.at[c, pl.ds(row0 + j * 128, 128)])
        pltpu.sync_copy(buf2, g_hbm.at[pl.ds(c * NPAD + row0 + j * 128, 128)])
        pltpu.sync_copy(buf2, agg_sh.at[pl.ds(row0 + j * 128, 128)])
    plsc.subcore_barrier()

    def _gather(j, b):
        return pltpu.async_copy(g_hbm.at[src_v.at[j]], bufs[b], sems[b])

    def _round(k, carry):
        for b in range(NBUF):
            _gather(b, b)

        def _edge_blk(i, carry2):
            j0 = i * NBUF
            for b in range(NBUF):
                pltpu.make_async_copy(
                    g_hbm.at[src_v.at[j0 + b]], bufs[b], sems[b]).wait()
                pltpu.sync_copy(bufs[b], agg_sh.at[dst_v.at[j0 + b]],
                                add=True)
                _gather(j0 + b + NBUF, b)
            return carry2
        lax.fori_loop(0, NB // NBUF - 1, _edge_blk, 0)
        j0 = NB - NBUF
        for b in range(NBUF):
            pltpu.make_async_copy(
                g_hbm.at[src_v.at[j0 + b]], bufs[b], sems[b]).wait()
            pltpu.sync_copy(bufs[b], agg_sh.at[dst_v.at[j0 + b]], add=True)
        plsc.subcore_barrier()

        tk = temp_v[k + 1]
        pairs = ((buf0, buf1, sem0, sem2), (buf2, buf3, sem1, sem3))

        def _hid_ld(j):
            _, hb, sl, _ = pairs[j % 2]
            pltpu.async_copy(out_hbm.at[c, pl.ds(row0 + j * 128, 128)],
                             hb, sl)

        def _st_wait(j):
            ab, hb, _, ss = pairs[j % 2]
            pltpu.make_async_copy(
                hb, out_hbm.at[c, pl.ds(row0 + j * 128, 128)], ss).wait()
            pltpu.make_async_copy(
                ab, g_hbm.at[pl.ds(c * NPAD + row0 + j * 128, 128)],
                ss).wait()

        _hid_ld(0)
        for j in range(5):
            ab, hb, sl, ss = pairs[j % 2]
            if j + 1 <= 4:
                if j - 1 >= 0:
                    _st_wait(j - 1)
                _hid_ld(j + 1)
            pltpu.sync_copy(agg_sh.at[pl.ds(row0 + j * 128, 128)], ab)
            pltpu.sync_copy(deg_sh.at[pl.ds(row0 + j * 128, 128)], ones_v)
            pltpu.make_async_copy(
                out_hbm.at[c, pl.ds(row0 + j * 128, 128)], hb, sl).wait()

            def _upd_row(r, carry2, ab=ab, hb=hb):
                dsp = ones_v[r]
                for cg in range(4):
                    hn = ab[r, pl.ds(cg * 16, 16)] * dsp
                    hb[r, pl.ds(cg * 16, 16)] = (
                        hb[r, pl.ds(cg * 16, 16)] + tk * hn)
                    ab[r, pl.ds(cg * 16, 16)] = hn * dsp
                return carry2
            lax.fori_loop(0, 128, _upd_row, 0)
            pltpu.async_copy(hb, out_hbm.at[c, pl.ds(row0 + j * 128, 128)],
                             ss)
            pltpu.async_copy(
                ab, g_hbm.at[pl.ds(c * NPAD + row0 + j * 128, 128)], ss)
            pltpu.sync_copy(ab, agg_sh.at[pl.ds(row0 + j * 128, 128)])
        _st_wait(3)
        _st_wait(4)
        plsc.subcore_barrier()
        return carry
    lax.fori_loop(0, K, _round, 0)


def _propagate(h, src_t, dst_t, tempb):
    fn = pl.kernel(
        _sc_body,
        out_type=(
            jax.ShapeDtypeStruct((NC, NPAD, DH), jnp.float32),
            jax.ShapeDtypeStruct((NC * NPAD, DH), jnp.float32),
        ),
        mesh=plsc.VectorSubcoreMesh(core_axis_name="c", subcore_axis_name="s"),
        scratch_types=[
            pltpu.VMEM((NB, 128), jnp.int32),
            pltpu.VMEM((NB, 128), jnp.int32),
            pltpu.VMEM((128, DH), jnp.float32),
            pltpu.VMEM((128, DH), jnp.float32),
            pltpu.VMEM((128, DH), jnp.float32),
            pltpu.VMEM((128, DH), jnp.float32),
            pltpu.VMEM((128, 16), jnp.float32),
            pltpu.VMEM((K + 1, 16), jnp.float32),
            pltpu.VMEM_SHARED((NAGG, DH), jnp.float32),
            pltpu.VMEM_SHARED((NAGG, 16), jnp.float32),
            pltpu.SemaphoreType.DMA,
            pltpu.SemaphoreType.DMA,
            pltpu.SemaphoreType.DMA,
            pltpu.SemaphoreType.DMA,
        ],
        compiler_params=pltpu.CompilerParams(use_tc_tiling_on_sc=False),
    )
    return fn(h, src_t, dst_t, tempb)


def kernel(x, edge_index, W1, b1, W2, b2, temp):
    x_pad = jnp.pad(x.astype(jnp.float32), ((0, NPAD - N), (0, 0)))
    h = _mlp(x_pad, W1, b1, W2, b2)

    src = edge_index[0].astype(jnp.int32).reshape(NS, EPT)
    dst = edge_index[1].astype(jnp.int32).reshape(NS, EPT)
    npad_e = NB * 128 - EPT
    tid = jnp.arange(NS, dtype=jnp.int32)[:, None]
    ppos = jnp.arange(npad_e, dtype=jnp.int32)[None, :]
    pad_src = (ppos * 997 + tid * RPT) % NPAD
    pad_dst = jnp.broadcast_to(NPAD + tid, (NS, npad_e))
    src_flat = jnp.concatenate([src, pad_src], axis=1).reshape(NS, NB, 128)
    src_t = src_flat[None] + (
        NPAD * jnp.arange(NC, dtype=jnp.int32))[:, None, None, None]
    dst_t = jnp.concatenate([dst, pad_dst], axis=1).reshape(NS, NB, 128)

    tempb = jnp.broadcast_to(temp.astype(jnp.float32)[:, None], (K + 1, 16))

    out, _ = _propagate(h, src_t, dst_t, tempb)
    return jnp.concatenate([out[0, :N], out[1, :N]], axis=1)

# --- scband reference (transcript-rebuilt; emitter-appended) ---
"""Pipeline reference for scband-gprgnn-89910845374856 (READ-ONLY COPY).

The authoritative reference and input builder live on the scoring server;
editing this copy changes nothing except your own understanding.
"""

import jax, jax.numpy as jnp
import numpy as np

N = 10000
E = 320000
D_IN = 128
D_H = 128
D_OUT = 128
K = 10
ALPHA = 0.1


def setup_inputs(seed: int = 0) -> dict:
    key = jax.random.key(seed)
    k1, k2, k3, k4, k5, k6 = jax.random.split(key, 6)
    x = jax.random.normal(k1, (N, D_IN), dtype=jnp.float32)
    edge_index = jax.random.randint(k2, (2, E), 0, N)
    # Linear layer params (Kaiming-uniform-ish init like torch.nn.Linear)
    lim1 = 1.0 / np.sqrt(D_IN)
    W1 = jax.random.uniform(k3, (D_IN, D_H), minval=-lim1, maxval=lim1, dtype=jnp.float32)
    b1 = jax.random.uniform(k4, (D_H,), minval=-lim1, maxval=lim1, dtype=jnp.float32)
    lim2 = 1.0 / np.sqrt(D_H)
    W2 = jax.random.uniform(k5, (D_H, D_OUT), minval=-lim2, maxval=lim2, dtype=jnp.float32)
    b2 = jax.random.uniform(k6, (D_OUT,), minval=-lim2, maxval=lim2, dtype=jnp.float32)
    # GPR propagation weights: temp[k] = alpha*(1-alpha)^k, temp[K] = (1-alpha)^K
    temp = np.array([ALPHA * (1.0 - ALPHA) ** k for k in range(K + 1)], dtype=np.float32)
    temp[K] = (1.0 - ALPHA) ** K
    temp = jnp.asarray(temp)
    return {"x": x, "edge_index": edge_index, "W1": W1, "b1": b1, "W2": W2, "b2": b2, "temp": temp}


def reference(x, edge_index, W1, b1, W2, b2, temp):
    # Dropout is identity in eval mode.
    h = jax.nn.relu(x @ W1 + b1)
    h = h @ W2 + b2
    # GPRConv: gcn_norm with self-loops, then K rounds of propagation
    loop = jnp.arange(N, dtype=edge_index.dtype)
    src = jnp.concatenate([edge_index[0], loop])
    dst = jnp.concatenate([edge_index[1], loop])
    deg = jax.ops.segment_sum(jnp.ones(src.shape[0], dtype=jnp.float32), dst, num_segments=N)
    deg_inv_sqrt = jnp.where(deg > 0, deg ** -0.5, 0.0)
    norm = deg_inv_sqrt[src] * deg_inv_sqrt[dst]
    hidden = h * temp[0]
    for k in range(K):
        h = jax.ops.segment_sum(norm[:, None] * jnp.take(h, src, axis=0), dst, num_segments=N)
        hidden = hidden + temp[k + 1] * h
    return hidden

if __name__ == "__main__":
    import jax
    _d = setup_inputs()
    print(jax.jit(kernel)(*tuple(_d.values())))

</pallas_src>

<mosaic_0001>
#map = affine_map<(d0, d1) -> (0, 0, 0)>
#map1 = affine_map<(d0, d1) -> (0, 0, 0, 0)>
#map2 = affine_map<(d0, d1) -> (0, 0)>
module attributes {stable_mosaic.version = 14 : i64} {
  func.func @_sc_body(%arg0: i32, %arg1: i32, %arg2: memref<2x10240x64xf32, #tpu.memory_space<hbm>>, %arg3: memref<2x16x160x128xi32, #tpu.memory_space<hbm>>, %arg4: memref<16x160x128xi32, #tpu.memory_space<hbm>>, %arg5: memref<11x16xf32, #tpu.memory_space<hbm>>, %arg6: memref<2x10240x64xf32, #tpu.memory_space<hbm>>, %arg7: memref<20480x64xf32, #tpu.memory_space<hbm>>, %arg8: memref<160x128xi32, #tpu.memory_space<vmem>>, %arg9: memref<160x128xi32, #tpu.memory_space<vmem>>, %arg10: memref<128x64xf32, #tpu.memory_space<vmem>>, %arg11: memref<128x64xf32, #tpu.memory_space<vmem>>, %arg12: memref<128x64xf32, #tpu.memory_space<vmem>>, %arg13: memref<128x64xf32, #tpu.memory_space<vmem>>, %arg14: memref<128x16xf32, #tpu.memory_space<vmem>>, %arg15: memref<11x16xf32, #tpu.memory_space<vmem>>, %arg16: memref<10256x64xf32, #tpu.memory_space<vmem_shared>>, %arg17: memref<10256x16xf32, #tpu.memory_space<vmem_shared>>, %arg18: memref<!tpu.dma_semaphore, #tpu.memory_space<semaphore_mem>>, %arg19: memref<!tpu.dma_semaphore, #tpu.memory_space<semaphore_mem>>, %arg20: memref<!tpu.dma_semaphore, #tpu.memory_space<semaphore_mem>>, %arg21: memref<!tpu.dma_semaphore, #tpu.memory_space<semaphore_mem>>) attributes {dimension_semantics = [#tpu.dimension_semantics<core_parallel>, #tpu.dimension_semantics<subcore_parallel>], iteration_bounds = array<i64: 2, 16>, scalar_prefetch = 0 : i64, scratch_operands = 14 : i64, tpu.core_type = #tpu.core_type<sc_vector_subcore>, window_params = [{transform_indices = #map}, {transform_indices = #map1}, {transform_indices = #map}, {transform_indices = #map2}, {transform_indices = #map}, {transform_indices = #map2}]} {
    %mul3A = arith.constant 640 : i32
    %mul3A_0 = arith.muli %arg1, %mul3A : i32
    "tpu.region"() ({
      %run_scoped3A = tpu.sem_alloc : memref<!tpu.dma_semaphore, #tpu.memory_space<semaphore_mem>>
      %dma_start3A_247 = arith.constant 0 : i32
      %dma_start3A_248 = arith.constant 0 : i32
      %dma_start3A_249 = tpu.memref_slice %arg3[%arg0, %arg1, %dma_start3A_247, %dma_start3A_248] : memref<2x16x160x128xi32, #tpu.memory_space<hbm>> -> memref<1x1x160x128xi32, #tpu.memory_space<hbm>>
      %dma_start3A_250 = tpu.memref_squeeze %dma_start3A_249 : memref<1x1x160x128xi32, #tpu.memory_space<hbm>> -> memref<160x128xi32, #tpu.memory_space<hbm>>
      %dma_start3A_251 = arith.constant 0 : i32
      %dma_start3A_252 = arith.constant 0 : i32
      %dma_start3A_253 = tpu.memref_slice %arg3[%arg0, %arg1, %dma_start3A_251, %dma_start3A_252] : memref<2x16x160x128xi32, #tpu.memory_space<hbm>> -> memref<1x1x160x128xi32, #tpu.memory_space<hbm>>
      %dma_start3A_254 = tpu.memref_squeeze %dma_start3A_253 : memref<1x1x160x128xi32, #tpu.memory_space<hbm>> -> memref<160x128xi32, #tpu.memory_space<hbm>>
      tpu.enqueue_dma source(%dma_start3A_254 : memref<160x128xi32, #tpu.memory_space<hbm>>) target(%arg8 : memref<160x128xi32, #tpu.memory_space<vmem>>) target_semaphore(%run_scoped3A : memref<!tpu.dma_semaphore, #tpu.memory_space<semaphore_mem>>)
      %dma_wait3A_255 = arith.constant 0 : i32
      %dma_wait3A_256 = arith.constant 0 : i32
      %dma_wait3A_257 = tpu.memref_slice %arg3[%arg0, %arg1, %dma_wait3A_255, %dma_wait3A_256] : memref<2x16x160x128xi32, #tpu.memory_space<hbm>> -> memref<1x1x160x128xi32, #tpu.memory_space<hbm>>
      %dma_wait3A_258 = tpu.memref_squeeze %dma_wait3A_257 : memref<1x1x160x128xi32, #tpu.memory_space<hbm>> -> memref<160x128xi32, #tpu.memory_space<hbm>>
      %dma_wait3A_259 = arith.constant 0 : i32
      %dma_wait3A_260 = arith.constant 0 : i32
      %dma_wait3A_261 = tpu.memref_slice %arg3[%arg0, %arg1, %dma_wait3A_259, %dma_wait3A_260] : memref<2x16x160x128xi32, #tpu.memory_space<hbm>> -> memref<1x1x160x128xi32, #tpu.memory_space<hbm>>
      %dma_wait3A_262 = tpu.memref_squeeze %dma_wait3A_261 : memref<1x1x160x128xi32, #tpu.memory_space<hbm>> -> memref<160x128xi32, #tpu.memory_space<hbm>>
      tpu.wait_dma2 semaphore(%run_scoped3A : memref<!tpu.dma_semaphore, #tpu.memory_space<semaphore_mem>>) src(%dma_wait3A_262 : memref<160x128xi32, #tpu.memory_space<hbm>>) dst(%arg8 : memref<160x128xi32, #tpu.memory_space<vmem>>)
      tpu.yield
    }) : () -> ()
    "tpu.region"() ({
      %run_scoped3A = tpu.sem_alloc : memref<!tpu.dma_semaphore, #tpu.memory_space<semaphore_mem>>
      %dma_start3A_247 = arith.constant 0 : i32
      %dma_start3A_248 = arith.constant 0 : i32
      %dma_start3A_249 = tpu.memref_slice %arg4[%arg1, %dma_start3A_247, %dma_start3A_248] : memref<16x160x128xi32, #tpu.memory_space<hbm>> -> memref<1x160x128xi32, #tpu.memory_space<hbm>>
      %dma_start3A_250 = tpu.memref_squeeze %dma_start3A_249 : memref<1x160x128xi32, #tpu.memory_space<hbm>> -> memref<160x128xi32, #tpu.memory_space<hbm>>
      %dma_start3A_251 = arith.constant 0 : i32
      %dma_start3A_252 = arith.constant 0 : i32
      %dma_start3A_253 = tpu.memref_slice %arg4[%arg1, %dma_start3A_251, %dma_start3A_252] : memref<16x160x128xi32, #tpu.memory_space<hbm>> -> memref<1x160x128xi32, #tpu.memory_space<hbm>>
      %dma_start3A_254 = tpu.memref_squeeze %dma_start3A_253 : memref<1x160x128xi32, #tpu.memory_space<hbm>> -> memref<160x128xi32, #tpu.memory_space<hbm>>
      tpu.enqueue_dma source(%dma_start3A_254 : memref<160x128xi32, #tpu.memory_space<hbm>>) target(%arg9 : memref<160x128xi32, #tpu.memory_space<vmem>>) target_semaphore(%run_scoped3A : memref<!tpu.dma_semaphore, #tpu.memory_space<semaphore_mem>>)
      %dma_wait3A_255 = arith.constant 0 : i32
      %dma_wait3A_256 = arith.constant 0 : i32
      %dma_wait3A_257 = tpu.memref_slice %arg4[%arg1, %dma_wait3A_255, %dma_wait3A_256] : memref<16x160x128xi32, #tpu.memory_space<hbm>> -> memref<1x160x128xi32, #tpu.memory_space<hbm>>
      %dma_wait3A_258 = tpu.memref_squeeze %dma_wait3A_257 : memref<1x160x128xi32, #tpu.memory_space<hbm>> -> memref<160x128xi32, #tpu.memory_space<hbm>>
      %dma_wait3A_259 = arith.constant 0 : i32
      %dma_wait3A_260 = arith.constant 0 : i32
      %dma_wait3A_261 = tpu.memref_slice %arg4[%arg1, %dma_wait3A_259, %dma_wait3A_260] : memref<16x160x128xi32, #tpu.memory_space<hbm>> -> memref<1x160x128xi32, #tpu.memory_space<hbm>>
      %dma_wait3A_262 = tpu.memref_squeeze %dma_wait3A_261 : memref<1x160x128xi32, #tpu.memory_space<hbm>> -> memref<160x128xi32, #tpu.memory_space<hbm>>
      tpu.wait_dma2 semaphore(%run_scoped3A : memref<!tpu.dma_semaphore, #tpu.memory_space<semaphore_mem>>) src(%dma_wait3A_262 : memref<160x128xi32, #tpu.memory_space<hbm>>) dst(%arg9 : memref<160x128xi32, #tpu.memory_space<vmem>>)
      tpu.yield
    }) : () -> ()
    "tpu.region"() ({
      %run_scoped3A = tpu.sem_alloc : memref<!tpu.dma_semaphore, #tpu.memory_space<semaphore_mem>>
      tpu.enqueue_dma source(%arg5 : memref<11x16xf32, #tpu.memory_space<hbm>>) target(%arg15 : memref<11x16xf32, #tpu.memory_space<vmem>>) target_semaphore(%run_scoped3A : memref<!tpu.dma_semaphore, #tpu.memory_space<semaphore_mem>>)
      tpu.wait_dma2 semaphore(%run_scoped3A : memref<!tpu.dma_semaphore, #tpu.memory_space<semaphore_mem>>) src(%arg5 : memref<11x16xf32, #tpu.memory_space<hbm>>) dst(%arg15 : memref<11x16xf32, #tpu.memory_space<vmem>>)
      tpu.yield
    }) : () -> ()
    %broadcast_in_dim3A = arith.constant 1.000000e+00 : f32
    %broadcast_in_dim3A_1 = vector.broadcast %broadcast_in_dim3A : f32 to vector<16xf32>
    %scan3A = arith.constant 0 : i32
    %scan3A_2 = arith.constant 0 : i32
    %scan3A_3 = arith.constant 128 : i32
    %scan3A_4 = arith.addi %scan3A_2, %scan3A_3 : i32
    %scan3A_5 = arith.constant 1 : i32
    scf.for %scan3A_247 = %scan3A_2 to %scan3A_4 step %scan3A_5  : i32 {
      %swap3A = arith.index_cast %scan3A_247 : i32 to index
      %swap3A_248 = arith.constant 0 : index
      %swap3A_249 = tpu.vector_load %arg14[%swap3A, %swap3A_248] {strides = array<i32>} : memref<128x16xf32, #tpu.memory_space<vmem>>, vector<1x16xf32>,
      %swap3A_250 = vector.shape_cast %swap3A_249 : vector<1x16xf32> to vector<16xf32>
      %swap3A_251 = vector.shape_cast %broadcast_in_dim3A_1 : vector<16xf32> to vector<1x16xf32>
      tpu.vector_store %arg14[%swap3A, %swap3A_248], %swap3A_251 {strides = array<i32>} : memref<128x16xf32, #tpu.memory_space<vmem>>, vector<1x16xf32>,
    }
    %scan3A_6 = arith.constant 128 : i32
    %mul3A_7 = arith.constant 641 : i32
    %mul3A_8 = arith.muli %arg1, %mul3A_7 : i32
    %add3A = arith.constant 0 : i32
    %add3A_9 = arith.addi %mul3A_8, %add3A : i32
    "tpu.region"() ({
      %run_scoped3A = tpu.sem_alloc : memref<!tpu.dma_semaphore, #tpu.memory_space<semaphore_mem>>
      %dma_start3A_247 = arith.constant 0 : i32
      %dma_start3A_248 = tpu.memref_slice %arg17[%add3A_9, %dma_start3A_247] : memref<10256x16xf32, #tpu.memory_space<vmem_shared>> -> memref<128x16xf32, #tpu.memory_space<vmem_shared>>
      %dma_start3A_249 = arith.constant 0 : i32
      %dma_start3A_250 = tpu.memref_slice %arg17[%add3A_9, %dma_start3A_249] : memref<10256x16xf32, #tpu.memory_space<vmem_shared>> -> memref<128x16xf32, #tpu.memory_space<vmem_shared>>
      tpu.enqueue_dma source(%arg14 : memref<128x16xf32, #tpu.memory_space<vmem>>) target(%dma_start3A_250 : memref<128x16xf32, #tpu.memory_space<vmem_shared>>) target_semaphore(%run_scoped3A : memref<!tpu.dma_semaphore, #tpu.memory_space<semaphore_mem>>)
      %dma_wait3A_251 = arith.constant 0 : i32
      %dma_wait3A_252 = tpu.memref_slice %arg17[%add3A_9, %dma_wait3A_251] : memref<10256x16xf32, #tpu.memory_space<vmem_shared>> -> memref<128x16xf32, #tpu.memory_space<vmem_shared>>
      %dma_wait3A_253 = arith.constant 0 : i32
      %dma_wait3A_254 = tpu.memref_slice %arg17[%add3A_9, %dma_wait3A_253] : memref<10256x16xf32, #tpu.memory_space<vmem_shared>> -> memref<128x16xf32, #tpu.memory_space<vmem_shared>>
      tpu.wait_dma2 semaphore(%run_scoped3A : memref<!tpu.dma_semaphore, #tpu.memory_space<semaphore_mem>>) src(%arg14 : memref<128x16xf32, #tpu.memory_space<vmem>>) dst(%dma_wait3A_254 : memref<128x16xf32, #tpu.memory_space<vmem_shared>>)
      tpu.yield
    }) : () -> ()
    %mul3A_10 = arith.constant 641 : i32
    %mul3A_11 = arith.muli %arg1, %mul3A_10 : i32
    %add3A_12 = arith.constant 128 : i32
    %add3A_13 = arith.addi %mul3A_11, %add3A_12 : i32
    "tpu.region"() ({
      %run_scoped3A = tpu.sem_alloc : memref<!tpu.dma_semaphore, #tpu.memory_space<semaphore_mem>>
      %dma_start3A_247 = arith.constant 0 : i32
      %dma_start3A_248 = tpu.memref_slice %arg17[%add3A_13, %dma_start3A_247] : memref<10256x16xf32, #tpu.memory_space<vmem_shared>> -> memref<128x16xf32, #tpu.memory_space<vmem_shared>>
      %dma_start3A_249 = arith.constant 0 : i32
      %dma_start3A_250 = tpu.memref_slice %arg17[%add3A_13, %dma_start3A_249] : memref<10256x16xf32, #tpu.memory_space<vmem_shared>> -> memref<128x16xf32, #tpu.memory_space<vmem_shared>>
      tpu.enqueue_dma source(%arg14 : memref<128x16xf32, #tpu.memory_space<vmem>>) target(%dma_start3A_250 : memref<128x16xf32, #tpu.memory_space<vmem_shared>>) target_semaphore(%run_scoped3A : memref<!tpu.dma_semaphore, #tpu.memory_space<semaphore_mem>>)
      %dma_wait3A_251 = arith.constant 0 : i32
      %dma_wait3A_252 = tpu.memref_slice %arg17[%add3A_13, %dma_wait3A_251] : memref<10256x16xf32, #tpu.memory_space<vmem_shared>> -> memref<128x16xf32, #tpu.memory_space<vmem_shared>>
      %dma_wait3A_253 = arith.constant 0 : i32
      %dma_wait3A_254 = tpu.memref_slice %arg17[%add3A_13, %dma_wait3A_253] : memref<10256x16xf32, #tpu.memory_space<vmem_shared>> -> memref<128x16xf32, #tpu.memory_space<vmem_shared>>
      tpu.wait_dma2 semaphore(%run_scoped3A : memref<!tpu.dma_semaphore, #tpu.memory_space<semaphore_mem>>) src(%arg14 : memref<128x16xf32, #tpu.memory_space<vmem>>) dst(%dma_wait3A_254 : memref<128x16xf32, #tpu.memory_space<vmem_shared>>)
      tpu.yield
    }) : () -> ()
    %mul3A_14 = arith.constant 641 : i32
    %mul3A_15 = arith.muli %arg1, %mul3A_14 : i32
    %add3A_16 = arith.constant 256 : i32
    %add3A_17 = arith.addi %mul3A_15, %add3A_16 : i32
    "tpu.region"() ({
      %run_scoped3A = tpu.sem_alloc : memref<!tpu.dma_semaphore, #tpu.memory_space<semaphore_mem>>
      %dma_start3A_247 = arith.constant 0 : i32
      %dma_start3A_248 = tpu.memref_slice %arg17[%add3A_17, %dma_start3A_247] : memref<10256x16xf32, #tpu.memory_space<vmem_shared>> -> memref<128x16xf32, #tpu.memory_space<vmem_shared>>
      %dma_start3A_249 = arith.constant 0 : i32
      %dma_start3A_250 = tpu.memref_slice %arg17[%add3A_17, %dma_start3A_249] : memref<10256x16xf32, #tpu.memory_space<vmem_shared>> -> memref<128x16xf32, #tpu.memory_space<vmem_shared>>
      tpu.enqueue_dma source(%arg14 : memref<128x16xf32, #tpu.memory_space<vmem>>) target(%dma_start3A_250 : memref<128x16xf32, #tpu.memory_space<vmem_shared>>) target_semaphore(%run_scoped3A : memref<!tpu.dma_semaphore, #tpu.memory_space<semaphore_mem>>)
      %dma_wait3A_251 = arith.constant 0 : i32
      %dma_wait3A_252 = tpu.memref_slice %arg17[%add3A_17, %dma_wait3A_251] : memref<10256x16xf32, #tpu.memory_space<vmem_shared>> -> memref<128x16xf32, #tpu.memory_space<vmem_shared>>
      %dma_wait3A_253 = arith.constant 0 : i32
      %dma_wait3A_254 = tpu.memref_slice %arg17[%add3A_17, %dma_wait3A_253] : memref<10256x16xf32, #tpu.memory_space<vmem_shared>> -> memref<128x16xf32, #tpu.memory_space<vmem_shared>>
      tpu.wait_dma2 semaphore(%run_scoped3A : memref<!tpu.dma_semaphore, #tpu.memory_space<semaphore_mem>>) src(%arg14 : memref<128x16xf32, #tpu.memory_space<vmem>>) dst(%dma_wait3A_254 : memref<128x16xf32, #tpu.memory_space<vmem_shared>>)
      tpu.yield
    }) : () -> ()
    %mul3A_18 = arith.constant 641 : i32
    %mul3A_19 = arith.muli %arg1, %mul3A_18 : i32
    %add3A_20 = arith.constant 384 : i32
    %add3A_21 = arith.addi %mul3A_19, %add3A_20 : i32
    "tpu.region"() ({
      %run_scoped3A = tpu.sem_alloc : memref<!tpu.dma_semaphore, #tpu.memory_space<semaphore_mem>>
      %dma_start3A_247 = arith.constant 0 : i32
      %dma_start3A_248 = tpu.memref_slice %arg17[%add3A_21, %dma_start3A_247] : memref<10256x16xf32, #tpu.memory_space<vmem_shared>> -> memref<128x16xf32, #tpu.memory_space<vmem_shared>>
      %dma_start3A_249 = arith.constant 0 : i32
      %dma_start3A_250 = tpu.memref_slice %arg17[%add3A_21, %dma_start3A_249] : memref<10256x16xf32, #tpu.memory_space<vmem_shared>> -> memref<128x16xf32, #tpu.memory_space<vmem_shared>>
      tpu.enqueue_dma source(%arg14 : memref<128x16xf32, #tpu.memory_space<vmem>>) target(%dma_start3A_250 : memref<128x16xf32, #tpu.memory_space<vmem_shared>>) target_semaphore(%run_scoped3A : memref<!tpu.dma_semaphore, #tpu.memory_space<semaphore_mem>>)
      %dma_wait3A_251 = arith.constant 0 : i32
      %dma_wait3A_252 = tpu.memref_slice %arg17[%add3A_21, %dma_wait3A_251] : memref<10256x16xf32, #tpu.memory_space<vmem_shared>> -> memref<128x16xf32, #tpu.memory_space<vmem_shared>>
      %dma_wait3A_253 = arith.constant 0 : i32
      %dma_wait3A_254 = tpu.memref_slice %arg17[%add3A_21, %dma_wait3A_253] : memref<10256x16xf32, #tpu.memory_space<vmem_shared>> -> memref<128x16xf32, #tpu.memory_space<vmem_shared>>
      tpu.wait_dma2 semaphore(%run_scoped3A : memref<!tpu.dma_semaphore, #tpu.memory_space<semaphore_mem>>) src(%arg14 : memref<128x16xf32, #tpu.memory_space<vmem>>) dst(%dma_wait3A_254 : memref<128x16xf32, #tpu.memory_space<vmem_shared>>)
      tpu.yield
    }) : () -> ()
    %mul3A_22 = arith.constant 641 : i32
    %mul3A_23 = arith.muli %arg1, %mul3A_22 : i32
    %add3A_24 = arith.constant 512 : i32
    %add3A_25 = arith.addi %mul3A_23, %add3A_24 : i32
    "tpu.region"() ({
      %run_scoped3A = tpu.sem_alloc : memref<!tpu.dma_semaphore, #tpu.memory_space<semaphore_mem>>
      %dma_start3A_247 = arith.constant 0 : i32
      %dma_start3A_248 = tpu.memref_slice %arg17[%add3A_25, %dma_start3A_247] : memref<10256x16xf32, #tpu.memory_space<vmem_shared>> -> memref<128x16xf32, #tpu.memory_space<vmem_shared>>
      %dma_start3A_249 = arith.constant 0 : i32
      %dma_start3A_250 = tpu.memref_slice %arg17[%add3A_25, %dma_start3A_249] : memref<10256x16xf32, #tpu.memory_space<vmem_shared>> -> memref<128x16xf32, #tpu.memory_space<vmem_shared>>
      tpu.enqueue_dma source(%arg14 : memref<128x16xf32, #tpu.memory_space<vmem>>) target(%dma_start3A_250 : memref<128x16xf32, #tpu.memory_space<vmem_shared>>) target_semaphore(%run_scoped3A : memref<!tpu.dma_semaphore, #tpu.memory_space<semaphore_mem>>)
      %dma_wait3A_251 = arith.constant 0 : i32
      %dma_wait3A_252 = tpu.memref_slice %arg17[%add3A_25, %dma_wait3A_251] : memref<10256x16xf32, #tpu.memory_space<vmem_shared>> -> memref<128x16xf32, #tpu.memory_space<vmem_shared>>
      %dma_wait3A_253 = arith.constant 0 : i32
      %dma_wait3A_254 = tpu.memref_slice %arg17[%add3A_25, %dma_wait3A_253] : memref<10256x16xf32, #tpu.memory_space<vmem_shared>> -> memref<128x16xf32, #tpu.memory_space<vmem_shared>>
      tpu.wait_dma2 semaphore(%run_scoped3A : memref<!tpu.dma_semaphore, #tpu.memory_space<semaphore_mem>>) src(%arg14 : memref<128x16xf32, #tpu.memory_space<vmem>>) dst(%dma_wait3A_254 : memref<128x16xf32, #tpu.memory_space<vmem_shared>>)
      tpu.yield
    }) : () -> ()
    %mul3A_26 = arith.constant 641 : i32
    %mul3A_27 = arith.muli %arg1, %mul3A_26 : i32
    %add3A_28 = arith.constant 640 : i32
    %add3A_29 = arith.addi %mul3A_27, %add3A_28 : i32
    "tpu.region"() ({
      %run_scoped3A = tpu.sem_alloc : memref<!tpu.dma_semaphore, #tpu.memory_space<semaphore_mem>>
      %dma_start3A_247 = arith.constant 0 : i32
      %dma_start3A_248 = arith.constant 0 : i32
      %dma_start3A_249 = tpu.memref_slice %arg14[%dma_start3A_247, %dma_start3A_248] : memref<128x16xf32, #tpu.memory_space<vmem>> -> memref<1x16xf32, #tpu.memory_space<vmem>>
      %dma_start3A_250 = arith.constant 0 : i32
      %dma_start3A_251 = tpu.memref_slice %arg17[%add3A_29, %dma_start3A_250] : memref<10256x16xf32, #tpu.memory_space<vmem_shared>> -> memref<1x16xf32, #tpu.memory_space<vmem_shared>>
      %dma_start3A_252 = arith.constant 0 : i32
      %dma_start3A_253 = tpu.memref_slice %arg17[%add3A_29, %dma_start3A_252] : memref<10256x16xf32, #tpu.memory_space<vmem_shared>> -> memref<1x16xf32, #tpu.memory_space<vmem_shared>>
      %dma_start3A_254 = arith.constant 0 : i32
      %dma_start3A_255 = arith.constant 0 : i32
      %dma_start3A_256 = tpu.memref_slice %arg14[%dma_start3A_254, %dma_start3A_255] : memref<128x16xf32, #tpu.memory_space<vmem>> -> memref<1x16xf32, #tpu.memory_space<vmem>>
      tpu.enqueue_dma source(%dma_start3A_256 : memref<1x16xf32, #tpu.memory_space<vmem>>) target(%dma_start3A_253 : memref<1x16xf32, #tpu.memory_space<vmem_shared>>) target_semaphore(%run_scoped3A : memref<!tpu.dma_semaphore, #tpu.memory_space<semaphore_mem>>)
      %dma_wait3A_257 = arith.constant 0 : i32
      %dma_wait3A_258 = arith.constant 0 : i32
      %dma_wait3A_259 = tpu.memref_slice %arg14[%dma_wait3A_257, %dma_wait3A_258] : memref<128x16xf32, #tpu.memory_space<vmem>> -> memref<1x16xf32, #tpu.memory_space<vmem>>
      %dma_wait3A_260 = arith.constant 0 : i32
      %dma_wait3A_261 = tpu.memref_slice %arg17[%add3A_29, %dma_wait3A_260] : memref<10256x16xf32, #tpu.memory_space<vmem_shared>> -> memref<1x16xf32, #tpu.memory_space<vmem_shared>>
      %dma_wait3A_262 = arith.constant 0 : i32
      %dma_wait3A_263 = tpu.memref_slice %arg17[%add3A_29, %dma_wait3A_262] : memref<10256x16xf32, #tpu.memory_space<vmem_shared>> -> memref<1x16xf32, #tpu.memory_space<vmem_shared>>
      %dma_wait3A_264 = arith.constant 0 : i32
      %dma_wait3A_265 = arith.constant 0 : i32
      %dma_wait3A_266 = tpu.memref_slice %arg14[%dma_wait3A_264, %dma_wait3A_265] : memref<128x16xf32, #tpu.memory_space<vmem>> -> memref<1x16xf32, #tpu.memory_space<vmem>>
      tpu.wait_dma2 semaphore(%run_scoped3A : memref<!tpu.dma_semaphore, #tpu.memory_space<semaphore_mem>>) src(%dma_wait3A_266 : memref<1x16xf32, #tpu.memory_space<vmem>>) dst(%dma_wait3A_263 : memref<1x16xf32, #tpu.memory_space<vmem_shared>>)
      tpu.yield
    }) : () -> ()
    %barrier3A = arith.constant 0 : index
    tpu.barrier barrier_id(%barrier3A)
    %dma_start3A = arith.constant 0 : i32
    %dma_start3A_30 = arith.constant 0 : i32
    %dma_start3A_31 = tpu.memref_slice %arg9[%dma_start3A, %dma_start3A_30] : memref<160x128xi32, #tpu.memory_space<vmem>> -> memref<1x128xi32, #tpu.memory_space<vmem>>
    %dma_start3A_32 = tpu.memref_squeeze %dma_start3A_31 : memref<1x128xi32, #tpu.memory_space<vmem>> -> memref<128xi32, #tpu.memory_space<vmem>>
    %dma_start3A_33 = arith.constant 0 : i32
    %dma_start3A_34 = arith.constant 0 : i32
    %dma_start3A_35 = tpu.memref_slice %arg17[%dma_start3A_33, %dma_start3A_34] : memref<10256x16xf32, #tpu.memory_space<vmem_shared>> -> memref<10256x16xf32, #tpu.memory_space<vmem_shared>>
    tpu.enqueue_indirect_dma source(%arg14 : memref<128x16xf32, #tpu.memory_space<vmem>>) target(%dma_start3A_35 : memref<10256x16xf32, #tpu.memory_space<vmem_shared>>) offsets(%dma_start3A_32 : memref<128xi32, #tpu.memory_space<vmem>>) semaphore(%arg18 : memref<!tpu.dma_semaphore, #tpu.memory_space<semaphore_mem>>) {add = true}
    %dma_start3A_36 = arith.constant 1 : i32
    %dma_start3A_37 = arith.constant 0 : i32
    %dma_start3A_38 = tpu.memref_slice %arg9[%dma_start3A_36, %dma_start3A_37] : memref<160x128xi32, #tpu.memory_space<vmem>> -> memref<1x128xi32, #tpu.memory_space<vmem>>
    %dma_start3A_39 = tpu.memref_squeeze %dma_start3A_38 : memref<1x128xi32, #tpu.memory_space<vmem>> -> memref<128xi32, #tpu.memory_space<vmem>>
    %dma_start3A_40 = arith.constant 0 : i32
    %dma_start3A_41 = arith.constant 0 : i32
    %dma_start3A_42 = tpu.memref_slice %arg17[%dma_start3A_40, %dma_start3A_41] : memref<10256x16xf32, #tpu.memory_space<vmem_shared>> -> memref<10256x16xf32, #tpu.memory_space<vmem_shared>>
    tpu.enqueue_indirect_dma source(%arg14 : memref<128x16xf32, #tpu.memory_space<vmem>>) target(%dma_start3A_42 : memref<10256x16xf32, #tpu.memory_space<vmem_shared>>) offsets(%dma_start3A_39 : memref<128xi32, #tpu.memory_space<vmem>>) semaphore(%arg19 : memref<!tpu.dma_semaphore, #tpu.memory_space<semaphore_mem>>) {add = true}
    %dma_start3A_43 = arith.constant 2 : i32
    %dma_start3A_44 = arith.constant 0 : i32
    %dma_start3A_45 = tpu.memref_slice %arg9[%dma_start3A_43, %dma_start3A_44] : memref<160x128xi32, #tpu.memory_space<vmem>> -> memref<1x128xi32, #tpu.memory_space<vmem>>
    %dma_start3A_46 = tpu.memref_squeeze %dma_start3A_45 : memref<1x128xi32, #tpu.memory_space<vmem>> -> memref<128xi32, #tpu.memory_space<vmem>>
    %dma_start3A_47 = arith.constant 0 : i32
    %dma_start3A_48 = arith.constant 0 : i32
    %dma_start3A_49 = tpu.memref_slice %arg17[%dma_start3A_47, %dma_start3A_48] : memref<10256x16xf32, #tpu.memory_space<vmem_shared>> -> memref<10256x16xf32, #tpu.memory_space<vmem_shared>>
    tpu.enqueue_indirect_dma source(%arg14 : memref<128x16xf32, #tpu.memory_space<vmem>>) target(%dma_start3A_49 : memref<10256x16xf32, #tpu.memory_space<vmem_shared>>) offsets(%dma_start3A_46 : memref<128xi32, #tpu.memory_space<vmem>>) semaphore(%arg20 : memref<!tpu.dma_semaphore, #tpu.memory_space<semaphore_mem>>) {add = true}
    %dma_start3A_50 = arith.constant 3 : i32
    %dma_start3A_51 = arith.constant 0 : i32
    %dma_start3A_52 = tpu.memref_slice %arg9[%dma_start3A_50, %dma_start3A_51] : memref<160x128xi32, #tpu.memory_space<vmem>> -> memref<1x128xi32, #tpu.memory_space<vmem>>
    %dma_start3A_53 = tpu.memref_squeeze %dma_start3A_52 : memref<1x128xi32, #tpu.memory_space<vmem>> -> memref<128xi32, #tpu.memory_space<vmem>>
    %dma_start3A_54 = arith.constant 0 : i32
    %dma_start3A_55 = arith.constant 0 : i32
    %dma_start3A_56 = tpu.memref_slice %arg17[%dma_start3A_54, %dma_start3A_55] : memref<10256x16xf32, #tpu.memory_space<vmem_shared>> -> memref<10256x16xf32, #tpu.memory_space<vmem_shared>>
    tpu.enqueue_indirect_dma source(%arg14 : memref<128x16xf32, #tpu.memory_space<vmem>>) target(%dma_start3A_56 : memref<10256x16xf32, #tpu.memory_space<vmem_shared>>) offsets(%dma_start3A_53 : memref<128xi32, #tpu.memory_space<vmem>>) semaphore(%arg21 : memref<!tpu.dma_semaphore, #tpu.memory_space<semaphore_mem>>) {add = true}
    %scan3A_57 = arith.constant 0 : i32
    %scan3A_58 = arith.constant 0 : i32
    %scan3A_59 = arith.constant 39 : i32
    %scan3A_60 = arith.addi %scan3A_58, %scan3A_59 : i32
    %scan3A_61 = arith.constant 1 : i32
    scf.for %scan3A_247 = %scan3A_58 to %scan3A_60 step %scan3A_61  : i32 {
      %mul3A_248 = arith.constant 4 : i32
      %mul3A_249 = arith.muli %scan3A_247, %mul3A_248 : i32
      %add3A_250 = arith.constant 0 : i32
      %add3A_251 = arith.addi %mul3A_249, %add3A_250 : i32
      %dma_wait3A_252 = arith.constant 0 : i32
      %dma_wait3A_253 = tpu.memref_slice %arg9[%add3A_251, %dma_wait3A_252] : memref<160x128xi32, #tpu.memory_space<vmem>> -> memref<1x128xi32, #tpu.memory_space<vmem>>
      %dma_wait3A_254 = tpu.memref_squeeze %dma_wait3A_253 : memref<1x128xi32, #tpu.memory_space<vmem>> -> memref<128xi32, #tpu.memory_space<vmem>>
      %dma_wait3A_255 = arith.constant 0 : i32
      %dma_wait3A_256 = arith.constant 0 : i32
      %dma_wait3A_257 = tpu.memref_slice %arg17[%dma_wait3A_255, %dma_wait3A_256] : memref<10256x16xf32, #tpu.memory_space<vmem_shared>> -> memref<10256x16xf32, #tpu.memory_space<vmem_shared>>
      tpu.wait_indirect_dma semaphore(%arg18 : memref<!tpu.dma_semaphore, #tpu.memory_space<semaphore_mem>>) src(%arg14 : memref<128x16xf32, #tpu.memory_space<vmem>>) dst(%dma_wait3A_257 : memref<10256x16xf32, #tpu.memory_space<vmem_shared>>)
      %add3A_258 = arith.constant 0 : i32
      %add3A_259 = arith.addi %mul3A_249, %add3A_258 : i32
      %add3A_260 = arith.constant 4 : i32
      %add3A_261 = arith.addi %add3A_259, %add3A_260 : i32
      %dma_start3A_262 = arith.constant 0 : i32
      %dma_start3A_263 = tpu.memref_slice %arg9[%add3A_261, %dma_start3A_262] : memref<160x128xi32, #tpu.memory_space<vmem>> -> memref<1x128xi32, #tpu.memory_space<vmem>>
      %dma_start3A_264 = tpu.memref_squeeze %dma_start3A_263 : memref<1x128xi32, #tpu.memory_space<vmem>> -> memref<128xi32, #tpu.memory_space<vmem>>
      %dma_start3A_265 = arith.constant 0 : i32
      %dma_start3A_266 = arith.constant 0 : i32
      %dma_start3A_267 = tpu.memref_slice %arg17[%dma_start3A_265, %dma_start3A_266] : memref<10256x16xf32, #tpu.memory_space<vmem_shared>> -> memref<10256x16xf32, #tpu.memory_space<vmem_shared>>
      tpu.enqueue_indirect_dma source(%arg14 : memref<128x16xf32, #tpu.memory_space<vmem>>) target(%dma_start3A_267 : memref<10256x16xf32, #tpu.memory_space<vmem_shared>>) offsets(%dma_start3A_264 : memref<128xi32, #tpu.memory_space<vmem>>) semaphore(%arg18 : memref<!tpu.dma_semaphore, #tpu.memory_space<semaphore_mem>>) {add = true}
      %add3A_268 = arith.constant 1 : i32
      %add3A_269 = arith.addi %mul3A_249, %add3A_268 : i32
      %dma_wait3A_270 = arith.constant 0 : i32
      %dma_wait3A_271 = tpu.memref_slice %arg9[%add3A_269, %dma_wait3A_270] : memref<160x128xi32, #tpu.memory_space<vmem>> -> memref<1x128xi32, #tpu.memory_space<vmem>>
      %dma_wait3A_272 = tpu.memref_squeeze %dma_wait3A_271 : memref<1x128xi32, #tpu.memory_space<vmem>> -> memref<128xi32, #tpu.memory_space<vmem>>
      %dma_wait3A_273 = arith.constant 0 : i32
      %dma_wait3A_274 = arith.constant 0 : i32
      %dma_wait3A_275 = tpu.memref_slice %arg17[%dma_wait3A_273, %dma_wait3A_274] : memref<10256x16xf32, #tpu.memory_space<vmem_shared>> -> memref<10256x16xf32, #tpu.memory_space<vmem_shared>>
      tpu.wait_indirect_dma semaphore(%arg19 : memref<!tpu.dma_semaphore, #tpu.memory_space<semaphore_mem>>) src(%arg14 : memref<128x16xf32, #tpu.memory_space<vmem>>) dst(%dma_wait3A_275 : memref<10256x16xf32, #tpu.memory_space<vmem_shared>>)
      %add3A_276 = arith.constant 1 : i32
      %add3A_277 = arith.addi %mul3A_249, %add3A_276 : i32
      %add3A_278 = arith.constant 4 : i32
      %add3A_279 = arith.addi %add3A_277, %add3A_278 : i32
      %dma_start3A_280 = arith.constant 0 : i32
      %dma_start3A_281 = tpu.memref_slice %arg9[%add3A_279, %dma_start3A_280] : memref<160x128xi32, #tpu.memory_space<vmem>> -> memref<1x128xi32, #tpu.memory_space<vmem>>
      %dma_start3A_282 = tpu.memref_squeeze %dma_start3A_281 : memref<1x128xi32, #tpu.memory_space<vmem>> -> memref<128xi32, #tpu.memory_space<vmem>>
      %dma_start3A_283 = arith.constant 0 : i32
      %dma_start3A_284 = arith.constant 0 : i32
      %dma_start3A_285 = tpu.memref_slice %arg17[%dma_start3A_283, %dma_start3A_284] : memref<10256x16xf32, #tpu.memory_space<vmem_shared>> -> memref<10256x16xf32, #tpu.memory_space<vmem_shared>>
      tpu.enqueue_indirect_dma source(%arg14 : memref<128x16xf32, #tpu.memory_space<vmem>>) target(%dma_start3A_285 : memref<10256x16xf32, #tpu.memory_space<vmem_shared>>) offsets(%dma_start3A_282 : memref<128xi32, #tpu.memory_space<vmem>>) semaphore(%arg19 : memref<!tpu.dma_semaphore, #tpu.memory_space<semaphore_mem>>) {add = true}
      %add3A_286 = arith.constant 2 : i32
      %add3A_287 = arith.addi %mul3A_249, %add3A_286 : i32
      %dma_wait3A_288 = arith.constant 0 : i32
      %dma_wait3A_289 = tpu.memref_slice %arg9[%add3A_287, %dma_wait3A_288] : memref<160x128xi32, #tpu.memory_space<vmem>> -> memref<1x128xi32, #tpu.memory_space<vmem>>
      %dma_wait3A_290 = tpu.memref_squeeze %dma_wait3A_289 : memref<1x128xi32, #tpu.memory_space<vmem>> -> memref<128xi32, #tpu.memory_space<vmem>>
      %dma_wait3A_291 = arith.constant 0 : i32
      %dma_wait3A_292 = arith.constant 0 : i32
      %dma_wait3A_293 = tpu.memref_slice %arg17[%dma_wait3A_291, %dma_wait3A_292] : memref<10256x16xf32, #tpu.memory_space<vmem_shared>> -> memref<10256x16xf32, #tpu.memory_space<vmem_shared>>
      tpu.wait_indirect_dma semaphore(%arg20 : memref<!tpu.dma_semaphore, #tpu.memory_space<semaphore_mem>>) src(%arg14 : memref<128x16xf32, #tpu.memory_space<vmem>>) dst(%dma_wait3A_293 : memref<10256x16xf32, #tpu.memory_space<vmem_shared>>)
      %add3A_294 = arith.constant 2 : i32
      %add3A_295 = arith.addi %mul3A_249, %add3A_294 : i32
      %add3A_296 = arith.constant 4 : i32
      %add3A_297 = arith.addi %add3A_295, %add3A_296 : i32
      %dma_start3A_298 = arith.constant 0 : i32
      %dma_start3A_299 = tpu.memref_slice %arg9[%add3A_297, %dma_start3A_298] : memref<160x128xi32, #tpu.memory_space<vmem>> -> memref<1x128xi32, #tpu.memory_space<vmem>>
      %dma_start3A_300 = tpu.memref_squeeze %dma_start3A_299 : memref<1x128xi32, #tpu.memory_space<vmem>> -> memref<128xi32, #tpu.memory_space<vmem>>
      %dma_start3A_301 = arith.constant 0 : i32
      %dma_start3A_302 = arith.constant 0 : i32
      %dma_start3A_303 = tpu.memref_slice %arg17[%dma_start3A_301, %dma_start3A_302] : memref<10256x16xf32, #tpu.memory_space<vmem_shared>> -> memref<10256x16xf32, #tpu.memory_space<vmem_shared>>
      tpu.enqueue_indirect_dma source(%arg14 : memref<128x16xf32, #tpu.memory_space<vmem>>) target(%dma_start3A_303 : memref<10256x16xf32, #tpu.memory_space<vmem_shared>>) offsets(%dma_start3A_300 : memref<128xi32, #tpu.memory_space<vmem>>) semaphore(%arg20 : memref<!tpu.dma_semaphore, #tpu.memory_space<semaphore_mem>>) {add = true}
      %add3A_304 = arith.constant 3 : i32
      %add3A_305 = arith.addi %mul3A_249, %add3A_304 : i32
      %dma_wait3A_306 = arith.constant 0 : i32
      %dma_wait3A_307 = tpu.memref_slice %arg9[%add3A_305, %dma_wait3A_306] : memref<160x128xi32, #tpu.memory_space<vmem>> -> memref<1x128xi32, #tpu.memory_space<vmem>>
      %dma_wait3A_308 = tpu.memref_squeeze %dma_wait3A_307 : memref<1x128xi32, #tpu.memory_space<vmem>> -> memref<128xi32, #tpu.memory_space<vmem>>
      %dma_wait3A_309 = arith.constant 0 : i32
      %dma_wait3A_310 = arith.constant 0 : i32
      %dma_wait3A_311 = tpu.memref_slice %arg17[%dma_wait3A_309, %dma_wait3A_310] : memref<10256x16xf32, #tpu.memory_space<vmem_shared>> -> memref<10256x16xf32, #tpu.memory_space<vmem_shared>>
      tpu.wait_indirect_dma semaphore(%arg21 : memref<!tpu.dma_semaphore, #tpu.memory_space<semaphore_mem>>) src(%arg14 : memref<128x16xf32, #tpu.memory_space<vmem>>) dst(%dma_wait3A_311 : memref<10256x16xf32, #tpu.memory_space<vmem_shared>>)
      %add3A_312 = arith.constant 3 : i32
      %add3A_313 = arith.addi %mul3A_249, %add3A_312 : i32
      %add3A_314 = arith.constant 4 : i32
      %add3A_315 = arith.addi %add3A_313, %add3A_314 : i32
      %dma_start3A_316 = arith.constant 0 : i32
      %dma_start3A_317 = tpu.memref_slice %arg9[%add3A_315, %dma_start3A_316] : memref<160x128xi32, #tpu.memory_space<vmem>> -> memref<1x128xi32, #tpu.memory_space<vmem>>
      %dma_start3A_318 = tpu.memref_squeeze %dma_start3A_317 : memref<1x128xi32, #tpu.memory_space<vmem>> -> memref<128xi32, #tpu.memory_space<vmem>>
      %dma_start3A_319 = arith.constant 0 : i32
      %dma_start3A_320 = arith.constant 0 : i32
      %dma_start3A_321 = tpu.memref_slice %arg17[%dma_start3A_319, %dma_start3A_320] : memref<10256x16xf32, #tpu.memory_space<vmem_shared>> -> memref<10256x16xf32, #tpu.memory_space<vmem_shared>>
      tpu.enqueue_indirect_dma source(%arg14 : memref<128x16xf32, #tpu.memory_space<vmem>>) target(%dma_start3A_321 : memref<10256x16xf32, #tpu.memory_space<vmem_shared>>) offsets(%dma_start3A_318 : memref<128xi32, #tpu.memory_space<vmem>>) semaphore(%arg21 : memref<!tpu.dma_semaphore, #tpu.memory_space<semaphore_mem>>) {add = true}
    }
    %scan3A_62 = arith.constant 39 : i32
    %dma_wait3A = arith.constant 156 : i32
    %dma_wait3A_63 = arith.constant 0 : i32
    %dma_wait3A_64 = tpu.memref_slice %arg9[%dma_wait3A, %dma_wait3A_63] : memref<160x128xi32, #tpu.memory_space<vmem>> -> memref<1x128xi32, #tpu.memory_space<vmem>>
    %dma_wait3A_65 = tpu.memref_squeeze %dma_wait3A_64 : memref<1x128xi32, #tpu.memory_space<vmem>> -> memref<128xi32, #tpu.memory_space<vmem>>
    %dma_wait3A_66 = arith.constant 0 : i32
    %dma_wait3A_67 = arith.constant 0 : i32
    %dma_wait3A_68 = tpu.memref_slice %arg17[%dma_wait3A_66, %dma_wait3A_67] : memref<10256x16xf32, #tpu.memory_space<vmem_shared>> -> memref<10256x16xf32, #tpu.memory_space<vmem_shared>>
    tpu.wait_indirect_dma semaphore(%arg18 : memref<!tpu.dma_semaphore, #tpu.memory_space<semaphore_mem>>) src(%arg14 : memref<128x16xf32, #tpu.memory_space<vmem>>) dst(%dma_wait3A_68 : memref<10256x16xf32, #tpu.memory_space<vmem_shared>>)
    %dma_wait3A_69 = arith.constant 157 : i32
    %dma_wait3A_70 = arith.constant 0 : i32
    %dma_wait3A_71 = tpu.memref_slice %arg9[%dma_wait3A_69, %dma_wait3A_70] : memref<160x128xi32, #tpu.memory_space<vmem>> -> memref<1x128xi32, #tpu.memory_space<vmem>>
    %dma_wait3A_72 = tpu.memref_squeeze %dma_wait3A_71 : memref<1x128xi32, #tpu.memory_space<vmem>> -> memref<128xi32, #tpu.memory_space<vmem>>
    %dma_wait3A_73 = arith.constant 0 : i32
    %dma_wait3A_74 = arith.constant 0 : i32
    %dma_wait3A_75 = tpu.memref_slice %arg17[%dma_wait3A_73, %dma_wait3A_74] : memref<10256x16xf32, #tpu.memory_space<vmem_shared>> -> memref<10256x16xf32, #tpu.memory_space<vmem_shared>>
    tpu.wait_indirect_dma semaphore(%arg19 : memref<!tpu.dma_semaphore, #tpu.memory_space<semaphore_mem>>) src(%arg14 : memref<128x16xf32, #tpu.memory_space<vmem>>) dst(%dma_wait3A_75 : memref<10256x16xf32, #tpu.memory_space<vmem_shared>>)
    %dma_wait3A_76 = arith.constant 158 : i32
    %dma_wait3A_77 = arith.constant 0 : i32
    %dma_wait3A_78 = tpu.memref_slice %arg9[%dma_wait3A_76, %dma_wait3A_77] : memref<160x128xi32, #tpu.memory_space<vmem>> -> memref<1x128xi32, #tpu.memory_space<vmem>>
    %dma_wait3A_79 = tpu.memref_squeeze %dma_wait3A_78 : memref<1x128xi32, #tpu.memory_space<vmem>> -> memref<128xi32, #tpu.memory_space<vmem>>
    %dma_wait3A_80 = arith.constant 0 : i32
    %dma_wait3A_81 = arith.constant 0 : i32
    %dma_wait3A_82 = tpu.memref_slice %arg17[%dma_wait3A_80, %dma_wait3A_81] : memref<10256x16xf32, #tpu.memory_space<vmem_shared>> -> memref<10256x16xf32, #tpu.memory_space<vmem_shared>>
    tpu.wait_indirect_dma semaphore(%arg20 : memref<!tpu.dma_semaphore, #tpu.memory_space<semaphore_mem>>) src(%arg14 : memref<128x16xf32, #tpu.memory_space<vmem>>) dst(%dma_wait3A_82 : memref<10256x16xf32, #tpu.memory_space<vmem_shared>>)
    %dma_wait3A_83 = arith.constant 159 : i32
    %dma_wait3A_84 = arith.constant 0 : i32
    %dma_wait3A_85 = tpu.memref_slice %arg9[%dma_wait3A_83, %dma_wait3A_84] : memref<160x128xi32, #tpu.memory_space<vmem>> -> memref<1x128xi32, #tpu.memory_space<vmem>>
    %dma_wait3A_86 = tpu.memref_squeeze %dma_wait3A_85 : memref<1x128xi32, #tpu.memory_space<vmem>> -> memref<128xi32, #tpu.memory_space<vmem>>
    %dma_wait3A_87 = arith.constant 0 : i32
    %dma_wait3A_88 = arith.constant 0 : i32
    %dma_wait3A_89 = tpu.memref_slice %arg17[%dma_wait3A_87, %dma_wait3A_88] : memref<10256x16xf32, #tpu.memory_space<vmem_shared>> -> memref<10256x16xf32, #tpu.memory_space<vmem_shared>>
    tpu.wait_indirect_dma semaphore(%arg21 : memref<!tpu.dma_semaphore, #tpu.memory_space<semaphore_mem>>) src(%arg14 : memref<128x16xf32, #tpu.memory_space<vmem>>) dst(%dma_wait3A_89 : memref<10256x16xf32, #tpu.memory_space<vmem_shared>>)
    %barrier3A_90 = arith.constant 0 : index
    tpu.barrier barrier_id(%barrier3A_90)
    %add3A_91 = arith.constant 0 : i32
    %add3A_92 = arith.addi %mul3A_0, %add3A_91 : i32
    "tpu.region"() ({
      %run_scoped3A = tpu.sem_alloc : memref<!tpu.dma_semaphore, #tpu.memory_space<semaphore_mem>>
      %dma_start3A_247 = arith.constant 0 : i32
      %dma_start3A_248 = tpu.memref_slice %arg17[%add3A_92, %dma_start3A_247] : memref<10256x16xf32, #tpu.memory_space<vmem_shared>> -> memref<128x16xf32, #tpu.memory_space<vmem_shared>>
      %dma_start3A_249 = arith.constant 0 : i32
      %dma_start3A_250 = tpu.memref_slice %arg17[%add3A_92, %dma_start3A_249] : memref<10256x16xf32, #tpu.memory_space<vmem_shared>> -> memref<128x16xf32, #tpu.memory_space<vmem_shared>>
      tpu.enqueue_dma source(%dma_start3A_250 : memref<128x16xf32, #tpu.memory_space<vmem_shared>>) target(%arg14 : memref<128x16xf32, #tpu.memory_space<vmem>>) target_semaphore(%run_scoped3A : memref<!tpu.dma_semaphore, #tpu.memory_space<semaphore_mem>>)
      %dma_wait3A_251 = arith.constant 0 : i32
      %dma_wait3A_252 = tpu.memref_slice %arg17[%add3A_92, %dma_wait3A_251] : memref<10256x16xf32, #tpu.memory_space<vmem_shared>> -> memref<128x16xf32, #tpu.memory_space<vmem_shared>>
      %dma_wait3A_253 = arith.constant 0 : i32
      %dma_wait3A_254 = tpu.memref_slice %arg17[%add3A_92, %dma_wait3A_253] : memref<10256x16xf32, #tpu.memory_space<vmem_shared>> -> memref<128x16xf32, #tpu.memory_space<vmem_shared>>
      tpu.wait_dma2 semaphore(%run_scoped3A : memref<!tpu.dma_semaphore, #tpu.memory_space<semaphore_mem>>) src(%dma_wait3A_254 : memref<128x16xf32, #tpu.memory_space<vmem_shared>>) dst(%arg14 : memref<128x16xf32, #tpu.memory_space<vmem>>)
      tpu.yield
    }) : () -> ()
    %scan3A_93 = arith.constant 0 : i32
    %scan3A_94 = arith.constant 0 : i32
    %scan3A_95 = arith.constant 128 : i32
    %scan3A_96 = arith.addi %scan3A_94, %scan3A_95 : i32
    %scan3A_97 = arith.constant 1 : i32
    scf.for %scan3A_247 = %scan3A_94 to %scan3A_96 step %scan3A_97  : i32 {
      %get3A_248 = arith.index_cast %scan3A_247 : i32 to index
      %get3A_249 = arith.constant 0 : index
      %get3A_250 = tpu.vector_load %arg14[%get3A_248, %get3A_249] {strides = array<i32>} : memref<128x16xf32, #tpu.memory_space<vmem>>, vector<1x16xf32>,
      %get3A_251 = vector.shape_cast %get3A_250 : vector<1x16xf32> to vector<16xf32>
      %bitcast_convert_type3A = tpu.bitcast %get3A_251 : vector<16xf32> -> vector<16xi32>
      %broadcast_in_dim3A_252 = arith.constant 1597463007 : i32
      %broadcast_in_dim3A_253 = vector.broadcast %broadcast_in_dim3A_252 : i32 to vector<16xi32>
      %broadcast_in_dim3A_254 = arith.constant 1 : i32
      %broadcast_in_dim3A_255 = vector.broadcast %broadcast_in_dim3A_254 : i32 to vector<16xi32>
      %shift_right_arithmetic3A = arith.shrsi %bitcast_convert_type3A, %broadcast_in_dim3A_255 : vector<16xi32>
      %sub3A = arith.subi %broadcast_in_dim3A_253, %shift_right_arithmetic3A : vector<16xi32>
      %bitcast_convert_type3A_256 = tpu.bitcast %sub3A : vector<16xi32> -> vector<16xf32>
      %mul3A_257 = arith.constant 5.000000e-01 : f32
      %mul3A_258 = vector.broadcast %mul3A_257 : f32 to vector<16xf32>
      %mul3A_259 = arith.mulf %get3A_251, %mul3A_258 : vector<16xf32>
      %mul3A_260 = arith.mulf %mul3A_259, %bitcast_convert_type3A_256 : vector<16xf32>
      %mul3A_261 = arith.mulf %mul3A_260, %bitcast_convert_type3A_256 : vector<16xf32>
      %sub3A_262 = arith.constant 1.500000e+00 : f32
      %sub3A_263 = vector.broadcast %sub3A_262 : f32 to vector<16xf32>
      %sub3A_264 = arith.subf %sub3A_263, %mul3A_261 : vector<16xf32>
      %mul3A_265 = arith.mulf %bitcast_convert_type3A_256, %sub3A_264 : vector<16xf32>
      %mul3A_266 = arith.mulf %mul3A_259, %mul3A_265 : vector<16xf32>
      %mul3A_267 = arith.mulf %mul3A_266, %mul3A_265 : vector<16xf32>
      %sub3A_268 = arith.constant 1.500000e+00 : f32
      %sub3A_269 = vector.broadcast %sub3A_268 : f32 to vector<16xf32>
      %sub3A_270 = arith.subf %sub3A_269, %mul3A_267 : vector<16xf32>
      %mul3A_271 = arith.mulf %mul3A_265, %sub3A_270 : vector<16xf32>
      %mul3A_272 = arith.mulf %mul3A_259, %mul3A_271 : vector<16xf32>
      %mul3A_273 = arith.mulf %mul3A_272, %mul3A_271 : vector<16xf32>
      %sub3A_274 = arith.constant 1.500000e+00 : f32
      %sub3A_275 = vector.broadcast %sub3A_274 : f32 to vector<16xf32>
      %sub3A_276 = arith.subf %sub3A_275, %mul3A_273 : vector<16xf32>
      %mul3A_277 = arith.mulf %mul3A_271, %sub3A_276 : vector<16xf32>
      %swap3A = arith.index_cast %scan3A_247 : i32 to index
      %swap3A_278 = arith.constant 0 : index
      %swap3A_279 = tpu.vector_load %arg14[%swap3A, %swap3A_278] {strides = array<i32>} : memref<128x16xf32, #tpu.memory_space<vmem>>, vector<1x16xf32>,
      %swap3A_280 = vector.shape_cast %swap3A_279 : vector<1x16xf32> to vector<16xf32>
      %swap3A_281 = vector.shape_cast %mul3A_277 : vector<16xf32> to vector<1x16xf32>
      tpu.vector_store %arg14[%swap3A, %swap3A_278], %swap3A_281 {strides = array<i32>} : memref<128x16xf32, #tpu.memory_space<vmem>>, vector<1x16xf32>,
    }
    %scan3A_98 = arith.constant 128 : i32
    %add3A_99 = arith.constant 0 : i32
    %add3A_100 = arith.addi %mul3A_0, %add3A_99 : i32
    "tpu.region"() ({
      %run_scoped3A = tpu.sem_alloc : memref<!tpu.dma_semaphore, #tpu.memory_space<semaphore_mem>>
      %dma_start3A_247 = arith.constant 0 : i32
      %dma_start3A_248 = tpu.memref_slice %arg17[%add3A_100, %dma_start3A_247] : memref<10256x16xf32, #tpu.memory_space<vmem_shared>> -> memref<128x16xf32, #tpu.memory_space<vmem_shared>>
      %dma_start3A_249 = arith.constant 0 : i32
      %dma_start3A_250 = tpu.memref_slice %arg17[%add3A_100, %dma_start3A_249] : memref<10256x16xf32, #tpu.memory_space<vmem_shared>> -> memref<128x16xf32, #tpu.memory_space<vmem_shared>>
      tpu.enqueue_dma source(%arg14 : memref<128x16xf32, #tpu.memory_space<vmem>>) target(%dma_start3A_250 : memref<128x16xf32, #tpu.memory_space<vmem_shared>>) target_semaphore(%run_scoped3A : memref<!tpu.dma_semaphore, #tpu.memory_space<semaphore_mem>>)
      %dma_wait3A_251 = arith.constant 0 : i32
      %dma_wait3A_252 = tpu.memref_slice %arg17[%add3A_100, %dma_wait3A_251] : memref<10256x16xf32, #tpu.memory_space<vmem_shared>> -> memref<128x16xf32, #tpu.memory_space<vmem_shared>>
      %dma_wait3A_253 = arith.constant 0 : i32
      %dma_wait3A_254 = tpu.memref_slice %arg17[%add3A_100, %dma_wait3A_253] : memref<10256x16xf32, #tpu.memory_space<vmem_shared>> -> memref<128x16xf32, #tpu.memory_space<vmem_shared>>
      tpu.wait_dma2 semaphore(%run_scoped3A : memref<!tpu.dma_semaphore, #tpu.memory_space<semaphore_mem>>) src(%arg14 : memref<128x16xf32, #tpu.memory_space<vmem>>) dst(%dma_wait3A_254 : memref<128x16xf32, #tpu.memory_space<vmem_shared>>)
      tpu.yield
    }) : () -> ()
    %add3A_101 = arith.constant 128 : i32
    %add3A_102 = arith.addi %mul3A_0, %add3A_101 : i32
    "tpu.region"() ({
      %run_scoped3A = tpu.sem_alloc : memref<!tpu.dma_semaphore, #tpu.memory_space<semaphore_mem>>
      %dma_start3A_247 = arith.constant 0 : i32
      %dma_start3A_248 = tpu.memref_slice %arg17[%add3A_102, %dma_start3A_247] : memref<10256x16xf32, #tpu.memory_space<vmem_shared>> -> memref<128x16xf32, #tpu.memory_space<vmem_shared>>
      %dma_start3A_249 = arith.constant 0 : i32
      %dma_start3A_250 = tpu.memref_slice %arg17[%add3A_102, %dma_start3A_249] : memref<10256x16xf32, #tpu.memory_space<vmem_shared>> -> memref<128x16xf32, #tpu.memory_space<vmem_shared>>
      tpu.enqueue_dma source(%dma_start3A_250 : memref<128x16xf32, #tpu.memory_space<vmem_shared>>) target(%arg14 : memref<128x16xf32, #tpu.memory_space<vmem>>) target_semaphore(%run_scoped3A : memref<!tpu.dma_semaphore, #tpu.memory_space<semaphore_mem>>)
      %dma_wait3A_251 = arith.constant 0 : i32
      %dma_wait3A_252 = tpu.memref_slice %arg17[%add3A_102, %dma_wait3A_251] : memref<10256x16xf32, #tpu.memory_space<vmem_shared>> -> memref<128x16xf32, #tpu.memory_space<vmem_shared>>
      %dma_wait3A_253 = arith.constant 0 : i32
      %dma_wait3A_254 = tpu.memref_slice %arg17[%add3A_102, %dma_wait3A_253] : memref<10256x16xf32, #tpu.memory_space<vmem_shared>> -> memref<128x16xf32, #tpu.memory_space<vmem_shared>>
      tpu.wait_dma2 semaphore(%run_scoped3A : memref<!tpu.dma_semaphore, #tpu.memory_space<semaphore_mem>>) src(%dma_wait3A_254 : memref<128x16xf32, #tpu.memory_space<vmem_shared>>) dst(%arg14 : memref<128x16xf32, #tpu.memory_space<vmem>>)
      tpu.yield
    }) : () -> ()
    %scan3A_103 = arith.constant 0 : i32
    %scan3A_104 = arith.constant 0 : i32
    %scan3A_105 = arith.constant 128 : i32
    %scan3A_106 = arith.addi %scan3A_104, %scan3A_105 : i32
    %scan3A_107 = arith.constant 1 : i32
    scf.for %scan3A_247 = %scan3A_104 to %scan3A_106 step %scan3A_107  : i32 {
      %get3A_248 = arith.index_cast %scan3A_247 : i32 to index
      %get3A_249 = arith.constant 0 : index
      %get3A_250 = tpu.vector_load %arg14[%get3A_248, %get3A_249] {strides = array<i32>} : memref<128x16xf32, #tpu.memory_space<vmem>>, vector<1x16xf32>,
      %get3A_251 = vector.shape_cast %get3A_250 : vector<1x16xf32> to vector<16xf32>
      %bitcast_convert_type3A = tpu.bitcast %get3A_251 : vector<16xf32> -> vector<16xi32>
      %broadcast_in_dim3A_252 = arith.constant 1597463007 : i32
      %broadcast_in_dim3A_253 = vector.broadcast %broadcast_in_dim3A_252 : i32 to vector<16xi32>
      %broadcast_in_dim3A_254 = arith.constant 1 : i32
      %broadcast_in_dim3A_255 = vector.broadcast %broadcast_in_dim3A_254 : i32 to vector<16xi32>
      %shift_right_arithmetic3A = arith.shrsi %bitcast_convert_type3A, %broadcast_in_dim3A_255 : vector<16xi32>
      %sub3A = arith.subi %broadcast_in_dim3A_253, %shift_right_arithmetic3A : vector<16xi32>
      %bitcast_convert_type3A_256 = tpu.bitcast %sub3A : vector<16xi32> -> vector<16xf32>
      %mul3A_257 = arith.constant 5.000000e-01 : f32
      %mul3A_258 = vector.broadcast %mul3A_257 : f32 to vector<16xf32>
      %mul3A_259 = arith.mulf %get3A_251, %mul3A_258 : vector<16xf32>
      %mul3A_260 = arith.mulf %mul3A_259, %bitcast_convert_type3A_256 : vector<16xf32>
      %mul3A_261 = arith.mulf %mul3A_260, %bitcast_convert_type3A_256 : vector<16xf32>
      %sub3A_262 = arith.constant 1.500000e+00 : f32
      %sub3A_263 = vector.broadcast %sub3A_262 : f32 to vector<16xf32>
      %sub3A_264 = arith.subf %sub3A_263, %mul3A_261 : vector<16xf32>
      %mul3A_265 = arith.mulf %bitcast_convert_type3A_256, %sub3A_264 : vector<16xf32>
      %mul3A_266 = arith.mulf %mul3A_259, %mul3A_265 : vector<16xf32>
      %mul3A_267 = arith.mulf %mul3A_266, %mul3A_265 : vector<16xf32>
      %sub3A_268 = arith.constant 1.500000e+00 : f32
      %sub3A_269 = vector.broadcast %sub3A_268 : f32 to vector<16xf32>
      %sub3A_270 = arith.subf %sub3A_269, %mul3A_267 : vector<16xf32>
      %mul3A_271 = arith.mulf %mul3A_265, %sub3A_270 : vector<16xf32>
      %mul3A_272 = arith.mulf %mul3A_259, %mul3A_271 : vector<16xf32>
      %mul3A_273 = arith.mulf %mul3A_272, %mul3A_271 : vector<16xf32>
      %sub3A_274 = arith.constant 1.500000e+00 : f32
      %sub3A_275 = vector.broadcast %sub3A_274 : f32 to vector<16xf32>
      %sub3A_276 = arith.subf %sub3A_275, %mul3A_273 : vector<16xf32>
      %mul3A_277 = arith.mulf %mul3A_271, %sub3A_276 : vector<16xf32>
      %swap3A = arith.index_cast %scan3A_247 : i32 to index
      %swap3A_278 = arith.constant 0 : index
      %swap3A_279 = tpu.vector_load %arg14[%swap3A, %swap3A_278] {strides = array<i32>} : memref<128x16xf32, #tpu.memory_space<vmem>>, vector<1x16xf32>,
      %swap3A_280 = vector.shape_cast %swap3A_279 : vector<1x16xf32> to vector<16xf32>
      %swap3A_281 = vector.shape_cast %mul3A_277 : vector<16xf32> to vector<1x16xf32>
      tpu.vector_store %arg14[%swap3A, %swap3A_278], %swap3A_281 {strides = array<i32>} : memref<128x16xf32, #tpu.memory_space<vmem>>, vector<1x16xf32>,
    }
    %scan3A_108 = arith.constant 128 : i32
    %add3A_109 = arith.constant 128 : i32
    %add3A_110 = arith.addi %mul3A_0, %add3A_109 : i32
    "tpu.region"() ({
      %run_scoped3A = tpu.sem_alloc : memref<!tpu.dma_semaphore, #tpu.memory_space<semaphore_mem>>
      %dma_start3A_247 = arith.constant 0 : i32
      %dma_start3A_248 = tpu.memref_slice %arg17[%add3A_110, %dma_start3A_247] : memref<10256x16xf32, #tpu.memory_space<vmem_shared>> -> memref<128x16xf32, #tpu.memory_space<vmem_shared>>
      %dma_start3A_249 = arith.constant 0 : i32
      %dma_start3A_250 = tpu.memref_slice %arg17[%add3A_110, %dma_start3A_249] : memref<10256x16xf32, #tpu.memory_space<vmem_shared>> -> memref<128x16xf32, #tpu.memory_space<vmem_shared>>
      tpu.enqueue_dma source(%arg14 : memref<128x16xf32, #tpu.memory_space<vmem>>) target(%dma_start3A_250 : memref<128x16xf32, #tpu.memory_space<vmem_shared>>) target_semaphore(%run_scoped3A : memref<!tpu.dma_semaphore, #tpu.memory_space<semaphore_mem>>)
      %dma_wait3A_251 = arith.constant 0 : i32
      %dma_wait3A_252 = tpu.memref_slice %arg17[%add3A_110, %dma_wait3A_251] : memref<10256x16xf32, #tpu.memory_space<vmem_shared>> -> memref<128x16xf32, #tpu.memory_space<vmem_shared>>
      %dma_wait3A_253 = arith.constant 0 : i32
      %dma_wait3A_254 = tpu.memref_slice %arg17[%add3A_110, %dma_wait3A_253] : memref<10256x16xf32, #tpu.memory_space<vmem_shared>> -> memref<128x16xf32, #tpu.memory_space<vmem_shared>>
      tpu.wait_dma2 semaphore(%run_scoped3A : memref<!tpu.dma_semaphore, #tpu.memory_space<semaphore_mem>>) src(%arg14 : memref<128x16xf32, #tpu.memory_space<vmem>>) dst(%dma_wait3A_254 : memref<128x16xf32, #tpu.memory_space<vmem_shared>>)
      tpu.yield
    }) : () -> ()
    %add3A_111 = arith.constant 256 : i32
    %add3A_112 = arith.addi %mul3A_0, %add3A_111 : i32
    "tpu.region"() ({
      %run_scoped3A = tpu.sem_alloc : memref<!tpu.dma_semaphore, #tpu.memory_space<semaphore_mem>>
      %dma_start3A_247 = arith.constant 0 : i32
      %dma_start3A_248 = tpu.memref_slice %arg17[%add3A_112, %dma_start3A_247] : memref<10256x16xf32, #tpu.memory_space<vmem_shared>> -> memref<128x16xf32, #tpu.memory_space<vmem_shared>>
      %dma_start3A_249 = arith.constant 0 : i32
      %dma_start3A_250 = tpu.memref_slice %arg17[%add3A_112, %dma_start3A_249] : memref<10256x16xf32, #tpu.memory_space<vmem_shared>> -> memref<128x16xf32, #tpu.memory_space<vmem_shared>>
      tpu.enqueue_dma source(%dma_start3A_250 : memref<128x16xf32, #tpu.memory_space<vmem_shared>>) target(%arg14 : memref<128x16xf32, #tpu.memory_space<vmem>>) target_semaphore(%run_scoped3A : memref<!tpu.dma_semaphore, #tpu.memory_space<semaphore_mem>>)
      %dma_wait3A_251 = arith.constant 0 : i32
      %dma_wait3A_252 = tpu.memref_slice %arg17[%add3A_112, %dma_wait3A_251] : memref<10256x16xf32, #tpu.memory_space<vmem_shared>> -> memref<128x16xf32, #tpu.memory_space<vmem_shared>>
      %dma_wait3A_253 = arith.constant 0 : i32
      %dma_wait3A_254 = tpu.memref_slice %arg17[%add3A_112, %dma_wait3A_253] : memref<10256x16xf32, #tpu.memory_space<vmem_shared>> -> memref<128x16xf32, #tpu.memory_space<vmem_shared>>
      tpu.wait_dma2 semaphore(%run_scoped3A : memref<!tpu.dma_semaphore, #tpu.memory_space<semaphore_mem>>) src(%dma_wait3A_254 : memref<128x16xf32, #tpu.memory_space<vmem_shared>>) dst(%arg14 : memref<128x16xf32, #tpu.memory_space<vmem>>)
      tpu.yield
    }) : () -> ()
    %scan3A_113 = arith.constant 0 : i32
    %scan3A_114 = arith.constant 0 : i32
    %scan3A_115 = arith.constant 128 : i32
    %scan3A_116 = arith.addi %scan3A_114, %scan3A_115 : i32
    %scan3A_117 = arith.constant 1 : i32
    scf.for %scan3A_247 = %scan3A_114 to %scan3A_116 step %scan3A_117  : i32 {
      %get3A_248 = arith.index_cast %scan3A_247 : i32 to index
      %get3A_249 = arith.constant 0 : index
      %get3A_250 = tpu.vector_load %arg14[%get3A_248, %get3A_249] {strides = array<i32>} : memref<128x16xf32, #tpu.memory_space<vmem>>, vector<1x16xf32>,
      %get3A_251 = vector.shape_cast %get3A_250 : vector<1x16xf32> to vector<16xf32>
      %bitcast_convert_type3A = tpu.bitcast %get3A_251 : vector<16xf32> -> vector<16xi32>
      %broadcast_in_dim3A_252 = arith.constant 1597463007 : i32
      %broadcast_in_dim3A_253 = vector.broadcast %broadcast_in_dim3A_252 : i32 to vector<16xi32>
      %broadcast_in_dim3A_254 = arith.constant 1 : i32
      %broadcast_in_dim3A_255 = vector.broadcast %broadcast_in_dim3A_254 : i32 to vector<16xi32>
      %shift_right_arithmetic3A = arith.shrsi %bitcast_convert_type3A, %broadcast_in_dim3A_255 : vector<16xi32>
      %sub3A = arith.subi %broadcast_in_dim3A_253, %shift_right_arithmetic3A : vector<16xi32>
      %bitcast_convert_type3A_256 = tpu.bitcast %sub3A : vector<16xi32> -> vector<16xf32>
      %mul3A_257 = arith.constant 5.000000e-01 : f32
      %mul3A_258 = vector.broadcast %mul3A_257 : f32 to vector<16xf32>
      %mul3A_259 = arith.mulf %get3A_251, %mul3A_258 : vector<16xf32>
      %mul3A_260 = arith.mulf %mul3A_259, %bitcast_convert_type3A_256 : vector<16xf32>
      %mul3A_261 = arith.mulf %mul3A_260, %bitcast_convert_type3A_256 : vector<16xf32>
      %sub3A_262 = arith.constant 1.500000e+00 : f32
      %sub3A_263 = vector.broadcast %sub3A_262 : f32 to vector<16xf32>
      %sub3A_264 = arith.subf %sub3A_263, %mul3A_261 : vector<16xf32>
      %mul3A_265 = arith.mulf %bitcast_convert_type3A_256, %sub3A_264 : vector<16xf32>
      %mul3A_266 = arith.mulf %mul3A_259, %mul3A_265 : vector<16xf32>
      %mul3A_267 = arith.mulf %mul3A_266, %mul3A_265 : vector<16xf32>
      %sub3A_268 = arith.constant 1.500000e+00 : f32
      %sub3A_269 = vector.broadcast %sub3A_268 : f32 to vector<16xf32>
      %sub3A_270 = arith.subf %sub3A_269, %mul3A_267 : vector<16xf32>
      %mul3A_271 = arith.mulf %mul3A_265, %sub3A_270 : vector<16xf32>
      %mul3A_272 = arith.mulf %mul3A_259, %mul3A_271 : vector<16xf32>
      %mul3A_273 = arith.mulf %mul3A_272, %mul3A_271 : vector<16xf32>
      %sub3A_274 = arith.constant 1.500000e+00 : f32
      %sub3A_275 = vector.broadcast %sub3A_274 : f32 to vector<16xf32>
      %sub3A_276 = arith.subf %sub3A_275, %mul3A_273 : vector<16xf32>
      %mul3A_277 = arith.mulf %mul3A_271, %sub3A_276 : vector<16xf32>
      %swap3A = arith.index_cast %scan3A_247 : i32 to index
      %swap3A_278 = arith.constant 0 : index
      %swap3A_279 = tpu.vector_load %arg14[%swap3A, %swap3A_278] {strides = array<i32>} : memref<128x16xf32, #tpu.memory_space<vmem>>, vector<1x16xf32>,
      %swap3A_280 = vector.shape_cast %swap3A_279 : vector<1x16xf32> to vector<16xf32>
      %swap3A_281 = vector.shape_cast %mul3A_277 : vector<16xf32> to vector<1x16xf32>
      tpu.vector_store %arg14[%swap3A, %swap3A_278], %swap3A_281 {strides = array<i32>} : memref<128x16xf32, #tpu.memory_space<vmem>>, vector<1x16xf32>,
    }
    %scan3A_118 = arith.constant 128 : i32
    %add3A_119 = arith.constant 256 : i32
    %add3A_120 = arith.addi %mul3A_0, %add3A_119 : i32
    "tpu.region"() ({
      %run_scoped3A = tpu.sem_alloc : memref<!tpu.dma_semaphore, #tpu.memory_space<semaphore_mem>>
      %dma_start3A_247 = arith.constant 0 : i32
      %dma_start3A_248 = tpu.memref_slice %arg17[%add3A_120, %dma_start3A_247] : memref<10256x16xf32, #tpu.memory_space<vmem_shared>> -> memref<128x16xf32, #tpu.memory_space<vmem_shared>>
      %dma_start3A_249 = arith.constant 0 : i32
      %dma_start3A_250 = tpu.memref_slice %arg17[%add3A_120, %dma_start3A_249] : memref<10256x16xf32, #tpu.memory_space<vmem_shared>> -> memref<128x16xf32, #tpu.memory_space<vmem_shared>>
      tpu.enqueue_dma source(%arg14 : memref<128x16xf32, #tpu.memory_space<vmem>>) target(%dma_start3A_250 : memref<128x16xf32, #tpu.memory_space<vmem_shared>>) target_semaphore(%run_scoped3A : memref<!tpu.dma_semaphore, #tpu.memory_space<semaphore_mem>>)
      %dma_wait3A_251 = arith.constant 0 : i32
      %dma_wait3A_252 = tpu.memref_slice %arg17[%add3A_120, %dma_wait3A_251] : memref<10256x16xf32, #tpu.memory_space<vmem_shared>> -> memref<128x16xf32, #tpu.memory_space<vmem_shared>>
      %dma_wait3A_253 = arith.constant 0 : i32
      %dma_wait3A_254 = tpu.memref_slice %arg17[%add3A_120, %dma_wait3A_253] : memref<10256x16xf32, #tpu.memory_space<vmem_shared>> -> memref<128x16xf32, #tpu.memory_space<vmem_shared>>
      tpu.wait_dma2 semaphore(%run_scoped3A : memref<!tpu.dma_semaphore, #tpu.memory_space<semaphore_mem>>) src(%arg14 : memref<128x16xf32, #tpu.memory_space<vmem>>) dst(%dma_wait3A_254 : memref<128x16xf32, #tpu.memory_space<vmem_shared>>)
      tpu.yield
    }) : () -> ()
    %add3A_121 = arith.constant 384 : i32
    %add3A_122 = arith.addi %mul3A_0, %add3A_121 : i32
    "tpu.region"() ({
      %run_scoped3A = tpu.sem_alloc : memref<!tpu.dma_semaphore, #tpu.memory_space<semaphore_mem>>
      %dma_start3A_247 = arith.constant 0 : i32
      %dma_start3A_248 = tpu.memref_slice %arg17[%add3A_122, %dma_start3A_247] : memref<10256x16xf32, #tpu.memory_space<vmem_shared>> -> memref<128x16xf32, #tpu.memory_space<vmem_shared>>
      %dma_start3A_249 = arith.constant 0 : i32
      %dma_start3A_250 = tpu.memref_slice %arg17[%add3A_122, %dma_start3A_249] : memref<10256x16xf32, #tpu.memory_space<vmem_shared>> -> memref<128x16xf32, #tpu.memory_space<vmem_shared>>
      tpu.enqueue_dma source(%dma_start3A_250 : memref<128x16xf32, #tpu.memory_space<vmem_shared>>) target(%arg14 : memref<128x16xf32, #tpu.memory_space<vmem>>) target_semaphore(%run_scoped3A : memref<!tpu.dma_semaphore, #tpu.memory_space<semaphore_mem>>)
      %dma_wait3A_251 = arith.constant 0 : i32
      %dma_wait3A_252 = tpu.memref_slice %arg17[%add3A_122, %dma_wait3A_251] : memref<10256x16xf32, #tpu.memory_space<vmem_shared>> -> memref<128x16xf32, #tpu.memory_space<vmem_shared>>
      %dma_wait3A_253 = arith.constant 0 : i32
      %dma_wait3A_254 = tpu.memref_slice %arg17[%add3A_122, %dma_wait3A_253] : memref<10256x16xf32, #tpu.memory_space<vmem_shared>> -> memref<128x16xf32, #tpu.memory_space<vmem_shared>>
      tpu.wait_dma2 semaphore(%run_scoped3A : memref<!tpu.dma_semaphore, #tpu.memory_space<semaphore_mem>>) src(%dma_wait3A_254 : memref<128x16xf32, #tpu.memory_space<vmem_shared>>) dst(%arg14 : memref<128x16xf32, #tpu.memory_space<vmem>>)
      tpu.yield
    }) : () -> ()
    %scan3A_123 = arith.constant 0 : i32
    %scan3A_124 = arith.constant 0 : i32
    %scan3A_125 = arith.constant 128 : i32
    %scan3A_126 = arith.addi %scan3A_124, %scan3A_125 : i32
    %scan3A_127 = arith.constant 1 : i32
    scf.for %scan3A_247 = %scan3A_124 to %scan3A_126 step %scan3A_127  : i32 {
      %get3A_248 = arith.index_cast %scan3A_247 : i32 to index
      %get3A_249 = arith.constant 0 : index
      %get3A_250 = tpu.vector_load %arg14[%get3A_248, %get3A_249] {strides = array<i32>} : memref<128x16xf32, #tpu.memory_space<vmem>>, vector<1x16xf32>,
      %get3A_251 = vector.shape_cast %get3A_250 : vector<1x16xf32> to vector<16xf32>
      %bitcast_convert_type3A = tpu.bitcast %get3A_251 : vector<16xf32> -> vector<16xi32>
      %broadcast_in_dim3A_252 = arith.constant 1597463007 : i32
      %broadcast_in_dim3A_253 = vector.broadcast %broadcast_in_dim3A_252 : i32 to vector<16xi32>
      %broadcast_in_dim3A_254 = arith.constant 1 : i32
      %broadcast_in_dim3A_255 = vector.broadcast %broadcast_in_dim3A_254 : i32 to vector<16xi32>
      %shift_right_arithmetic3A = arith.shrsi %bitcast_convert_type3A, %broadcast_in_dim3A_255 : vector<16xi32>
      %sub3A = arith.subi %broadcast_in_dim3A_253, %shift_right_arithmetic3A : vector<16xi32>
      %bitcast_convert_type3A_256 = tpu.bitcast %sub3A : vector<16xi32> -> vector<16xf32>
      %mul3A_257 = arith.constant 5.000000e-01 : f32
      %mul3A_258 = vector.broadcast %mul3A_257 : f32 to vector<16xf32>
      %mul3A_259 = arith.mulf %get3A_251, %mul3A_258 : vector<16xf32>
      %mul3A_260 = arith.mulf %mul3A_259, %bitcast_convert_type3A_256 : vector<16xf32>
      %mul3A_261 = arith.mulf %mul3A_260, %bitcast_convert_type3A_256 : vector<16xf32>
      %sub3A_262 = arith.constant 1.500000e+00 : f32
      %sub3A_263 = vector.broadcast %sub3A_262 : f32 to vector<16xf32>
      %sub3A_264 = arith.subf %sub3A_263, %mul3A_261 : vector<16xf32>
      %mul3A_265 = arith.mulf %bitcast_convert_type3A_256, %sub3A_264 : vector<16xf32>
      %mul3A_266 = arith.mulf %mul3A_259, %mul3A_265 : vector<16xf32>
      %mul3A_267 = arith.mulf %mul3A_266, %mul3A_265 : vector<16xf32>
      %sub3A_268 = arith.constant 1.500000e+00 : f32
      %sub3A_269 = vector.broadcast %sub3A_268 : f32 to vector<16xf32>
      %sub3A_270 = arith.subf %sub3A_269, %mul3A_267 : vector<16xf32>
      %mul3A_271 = arith.mulf %mul3A_265, %sub3A_270 : vector<16xf32>
      %mul3A_272 = arith.mulf %mul3A_259, %mul3A_271 : vector<16xf32>
      %mul3A_273 = arith.mulf %mul3A_272, %mul3A_271 : vector<16xf32>
      %sub3A_274 = arith.constant 1.500000e+00 : f32
      %sub3A_275 = vector.broadcast %sub3A_274 : f32 to vector<16xf32>
      %sub3A_276 = arith.subf %sub3A_275, %mul3A_273 : vector<16xf32>
      %mul3A_277 = arith.mulf %mul3A_271, %sub3A_276 : vector<16xf32>
      %swap3A = arith.index_cast %scan3A_247 : i32 to index
      %swap3A_278 = arith.constant 0 : index
      %swap3A_279 = tpu.vector_load %arg14[%swap3A, %swap3A_278] {strides = array<i32>} : memref<128x16xf32, #tpu.memory_space<vmem>>, vector<1x16xf32>,
      %swap3A_280 = vector.shape_cast %swap3A_279 : vector<1x16xf32> to vector<16xf32>
      %swap3A_281 = vector.shape_cast %mul3A_277 : vector<16xf32> to vector<1x16xf32>
      tpu.vector_store %arg14[%swap3A, %swap3A_278], %swap3A_281 {strides = array<i32>} : memref<128x16xf32, #tpu.memory_space<vmem>>, vector<1x16xf32>,
    }
    %scan3A_128 = arith.constant 128 : i32
    %add3A_129 = arith.constant 384 : i32
    %add3A_130 = arith.addi %mul3A_0, %add3A_129 : i32
    "tpu.region"() ({
      %run_scoped3A = tpu.sem_alloc : memref<!tpu.dma_semaphore, #tpu.memory_space<semaphore_mem>>
      %dma_start3A_247 = arith.constant 0 : i32
      %dma_start3A_248 = tpu.memref_slice %arg17[%add3A_130, %dma_start3A_247] : memref<10256x16xf32, #tpu.memory_space<vmem_shared>> -> memref<128x16xf32, #tpu.memory_space<vmem_shared>>
      %dma_start3A_249 = arith.constant 0 : i32
      %dma_start3A_250 = tpu.memref_slice %arg17[%add3A_130, %dma_start3A_249] : memref<10256x16xf32, #tpu.memory_space<vmem_shared>> -> memref<128x16xf32, #tpu.memory_space<vmem_shared>>
      tpu.enqueue_dma source(%arg14 : memref<128x16xf32, #tpu.memory_space<vmem>>) target(%dma_start3A_250 : memref<128x16xf32, #tpu.memory_space<vmem_shared>>) target_semaphore(%run_scoped3A : memref<!tpu.dma_semaphore, #tpu.memory_space<semaphore_mem>>)
      %dma_wait3A_251 = arith.constant 0 : i32
      %dma_wait3A_252 = tpu.memref_slice %arg17[%add3A_130, %dma_wait3A_251] : memref<10256x16xf32, #tpu.memory_space<vmem_shared>> -> memref<128x16xf32, #tpu.memory_space<vmem_shared>>
      %dma_wait3A_253 = arith.constant 0 : i32
      %dma_wait3A_254 = tpu.memref_slice %arg17[%add3A_130, %dma_wait3A_253] : memref<10256x16xf32, #tpu.memory_space<vmem_shared>> -> memref<128x16xf32, #tpu.memory_space<vmem_shared>>
      tpu.wait_dma2 semaphore(%run_scoped3A : memref<!tpu.dma_semaphore, #tpu.memory_space<semaphore_mem>>) src(%arg14 : memref<128x16xf32, #tpu.memory_space<vmem>>) dst(%dma_wait3A_254 : memref<128x16xf32, #tpu.memory_space<vmem_shared>>)
      tpu.yield
    }) : () -> ()
    %add3A_131 = arith.constant 512 : i32
    %add3A_132 = arith.addi %mul3A_0, %add3A_131 : i32
    "tpu.region"() ({
      %run_scoped3A = tpu.sem_alloc : memref<!tpu.dma_semaphore, #tpu.memory_space<semaphore_mem>>
      %dma_start3A_247 = arith.constant 0 : i32
      %dma_start3A_248 = tpu.memref_slice %arg17[%add3A_132, %dma_start3A_247] : memref<10256x16xf32, #tpu.memory_space<vmem_shared>> -> memref<128x16xf32, #tpu.memory_space<vmem_shared>>
      %dma_start3A_249 = arith.constant 0 : i32
      %dma_start3A_250 = tpu.memref_slice %arg17[%add3A_132, %dma_start3A_249] : memref<10256x16xf32, #tpu.memory_space<vmem_shared>> -> memref<128x16xf32, #tpu.memory_space<vmem_shared>>
      tpu.enqueue_dma source(%dma_start3A_250 : memref<128x16xf32, #tpu.memory_space<vmem_shared>>) target(%arg14 : memref<128x16xf32, #tpu.memory_space<vmem>>) target_semaphore(%run_scoped3A : memref<!tpu.dma_semaphore, #tpu.memory_space<semaphore_mem>>)
      %dma_wait3A_251 = arith.constant 0 : i32
      %dma_wait3A_252 = tpu.memref_slice %arg17[%add3A_132, %dma_wait3A_251] : memref<10256x16xf32, #tpu.memory_space<vmem_shared>> -> memref<128x16xf32, #tpu.memory_space<vmem_shared>>
      %dma_wait3A_253 = arith.constant 0 : i32
      %dma_wait3A_254 = tpu.memref_slice %arg17[%add3A_132, %dma_wait3A_253] : memref<10256x16xf32, #tpu.memory_space<vmem_shared>> -> memref<128x16xf32, #tpu.memory_space<vmem_shared>>
      tpu.wait_dma2 semaphore(%run_scoped3A : memref<!tpu.dma_semaphore, #tpu.memory_space<semaphore_mem>>) src(%dma_wait3A_254 : memref<128x16xf32, #tpu.memory_space<vmem_shared>>) dst(%arg14 : memref<128x16xf32, #tpu.memory_space<vmem>>)
      tpu.yield
    }) : () -> ()
    %scan3A_133 = arith.constant 0 : i32
    %scan3A_134 = arith.constant 0 : i32
    %scan3A_135 = arith.constant 128 : i32
    %scan3A_136 = arith.addi %scan3A_134, %scan3A_135 : i32
    %scan3A_137 = arith.constant 1 : i32
    scf.for %scan3A_247 = %scan3A_134 to %scan3A_136 step %scan3A_137  : i32 {
      %get3A_248 = arith.index_cast %scan3A_247 : i32 to index
      %get3A_249 = arith.constant 0 : index
      %get3A_250 = tpu.vector_load %arg14[%get3A_248, %get3A_249] {strides = array<i32>} : memref<128x16xf32, #tpu.memory_space<vmem>>, vector<1x16xf32>,
      %get3A_251 = vector.shape_cast %get3A_250 : vector<1x16xf32> to vector<16xf32>
      %bitcast_convert_type3A = tpu.bitcast %get3A_251 : vector<16xf32> -> vector<16xi32>
      %broadcast_in_dim3A_252 = arith.constant 1597463007 : i32
      %broadcast_in_dim3A_253 = vector.broadcast %broadcast_in_dim3A_252 : i32 to vector<16xi32>
      %broadcast_in_dim3A_254 = arith.constant 1 : i32
      %broadcast_in_dim3A_255 = vector.broadcast %broadcast_in_dim3A_254 : i32 to vector<16xi32>
      %shift_right_arithmetic3A = arith.shrsi %bitcast_convert_type3A, %broadcast_in_dim3A_255 : vector<16xi32>
      %sub3A = arith.subi %broadcast_in_dim3A_253, %shift_right_arithmetic3A : vector<16xi32>
      %bitcast_convert_type3A_256 = tpu.bitcast %sub3A : vector<16xi32> -> vector<16xf32>
      %mul3A_257 = arith.constant 5.000000e-01 : f32
      %mul3A_258 = vector.broadcast %mul3A_257 : f32 to vector<16xf32>
      %mul3A_259 = arith.mulf %get3A_251, %mul3A_258 : vector<16xf32>
      %mul3A_260 = arith.mulf %mul3A_259, %bitcast_convert_type3A_256 : vector<16xf32>
      %mul3A_261 = arith.mulf %mul3A_260, %bitcast_convert_type3A_256 : vector<16xf32>
      %sub3A_262 = arith.constant 1.500000e+00 : f32
      %sub3A_263 = vector.broadcast %sub3A_262 : f32 to vector<16xf32>
      %sub3A_264 = arith.subf %sub3A_263, %mul3A_261 : vector<16xf32>
      %mul3A_265 = arith.mulf %bitcast_convert_type3A_256, %sub3A_264 : vector<16xf32>
      %mul3A_266 = arith.mulf %mul3A_259, %mul3A_265 : vector<16xf32>
      %mul3A_267 = arith.mulf %mul3A_266, %mul3A_265 : vector<16xf32>
      %sub3A_268 = arith.constant 1.500000e+00 : f32
      %sub3A_269 = vector.broadcast %sub3A_268 : f32 to vector<16xf32>
      %sub3A_270 = arith.subf %sub3A_269, %mul3A_267 : vector<16xf32>
      %mul3A_271 = arith.mulf %mul3A_265, %sub3A_270 : vector<16xf32>
      %mul3A_272 = arith.mulf %mul3A_259, %mul3A_271 : vector<16xf32>
      %mul3A_273 = arith.mulf %mul3A_272, %mul3A_271 : vector<16xf32>
      %sub3A_274 = arith.constant 1.500000e+00 : f32
      %sub3A_275 = vector.broadcast %sub3A_274 : f32 to vector<16xf32>
      %sub3A_276 = arith.subf %sub3A_275, %mul3A_273 : vector<16xf32>
      %mul3A_277 = arith.mulf %mul3A_271, %sub3A_276 : vector<16xf32>
      %swap3A = arith.index_cast %scan3A_247 : i32 to index
      %swap3A_278 = arith.constant 0 : index
      %swap3A_279 = tpu.vector_load %arg14[%swap3A, %swap3A_278] {strides = array<i32>} : memref<128x16xf32, #tpu.memory_space<vmem>>, vector<1x16xf32>,
      %swap3A_280 = vector.shape_cast %swap3A_279 : vector<1x16xf32> to vector<16xf32>
      %swap3A_281 = vector.shape_cast %mul3A_277 : vector<16xf32> to vector<1x16xf32>
      tpu.vector_store %arg14[%swap3A, %swap3A_278], %swap3A_281 {strides = array<i32>} : memref<128x16xf32, #tpu.memory_space<vmem>>, vector<1x16xf32>,
    }
    %scan3A_138 = arith.constant 128 : i32
    %add3A_139 = arith.constant 512 : i32
    %add3A_140 = arith.addi %mul3A_0, %add3A_139 : i32
    "tpu.region"() ({
      %run_scoped3A = tpu.sem_alloc : memref<!tpu.dma_semaphore, #tpu.memory_space<semaphore_mem>>
      %dma_start3A_247 = arith.constant 0 : i32
      %dma_start3A_248 = tpu.memref_slice %arg17[%add3A_140, %dma_start3A_247] : memref<10256x16xf32, #tpu.memory_space<vmem_shared>> -> memref<128x16xf32, #tpu.memory_space<vmem_shared>>
      %dma_start3A_249 = arith.constant 0 : i32
      %dma_start3A_250 = tpu.memref_slice %arg17[%add3A_140, %dma_start3A_249] : memref<10256x16xf32, #tpu.memory_space<vmem_shared>> -> memref<128x16xf32, #tpu.memory_space<vmem_shared>>
      tpu.enqueue_dma source(%arg14 : memref<128x16xf32, #tpu.memory_space<vmem>>) target(%dma_start3A_250 : memref<128x16xf32, #tpu.memory_space<vmem_shared>>) target_semaphore(%run_scoped3A : memref<!tpu.dma_semaphore, #tpu.memory_space<semaphore_mem>>)
      %dma_wait3A_251 = arith.constant 0 : i32
      %dma_wait3A_252 = tpu.memref_slice %arg17[%add3A_140, %dma_wait3A_251] : memref<10256x16xf32, #tpu.memory_space<vmem_shared>> -> memref<128x16xf32, #tpu.memory_space<vmem_shared>>
      %dma_wait3A_253 = arith.constant 0 : i32
      %dma_wait3A_254 = tpu.memref_slice %arg17[%add3A_140, %dma_wait3A_253] : memref<10256x16xf32, #tpu.memory_space<vmem_shared>> -> memref<128x16xf32, #tpu.memory_space<vmem_shared>>
      tpu.wait_dma2 semaphore(%run_scoped3A : memref<!tpu.dma_semaphore, #tpu.memory_space<semaphore_mem>>) src(%arg14 : memref<128x16xf32, #tpu.memory_space<vmem>>) dst(%dma_wait3A_254 : memref<128x16xf32, #tpu.memory_space<vmem_shared>>)
      tpu.yield
    }) : () -> ()
    %get3A = arith.constant 0 : i32
    %get3A_141 = arith.index_cast %get3A : i32 to index
    %get3A_142 = arith.constant 0 : index
    %get3A_143 = tpu.vector_load %arg15[%get3A_141, %get3A_142] {strides = array<i32>} : memref<11x16xf32, #tpu.memory_space<vmem>>, vector<1x16xf32>,
    %get3A_144 = vector.shape_cast %get3A_143 : vector<1x16xf32> to vector<16xf32>
    %add3A_145 = arith.constant 0 : i32
    %add3A_146 = arith.addi %mul3A_0, %add3A_145 : i32
    "tpu.region"() ({
      %run_scoped3A = tpu.sem_alloc : memref<!tpu.dma_semaphore, #tpu.memory_space<semaphore_mem>>
      %dma_start3A_247 = arith.constant 0 : i32
      %dma_start3A_248 = tpu.memref_slice %arg2[%arg0, %add3A_146, %dma_start3A_247] : memref<2x10240x64xf32, #tpu.memory_space<hbm>> -> memref<1x128x64xf32, #tpu.memory_space<hbm>>
      %dma_start3A_249 = tpu.memref_squeeze %dma_start3A_248 : memref<1x128x64xf32, #tpu.memory_space<hbm>> -> memref<128x64xf32, #tpu.memory_space<hbm>>
      %dma_start3A_250 = arith.constant 0 : i32
      %dma_start3A_251 = tpu.memref_slice %arg2[%arg0, %add3A_146, %dma_start3A_250] : memref<2x10240x64xf32, #tpu.memory_space<hbm>> -> memref<1x128x64xf32, #tpu.memory_space<hbm>>
      %dma_start3A_252 = tpu.memref_squeeze %dma_start3A_251 : memref<1x128x64xf32, #tpu.memory_space<hbm>> -> memref<128x64xf32, #tpu.memory_space<hbm>>
      tpu.enqueue_dma source(%dma_start3A_252 : memref<128x64xf32, #tpu.memory_space<hbm>>) target(%arg10 : memref<128x64xf32, #tpu.memory_space<vmem>>) target_semaphore(%run_scoped3A : memref<!tpu.dma_semaphore, #tpu.memory_space<semaphore_mem>>)
      %dma_wait3A_253 = arith.constant 0 : i32
      %dma_wait3A_254 = tpu.memref_slice %arg2[%arg0, %add3A_146, %dma_wait3A_253] : memref<2x10240x64xf32, #tpu.memory_space<hbm>> -> memref<1x128x64xf32, #tpu.memory_space<hbm>>
      %dma_wait3A_255 = tpu.memref_squeeze %dma_wait3A_254 : memref<1x128x64xf32, #tpu.memory_space<hbm>> -> memref<128x64xf32, #tpu.memory_space<hbm>>
      %dma_wait3A_256 = arith.constant 0 : i32
      %dma_wait3A_257 = tpu.memref_slice %arg2[%arg0, %add3A_146, %dma_wait3A_256] : memref<2x10240x64xf32, #tpu.memory_space<hbm>> -> memref<1x128x64xf32, #tpu.memory_space<hbm>>
      %dma_wait3A_258 = tpu.memref_squeeze %dma_wait3A_257 : memref<1x128x64xf32, #tpu.memory_space<hbm>> -> memref<128x64xf32, #tpu.memory_space<hbm>>
      tpu.wait_dma2 semaphore(%run_scoped3A : memref<!tpu.dma_semaphore, #tpu.memory_space<semaphore_mem>>) src(%dma_wait3A_258 : memref<128x64xf32, #tpu.memory_space<hbm>>) dst(%arg10 : memref<128x64xf32, #tpu.memory_space<vmem>>)
      tpu.yield
    }) : () -> ()
    %add3A_147 = arith.constant 0 : i32
    %add3A_148 = arith.addi %mul3A_0, %add3A_147 : i32
    "tpu.region"() ({
      %run_scoped3A = tpu.sem_alloc : memref<!tpu.dma_semaphore, #tpu.memory_space<semaphore_mem>>
      %dma_start3A_247 = arith.constant 0 : i32
      %dma_start3A_248 = tpu.memref_slice %arg17[%add3A_148, %dma_start3A_247] : memref<10256x16xf32, #tpu.memory_space<vmem_shared>> -> memref<128x16xf32, #tpu.memory_space<vmem_shared>>
      %dma_start3A_249 = arith.constant 0 : i32
      %dma_start3A_250 = tpu.memref_slice %arg17[%add3A_148, %dma_start3A_249] : memref<10256x16xf32, #tpu.memory_space<vmem_shared>> -> memref<128x16xf32, #tpu.memory_space<vmem_shared>>
      tpu.enqueue_dma source(%dma_start3A_250 : memref<128x16xf32, #tpu.memory_space<vmem_shared>>) target(%arg14 : memref<128x16xf32, #tpu.memory_space<vmem>>) target_semaphore(%run_scoped3A : memref<!tpu.dma_semaphore, #tpu.memory_space<semaphore_mem>>)
      %dma_wait3A_251 = arith.constant 0 : i32
      %dma_wait3A_252 = tpu.memref_slice %arg17[%add3A_148, %dma_wait3A_251] : memref<10256x16xf32, #tpu.memory_space<vmem_shared>> -> memref<128x16xf32, #tpu.memory_space<vmem_shared>>
      %dma_wait3A_253 = arith.constant 0 : i32
      %dma_wait3A_254 = tpu.memref_slice %arg17[%add3A_148, %dma_wait3A_253] : memref<10256x16xf32, #tpu.memory_space<vmem_shared>> -> memref<128x16xf32, #tpu.memory_space<vmem_shared>>
      tpu.wait_dma2 semaphore(%run_scoped3A : memref<!tpu.dma_semaphore, #tpu.memory_space<semaphore_mem>>) src(%dma_wait3A_254 : memref<128x16xf32, #tpu.memory_space<vmem_shared>>) dst(%arg14 : memref<128x16xf32, #tpu.memory_space<vmem>>)
      tpu.yield
    }) : () -> ()
    %scan3A_149 = arith.constant 0 : i32
    %scan3A_150 = arith.constant 0 : i32
    %scan3A_151 = arith.constant 128 : i32
    %scan3A_152 = arith.addi %scan3A_150, %scan3A_151 : i32
    %scan3A_153 = arith.constant 1 : i32
    scf.for %scan3A_247 = %scan3A_150 to %scan3A_152 step %scan3A_153  : i32 {
      %get3A_248 = arith.index_cast %scan3A_247 : i32 to index
      %get3A_249 = arith.constant 0 : index
      %get3A_250 = tpu.vector_load %arg14[%get3A_248, %get3A_249] {strides = array<i32>} : memref<128x16xf32, #tpu.memory_space<vmem>>, vector<1x16xf32>,
      %get3A_251 = vector.shape_cast %get3A_250 : vector<1x16xf32> to vector<16xf32>
      %get3A_252 = arith.index_cast %scan3A_247 : i32 to index
      %get3A_253 = arith.constant 0 : index
      %get3A_254 = tpu.vector_load %arg10[%get3A_252, %get3A_253] {strides = array<i32>} : memref<128x64xf32, #tpu.memory_space<vmem>>, vector<1x16xf32>,
      %get3A_255 = vector.shape_cast %get3A_254 : vector<1x16xf32> to vector<16xf32>
      %mul3A_256 = arith.mulf %get3A_255, %get3A_144 : vector<16xf32>
      %swap3A = arith.index_cast %scan3A_247 : i32 to index
      %swap3A_257 = arith.constant 0 : index
      %swap3A_258 = tpu.vector_load %arg11[%swap3A, %swap3A_257] {strides = array<i32>} : memref<128x64xf32, #tpu.memory_space<vmem>>, vector<1x16xf32>,
      %swap3A_259 = vector.shape_cast %swap3A_258 : vector<1x16xf32> to vector<16xf32>
      %swap3A_260 = vector.shape_cast %mul3A_256 : vector<16xf32> to vector<1x16xf32>
      tpu.vector_store %arg11[%swap3A, %swap3A_257], %swap3A_260 {strides = array<i32>} : memref<128x64xf32, #tpu.memory_space<vmem>>, vector<1x16xf32>,
      %mul3A_261 = arith.mulf %get3A_255, %get3A_251 : vector<16xf32>
      %swap3A_262 = arith.index_cast %scan3A_247 : i32 to index
      %swap3A_263 = arith.constant 0 : index
      %swap3A_264 = tpu.vector_load %arg12[%swap3A_262, %swap3A_263] {strides = array<i32>} : memref<128x64xf32, #tpu.memory_space<vmem>>, vector<1x16xf32>,
      %swap3A_265 = vector.shape_cast %swap3A_264 : vector<1x16xf32> to vector<16xf32>
      %swap3A_266 = vector.shape_cast %mul3A_261 : vector<16xf32> to vector<1x16xf32>
      tpu.vector_store %arg12[%swap3A_262, %swap3A_263], %swap3A_266 {strides = array<i32>} : memref<128x64xf32, #tpu.memory_space<vmem>>, vector<1x16xf32>,
      %get3A_267 = arith.index_cast %scan3A_247 : i32 to index
      %get3A_268 = arith.constant 16 : index
      %get3A_269 = tpu.vector_load %arg10[%get3A_267, %get3A_268] {strides = array<i32>} : memref<128x64xf32, #tpu.memory_space<vmem>>, vector<1x16xf32>,
      %get3A_270 = vector.shape_cast %get3A_269 : vector<1x16xf32> to vector<16xf32>
      %mul3A_271 = arith.mulf %get3A_270, %get3A_144 : vector<16xf32>
      %swap3A_272 = arith.index_cast %scan3A_247 : i32 to index
      %swap3A_273 = arith.constant 16 : index
      %swap3A_274 = tpu.vector_load %arg11[%swap3A_272, %swap3A_273] {strides = array<i32>} : memref<128x64xf32, #tpu.memory_space<vmem>>, vector<1x16xf32>,
      %swap3A_275 = vector.shape_cast %swap3A_274 : vector<1x16xf32> to vector<16xf32>
      %swap3A_276 = vector.shape_cast %mul3A_271 : vector<16xf32> to vector<1x16xf32>
      tpu.vector_store %arg11[%swap3A_272, %swap3A_273], %swap3A_276 {strides = array<i32>} : memref<128x64xf32, #tpu.memory_space<vmem>>, vector<1x16xf32>,
      %mul3A_277 = arith.mulf %get3A_270, %get3A_251 : vector<16xf32>
      %swap3A_278 = arith.index_cast %scan3A_247 : i32 to index
      %swap3A_279 = arith.constant 16 : index
      %swap3A_280 = tpu.vector_load %arg12[%swap3A_278, %swap3A_279] {strides = array<i32>} : memref<128x64xf32, #tpu.memory_space<vmem>>, vector<1x16xf32>,
      %swap3A_281 = vector.shape_cast %swap3A_280 : vector<1x16xf32> to vector<16xf32>
      %swap3A_282 = vector.shape_cast %mul3A_277 : vector<16xf32> to vector<1x16xf32>
      tpu.vector_store %arg12[%swap3A_278, %swap3A_279], %swap3A_282 {strides = array<i32>} : memref<128x64xf32, #tpu.memory_space<vmem>>, vector<1x16xf32>,
      %get3A_283 = arith.index_cast %scan3A_247 : i32 to index
      %get3A_284 = arith.constant 32 : index
      %get3A_285 = tpu.vector_load %arg10[%get3A_283, %get3A_284] {strides = array<i32>} : memref<128x64xf32, #tpu.memory_space<vmem>>, vector<1x16xf32>,
      %get3A_286 = vector.shape_cast %get3A_285 : vector<1x16xf32> to vector<16xf32>
      %mul3A_287 = arith.mulf %get3A_286, %get3A_144 : vector<16xf32>
      %swap3A_288 = arith.index_cast %scan3A_247 : i32 to index
      %swap3A_289 = arith.constant 32 : index
      %swap3A_290 = tpu.vector_load %arg11[%swap3A_288, %swap3A_289] {strides = array<i32>} : memref<128x64xf32, #tpu.memory_space<vmem>>, vector<1x16xf32>,
      %swap3A_291 = vector.shape_cast %swap3A_290 : vector<1x16xf32> to vector<16xf32>
      %swap3A_292 = vector.shape_cast %mul3A_287 : vector<16xf32> to vector<1x16xf32>
      tpu.vector_store %arg11[%swap3A_288, %swap3A_289], %swap3A_292 {strides = array<i32>} : memref<128x64xf32, #tpu.memory_space<vmem>>, vector<1x16xf32>,
      %mul3A_293 = arith.mulf %get3A_286, %get3A_251 : vector<16xf32>
      %swap3A_294 = arith.index_cast %scan3A_247 : i32 to index
      %swap3A_295 = arith.constant 32 : index
      %swap3A_296 = tpu.vector_load %arg12[%swap3A_294, %swap3A_295] {strides = array<i32>} : memref<128x64xf32, #tpu.memory_space<vmem>>, vector<1x16xf32>,
      %swap3A_297 = vector.shape_cast %swap3A_296 : vector<1x16xf32> to vector<16xf32>
      %swap3A_298 = vector.shape_cast %mul3A_293 : vector<16xf32> to vector<1x16xf32>
      tpu.vector_store %arg12[%swap3A_294, %swap3A_295], %swap3A_298 {strides = array<i32>} : memref<128x64xf32, #tpu.memory_space<vmem>>, vector<1x16xf32>,
      %get3A_299 = arith.index_cast %scan3A_247 : i32 to index
      %get3A_300 = arith.constant 48 : index
      %get3A_301 = tpu.vector_load %arg10[%get3A_299, %get3A_300] {strides = array<i32>} : memref<128x64xf32, #tpu.memory_space<vmem>>, vector<1x16xf32>,
      %get3A_302 = vector.shape_cast %get3A_301 : vector<1x16xf32> to vector<16xf32>
      %mul3A_303 = arith.mulf %get3A_302, %get3A_144 : vector<16xf32>
      %swap3A_304 = arith.index_cast %scan3A_247 : i32 to index
      %swap3A_305 = arith.constant 48 : index
      %swap3A_306 = tpu.vector_load %arg11[%swap3A_304, %swap3A_305] {strides = array<i32>} : memref<128x64xf32, #tpu.memory_space<vmem>>, vector<1x16xf32>,
      %swap3A_307 = vector.shape_cast %swap3A_306 : vector<1x16xf32> to vector<16xf32>
      %swap3A_308 = vector.shape_cast %mul3A_303 : vector<16xf32> to vector<1x16xf32>
      tpu.vector_store %arg11[%swap3A_304, %swap3A_305], %swap3A_308 {strides = array<i32>} : memref<128x64xf32, #tpu.memory_space<vmem>>, vector<1x16xf32>,
      %mul3A_309 = arith.mulf %get3A_302, %get3A_251 : vector<16xf32>
      %swap3A_310 = arith.index_cast %scan3A_247 : i32 to index
      %swap3A_311 = arith.constant 48 : index
      %swap3A_312 = tpu.vector_load %arg12[%swap3A_310, %swap3A_311] {strides = array<i32>} : memref<128x64xf32, #tpu.memory_space<vmem>>, vector<1x16xf32>,
      %swap3A_313 = vector.shape_cast %swap3A_312 : vector<1x16xf32> to vector<16xf32>
      %swap3A_314 = vector.shape_cast %mul3A_309 : vector<16xf32> to vector<1x16xf32>
      tpu.vector_store %arg12[%swap3A_310, %swap3A_311], %swap3A_314 {strides = array<i32>} : memref<128x64xf32, #tpu.memory_space<vmem>>, vector<1x16xf32>,
    }
    %scan3A_154 = arith.constant 128 : i32
    %add3A_155 = arith.constant 0 : i32
    %add3A_156 = arith.addi %mul3A_0, %add3A_155 : i32
    "tpu.region"() ({
      %run_scoped3A = tpu.sem_alloc : memref<!tpu.dma_semaphore, #tpu.memory_space<semaphore_mem>>
      %dma_start3A_247 = arith.constant 0 : i32
      %dma_start3A_248 = tpu.memref_slice %arg6[%arg0, %add3A_156, %dma_start3A_247] : memref<2x10240x64xf32, #tpu.memory_space<hbm>> -> memref<1x128x64xf32, #tpu.memory_space<hbm>>
      %dma_start3A_249 = tpu.memref_squeeze %dma_start3A_248 : memref<1x128x64xf32, #tpu.memory_space<hbm>> -> memref<128x64xf32, #tpu.memory_space<hbm>>
      %dma_start3A_250 = arith.constant 0 : i32
      %dma_start3A_251 = tpu.memref_slice %arg6[%arg0, %add3A_156, %dma_start3A_250] : memref<2x10240x64xf32, #tpu.memory_space<hbm>> -> memref<1x128x64xf32, #tpu.memory_space<hbm>>
      %dma_start3A_252 = tpu.memref_squeeze %dma_start3A_251 : memref<1x128x64xf32, #tpu.memory_space<hbm>> -> memref<128x64xf32, #tpu.memory_space<hbm>>
      tpu.enqueue_dma source(%arg11 : memref<128x64xf32, #tpu.memory_space<vmem>>) target(%dma_start3A_252 : memref<128x64xf32, #tpu.memory_space<hbm>>) target_semaphore(%run_scoped3A : memref<!tpu.dma_semaphore, #tpu.memory_space<semaphore_mem>>)
      %dma_wait3A_253 = arith.constant 0 : i32
      %dma_wait3A_254 = tpu.memref_slice %arg6[%arg0, %add3A_156, %dma_wait3A_253] : memref<2x10240x64xf32, #tpu.memory_space<hbm>> -> memref<1x128x64xf32, #tpu.memory_space<hbm>>
      %dma_wait3A_255 = tpu.memref_squeeze %dma_wait3A_254 : memref<1x128x64xf32, #tpu.memory_space<hbm>> -> memref<128x64xf32, #tpu.memory_space<hbm>>
      %dma_wait3A_256 = arith.constant 0 : i32
      %dma_wait3A_257 = tpu.memref_slice %arg6[%arg0, %add3A_156, %dma_wait3A_256] : memref<2x10240x64xf32, #tpu.memory_space<hbm>> -> memref<1x128x64xf32, #tpu.memory_space<hbm>>
      %dma_wait3A_258 = tpu.memref_squeeze %dma_wait3A_257 : memref<1x128x64xf32, #tpu.memory_space<hbm>> -> memref<128x64xf32, #tpu.memory_space<hbm>>
      tpu.wait_dma2 semaphore(%run_scoped3A : memref<!tpu.dma_semaphore, #tpu.memory_space<semaphore_mem>>) src(%arg11 : memref<128x64xf32, #tpu.memory_space<vmem>>) dst(%dma_wait3A_258 : memref<128x64xf32, #tpu.memory_space<hbm>>)
      tpu.yield
    }) : () -> ()
    %mul3A_157 = arith.constant 10240 : i32
    %mul3A_158 = arith.muli %arg0, %mul3A_157 : i32
    %add3A_159 = arith.addi %mul3A_158, %mul3A_0 : i32
    %add3A_160 = arith.constant 0 : i32
    %add3A_161 = arith.addi %add3A_159, %add3A_160 : i32
    "tpu.region"() ({
      %run_scoped3A = tpu.sem_alloc : memref<!tpu.dma_semaphore, #tpu.memory_space<semaphore_mem>>
      %dma_start3A_247 = arith.constant 0 : i32
      %dma_start3A_248 = tpu.memref_slice %arg7[%add3A_161, %dma_start3A_247] : memref<20480x64xf32, #tpu.memory_space<hbm>> -> memref<128x64xf32, #tpu.memory_space<hbm>>
      %dma_start3A_249 = arith.constant 0 : i32
      %dma_start3A_250 = tpu.memref_slice %arg7[%add3A_161, %dma_start3A_249] : memref<20480x64xf32, #tpu.memory_space<hbm>> -> memref<128x64xf32, #tpu.memory_space<hbm>>
      tpu.enqueue_dma source(%arg12 : memref<128x64xf32, #tpu.memory_space<vmem>>) target(%dma_start3A_250 : memref<128x64xf32, #tpu.memory_space<hbm>>) target_semaphore(%run_scoped3A : memref<!tpu.dma_semaphore, #tpu.memory_space<semaphore_mem>>)
      %dma_wait3A_251 = arith.constant 0 : i32
      %dma_wait3A_252 = tpu.memref_slice %arg7[%add3A_161, %dma_wait3A_251] : memref<20480x64xf32, #tpu.memory_space<hbm>> -> memref<128x64xf32, #tpu.memory_space<hbm>>
      %dma_wait3A_253 = arith.constant 0 : i32
      %dma_wait3A_254 = tpu.memref_slice %arg7[%add3A_161, %dma_wait3A_253] : memref<20480x64xf32, #tpu.memory_space<hbm>> -> memref<128x64xf32, #tpu.memory_space<hbm>>
      tpu.wait_dma2 semaphore(%run_scoped3A : memref<!tpu.dma_semaphore, #tpu.memory_space<semaphore_mem>>) src(%arg12 : memref<128x64xf32, #tpu.memory_space<vmem>>) dst(%dma_wait3A_254 : memref<128x64xf32, #tpu.memory_space<hbm>>)
      tpu.yield
    }) : () -> ()
    %add3A_162 = arith.constant 0 : i32
    %add3A_163 = arith.addi %mul3A_0, %add3A_162 : i32
    "tpu.region"() ({
      %run_scoped3A = tpu.sem_alloc : memref<!tpu.dma_semaphore, #tpu.memory_space<semaphore_mem>>
      %dma_start3A_247 = arith.constant 0 : i32
      %dma_start3A_248 = tpu.memref_slice %arg16[%add3A_163, %dma_start3A_247] : memref<10256x64xf32, #tpu.memory_space<vmem_shared>> -> memref<128x64xf32, #tpu.memory_space<vmem_shared>>
      %dma_start3A_249 = arith.constant 0 : i32
      %dma_start3A_250 = tpu.memref_slice %arg16[%add3A_163, %dma_start3A_249] : memref<10256x64xf32, #tpu.memory_space<vmem_shared>> -> memref<128x64xf32, #tpu.memory_space<vmem_shared>>
      tpu.enqueue_dma source(%arg12 : memref<128x64xf32, #tpu.memory_space<vmem>>) target(%dma_start3A_250 : memref<128x64xf32, #tpu.memory_space<vmem_shared>>) target_semaphore(%run_scoped3A : memref<!tpu.dma_semaphore, #tpu.memory_space<semaphore_mem>>)
      %dma_wait3A_251 = arith.constant 0 : i32
      %dma_wait3A_252 = tpu.memref_slice %arg16[%add3A_163, %dma_wait3A_251] : memref<10256x64xf32, #tpu.memory_space<vmem_shared>> -> memref<128x64xf32, #tpu.memory_space<vmem_shared>>
      %dma_wait3A_253 = arith.constant 0 : i32
      %dma_wait3A_254 = tpu.memref_slice %arg16[%add3A_163, %dma_wait3A_253] : memref<10256x64xf32, #tpu.memory_space<vmem_shared>> -> memref<128x64xf32, #tpu.memory_space<vmem_shared>>
      tpu.wait_dma2 semaphore(%run_scoped3A : memref<!tpu.dma_semaphore, #tpu.memory_space<semaphore_mem>>) src(%arg12 : memref<128x64xf32, #tpu.memory_space<vmem>>) dst(%dma_wait3A_254 : memref<128x64xf32, #tpu.memory_space<vmem_shared>>)
      tpu.yield
    }) : () -> ()
    %add3A_164 = arith.constant 128 : i32
    %add3A_165 = arith.addi %mul3A_0, %add3A_164 : i32
    "tpu.region"() ({
      %run_scoped3A = tpu.sem_alloc : memref<!tpu.dma_semaphore, #tpu.memory_space<semaphore_mem>>
      %dma_start3A_247 = arith.constant 0 : i32
      %dma_start3A_248 = tpu.memref_slice %arg2[%arg0, %add3A_165, %dma_start3A_247] : memref<2x10240x64xf32, #tpu.memory_space<hbm>> -> memref<1x128x64xf32, #tpu.memory_space<hbm>>
      %dma_start3A_249 = tpu.memref_squeeze %dma_start3A_248 : memref<1x128x64xf32, #tpu.memory_space<hbm>> -> memref<128x64xf32, #tpu.memory_space<hbm>>
      %dma_start3A_250 = arith.constant 0 : i32
      %dma_start3A_251 = tpu.memref_slice %arg2[%arg0, %add3A_165, %dma_start3A_250] : memref<2x10240x64xf32, #tpu.memory_space<hbm>> -> memref<1x128x64xf32, #tpu.memory_space<hbm>>
      %dma_start3A_252 = tpu.memref_squeeze %dma_start3A_251 : memref<1x128x64xf32, #tpu.memory_space<hbm>> -> memref<128x64xf32, #tpu.memory_space<hbm>>
      tpu.enqueue_dma source(%dma_start3A_252 : memref<128x64xf32, #tpu.memory_space<hbm>>) target(%arg10 : memref<128x64xf32, #tpu.memory_space<vmem>>) target_semaphore(%run_scoped3A : memref<!tpu.dma_semaphore, #tpu.memory_space<semaphore_mem>>)
      %dma_wait3A_253 = arith.constant 0 : i32
      %dma_wait3A_254 = tpu.memref_slice %arg2[%arg0, %add3A_165, %dma_wait3A_253] : memref<2x10240x64xf32, #tpu.memory_space<hbm>> -> memref<1x128x64xf32, #tpu.memory_space<hbm>>
      %dma_wait3A_255 = tpu.memref_squeeze %dma_wait3A_254 : memref<1x128x64xf32, #tpu.memory_space<hbm>> -> memref<128x64xf32, #tpu.memory_space<hbm>>
      %dma_wait3A_256 = arith.constant 0 : i32
      %dma_wait3A_257 = tpu.memref_slice %arg2[%arg0, %add3A_165, %dma_wait3A_256] : memref<2x10240x64xf32, #tpu.memory_space<hbm>> -> memref<1x128x64xf32, #tpu.memory_space<hbm>>
      %dma_wait3A_258 = tpu.memref_squeeze %dma_wait3A_257 : memref<1x128x64xf32, #tpu.memory_space<hbm>> -> memref<128x64xf32, #tpu.memory_space<hbm>>
      tpu.wait_dma2 semaphore(%run_scoped3A : memref<!tpu.dma_semaphore, #tpu.memory_space<semaphore_mem>>) src(%dma_wait3A_258 : memref<128x64xf32, #tpu.memory_space<hbm>>) dst(%arg10 : memref<128x64xf32, #tpu.memory_space<vmem>>)
      tpu.yield
    }) : () -> ()
    %add3A_166 = arith.constant 128 : i32
    %add3A_167 = arith.addi %mul3A_0, %add3A_166 : i32
    "tpu.region"() ({
      %run_scoped3A = tpu.sem_alloc : memref<!tpu.dma_semaphore, #tpu.memory_space<semaphore_mem>>
      %dma_start3A_247 = arith.constant 0 : i32
      %dma_start3A_248 = tpu.memref_slice %arg17[%add3A_167, %dma_start3A_247] : memref<10256x16xf32, #tpu.memory_space<vmem_shared>> -> memref<128x16xf32, #tpu.memory_space<vmem_shared>>
      %dma_start3A_249 = arith.constant 0 : i32
      %dma_start3A_250 = tpu.memref_slice %arg17[%add3A_167, %dma_start3A_249] : memref<10256x16xf32, #tpu.memory_space<vmem_shared>> -> memref<128x16xf32, #tpu.memory_space<vmem_shared>>
      tpu.enqueue_dma source(%dma_start3A_250 : memref<128x16xf32, #tpu.memory_space<vmem_shared>>) target(%arg14 : memref<128x16xf32, #tpu.memory_space<vmem>>) target_semaphore(%run_scoped3A : memref<!tpu.dma_semaphore, #tpu.memory_space<semaphore_mem>>)
      %dma_wait3A_251 = arith.constant 0 : i32
      %dma_wait3A_252 = tpu.memref_slice %arg17[%add3A_167, %dma_wait3A_251] : memref<10256x16xf32, #tpu.memory_space<vmem_shared>> -> memref<128x16xf32, #tpu.memory_space<vmem_shared>>
      %dma_wait3A_253 = arith.constant 0 : i32
      %dma_wait3A_254 = tpu.memref_slice %arg17[%add3A_167, %dma_wait3A_253] : memref<10256x16xf32, #tpu.memory_space<vmem_shared>> -> memref<128x16xf32, #tpu.memory_space<vmem_shared>>
      tpu.wait_dma2 semaphore(%run_scoped3A : memref<!tpu.dma_semaphore, #tpu.memory_space<semaphore_mem>>) src(%dma_wait3A_254 : memref<128x16xf32, #tpu.memory_space<vmem_shared>>) dst(%arg14 : memref<128x16xf32, #tpu.memory_space<vmem>>)
      tpu.yield
    }) : () -> ()
    %scan3A_168 = arith.constant 0 : i32
    %scan3A_169 = arith.constant 0 : i32
    %scan3A_170 = arith.constant 128 : i32
    %scan3A_171 = arith.addi %scan3A_169, %scan3A_170 : i32
    %scan3A_172 = arith.constant 1 : i32
    scf.for %scan3A_247 = %scan3A_169 to %scan3A_171 step %scan3A_172  : i32 {
      %get3A_248 = arith.index_cast %scan3A_247 : i32 to index
      %get3A_249 = arith.constant 0 : index
      %get3A_250 = tpu.vector_load %arg14[%get3A_248, %get3A_249] {strides = array<i32>} : memref<128x16xf32, #tpu.memory_space<vmem>>, vector<1x16xf32>,
      %get3A_251 = vector.shape_cast %get3A_250 : vector<1x16xf32> to vector<16xf32>
      %get3A_252 = arith.index_cast %scan3A_247 : i32 to index
      %get3A_253 = arith.constant 0 : index
      %get3A_254 = tpu.vector_load %arg10[%get3A_252, %get3A_253] {strides = array<i32>} : memref<128x64xf32, #tpu.memory_space<vmem>>, vector<1x16xf32>,
      %get3A_255 = vector.shape_cast %get3A_254 : vector<1x16xf32> to vector<16xf32>
      %mul3A_256 = arith.mulf %get3A_255, %get3A_144 : vector<16xf32>
      %swap3A = arith.index_cast %scan3A_247 : i32 to index
      %swap3A_257 = arith.constant 0 : index
      %swap3A_258 = tpu.vector_load %arg11[%swap3A, %swap3A_257] {strides = array<i32>} : memref<128x64xf32, #tpu.memory_space<vmem>>, vector<1x16xf32>,
      %swap3A_259 = vector.shape_cast %swap3A_258 : vector<1x16xf32> to vector<16xf32>
      %swap3A_260 = vector.shape_cast %mul3A_256 : vector<16xf32> to vector<1x16xf32>
      tpu.vector_store %arg11[%swap3A, %swap3A_257], %swap3A_260 {strides = array<i32>} : memref<128x64xf32, #tpu.memory_space<vmem>>, vector<1x16xf32>,
      %mul3A_261 = arith.mulf %get3A_255, %get3A_251 : vector<16xf32>
      %swap3A_262 = arith.index_cast %scan3A_247 : i32 to index
      %swap3A_263 = arith.constant 0 : index
      %swap3A_264 = tpu.vector_load %arg12[%swap3A_262, %swap3A_263] {strides = array<i32>} : memref<128x64xf32, #tpu.memory_space<vmem>>, vector<1x16xf32>,
      %swap3A_265 = vector.shape_cast %swap3A_264 : vector<1x16xf32> to vector<16xf32>
      %swap3A_266 = vector.shape_cast %mul3A_261 : vector<16xf32> to vector<1x16xf32>
      tpu.vector_store %arg12[%swap3A_262, %swap3A_263], %swap3A_266 {strides = array<i32>} : memref<128x64xf32, #tpu.memory_space<vmem>>, vector<1x16xf32>,
      %get3A_267 = arith.index_cast %scan3A_247 : i32 to index
      %get3A_268 = arith.constant 16 : index
      %get3A_269 = tpu.vector_load %arg10[%get3A_267, %get3A_268] {strides = array<i32>} : memref<128x64xf32, #tpu.memory_space<vmem>>, vector<1x16xf32>,
      %get3A_270 = vector.shape_cast %get3A_269 : vector<1x16xf32> to vector<16xf32>
      %mul3A_271 = arith.mulf %get3A_270, %get3A_144 : vector<16xf32>
      %swap3A_272 = arith.index_cast %scan3A_247 : i32 to index
      %swap3A_273 = arith.constant 16 : index
      %swap3A_274 = tpu.vector_load %arg11[%swap3A_272, %swap3A_273] {strides = array<i32>} : memref<128x64xf32, #tpu.memory_space<vmem>>, vector<1x16xf32>,
      %swap3A_275 = vector.shape_cast %swap3A_274 : vector<1x16xf32> to vector<16xf32>
      %swap3A_276 = vector.shape_cast %mul3A_271 : vector<16xf32> to vector<1x16xf32>
      tpu.vector_store %arg11[%swap3A_272, %swap3A_273], %swap3A_276 {strides = array<i32>} : memref<128x64xf32, #tpu.memory_space<vmem>>, vector<1x16xf32>,
      %mul3A_277 = arith.mulf %get3A_270, %get3A_251 : vector<16xf32>
      %swap3A_278 = arith.index_cast %scan3A_247 : i32 to index
      %swap3A_279 = arith.constant 16 : index
      %swap3A_280 = tpu.vector_load %arg12[%swap3A_278, %swap3A_279] {strides = array<i32>} : memref<128x64xf32, #tpu.memory_space<vmem>>, vector<1x16xf32>,
      %swap3A_281 = vector.shape_cast %swap3A_280 : vector<1x16xf32> to vector<16xf32>
      %swap3A_282 = vector.shape_cast %mul3A_277 : vector<16xf32> to vector<1x16xf32>
      tpu.vector_store %arg12[%swap3A_278, %swap3A_279], %swap3A_282 {strides = array<i32>} : memref<128x64xf32, #tpu.memory_space<vmem>>, vector<1x16xf32>,
      %get3A_283 = arith.index_cast %scan3A_247 : i32 to index
      %get3A_284 = arith.constant 32 : index
      %get3A_285 = tpu.vector_load %arg10[%get3A_283, %get3A_284] {strides = array<i32>} : memref<128x64xf32, #tpu.memory_space<vmem>>, vector<1x16xf32>,
      %get3A_286 = vector.shape_cast %get3A_285 : vector<1x16xf32> to vector<16xf32>
      %mul3A_287 = arith.mulf %get3A_286, %get3A_144 : vector<16xf32>
      %swap3A_288 = arith.index_cast %scan3A_247 : i32 to index
      %swap3A_289 = arith.constant 32 : index
      %swap3A_290 = tpu.vector_load %arg11[%swap3A_288, %swap3A_289] {strides = array<i32>} : memref<128x64xf32, #tpu.memory_space<vmem>>, vector<1x16xf32>,
      %swap3A_291 = vector.shape_cast %swap3A_290 : vector<1x16xf32> to vector<16xf32>
      %swap3A_292 = vector.shape_cast %mul3A_287 : vector<16xf32> to vector<1x16xf32>
      tpu.vector_store %arg11[%swap3A_288, %swap3A_289], %swap3A_292 {strides = array<i32>} : memref<128x64xf32, #tpu.memory_space<vmem>>, vector<1x16xf32>,
      %mul3A_293 = arith.mulf %get3A_286, %get3A_251 : vector<16xf32>
      %swap3A_294 = arith.index_cast %scan3A_247 : i32 to index
      %swap3A_295 = arith.constant 32 : index
      %swap3A_296 = tpu.vector_load %arg12[%swap3A_294, %swap3A_295] {strides = array<i32>} : memref<128x64xf32, #tpu.memory_space<vmem>>, vector<1x16xf32>,
      %swap3A_297 = vector.shape_cast %swap3A_296 : vector<1x16xf32> to vector<16xf32>
      %swap3A_298 = vector.shape_cast %mul3A_293 : vector<16xf32> to vector<1x16xf32>
      tpu.vector_store %arg12[%swap3A_294, %swap3A_295], %swap3A_298 {strides = array<i32>} : memref<128x64xf32, #tpu.memory_space<vmem>>, vector<1x16xf32>,
      %get3A_299 = arith.index_cast %scan3A_247 : i32 to index
      %get3A_300 = arith.constant 48 : index
      %get3A_301 = tpu.vector_load %arg10[%get3A_299, %get3A_300] {strides = array<i32>} : memref<128x64xf32, #tpu.memory_space<vmem>>, vector<1x16xf32>,
      %get3A_302 = vector.shape_cast %get3A_301 : vector<1x16xf32> to vector<16xf32>
      %mul3A_303 = arith.mulf %get3A_302, %get3A_144 : vector<16xf32>
      %swap3A_304 = arith.index_cast %scan3A_247 : i32 to index
      %swap3A_305 = arith.constant 48 : index
      %swap3A_306 = tpu.vector_load %arg11[%swap3A_304, %swap3A_305] {strides = array<i32>} : memref<128x64xf32, #tpu.memory_space<vmem>>, vector<1x16xf32>,
      %swap3A_307 = vector.shape_cast %swap3A_306 : vector<1x16xf32> to vector<16xf32>
      %swap3A_308 = vector.shape_cast %mul3A_303 : vector<16xf32> to vector<1x16xf32>
      tpu.vector_store %arg11[%swap3A_304, %swap3A_305], %swap3A_308 {strides = array<i32>} : memref<128x64xf32, #tpu.memory_space<vmem>>, vector<1x16xf32>,
      %mul3A_309 = arith.mulf %get3A_302, %get3A_251 : vector<16xf32>
      %swap3A_310 = arith.index_cast %scan3A_247 : i32 to index
      %swap3A_311 = arith.constant 48 : index
      %swap3A_312 = tpu.vector_load %arg12[%swap3A_310, %swap3A_311] {strides = array<i32>} : memref<128x64xf32, #tpu.memory_space<vmem>>, vector<1x16xf32>,
      %swap3A_313 = vector.shape_cast %swap3A_312 : vector<1x16xf32> to vector<16xf32>
      %swap3A_314 = vector.shape_cast %mul3A_309 : vector<16xf32> to vector<1x16xf32>
      tpu.vector_store %arg12[%swap3A_310, %swap3A_311], %swap3A_314 {strides = array<i32>} : memref<128x64xf32, #tpu.memory_space<vmem>>, vector<1x16xf32>,
    }
    %scan3A_173 = arith.constant 128 : i32
    %add3A_174 = arith.constant 128 : i32
    %add3A_175 = arith.addi %mul3A_0, %add3A_174 : i32
    "tpu.region"() ({
      %run_scoped3A = tpu.sem_alloc : memref<!tpu.dma_semaphore, #tpu.memory_space<semaphore_mem>>
      %dma_start3A_247 = arith.constant 0 : i32
      %dma_start3A_248 = tpu.memref_slice %arg6[%arg0, %add3A_175, %dma_start3A_247] : memref<2x10240x64xf32, #tpu.memory_space<hbm>> -> memref<1x128x64xf32, #tpu.memory_space<hbm>>
      %dma_start3A_249 = tpu.memref_squeeze %dma_start3A_248 : memref<1x128x64xf32, #tpu.memory_space<hbm>> -> memref<128x64xf32, #tpu.memory_space<hbm>>
      %dma_start3A_250 = arith.constant 0 : i32
      %dma_start3A_251 = tpu.memref_slice %arg6[%arg0, %add3A_175, %dma_start3A_250] : memref<2x10240x64xf32, #tpu.memory_space<hbm>> -> memref<1x128x64xf32, #tpu.memory_space<hbm>>
      %dma_start3A_252 = tpu.memref_squeeze %dma_start3A_251 : memref<1x128x64xf32, #tpu.memory_space<hbm>> -> memref<128x64xf32, #tpu.memory_space<hbm>>
      tpu.enqueue_dma source(%arg11 : memref<128x64xf32, #tpu.memory_space<vmem>>) target(%dma_start3A_252 : memref<128x64xf32, #tpu.memory_space<hbm>>) target_semaphore(%run_scoped3A : memref<!tpu.dma_semaphore, #tpu.memory_space<semaphore_mem>>)
      %dma_wait3A_253 = arith.constant 0 : i32
      %dma_wait3A_254 = tpu.memref_slice %arg6[%arg0, %add3A_175, %dma_wait3A_253] : memref<2x10240x64xf32, #tpu.memory_space<hbm>> -> memref<1x128x64xf32, #tpu.memory_space<hbm>>
      %dma_wait3A_255 = tpu.memref_squeeze %dma_wait3A_254 : memref<1x128x64xf32, #tpu.memory_space<hbm>> -> memref<128x64xf32, #tpu.memory_space<hbm>>
      %dma_wait3A_256 = arith.constant 0 : i32
      %dma_wait3A_257 = tpu.memref_slice %arg6[%arg0, %add3A_175, %dma_wait3A_256] : memref<2x10240x64xf32, #tpu.memory_space<hbm>> -> memref<1x128x64xf32, #tpu.memory_space<hbm>>
      %dma_wait3A_258 = tpu.memref_squeeze %dma_wait3A_257 : memref<1x128x64xf32, #tpu.memory_space<hbm>> -> memref<128x64xf32, #tpu.memory_space<hbm>>
      tpu.wait_dma2 semaphore(%run_scoped3A : memref<!tpu.dma_semaphore, #tpu.memory_space<semaphore_mem>>) src(%arg11 : memref<128x64xf32, #tpu.memory_space<vmem>>) dst(%dma_wait3A_258 : memref<128x64xf32, #tpu.memory_space<hbm>>)
      tpu.yield
    }) : () -> ()
    %mul3A_176 = arith.constant 10240 : i32
    %mul3A_177 = arith.muli %arg0, %mul3A_176 : i32
    %add3A_178 = arith.addi %mul3A_177, %mul3A_0 : i32
    %add3A_179 = arith.constant 128 : i32
    %add3A_180 = arith.addi %add3A_178, %add3A_179 : i32
    "tpu.region"() ({
      %run_scoped3A = tpu.sem_alloc : memref<!tpu.dma_semaphore, #tpu.memory_space<semaphore_mem>>
      %dma_start3A_247 = arith.constant 0 : i32
      %dma_start3A_248 = tpu.memref_slice %arg7[%add3A_180, %dma_start3A_247] : memref<20480x64xf32, #tpu.memory_space<hbm>> -> memref<128x64xf32, #tpu.memory_space<hbm>>
      %dma_start3A_249 = arith.constant 0 : i32
      %dma_start3A_250 = tpu.memref_slice %arg7[%add3A_180, %dma_start3A_249] : memref<20480x64xf32, #tpu.memory_space<hbm>> -> memref<128x64xf32, #tpu.memory_space<hbm>>
      tpu.enqueue_dma source(%arg12 : memref<128x64xf32, #tpu.memory_space<vmem>>) target(%dma_start3A_250 : memref<128x64xf32, #tpu.memory_space<hbm>>) target_semaphore(%run_scoped3A : memref<!tpu.dma_semaphore, #tpu.memory_space<semaphore_mem>>)
      %dma_wait3A_251 = arith.constant 0 : i32
      %dma_wait3A_252 = tpu.memref_slice %arg7[%add3A_180, %dma_wait3A_251] : memref<20480x64xf32, #tpu.memory_space<hbm>> -> memref<128x64xf32, #tpu.memory_space<hbm>>
      %dma_wait3A_253 = arith.constant 0 : i32
      %dma_wait3A_254 = tpu.memref_slice %arg7[%add3A_180, %dma_wait3A_253] : memref<20480x64xf32, #tpu.memory_space<hbm>> -> memref<128x64xf32, #tpu.memory_space<hbm>>
      tpu.wait_dma2 semaphore(%run_scoped3A : memref<!tpu.dma_semaphore, #tpu.memory_space<semaphore_mem>>) src(%arg12 : memref<128x64xf32, #tpu.memory_space<vmem>>) dst(%dma_wait3A_254 : memref<128x64xf32, #tpu.memory_space<hbm>>)
      tpu.yield
    }) : () -> ()
    %add3A_181 = arith.constant 128 : i32
    %add3A_182 = arith.addi %mul3A_0, %add3A_181 : i32
    "tpu.region"() ({
      %run_scoped3A = tpu.sem_alloc : memref<!tpu.dma_semaphore, #tpu.memory_space<semaphore_mem>>
      %dma_start3A_247 = arith.constant 0 : i32
      %dma_start3A_248 = tpu.memref_slice %arg16[%add3A_182, %dma_start3A_247] : memref<10256x64xf32, #tpu.memory_space<vmem_shared>> -> memref<128x64xf32, #tpu.memory_space<vmem_shared>>
      %dma_start3A_249 = arith.constant 0 : i32
      %dma_start3A_250 = tpu.memref_slice %arg16[%add3A_182, %dma_start3A_249] : memref<10256x64xf32, #tpu.memory_space<vmem_shared>> -> memref<128x64xf32, #tpu.memory_space<vmem_shared>>
      tpu.enqueue_dma source(%arg12 : memref<128x64xf32, #tpu.memory_space<vmem>>) target(%dma_start3A_250 : memref<128x64xf32, #tpu.memory_space<vmem_shared>>) target_semaphore(%run_scoped3A : memref<!tpu.dma_semaphore, #tpu.memory_space<semaphore_mem>>)
      %dma_wait3A_251 = arith.constant 0 : i32
      %dma_wait3A_252 = tpu.memref_slice %arg16[%add3A_182, %dma_wait3A_251] : memref<10256x64xf32, #tpu.memory_space<vmem_shared>> -> memref<128x64xf32, #tpu.memory_space<vmem_shared>>
      %dma_wait3A_253 = arith.constant 0 : i32
      %dma_wait3A_254 = tpu.memref_slice %arg16[%add3A_182, %dma_wait3A_253] : memref<10256x64xf32, #tpu.memory_space<vmem_shared>> -> memref<128x64xf32, #tpu.memory_space<vmem_shared>>
      tpu.wait_dma2 semaphore(%run_scoped3A : memref<!tpu.dma_semaphore, #tpu.memory_space<semaphore_mem>>) src(%arg12 : memref<128x64xf32, #tpu.memory_space<vmem>>) dst(%dma_wait3A_254 : memref<128x64xf32, #tpu.memory_space<vmem_shared>>)
      tpu.yield
    }) : () -> ()
    %add3A_183 = arith.constant 256 : i32
    %add3A_184 = arith.addi %mul3A_0, %add3A_183 : i32
    "tpu.region"() ({
      %run_scoped3A = tpu.sem_alloc : memref<!tpu.dma_semaphore, #tpu.memory_space<semaphore_mem>>
      %dma_start3A_247 = arith.constant 0 : i32
      %dma_start3A_248 = tpu.memref_slice %arg2[%arg0, %add3A_184, %dma_start3A_247] : memref<2x10240x64xf32, #tpu.memory_space<hbm>> -> memref<1x128x64xf32, #tpu.memory_space<hbm>>
      %dma_start3A_249 = tpu.memref_squeeze %dma_start3A_248 : memref<1x128x64xf32, #tpu.memory_space<hbm>> -> memref<128x64xf32, #tpu.memory_space<hbm>>
      %dma_start3A_250 = arith.constant 0 : i32
      %dma_start3A_251 = tpu.memref_slice %arg2[%arg0, %add3A_184, %dma_start3A_250] : memref<2x10240x64xf32, #tpu.memory_space<hbm>> -> memref<1x128x64xf32, #tpu.memory_space<hbm>>
      %dma_start3A_252 = tpu.memref_squeeze %dma_start3A_251 : memref<1x128x64xf32, #tpu.memory_space<hbm>> -> memref<128x64xf32, #tpu.memory_space<hbm>>
      tpu.enqueue_dma source(%dma_start3A_252 : memref<128x64xf32, #tpu.memory_space<hbm>>) target(%arg10 : memref<128x64xf32, #tpu.memory_space<vmem>>) target_semaphore(%run_scoped3A : memref<!tpu.dma_semaphore, #tpu.memory_space<semaphore_mem>>)
      %dma_wait3A_253 = arith.constant 0 : i32
      %dma_wait3A_254 = tpu.memref_slice %arg2[%arg0, %add3A_184, %dma_wait3A_253] : memref<2x10240x64xf32, #tpu.memory_space<hbm>> -> memref<1x128x64xf32, #tpu.memory_space<hbm>>
      %dma_wait3A_255 = tpu.memref_squeeze %dma_wait3A_254 : memref<1x128x64xf32, #tpu.memory_space<hbm>> -> memref<128x64xf32, #tpu.memory_space<hbm>>
      %dma_wait3A_256 = arith.constant 0 : i32
      %dma_wait3A_257 = tpu.memref_slice %arg2[%arg0, %add3A_184, %dma_wait3A_256] : memref<2x10240x64xf32, #tpu.memory_space<hbm>> -> memref<1x128x64xf32, #tpu.memory_space<hbm>>
      %dma_wait3A_258 = tpu.memref_squeeze %dma_wait3A_257 : memref<1x128x64xf32, #tpu.memory_space<hbm>> -> memref<128x64xf32, #tpu.memory_space<hbm>>
      tpu.wait_dma2 semaphore(%run_scoped3A : memref<!tpu.dma_semaphore, #tpu.memory_space<semaphore_mem>>) src(%dma_wait3A_258 : memref<128x64xf32, #tpu.memory_space<hbm>>) dst(%arg10 : memref<128x64xf32, #tpu.memory_space<vmem>>)
      tpu.yield
    }) : () -> ()
    %add3A_185 = arith.constant 256 : i32
    %add3A_186 = arith.addi %mul3A_0, %add3A_185 : i32
    "tpu.region"() ({
      %run_scoped3A = tpu.sem_alloc : memref<!tpu.dma_semaphore, #tpu.memory_space<semaphore_mem>>
      %dma_start3A_247 = arith.constant 0 : i32
      %dma_start3A_248 = tpu.memref_slice %arg17[%add3A_186, %dma_start3A_247] : memref<10256x16xf32, #tpu.memory_space<vmem_shared>> -> memref<128x16xf32, #tpu.memory_space<vmem_shared>>
      %dma_start3A_249 = arith.constant 0 : i32
      %dma_start3A_250 = tpu.memref_slice %arg17[%add3A_186, %dma_start3A_249] : memref<10256x16xf32, #tpu.memory_space<vmem_shared>> -> memref<128x16xf32, #tpu.memory_space<vmem_shared>>
      tpu.enqueue_dma source(%dma_start3A_250 : memref<128x16xf32, #tpu.memory_space<vmem_shared>>) target(%arg14 : memref<128x16xf32, #tpu.memory_space<vmem>>) target_semaphore(%run_scoped3A : memref<!tpu.dma_semaphore, #tpu.memory_space<semaphore_mem>>)
      %dma_wait3A_251 = arith.constant 0 : i32
      %dma_wait3A_252 = tpu.memref_slice %arg17[%add3A_186, %dma_wait3A_251] : memref<10256x16xf32, #tpu.memory_space<vmem_shared>> -> memref<128x16xf32, #tpu.memory_space<vmem_shared>>
      %dma_wait3A_253 = arith.constant 0 : i32
      %dma_wait3A_254 = tpu.memref_slice %arg17[%add3A_186, %dma_wait3A_253] : memref<10256x16xf32, #tpu.memory_space<vmem_shared>> -> memref<128x16xf32, #tpu.memory_space<vmem_shared>>
      tpu.wait_dma2 semaphore(%run_scoped3A : memref<!tpu.dma_semaphore, #tpu.memory_space<semaphore_mem>>) src(%dma_wait3A_254 : memref<128x16xf32, #tpu.memory_space<vmem_shared>>) dst(%arg14 : memref<128x16xf32, #tpu.memory_space<vmem>>)
      tpu.yield
    }) : () -> ()
    %scan3A_187 = arith.constant 0 : i32
    %scan3A_188 = arith.constant 0 : i32
    %scan3A_189 = arith.constant 128 : i32
    %scan3A_190 = arith.addi %scan3A_188, %scan3A_189 : i32
    %scan3A_191 = arith.constant 1 : i32
    scf.for %scan3A_247 = %scan3A_188 to %scan3A_190 step %scan3A_191  : i32 {
      %get3A_248 = arith.index_cast %scan3A_247 : i32 to index
      %get3A_249 = arith.constant 0 : index
      %get3A_250 = tpu.vector_load %arg14[%get3A_248, %get3A_249] {strides = array<i32>} : memref<128x16xf32, #tpu.memory_space<vmem>>, vector<1x16xf32>,
      %get3A_251 = vector.shape_cast %get3A_250 : vector<1x16xf32> to vector<16xf32>
      %get3A_252 = arith.index_cast %scan3A_247 : i32 to index
      %get3A_253 = arith.constant 0 : index
      %get3A_254 = tpu.vector_load %arg10[%get3A_252, %get3A_253] {strides = array<i32>} : memref<128x64xf32, #tpu.memory_space<vmem>>, vector<1x16xf32>,
      %get3A_255 = vector.shape_cast %get3A_254 : vector<1x16xf32> to vector<16xf32>
      %mul3A_256 = arith.mulf %get3A_255, %get3A_144 : vector<16xf32>
      %swap3A = arith.index_cast %scan3A_247 : i32 to index
      %swap3A_257 = arith.constant 0 : index
      %swap3A_258 = tpu.vector_load %arg11[%swap3A, %swap3A_257] {strides = array<i32>} : memref<128x64xf32, #tpu.memory_space<vmem>>, vector<1x16xf32>,
      %swap3A_259 = vector.shape_cast %swap3A_258 : vector<1x16xf32> to vector<16xf32>
      %swap3A_260 = vector.shape_cast %mul3A_256 : vector<16xf32> to vector<1x16xf32>
      tpu.vector_store %arg11[%swap3A, %swap3A_257], %swap3A_260 {strides = array<i32>} : memref<128x64xf32, #tpu.memory_space<vmem>>, vector<1x16xf32>,
      %mul3A_261 = arith.mulf %get3A_255, %get3A_251 : vector<16xf32>
      %swap3A_262 = arith.index_cast %scan3A_247 : i32 to index
      %swap3A_263 = arith.constant 0 : index
      %swap3A_264 = tpu.vector_load %arg12[%swap3A_262, %swap3A_263] {strides = array<i32>} : memref<128x64xf32, #tpu.memory_space<vmem>>, vector<1x16xf32>,
      %swap3A_265 = vector.shape_cast %swap3A_264 : vector<1x16xf32> to vector<16xf32>
      %swap3A_266 = vector.shape_cast %mul3A_261 : vector<16xf32> to vector<1x16xf32>
      tpu.vector_store %arg12[%swap3A_262, %swap3A_263], %swap3A_266 {strides = array<i32>} : memref<128x64xf32, #tpu.memory_space<vmem>>, vector<1x16xf32>,
      %get3A_267 = arith.index_cast %scan3A_247 : i32 to index
      %get3A_268 = arith.constant 16 : index
      %get3A_269 = tpu.vector_load %arg10[%get3A_267, %get3A_268] {strides = array<i32>} : memref<128x64xf32, #tpu.memory_space<vmem>>, vector<1x16xf32>,
      %get3A_270 = vector.shape_cast %get3A_269 : vector<1x16xf32> to vector<16xf32>
      %mul3A_271 = arith.mulf %get3A_270, %get3A_144 : vector<16xf32>
      %swap3A_272 = arith.index_cast %scan3A_247 : i32 to index
      %swap3A_273 = arith.constant 16 : index
      %swap3A_274 = tpu.vector_load %arg11[%swap3A_272, %swap3A_273] {strides = array<i32>} : memref<128x64xf32, #tpu.memory_space<vmem>>, vector<1x16xf32>,
      %swap3A_275 = vector.shape_cast %swap3A_274 : vector<1x16xf32> to vector<16xf32>
      %swap3A_276 = vector.shape_cast %mul3A_271 : vector<16xf32> to vector<1x16xf32>
      tpu.vector_store %arg11[%swap3A_272, %swap3A_273], %swap3A_276 {strides = array<i32>} : memref<128x64xf32, #tpu.memory_space<vmem>>, vector<1x16xf32>,
      %mul3A_277 = arith.mulf %get3A_270, %get3A_251 : vector<16xf32>
      %swap3A_278 = arith.index_cast %scan3A_247 : i32 to index
      %swap3A_279 = arith.constant 16 : index
      %swap3A_280 = tpu.vector_load %arg12[%swap3A_278, %swap3A_279] {strides = array<i32>} : memref<128x64xf32, #tpu.memory_space<vmem>>, vector<1x16xf32>,
      %swap3A_281 = vector.shape_cast %swap3A_280 : vector<1x16xf32> to vector<16xf32>
      %swap3A_282 = vector.shape_cast %mul3A_277 : vector<16xf32> to vector<1x16xf32>
      tpu.vector_store %arg12[%swap3A_278, %swap3A_279], %swap3A_282 {strides = array<i32>} : memref<128x64xf32, #tpu.memory_space<vmem>>, vector<1x16xf32>,
      %get3A_283 = arith.index_cast %scan3A_247 : i32 to index
      %get3A_284 = arith.constant 32 : index
      %get3A_285 = tpu.vector_load %arg10[%get3A_283, %get3A_284] {strides = array<i32>} : memref<128x64xf32, #tpu.memory_space<vmem>>, vector<1x16xf32>,
      %get3A_286 = vector.shape_cast %get3A_285 : vector<1x16xf32> to vector<16xf32>
      %mul3A_287 = arith.mulf %get3A_286, %get3A_144 : vector<16xf32>
      %swap3A_288 = arith.index_cast %scan3A_247 : i32 to index
      %swap3A_289 = arith.constant 32 : index
      %swap3A_290 = tpu.vector_load %arg11[%swap3A_288, %swap3A_289] {strides = array<i32>} : memref<128x64xf32, #tpu.memory_space<vmem>>, vector<1x16xf32>,
      %swap3A_291 = vector.shape_cast %swap3A_290 : vector<1x16xf32> to vector<16xf32>
      %swap3A_292 = vector.shape_cast %mul3A_287 : vector<16xf32> to vector<1x16xf32>
      tpu.vector_store %arg11[%swap3A_288, %swap3A_289], %swap3A_292 {strides = array<i32>} : memref<128x64xf32, #tpu.memory_space<vmem>>, vector<1x16xf32>,
      %mul3A_293 = arith.mulf %get3A_286, %get3A_251 : vector<16xf32>
      %swap3A_294 = arith.index_cast %scan3A_247 : i32 to index
      %swap3A_295 = arith.constant 32 : index
      %swap3A_296 = tpu.vector_load %arg12[%swap3A_294, %swap3A_295] {strides = array<i32>} : memref<128x64xf32, #tpu.memory_space<vmem>>, vector<1x16xf32>,
      %swap3A_297 = vector.shape_cast %swap3A_296 : vector<1x16xf32> to vector<16xf32>
      %swap3A_298 = vector.shape_cast %mul3A_293 : vector<16xf32> to vector<1x16xf32>
      tpu.vector_store %arg12[%swap3A_294, %swap3A_295], %swap3A_298 {strides = array<i32>} : memref<128x64xf32, #tpu.memory_space<vmem>>, vector<1x16xf32>,
      %get3A_299 = arith.index_cast %scan3A_247 : i32 to index
      %get3A_300 = arith.constant 48 : index
      %get3A_301 = tpu.vector_load %arg10[%get3A_299, %get3A_300] {strides = array<i32>} : memref<128x64xf32, #tpu.memory_space<vmem>>, vector<1x16xf32>,
      %get3A_302 = vector.shape_cast %get3A_301 : vector<1x16xf32> to vector<16xf32>
      %mul3A_303 = arith.mulf %get3A_302, %get3A_144 : vector<16xf32>
      %swap3A_304 = arith.index_cast %scan3A_247 : i32 to index
      %swap3A_305 = arith.constant 48 : index
      %swap3A_306 = tpu.vector_load %arg11[%swap3A_304, %swap3A_305] {strides = array<i32>} : memref<128x64xf32, #tpu.memory_space<vmem>>, vector<1x16xf32>,
      %swap3A_307 = vector.shape_cast %swap3A_306 : vector<1x16xf32> to vector<16xf32>
      %swap3A_308 = vector.shape_cast %mul3A_303 : vector<16xf32> to vector<1x16xf32>
      tpu.vector_store %arg11[%swap3A_304, %swap3A_305], %swap3A_308 {strides = array<i32>} : memref<128x64xf32, #tpu.memory_space<vmem>>, vector<1x16xf32>,
      %mul3A_309 = arith.mulf %get3A_302, %get3A_251 : vector<16xf32>
      %swap3A_310 = arith.index_cast %scan3A_247 : i32 to index
      %swap3A_311 = arith.constant 48 : index
      %swap3A_312 = tpu.vector_load %arg12[%swap3A_310, %swap3A_311] {strides = array<i32>} : memref<128x64xf32, #tpu.memory_space<vmem>>, vector<1x16xf32>,
      %swap3A_313 = vector.shape_cast %swap3A_312 : vector<1x16xf32> to vector<16xf32>
      %swap3A_314 = vector.shape_cast %mul3A_309 : vector<16xf32> to vector<1x16xf32>
      tpu.vector_store %arg12[%swap3A_310, %swap3A_311], %swap3A_314 {strides = array<i32>} : memref<128x64xf32, #tpu.memory_space<vmem>>, vector<1x16xf32>,
    }
    %scan3A_192 = arith.constant 128 : i32
    %add3A_193 = arith.constant 256 : i32
    %add3A_194 = arith.addi %mul3A_0, %add3A_193 : i32
    "tpu.region"() ({
      %run_scoped3A = tpu.sem_alloc : memref<!tpu.dma_semaphore, #tpu.memory_space<semaphore_mem>>
      %dma_start3A_247 = arith.constant 0 : i32
      %dma_start3A_248 = tpu.memref_slice %arg6[%arg0, %add3A_194, %dma_start3A_247] : memref<2x10240x64xf32, #tpu.memory_space<hbm>> -> memref<1x128x64xf32, #tpu.memory_space<hbm>>
      %dma_start3A_249 = tpu.memref_squeeze %dma_start3A_248 : memref<1x128x64xf32, #tpu.memory_space<hbm>> -> memref<128x64xf32, #tpu.memory_space<hbm>>
      %dma_start3A_250 = arith.constant 0 : i32
      %dma_start3A_251 = tpu.memref_slice %arg6[%arg0, %add3A_194, %dma_start3A_250] : memref<2x10240x64xf32, #tpu.memory_space<hbm>> -> memref<1x128x64xf32, #tpu.memory_space<hbm>>
      %dma_start3A_252 = tpu.memref_squeeze %dma_start3A_251 : memref<1x128x64xf32, #tpu.memory_space<hbm>> -> memref<128x64xf32, #tpu.memory_space<hbm>>
      tpu.enqueue_dma source(%arg11 : memref<128x64xf32, #tpu.memory_space<vmem>>) target(%dma_start3A_252 : memref<128x64xf32, #tpu.memory_space<hbm>>) target_semaphore(%run_scoped3A : memref<!tpu.dma_semaphore, #tpu.memory_space<semaphore_mem>>)
      %dma_wait3A_253 = arith.constant 0 : i32
      %dma_wait3A_254 = tpu.memref_slice %arg6[%arg0, %add3A_194, %dma_wait3A_253] : memref<2x10240x64xf32, #tpu.memory_space<hbm>> -> memref<1x128x64xf32, #tpu.memory_space<hbm>>
      %dma_wait3A_255 = tpu.memref_squeeze %dma_wait3A_254 : memref<1x128x64xf32, #tpu.memory_space<hbm>> -> memref<128x64xf32, #tpu.memory_space<hbm>>
      %dma_wait3A_256 = arith.constant 0 : i32
      %dma_wait3A_257 = tpu.memref_slice %arg6[%arg0, %add3A_194, %dma_wait3A_256] : memref<2x10240x64xf32, #tpu.memory_space<hbm>> -> memref<1x128x64xf32, #tpu.memory_space<hbm>>
      %dma_wait3A_258 = tpu.memref_squeeze %dma_wait3A_257 : memref<1x128x64xf32, #tpu.memory_space<hbm>> -> memref<128x64xf32, #tpu.memory_space<hbm>>
      tpu.wait_dma2 semaphore(%run_scoped3A : memref<!tpu.dma_semaphore, #tpu.memory_space<semaphore_mem>>) src(%arg11 : memref<128x64xf32, #tpu.memory_space<vmem>>) dst(%dma_wait3A_258 : memref<128x64xf32, #tpu.memory_space<hbm>>)
      tpu.yield
    }) : () -> ()
    %mul3A_195 = arith.constant 10240 : i32
    %mul3A_196 = arith.muli %arg0, %mul3A_195 : i32
    %add3A_197 = arith.addi %mul3A_196, %mul3A_0 : i32
    %add3A_198 = arith.constant 256 : i32
    %add3A_199 = arith.addi %add3A_197, %add3A_198 : i32
    "tpu.region"() ({
      %run_scoped3A = tpu.sem_alloc : memref<!tpu.dma_semaphore, #tpu.memory_space<semaphore_mem>>
      %dma_start3A_247 = arith.constant 0 : i32
      %dma_start3A_248 = tpu.memref_slice %arg7[%add3A_199, %dma_start3A_247] : memref<20480x64xf32, #tpu.memory_space<hbm>> -> memref<128x64xf32, #tpu.memory_space<hbm>>
      %dma_start3A_249 = arith.constant 0 : i32
      %dma_start3A_250 = tpu.memref_slice %arg7[%add3A_199, %dma_start3A_249] : memref<20480x64xf32, #tpu.memory_space<hbm>> -> memref<128x64xf32, #tpu.memory_space<hbm>>
      tpu.enqueue_dma source(%arg12 : memref<128x64xf32, #tpu.memory_space<vmem>>) target(%dma_start3A_250 : memref<128x64xf32, #tpu.memory_space<hbm>>) target_semaphore(%run_scoped3A : memref<!tpu.dma_semaphore, #tpu.memory_space<semaphore_mem>>)
      %dma_wait3A_251 = arith.constant 0 : i32
      %dma_wait3A_252 = tpu.memref_slice %arg7[%add3A_199, %dma_wait3A_251] : memref<20480x64xf32, #tpu.memory_space<hbm>> -> memref<128x64xf32, #tpu.memory_space<hbm>>
      %dma_wait3A_253 = arith.constant 0 : i32
      %dma_wait3A_254 = tpu.memref_slice %arg7[%add3A_199, %dma_wait3A_253] : memref<20480x64xf32, #tpu.memory_space<hbm>> -> memref<128x64xf32, #tpu.memory_space<hbm>>
      tpu.wait_dma2 semaphore(%run_scoped3A : memref<!tpu.dma_semaphore, #tpu.memory_space<semaphore_mem>>) src(%arg12 : memref<128x64xf32, #tpu.memory_space<vmem>>) dst(%dma_wait3A_254 : memref<128x64xf32, #tpu.memory_space<hbm>>)
      tpu.yield
    }) : () -> ()
    %add3A_200 = arith.constant 256 : i32
    %add3A_201 = arith.addi %mul3A_0, %add3A_200 : i32
    "tpu.region"() ({
      %run_scoped3A = tpu.sem_alloc : memref<!tpu.dma_semaphore, #tpu.memory_space<semaphore_mem>>
      %dma_start3A_247 = arith.constant 0 : i32
      %dma_start3A_248 = tpu.memref_slice %arg16[%add3A_201, %dma_start3A_247] : memref<10256x64xf32, #tpu.memory_space<vmem_shared>> -> memref<128x64xf32, #tpu.memory_space<vmem_shared>>
      %dma_start3A_249 = arith.constant 0 : i32
      %dma_start3A_250 = tpu.memref_slice %arg16[%add3A_201, %dma_start3A_249] : memref<10256x64xf32, #tpu.memory_space<vmem_shared>> -> memref<128x64xf32, #tpu.memory_space<vmem_shared>>
      tpu.enqueue_dma source(%arg12 : memref<128x64xf32, #tpu.memory_space<vmem>>) target(%dma_start3A_250 : memref<128x64xf32, #tpu.memory_space<vmem_shared>>) target_semaphore(%run_scoped3A : memref<!tpu.dma_semaphore, #tpu.memory_space<semaphore_mem>>)
      %dma_wait3A_251 = arith.constant 0 : i32
      %dma_wait3A_252 = tpu.memref_slice %arg16[%add3A_201, %dma_wait3A_251] : memref<10256x64xf32, #tpu.memory_space<vmem_shared>> -> memref<128x64xf32, #tpu.memory_space<vmem_shared>>
      %dma_wait3A_253 = arith.constant 0 : i32
      %dma_wait3A_254 = tpu.memref_slice %arg16[%add3A_201, %dma_wait3A_253] : memref<10256x64xf32, #tpu.memory_space<vmem_shared>> -> memref<128x64xf32, #tpu.memory_space<vmem_shared>>
      tpu.wait_dma2 semaphore(%run_scoped3A : memref<!tpu.dma_semaphore, #tpu.memory_space<semaphore_mem>>) src(%arg12 : memref<128x64xf32, #tpu.memory_space<vmem>>) dst(%dma_wait3A_254 : memref<128x64xf32, #tpu.memory_space<vmem_shared>>)
      tpu.yield
    }) : () -> ()
    %add3A_202 = arith.constant 384 : i32
    %add3A_203 = arith.addi %mul3A_0, %add3A_202 : i32
    "tpu.region"() ({
      %run_scoped3A = tpu.sem_alloc : memref<!tpu.dma_semaphore, #tpu.memory_space<semaphore_mem>>
      %dma_start3A_247 = arith.constant 0 : i32
      %dma_start3A_248 = tpu.memref_slice %arg2[%arg0, %add3A_203, %dma_start3A_247] : memref<2x10240x64xf32, #tpu.memory_space<hbm>> -> memref<1x128x64xf32, #tpu.memory_space<hbm>>
      %dma_start3A_249 = tpu.memref_squeeze %dma_start3A_248 : memref<1x128x64xf32, #tpu.memory_space<hbm>> -> memref<128x64xf32, #tpu.memory_space<hbm>>
      %dma_start3A_250 = arith.constant 0 : i32
      %dma_start3A_251 = tpu.memref_slice %arg2[%arg0, %add3A_203, %dma_start3A_250] : memref<2x10240x64xf32, #tpu.memory_space<hbm>> -> memref<1x128x64xf32, #tpu.memory_space<hbm>>
      %dma_start3A_252 = tpu.memref_squeeze %dma_start3A_251 : memref<1x128x64xf32, #tpu.memory_space<hbm>> -> memref<128x64xf32, #tpu.memory_space<hbm>>
      tpu.enqueue_dma source(%dma_start3A_252 : memref<128x64xf32, #tpu.memory_space<hbm>>) target(%arg10 : memref<128x64xf32, #tpu.memory_space<vmem>>) target_semaphore(%run_scoped3A : memref<!tpu.dma_semaphore, #tpu.memory_space<semaphore_mem>>)
      %dma_wait3A_253 = arith.constant 0 : i32
      %dma_wait3A_254 = tpu.memref_slice %arg2[%arg0, %add3A_203, %dma_wait3A_253] : memref<2x10240x64xf32, #tpu.memory_space<hbm>> -> memref<1x128x64xf32, #tpu.memory_space<hbm>>
      %dma_wait3A_255 = tpu.memref_squeeze %dma_wait3A_254 : memref<1x128x64xf32, #tpu.memory_space<hbm>> -> memref<128x64xf32, #tpu.memory_space<hbm>>
      %dma_wait3A_256 = arith.constant 0 : i32
      %dma_wait3A_257 = tpu.memref_slice %arg2[%arg0, %add3A_203, %dma_wait3A_256] : memref<2x10240x64xf32, #tpu.memory_space<hbm>> -> memref<1x128x64xf32, #tpu.memory_space<hbm>>
      %dma_wait3A_258 = tpu.memref_squeeze %dma_wait3A_257 : memref<1x128x64xf32, #tpu.memory_space<hbm>> -> memref<128x64xf32, #tpu.memory_space<hbm>>
      tpu.wait_dma2 semaphore(%run_scoped3A : memref<!tpu.dma_semaphore, #tpu.memory_space<semaphore_mem>>) src(%dma_wait3A_258 : memref<128x64xf32, #tpu.memory_space<hbm>>) dst(%arg10 : memref<128x64xf32, #tpu.memory_space<vmem>>)
      tpu.yield
    }) : () -> ()
    %add3A_204 = arith.constant 384 : i32
    %add3A_205 = arith.addi %mul3A_0, %add3A_204 : i32
    "tpu.region"() ({
      %run_scoped3A = tpu.sem_alloc : memref<!tpu.dma_semaphore, #tpu.memory_space<semaphore_mem>>
      %dma_start3A_247 = arith.constant 0 : i32
      %dma_start3A_248 = tpu.memref_slice %arg17[%add3A_205, %dma_start3A_247] : memref<10256x16xf32, #tpu.memory_space<vmem_shared>> -> memref<128x16xf32, #tpu.memory_space<vmem_shared>>
      %dma_start3A_249 = arith.constant 0 : i32
      %dma_start3A_250 = tpu.memref_slice %arg17[%add3A_205, %dma_start3A_249] : memref<10256x16xf32, #tpu.memory_space<vmem_shared>> -> memref<128x16xf32, #tpu.memory_space<vmem_shared>>
      tpu.enqueue_dma source(%dma_start3A_250 : memref<128x16xf32, #tpu.memory_space<vmem_shared>>) target(%arg14 : memref<128x16xf32, #tpu.memory_space<vmem>>) target_semaphore(%run_scoped3A : memref<!tpu.dma_semaphore, #tpu.memory_space<semaphore_mem>>)
      %dma_wait3A_251 = arith.constant 0 : i32
      %dma_wait3A_252 = tpu.memref_slice %arg17[%add3A_205, %dma_wait3A_251] : memref<10256x16xf32, #tpu.memory_space<vmem_shared>> -> memref<128x16xf32, #tpu.memory_space<vmem_shared>>
      %dma_wait3A_253 = arith.constant 0 : i32
      %dma_wait3A_254 = tpu.memref_slice %arg17[%add3A_205, %dma_wait3A_253] : memref<10256x16xf32, #tpu.memory_space<vmem_shared>> -> memref<128x16xf32, #tpu.memory_space<vmem_shared>>
      tpu.wait_dma2 semaphore(%run_scoped3A : memref<!tpu.dma_semaphore, #tpu.memory_space<semaphore_mem>>) src(%dma_wait3A_254 : memref<128x16xf32, #tpu.memory_space<vmem_shared>>) dst(%arg14 : memref<128x16xf32, #tpu.memory_space<vmem>>)
      tpu.yield
    }) : () -> ()
    %scan3A_206 = arith.constant 0 : i32
    %scan3A_207 = arith.constant 0 : i32
    %scan3A_208 = arith.constant 128 : i32
    %scan3A_209 = arith.addi %scan3A_207, %scan3A_208 : i32
    %scan3A_210 = arith.constant 1 : i32
    scf.for %scan3A_247 = %scan3A_207 to %scan3A_209 step %scan3A_210  : i32 {
      %get3A_248 = arith.index_cast %scan3A_247 : i32 to index
      %get3A_249 = arith.constant 0 : index
      %get3A_250 = tpu.vector_load %arg14[%get3A_248, %get3A_249] {strides = array<i32>} : memref<128x16xf32, #tpu.memory_space<vmem>>, vector<1x16xf32>,
      %get3A_251 = vector.shape_cast %get3A_250 : vector<1x16xf32> to vector<16xf32>
      %get3A_252 = arith.index_cast %scan3A_247 : i32 to index
      %get3A_253 = arith.constant 0 : index
      %get3A_254 = tpu.vector_load %arg10[%get3A_252, %get3A_253] {strides = array<i32>} : memref<128x64xf32, #tpu.memory_space<vmem>>, vector<1x16xf32>,
      %get3A_255 = vector.shape_cast %get3A_254 : vector<1x16xf32> to vector<16xf32>
      %mul3A_256 = arith.mulf %get3A_255, %get3A_144 : vector<16xf32>
      %swap3A = arith.index_cast %scan3A_247 : i32 to index
      %swap3A_257 = arith.constant 0 : index
      %swap3A_258 = tpu.vector_load %arg11[%swap3A, %swap3A_257] {strides = array<i32>} : memref<128x64xf32, #tpu.memory_space<vmem>>, vector<1x16xf32>,
      %swap3A_259 = vector.shape_cast %swap3A_258 : vector<1x16xf32> to vector<16xf32>
      %swap3A_260 = vector.shape_cast %mul3A_256 : vector<16xf32> to vector<1x16xf32>
      tpu.vector_store %arg11[%swap3A, %swap3A_257], %swap3A_260 {strides = array<i32>} : memref<128x64xf32, #tpu.memory_space<vmem>>, vector<1x16xf32>,
      %mul3A_261 = arith.mulf %get3A_255, %get3A_251 : vector<16xf32>
      %swap3A_262 = arith.index_cast %scan3A_247 : i32 to index
      %swap3A_263 = arith.constant 0 : index
      %swap3A_264 = tpu.vector_load %arg12[%swap3A_262, %swap3A_263] {strides = array<i32>} : memref<128x64xf32, #tpu.memory_space<vmem>>, vector<1x16xf32>,
      %swap3A_265 = vector.shape_cast %swap3A_264 : vector<1x16xf32> to vector<16xf32>
      %swap3A_266 = vector.shape_cast %mul3A_261 : vector<16xf32> to vector<1x16xf32>
      tpu.vector_store %arg12[%swap3A_262, %swap3A_263], %swap3A_266 {strides = array<i32>} : memref<128x64xf32, #tpu.memory_space<vmem>>, vector<1x16xf32>,
      %get3A_267 = arith.index_cast %scan3A_247 : i32 to index
      %get3A_268 = arith.constant 16 : index
      %get3A_269 = tpu.vector_load %arg10[%get3A_267, %get3A_268] {strides = array<i32>} : memref<128x64xf32, #tpu.memory_space<vmem>>, vector<1x16xf32>,
      %get3A_270 = vector.shape_cast %get3A_269 : vector<1x16xf32> to vector<16xf32>
      %mul3A_271 = arith.mulf %get3A_270, %get3A_144 : vector<16xf32>
      %swap3A_272 = arith.index_cast %scan3A_247 : i32 to index
      %swap3A_273 = arith.constant 16 : index
      %swap3A_274 = tpu.vector_load %arg11[%swap3A_272, %swap3A_273] {strides = array<i32>} : memref<128x64xf32, #tpu.memory_space<vmem>>, vector<1x16xf32>,
      %swap3A_275 = vector.shape_cast %swap3A_274 : vector<1x16xf32> to vector<16xf32>
      %swap3A_276 = vector.shape_cast %mul3A_271 : vector<16xf32> to vector<1x16xf32>
      tpu.vector_store %arg11[%swap3A_272, %swap3A_273], %swap3A_276 {strides = array<i32>} : memref<128x64xf32, #tpu.memory_space<vmem>>, vector<1x16xf32>,
      %mul3A_277 = arith.mulf %get3A_270, %get3A_251 : vector<16xf32>
      %swap3A_278 = arith.index_cast %scan3A_247 : i32 to index
      %swap3A_279 = arith.constant 16 : index
      %swap3A_280 = tpu.vector_load %arg12[%swap3A_278, %swap3A_279] {strides = array<i32>} : memref<128x64xf32, #tpu.memory_space<vmem>>, vector<1x16xf32>,
      %swap3A_281 = vector.shape_cast %swap3A_280 : vector<1x16xf32> to vector<16xf32>
      %swap3A_282 = vector.shape_cast %mul3A_277 : vector<16xf32> to vector<1x16xf32>
      tpu.vector_store %arg12[%swap3A_278, %swap3A_279], %swap3A_282 {strides = array<i32>} : memref<128x64xf32, #tpu.memory_space<vmem>>, vector<1x16xf32>,
      %get3A_283 = arith.index_cast %scan3A_247 : i32 to index
      %get3A_284 = arith.constant 32 : index
      %get3A_285 = tpu.vector_load %arg10[%get3A_283, %get3A_284] {strides = array<i32>} : memref<128x64xf32, #tpu.memory_space<vmem>>, vector<1x16xf32>,
      %get3A_286 = vector.shape_cast %get3A_285 : vector<1x16xf32> to vector<16xf32>
      %mul3A_287 = arith.mulf %get3A_286, %get3A_144 : vector<16xf32>
      %swap3A_288 = arith.index_cast %scan3A_247 : i32 to index
      %swap3A_289 = arith.constant 32 : index
      %swap3A_290 = tpu.vector_load %arg11[%swap3A_288, %swap3A_289] {strides = array<i32>} : memref<128x64xf32, #tpu.memory_space<vmem>>, vector<1x16xf32>,
      %swap3A_291 = vector.shape_cast %swap3A_290 : vector<1x16xf32> to vector<16xf32>
      %swap3A_292 = vector.shape_cast %mul3A_287 : vector<16xf32> to vector<1x16xf32>
      tpu.vector_store %arg11[%swap3A_288, %swap3A_289], %swap3A_292 {strides = array<i32>} : memref<128x64xf32, #tpu.memory_space<vmem>>, vector<1x16xf32>,
      %mul3A_293 = arith.mulf %get3A_286, %get3A_251 : vector<16xf32>
      %swap3A_294 = arith.index_cast %scan3A_247 : i32 to index
      %swap3A_295 = arith.constant 32 : index
      %swap3A_296 = tpu.vector_load %arg12[%swap3A_294, %swap3A_295] {strides = array<i32>} : memref<128x64xf32, #tpu.memory_space<vmem>>, vector<1x16xf32>,
      %swap3A_297 = vector.shape_cast %swap3A_296 : vector<1x16xf32> to vector<16xf32>
      %swap3A_298 = vector.shape_cast %mul3A_293 : vector<16xf32> to vector<1x16xf32>
      tpu.vector_store %arg12[%swap3A_294, %swap3A_295], %swap3A_298 {strides = array<i32>} : memref<128x64xf32, #tpu.memory_space<vmem>>, vector<1x16xf32>,
      %get3A_299 = arith.index_cast %scan3A_247 : i32 to index
      %get3A_300 = arith.constant 48 : index
      %get3A_301 = tpu.vector_load %arg10[%get3A_299, %get3A_300] {strides = array<i32>} : memref<128x64xf32, #tpu.memory_space<vmem>>, vector<1x16xf32>,
      %get3A_302 = vector.shape_cast %get3A_301 : vector<1x16xf32> to vector<16xf32>
      %mul3A_303 = arith.mulf %get3A_302, %get3A_144 : vector<16xf32>
      %swap3A_304 = arith.index_cast %scan3A_247 : i32 to index
      %swap3A_305 = arith.constant 48 : index
      %swap3A_306 = tpu.vector_load %arg11[%swap3A_304, %swap3A_305] {strides = array<i32>} : memref<128x64xf32, #tpu.memory_space<vmem>>, vector<1x16xf32>,
      %swap3A_307 = vector.shape_cast %swap3A_306 : vector<1x16xf32> to vector<16xf32>
      %swap3A_308 = vector.shape_cast %mul3A_303 : vector<16xf32> to vector<1x16xf32>
      tpu.vector_store %arg11[%swap3A_304, %swap3A_305], %swap3A_308 {strides = array<i32>} : memref<128x64xf32, #tpu.memory_space<vmem>>, vector<1x16xf32>,
      %mul3A_309 = arith.mulf %get3A_302, %get3A_251 : vector<16xf32>
      %swap3A_310 = arith.index_cast %scan3A_247 : i32 to index
      %swap3A_311 = arith.constant 48 : index
      %swap3A_312 = tpu.vector_load %arg12[%swap3A_310, %swap3A_311] {strides = array<i32>} : memref<128x64xf32, #tpu.memory_space<vmem>>, vector<1x16xf32>,
      %swap3A_313 = vector.shape_cast %swap3A_312 : vector<1x16xf32> to vector<16xf32>
      %swap3A_314 = vector.shape_cast %mul3A_309 : vector<16xf32> to vector<1x16xf32>
      tpu.vector_store %arg12[%swap3A_310, %swap3A_311], %swap3A_314 {strides = array<i32>} : memref<128x64xf32, #tpu.memory_space<vmem>>, vector<1x16xf32>,
    }
    %scan3A_211 = arith.constant 128 : i32
    %add3A_212 = arith.constant 384 : i32
    %add3A_213 = arith.addi %mul3A_0, %add3A_212 : i32
    "tpu.region"() ({
      %run_scoped3A = tpu.sem_alloc : memref<!tpu.dma_semaphore, #tpu.memory_space<semaphore_mem>>
      %dma_start3A_247 = arith.constant 0 : i32
      %dma_start3A_248 = tpu.memref_slice %arg6[%arg0, %add3A_213, %dma_start3A_247] : memref<2x10240x64xf32, #tpu.memory_space<hbm>> -> memref<1x128x64xf32, #tpu.memory_space<hbm>>
      %dma_start3A_249 = tpu.memref_squeeze %dma_start3A_248 : memref<1x128x64xf32, #tpu.memory_space<hbm>> -> memref<128x64xf32, #tpu.memory_space<hbm>>
      %dma_start3A_250 = arith.constant 0 : i32
      %dma_start3A_251 = tpu.memref_slice %arg6[%arg0, %add3A_213, %dma_start3A_250] : memref<2x10240x64xf32, #tpu.memory_space<hbm>> -> memref<1x128x64xf32, #tpu.memory_space<hbm>>
      %dma_start3A_252 = tpu.memref_squeeze %dma_start3A_251 : memref<1x128x64xf32, #tpu.memory_space<hbm>> -> memref<128x64xf32, #tpu.memory_space<hbm>>
      tpu.enqueue_dma source(%arg11 : memref<128x64xf32, #tpu.memory_space<vmem>>) target(%dma_start3A_252 : memref<128x64xf32, #tpu.memory_space<hbm>>) target_semaphore(%run_scoped3A : memref<!tpu.dma_semaphore, #tpu.memory_space<semaphore_mem>>)
      %dma_wait3A_253 = arith.constant 0 : i32
      %dma_wait3A_254 = tpu.memref_slice %arg6[%arg0, %add3A_213, %dma_wait3A_253] : memref<2x10240x64xf32, #tpu.memory_space<hbm>> -> memref<1x128x64xf32, #tpu.memory_space<hbm>>
      %dma_wait3A_255 = tpu.memref_squeeze %dma_wait3A_254 : memref<1x128x64xf32, #tpu.memory_space<hbm>> -> memref<128x64xf32, #tpu.memory_space<hbm>>
      %dma_wait3A_256 = arith.constant 0 : i32
      %dma_wait3A_257 = tpu.memref_slice %arg6[%arg0, %add3A_213, %dma_wait3A_256] : memref<2x10240x64xf32, #tpu.memory_space<hbm>> -> memref<1x128x64xf32, #tpu.memory_space<hbm>>
      %dma_wait3A_258 = tpu.memref_squeeze %dma_wait3A_257 : memref<1x128x64xf32, #tpu.memory_space<hbm>> -> memref<128x64xf32, #tpu.memory_space<hbm>>
      tpu.wait_dma2 semaphore(%run_scoped3A : memref<!tpu.dma_semaphore, #tpu.memory_space<semaphore_mem>>) src(%arg11 : memref<128x64xf32, #tpu.memory_space<vmem>>) dst(%dma_wait3A_258 : memref<128x64xf32, #tpu.memory_space<hbm>>)
      tpu.yield
    }) : () -> ()
    %mul3A_214 = arith.constant 10240 : i32
    %mul3A_215 = arith.muli %arg0, %mul3A_214 : i32
    %add3A_216 = arith.addi %mul3A_215, %mul3A_0 : i32
    %add3A_217 = arith.constant 384 : i32
    %add3A_218 = arith.addi %add3A_216, %add3A_217 : i32
    "tpu.region"() ({
      %run_scoped3A = tpu.sem_alloc : memref<!tpu.dma_semaphore, #tpu.memory_space<semaphore_mem>>
      %dma_start3A_247 = arith.constant 0 : i32
      %dma_start3A_248 = tpu.memref_slice %arg7[%add3A_218, %dma_start3A_247] : memref<20480x64xf32, #tpu.memory_space<hbm>> -> memref<128x64xf32, #tpu.memory_space<hbm>>
      %dma_start3A_249 = arith.constant 0 : i32
      %dma_start3A_250 = tpu.memref_slice %arg7[%add3A_218, %dma_start3A_249] : memref<20480x64xf32, #tpu.memory_space<hbm>> -> memref<128x64xf32, #tpu.memory_space<hbm>>
      tpu.enqueue_dma source(%arg12 : memref<128x64xf32, #tpu.memory_space<vmem>>) target(%dma_start3A_250 : memref<128x64xf32, #tpu.memory_space<hbm>>) target_semaphore(%run_scoped3A : memref<!tpu.dma_semaphore, #tpu.memory_space<semaphore_mem>>)
      %dma_wait3A_251 = arith.constant 0 : i32
      %dma_wait3A_252 = tpu.memref_slice %arg7[%add3A_218, %dma_wait3A_251] : memref<20480x64xf32, #tpu.memory_space<hbm>> -> memref<128x64xf32, #tpu.memory_space<hbm>>
      %dma_wait3A_253 = arith.constant 0 : i32
      %dma_wait3A_254 = tpu.memref_slice %arg7[%add3A_218, %dma_wait3A_253] : memref<20480x64xf32, #tpu.memory_space<hbm>> -> memref<128x64xf32, #tpu.memory_space<hbm>>
      tpu.wait_dma2 semaphore(%run_scoped3A : memref<!tpu.dma_semaphore, #tpu.memory_space<semaphore_mem>>) src(%arg12 : memref<128x64xf32, #tpu.memory_space<vmem>>) dst(%dma_wait3A_254 : memref<128x64xf32, #tpu.memory_space<hbm>>)
      tpu.yield
    }) : () -> ()
    %add3A_219 = arith.constant 384 : i32
    %add3A_220 = arith.addi %mul3A_0, %add3A_219 : i32
    "tpu.region"() ({
      %run_scoped3A = tpu.sem_alloc : memref<!tpu.dma_semaphore, #tpu.memory_space<semaphore_mem>>
      %dma_start3A_247 = arith.constant 0 : i32
      %dma_start3A_248 = tpu.memref_slice %arg16[%add3A_220, %dma_start3A_247] : memref<10256x64xf32, #tpu.memory_space<vmem_shared>> -> memref<128x64xf32, #tpu.memory_space<vmem_shared>>
      %dma_start3A_249 = arith.constant 0 : i32
      %dma_start3A_250 = tpu.memref_slice %arg16[%add3A_220, %dma_start3A_249] : memref<10256x64xf32, #tpu.memory_space<vmem_shared>> -> memref<128x64xf32, #tpu.memory_space<vmem_shared>>
      tpu.enqueue_dma source(%arg12 : memref<128x64xf32, #tpu.memory_space<vmem>>) target(%dma_start3A_250 : memref<128x64xf32, #tpu.memory_space<vmem_shared>>) target_semaphore(%run_scoped3A : memref<!tpu.dma_semaphore, #tpu.memory_space<semaphore_mem>>)
      %dma_wait3A_251 = arith.constant 0 : i32
      %dma_wait3A_252 = tpu.memref_slice %arg16[%add3A_220, %dma_wait3A_251] : memref<10256x64xf32, #tpu.memory_space<vmem_shared>> -> memref<128x64xf32, #tpu.memory_space<vmem_shared>>
      %dma_wait3A_253 = arith.constant 0 : i32
      %dma_wait3A_254 = tpu.memref_slice %arg16[%add3A_220, %dma_wait3A_253] : memref<10256x64xf32, #tpu.memory_space<vmem_shared>> -> memref<128x64xf32, #tpu.memory_space<vmem_shared>>
      tpu.wait_dma2 semaphore(%run_scoped3A : memref<!tpu.dma_semaphore, #tpu.memory_space<semaphore_mem>>) src(%arg12 : memref<128x64xf32, #tpu.memory_space<vmem>>) dst(%dma_wait3A_254 : memref<128x64xf32, #tpu.memory_space<vmem_shared>>)
      tpu.yield
    }) : () -> ()
    %add3A_221 = arith.constant 512 : i32
    %add3A_222 = arith.addi %mul3A_0, %add3A_221 : i32
    "tpu.region"() ({
      %run_scoped3A = tpu.sem_alloc : memref<!tpu.dma_semaphore, #tpu.memory_space<semaphore_mem>>
      %dma_start3A_247 = arith.constant 0 : i32
      %dma_start3A_248 = tpu.memref_slice %arg2[%arg0, %add3A_222, %dma_start3A_247] : memref<2x10240x64xf32, #tpu.memory_space<hbm>> -> memref<1x128x64xf32, #tpu.memory_space<hbm>>
      %dma_start3A_249 = tpu.memref_squeeze %dma_start3A_248 : memref<1x128x64xf32, #tpu.memory_space<hbm>> -> memref<128x64xf32, #tpu.memory_space<hbm>>
      %dma_start3A_250 = arith.constant 0 : i32
      %dma_start3A_251 = tpu.memref_slice %arg2[%arg0, %add3A_222, %dma_start3A_250] : memref<2x10240x64xf32, #tpu.memory_space<hbm>> -> memref<1x128x64xf32, #tpu.memory_space<hbm>>
      %dma_start3A_252 = tpu.memref_squeeze %dma_start3A_251 : memref<1x128x64xf32, #tpu.memory_space<hbm>> -> memref<128x64xf32, #tpu.memory_space<hbm>>
      tpu.enqueue_dma source(%dma_start3A_252 : memref<128x64xf32, #tpu.memory_space<hbm>>) target(%arg10 : memref<128x64xf32, #tpu.memory_space<vmem>>) target_semaphore(%run_scoped3A : memref<!tpu.dma_semaphore, #tpu.memory_space<semaphore_mem>>)
      %dma_wait3A_253 = arith.constant 0 : i32
      %dma_wait3A_254 = tpu.memref_slice %arg2[%arg0, %add3A_222, %dma_wait3A_253] : memref<2x10240x64xf32, #tpu.memory_space<hbm>> -> memref<1x128x64xf32, #tpu.memory_space<hbm>>
      %dma_wait3A_255 = tpu.memref_squeeze %dma_wait3A_254 : memref<1x128x64xf32, #tpu.memory_space<hbm>> -> memref<128x64xf32, #tpu.memory_space<hbm>>
      %dma_wait3A_256 = arith.constant 0 : i32
      %dma_wait3A_257 = tpu.memref_slice %arg2[%arg0, %add3A_222, %dma_wait3A_256] : memref<2x10240x64xf32, #tpu.memory_space<hbm>> -> memref<1x128x64xf32, #tpu.memory_space<hbm>>
      %dma_wait3A_258 = tpu.memref_squeeze %dma_wait3A_257 : memref<1x128x64xf32, #tpu.memory_space<hbm>> -> memref<128x64xf32, #tpu.memory_space<hbm>>
      tpu.wait_dma2 semaphore(%run_scoped3A : memref<!tpu.dma_semaphore, #tpu.memory_space<semaphore_mem>>) src(%dma_wait3A_258 : memref<128x64xf32, #tpu.memory_space<hbm>>) dst(%arg10 : memref<128x64xf32, #tpu.memory_space<vmem>>)
      tpu.yield
    }) : () -> ()
    %add3A_223 = arith.constant 512 : i32
    %add3A_224 = arith.addi %mul3A_0, %add3A_223 : i32
    "tpu.region"() ({
      %run_scoped3A = tpu.sem_alloc : memref<!tpu.dma_semaphore, #tpu.memory_space<semaphore_mem>>
      %dma_start3A_247 = arith.constant 0 : i32
      %dma_start3A_248 = tpu.memref_slice %arg17[%add3A_224, %dma_start3A_247] : memref<10256x16xf32, #tpu.memory_space<vmem_shared>> -> memref<128x16xf32, #tpu.memory_space<vmem_shared>>
      %dma_start3A_249 = arith.constant 0 : i32
      %dma_start3A_250 = tpu.memref_slice %arg17[%add3A_224, %dma_start3A_249] : memref<10256x16xf32, #tpu.memory_space<vmem_shared>> -> memref<128x16xf32, #tpu.memory_space<vmem_shared>>
      tpu.enqueue_dma source(%dma_start3A_250 : memref<128x16xf32, #tpu.memory_space<vmem_shared>>) target(%arg14 : memref<128x16xf32, #tpu.memory_space<vmem>>) target_semaphore(%run_scoped3A : memref<!tpu.dma_semaphore, #tpu.memory_space<semaphore_mem>>)
      %dma_wait3A_251 = arith.constant 0 : i32
      %dma_wait3A_252 = tpu.memref_slice %arg17[%add3A_224, %dma_wait3A_251] : memref<10256x16xf32, #tpu.memory_space<vmem_shared>> -> memref<128x16xf32, #tpu.memory_space<vmem_shared>>
      %dma_wait3A_253 = arith.constant 0 : i32
      %dma_wait3A_254 = tpu.memref_slice %arg17[%add3A_224, %dma_wait3A_253] : memref<10256x16xf32, #tpu.memory_space<vmem_shared>> -> memref<128x16xf32, #tpu.memory_space<vmem_shared>>
      tpu.wait_dma2 semaphore(%run_scoped3A : memref<!tpu.dma_semaphore, #tpu.memory_space<semaphore_mem>>) src(%dma_wait3A_254 : memref<128x16xf32, #tpu.memory_space<vmem_shared>>) dst(%arg14 : memref<128x16xf32, #tpu.memory_space<vmem>>)
      tpu.yield
    }) : () -> ()
    %scan3A_225 = arith.constant 0 : i32
    %scan3A_226 = arith.constant 0 : i32
    %scan3A_227 = arith.constant 128 : i32
    %scan3A_228 = arith.addi %scan3A_226, %scan3A_227 : i32
    %scan3A_229 = arith.constant 1 : i32
    scf.for %scan3A_247 = %scan3A_226 to %scan3A_228 step %scan3A_229  : i32 {
      %get3A_248 = arith.index_cast %scan3A_247 : i32 to index
      %get3A_249 = arith.constant 0 : index
      %get3A_250 = tpu.vector_load %arg14[%get3A_248, %get3A_249] {strides = array<i32>} : memref<128x16xf32, #tpu.memory_space<vmem>>, vector<1x16xf32>,
      %get3A_251 = vector.shape_cast %get3A_250 : vector<1x16xf32> to vector<16xf32>
      %get3A_252 = arith.index_cast %scan3A_247 : i32 to index
      %get3A_253 = arith.constant 0 : index
      %get3A_254 = tpu.vector_load %arg10[%get3A_252, %get3A_253] {strides = array<i32>} : memref<128x64xf32, #tpu.memory_space<vmem>>, vector<1x16xf32>,
      %get3A_255 = vector.shape_cast %get3A_254 : vector<1x16xf32> to vector<16xf32>
      %mul3A_256 = arith.mulf %get3A_255, %get3A_144 : vector<16xf32>
      %swap3A = arith.index_cast %scan3A_247 : i32 to index
      %swap3A_257 = arith.constant 0 : index
      %swap3A_258 = tpu.vector_load %arg11[%swap3A, %swap3A_257] {strides = array<i32>} : memref<128x64xf32, #tpu.memory_space<vmem>>, vector<1x16xf32>,
      %swap3A_259 = vector.shape_cast %swap3A_258 : vector<1x16xf32> to vector<16xf32>
      %swap3A_260 = vector.shape_cast %mul3A_256 : vector<16xf32> to vector<1x16xf32>
      tpu.vector_store %arg11[%swap3A, %swap3A_257], %swap3A_260 {strides = array<i32>} : memref<128x64xf32, #tpu.memory_space<vmem>>, vector<1x16xf32>,
      %mul3A_261 = arith.mulf %get3A_255, %get3A_251 : vector<16xf32>
      %swap3A_262 = arith.index_cast %scan3A_247 : i32 to index
      %swap3A_263 = arith.constant 0 : index
      %swap3A_264 = tpu.vector_load %arg12[%swap3A_262, %swap3A_263] {strides = array<i32>} : memref<128x64xf32, #tpu.memory_space<vmem>>, vector<1x16xf32>,
      %swap3A_265 = vector.shape_cast %swap3A_264 : vector<1x16xf32> to vector<16xf32>
      %swap3A_266 = vector.shape_cast %mul3A_261 : vector<16xf32> to vector<1x16xf32>
      tpu.vector_store %arg12[%swap3A_262, %swap3A_263], %swap3A_266 {strides = array<i32>} : memref<128x64xf32, #tpu.memory_space<vmem>>, vector<1x16xf32>,
      %get3A_267 = arith.index_cast %scan3A_247 : i32 to index
      %get3A_268 = arith.constant 16 : index
      %get3A_269 = tpu.vector_load %arg10[%get3A_267, %get3A_268] {strides = array<i32>} : memref<128x64xf32, #tpu.memory_space<vmem>>, vector<1x16xf32>,
      %get3A_270 = vector.shape_cast %get3A_269 : vector<1x16xf32> to vector<16xf32>
      %mul3A_271 = arith.mulf %get3A_270, %get3A_144 : vector<16xf32>
      %swap3A_272 = arith.index_cast %scan3A_247 : i32 to index
      %swap3A_273 = arith.constant 16 : index
      %swap3A_274 = tpu.vector_load %arg11[%swap3A_272, %swap3A_273] {strides = array<i32>} : memref<128x64xf32, #tpu.memory_space<vmem>>, vector<1x16xf32>,
      %swap3A_275 = vector.shape_cast %swap3A_274 : vector<1x16xf32> to vector<16xf32>
      %swap3A_276 = vector.shape_cast %mul3A_271 : vector<16xf32> to vector<1x16xf32>
      tpu.vector_store %arg11[%swap3A_272, %swap3A_273], %swap3A_276 {strides = array<i32>} : memref<128x64xf32, #tpu.memory_space<vmem>>, vector<1x16xf32>,
      %mul3A_277 = arith.mulf %get3A_270, %get3A_251 : vector<16xf32>
      %swap3A_278 = arith.index_cast %scan3A_247 : i32 to index
      %swap3A_279 = arith.constant 16 : index
      %swap3A_280 = tpu.vector_load %arg12[%swap3A_278, %swap3A_279] {strides = array<i32>} : memref<128x64xf32, #tpu.memory_space<vmem>>, vector<1x16xf32>,
      %swap3A_281 = vector.shape_cast %swap3A_280 : vector<1x16xf32> to vector<16xf32>
      %swap3A_282 = vector.shape_cast %mul3A_277 : vector<16xf32> to vector<1x16xf32>
      tpu.vector_store %arg12[%swap3A_278, %swap3A_279], %swap3A_282 {strides = array<i32>} : memref<128x64xf32, #tpu.memory_space<vmem>>, vector<1x16xf32>,
      %get3A_283 = arith.index_cast %scan3A_247 : i32 to index
      %get3A_284 = arith.constant 32 : index
      %get3A_285 = tpu.vector_load %arg10[%get3A_283, %get3A_284] {strides = array<i32>} : memref<128x64xf32, #tpu.memory_space<vmem>>, vector<1x16xf32>,
      %get3A_286 = vector.shape_cast %get3A_285 : vector<1x16xf32> to vector<16xf32>
      %mul3A_287 = arith.mulf %get3A_286, %get3A_144 : vector<16xf32>
      %swap3A_288 = arith.index_cast %scan3A_247 : i32 to index
      %swap3A_289 = arith.constant 32 : index
      %swap3A_290 = tpu.vector_load %arg11[%swap3A_288, %swap3A_289] {strides = array<i32>} : memref<128x64xf32, #tpu.memory_space<vmem>>, vector<1x16xf32>,
      %swap3A_291 = vector.shape_cast %swap3A_290 : vector<1x16xf32> to vector<16xf32>
      %swap3A_292 = vector.shape_cast %mul3A_287 : vector<16xf32> to vector<1x16xf32>
      tpu.vector_store %arg11[%swap3A_288, %swap3A_289], %swap3A_292 {strides = array<i32>} : memref<128x64xf32, #tpu.memory_space<vmem>>, vector<1x16xf32>,
      %mul3A_293 = arith.mulf %get3A_286, %get3A_251 : vector<16xf32>
      %swap3A_294 = arith.index_cast %scan3A_247 : i32 to index
      %swap3A_295 = arith.constant 32 : index
      %swap3A_296 = tpu.vector_load %arg12[%swap3A_294, %swap3A_295] {strides = array<i32>} : memref<128x64xf32, #tpu.memory_space<vmem>>, vector<1x16xf32>,
      %swap3A_297 = vector.shape_cast %swap3A_296 : vector<1x16xf32> to vector<16xf32>
      %swap3A_298 = vector.shape_cast %mul3A_293 : vector<16xf32> to vector<1x16xf32>
      tpu.vector_store %arg12[%swap3A_294, %swap3A_295], %swap3A_298 {strides = array<i32>} : memref<128x64xf32, #tpu.memory_space<vmem>>, vector<1x16xf32>,
      %get3A_299 = arith.index_cast %scan3A_247 : i32 to index
      %get3A_300 = arith.constant 48 : index
      %get3A_301 = tpu.vector_load %arg10[%get3A_299, %get3A_300] {strides = array<i32>} : memref<128x64xf32, #tpu.memory_space<vmem>>, vector<1x16xf32>,
      %get3A_302 = vector.shape_cast %get3A_301 : vector<1x16xf32> to vector<16xf32>
      %mul3A_303 = arith.mulf %get3A_302, %get3A_144 : vector<16xf32>
      %swap3A_304 = arith.index_cast %scan3A_247 : i32 to index
      %swap3A_305 = arith.constant 48 : index
      %swap3A_306 = tpu.vector_load %arg11[%swap3A_304, %swap3A_305] {strides = array<i32>} : memref<128x64xf32, #tpu.memory_space<vmem>>, vector<1x16xf32>,
      %swap3A_307 = vector.shape_cast %swap3A_306 : vector<1x16xf32> to vector<16xf32>
      %swap3A_308 = vector.shape_cast %mul3A_303 : vector<16xf32> to vector<1x16xf32>
      tpu.vector_store %arg11[%swap3A_304, %swap3A_305], %swap3A_308 {strides = array<i32>} : memref<128x64xf32, #tpu.memory_space<vmem>>, vector<1x16xf32>,
      %mul3A_309 = arith.mulf %get3A_302, %get3A_251 : vector<16xf32>
      %swap3A_310 = arith.index_cast %scan3A_247 : i32 to index
      %swap3A_311 = arith.constant 48 : index
      %swap3A_312 = tpu.vector_load %arg12[%swap3A_310, %swap3A_311] {strides = array<i32>} : memref<128x64xf32, #tpu.memory_space<vmem>>, vector<1x16xf32>,
      %swap3A_313 = vector.shape_cast %swap3A_312 : vector<1x16xf32> to vector<16xf32>
      %swap3A_314 = vector.shape_cast %mul3A_309 : vector<16xf32> to vector<1x16xf32>
      tpu.vector_store %arg12[%swap3A_310, %swap3A_311], %swap3A_314 {strides = array<i32>} : memref<128x64xf32, #tpu.memory_space<vmem>>, vector<1x16xf32>,
    }
    %scan3A_230 = arith.constant 128 : i32
    %add3A_231 = arith.constant 512 : i32
    %add3A_232 = arith.addi %mul3A_0, %add3A_231 : i32
    "tpu.region"() ({
      %run_scoped3A = tpu.sem_alloc : memref<!tpu.dma_semaphore, #tpu.memory_space<semaphore_mem>>
      %dma_start3A_247 = arith.constant 0 : i32
      %dma_start3A_248 = tpu.memref_slice %arg6[%arg0, %add3A_232, %dma_start3A_247] : memref<2x10240x64xf32, #tpu.memory_space<hbm>> -> memref<1x128x64xf32, #tpu.memory_space<hbm>>
      %dma_start3A_249 = tpu.memref_squeeze %dma_start3A_248 : memref<1x128x64xf32, #tpu.memory_space<hbm>> -> memref<128x64xf32, #tpu.memory_space<hbm>>
      %dma_start3A_250 = arith.constant 0 : i32
      %dma_start3A_251 = tpu.memref_slice %arg6[%arg0, %add3A_232, %dma_start3A_250] : memref<2x10240x64xf32, #tpu.memory_space<hbm>> -> memref<1x128x64xf32, #tpu.memory_space<hbm>>
      %dma_start3A_252 = tpu.memref_squeeze %dma_start3A_251 : memref<1x128x64xf32, #tpu.memory_space<hbm>> -> memref<128x64xf32, #tpu.memory_space<hbm>>
      tpu.enqueue_dma source(%arg11 : memref<128x64xf32, #tpu.memory_space<vmem>>) target(%dma_start3A_252 : memref<128x64xf32, #tpu.memory_space<hbm>>) target_semaphore(%run_scoped3A : memref<!tpu.dma_semaphore, #tpu.memory_space<semaphore_mem>>)
      %dma_wait3A_253 = arith.constant 0 : i32
      %dma_wait3A_254 = tpu.memref_slice %arg6[%arg0, %add3A_232, %dma_wait3A_253] : memref<2x10240x64xf32, #tpu.memory_space<hbm>> -> memref<1x128x64xf32, #tpu.memory_space<hbm>>
      %dma_wait3A_255 = tpu.memref_squeeze %dma_wait3A_254 : memref<1x128x64xf32, #tpu.memory_space<hbm>> -> memref<128x64xf32, #tpu.memory_space<hbm>>
      %dma_wait3A_256 = arith.constant 0 : i32
      %dma_wait3A_257 = tpu.memref_slice %arg6[%arg0, %add3A_232, %dma_wait3A_256] : memref<2x10240x64xf32, #tpu.memory_space<hbm>> -> memref<1x128x64xf32, #tpu.memory_space<hbm>>
      %dma_wait3A_258 = tpu.memref_squeeze %dma_wait3A_257 : memref<1x128x64xf32, #tpu.memory_space<hbm>> -> memref<128x64xf32, #tpu.memory_space<hbm>>
      tpu.wait_dma2 semaphore(%run_scoped3A : memref<!tpu.dma_semaphore, #tpu.memory_space<semaphore_mem>>) src(%arg11 : memref<128x64xf32, #tpu.memory_space<vmem>>) dst(%dma_wait3A_258 : memref<128x64xf32, #tpu.memory_space<hbm>>)
      tpu.yield
    }) : () -> ()
    %mul3A_233 = arith.constant 10240 : i32
    %mul3A_234 = arith.muli %arg0, %mul3A_233 : i32
    %add3A_235 = arith.addi %mul3A_234, %mul3A_0 : i32
    %add3A_236 = arith.constant 512 : i32
    %add3A_237 = arith.addi %add3A_235, %add3A_236 : i32
    "tpu.region"() ({
      %run_scoped3A = tpu.sem_alloc : memref<!tpu.dma_semaphore, #tpu.memory_space<semaphore_mem>>
      %dma_start3A_247 = arith.constant 0 : i32
      %dma_start3A_248 = tpu.memref_slice %arg7[%add3A_237, %dma_start3A_247] : memref<20480x64xf32, #tpu.memory_space<hbm>> -> memref<128x64xf32, #tpu.memory_space<hbm>>
      %dma_start3A_249 = arith.constant 0 : i32
      %dma_start3A_250 = tpu.memref_slice %arg7[%add3A_237, %dma_start3A_249] : memref<20480x64xf32, #tpu.memory_space<hbm>> -> memref<128x64xf32, #tpu.memory_space<hbm>>
      tpu.enqueue_dma source(%arg12 : memref<128x64xf32, #tpu.memory_space<vmem>>) target(%dma_start3A_250 : memref<128x64xf32, #tpu.memory_space<hbm>>) target_semaphore(%run_scoped3A : memref<!tpu.dma_semaphore, #tpu.memory_space<semaphore_mem>>)
      %dma_wait3A_251 = arith.constant 0 : i32
      %dma_wait3A_252 = tpu.memref_slice %arg7[%add3A_237, %dma_wait3A_251] : memref<20480x64xf32, #tpu.memory_space<hbm>> -> memref<128x64xf32, #tpu.memory_space<hbm>>
      %dma_wait3A_253 = arith.constant 0 : i32
      %dma_wait3A_254 = tpu.memref_slice %arg7[%add3A_237, %dma_wait3A_253] : memref<20480x64xf32, #tpu.memory_space<hbm>> -> memref<128x64xf32, #tpu.memory_space<hbm>>
      tpu.wait_dma2 semaphore(%run_scoped3A : memref<!tpu.dma_semaphore, #tpu.memory_space<semaphore_mem>>) src(%arg12 : memref<128x64xf32, #tpu.memory_space<vmem>>) dst(%dma_wait3A_254 : memref<128x64xf32, #tpu.memory_space<hbm>>)
      tpu.yield
    }) : () -> ()
    %add3A_238 = arith.constant 512 : i32
    %add3A_239 = arith.addi %mul3A_0, %add3A_238 : i32
    "tpu.region"() ({
      %run_scoped3A = tpu.sem_alloc : memref<!tpu.dma_semaphore, #tpu.memory_space<semaphore_mem>>
      %dma_start3A_247 = arith.constant 0 : i32
      %dma_start3A_248 = tpu.memref_slice %arg16[%add3A_239, %dma_start3A_247] : memref<10256x64xf32, #tpu.memory_space<vmem_shared>> -> memref<128x64xf32, #tpu.memory_space<vmem_shared>>
      %dma_start3A_249 = arith.constant 0 : i32
      %dma_start3A_250 = tpu.memref_slice %arg16[%add3A_239, %dma_start3A_249] : memref<10256x64xf32, #tpu.memory_space<vmem_shared>> -> memref<128x64xf32, #tpu.memory_space<vmem_shared>>
      tpu.enqueue_dma source(%arg12 : memref<128x64xf32, #tpu.memory_space<vmem>>) target(%dma_start3A_250 : memref<128x64xf32, #tpu.memory_space<vmem_shared>>) target_semaphore(%run_scoped3A : memref<!tpu.dma_semaphore, #tpu.memory_space<semaphore_mem>>)
      %dma_wait3A_251 = arith.constant 0 : i32
      %dma_wait3A_252 = tpu.memref_slice %arg16[%add3A_239, %dma_wait3A_251] : memref<10256x64xf32, #tpu.memory_space<vmem_shared>> -> memref<128x64xf32, #tpu.memory_space<vmem_shared>>
      %dma_wait3A_253 = arith.constant 0 : i32
      %dma_wait3A_254 = tpu.memref_slice %arg16[%add3A_239, %dma_wait3A_253] : memref<10256x64xf32, #tpu.memory_space<vmem_shared>> -> memref<128x64xf32, #tpu.memory_space<vmem_shared>>
      tpu.wait_dma2 semaphore(%run_scoped3A : memref<!tpu.dma_semaphore, #tpu.memory_space<semaphore_mem>>) src(%arg12 : memref<128x64xf32, #tpu.memory_space<vmem>>) dst(%dma_wait3A_254 : memref<128x64xf32, #tpu.memory_space<vmem_shared>>)
      tpu.yield
    }) : () -> ()
    %barrier3A_240 = arith.constant 0 : index
    tpu.barrier barrier_id(%barrier3A_240)
    %scan3A_241 = arith.constant 0 : i32
    %scan3A_242 = arith.constant 0 : i32
    %scan3A_243 = arith.constant 10 : i32
    %scan3A_244 = arith.addi %scan3A_242, %scan3A_243 : i32
    %scan3A_245 = arith.constant 1 : i32
    scf.for %scan3A_247 = %scan3A_242 to %scan3A_244 step %scan3A_245  : i32 {
      %dma_start3A_248 = arith.constant 0 : i32
      %dma_start3A_249 = arith.constant 0 : i32
      %dma_start3A_250 = tpu.memref_slice %arg8[%dma_start3A_248, %dma_start3A_249] : memref<160x128xi32, #tpu.memory_space<vmem>> -> memref<1x128xi32, #tpu.memory_space<vmem>>
      %dma_start3A_251 = tpu.memref_squeeze %dma_start3A_250 : memref<1x128xi32, #tpu.memory_space<vmem>> -> memref<128xi32, #tpu.memory_space<vmem>>
      %dma_start3A_252 = arith.constant 0 : i32
      %dma_start3A_253 = arith.constant 0 : i32
      %dma_start3A_254 = tpu.memref_slice %arg7[%dma_start3A_252, %dma_start3A_253] : memref<20480x64xf32, #tpu.memory_space<hbm>> -> memref<20480x64xf32, #tpu.memory_space<hbm>>
      tpu.enqueue_indirect_dma source(%dma_start3A_254 : memref<20480x64xf32, #tpu.memory_space<hbm>>) target(%arg10 : memref<128x64xf32, #tpu.memory_space<vmem>>) offsets(%dma_start3A_251 : memref<128xi32, #tpu.memory_space<vmem>>) semaphore(%arg18 : memref<!tpu.dma_semaphore, #tpu.memory_space<semaphore_mem>>)
      %dma_start3A_255 = arith.constant 1 : i32
      %dma_start3A_256 = arith.constant 0 : i32
      %dma_start3A_257 = tpu.memref_slice %arg8[%dma_start3A_255, %dma_start3A_256] : memref<160x128xi32, #tpu.memory_space<vmem>> -> memref<1x128xi32, #tpu.memory_space<vmem>>
      %dma_start3A_258 = tpu.memref_squeeze %dma_start3A_257 : memref<1x128xi32, #tpu.memory_space<vmem>> -> memref<128xi32, #tpu.memory_space<vmem>>
      %dma_start3A_259 = arith.constant 0 : i32
      %dma_start3A_260 = arith.constant 0 : i32
      %dma_start3A_261 = tpu.memref_slice %arg7[%dma_start3A_259, %dma_start3A_260] : memref<20480x64xf32, #tpu.memory_space<hbm>> -> memref<20480x64xf32, #tpu.memory_space<hbm>>
      tpu.enqueue_indirect_dma source(%dma_start3A_261 : memref<20480x64xf32, #tpu.memory_space<hbm>>) target(%arg11 : memref<128x64xf32, #tpu.memory_space<vmem>>) offsets(%dma_start3A_258 : memref<128xi32, #tpu.memory_space<vmem>>) semaphore(%arg19 : memref<!tpu.dma_semaphore, #tpu.memory_space<semaphore_mem>>)
      %dma_start3A_262 = arith.constant 2 : i32
      %dma_start3A_263 = arith.constant 0 : i32
      %dma_start3A_264 = tpu.memref_slice %arg8[%dma_start3A_262, %dma_start3A_263] : memref<160x128xi32, #tpu.memory_space<vmem>> -> memref<1x128xi32, #tpu.memory_space<vmem>>
      %dma_start3A_265 = tpu.memref_squeeze %dma_start3A_264 : memref<1x128xi32, #tpu.memory_space<vmem>> -> memref<128xi32, #tpu.memory_space<vmem>>
      %dma_start3A_266 = arith.constant 0 : i32
      %dma_start3A_267 = arith.constant 0 : i32
      %dma_start3A_268 = tpu.memref_slice %arg7[%dma_start3A_266, %dma_start3A_267] : memref<20480x64xf32, #tpu.memory_space<hbm>> -> memref<20480x64xf32, #tpu.memory_space<hbm>>
      tpu.enqueue_indirect_dma source(%dma_start3A_268 : memref<20480x64xf32, #tpu.memory_space<hbm>>) target(%arg12 : memref<128x64xf32, #tpu.memory_space<vmem>>) offsets(%dma_start3A_265 : memref<128xi32, #tpu.memory_space<vmem>>) semaphore(%arg20 : memref<!tpu.dma_semaphore, #tpu.memory_space<semaphore_mem>>)
      %dma_start3A_269 = arith.constant 3 : i32
      %dma_start3A_270 = arith.constant 0 : i32
      %dma_start3A_271 = tpu.memref_slice %arg8[%dma_start3A_269, %dma_start3A_270] : memref<160x128xi32, #tpu.memory_space<vmem>> -> memref<1x128xi32, #tpu.memory_space<vmem>>
      %dma_start3A_272 = tpu.memref_squeeze %dma_start3A_271 : memref<1x128xi32, #tpu.memory_space<vmem>> -> memref<128xi32, #tpu.memory_space<vmem>>
      %dma_start3A_273 = arith.constant 0 : i32
      %dma_start3A_274 = arith.constant 0 : i32
      %dma_start3A_275 = tpu.memref_slice %arg7[%dma_start3A_273, %dma_start3A_274] : memref<20480x64xf32, #tpu.memory_space<hbm>> -> memref<20480x64xf32, #tpu.memory_space<hbm>>
      tpu.enqueue_indirect_dma source(%dma_start3A_275 : memref<20480x64xf32, #tpu.memory_space<hbm>>) target(%arg13 : memref<128x64xf32, #tpu.memory_space<vmem>>) offsets(%dma_start3A_272 : memref<128xi32, #tpu.memory_space<vmem>>) semaphore(%arg21 : memref<!tpu.dma_semaphore, #tpu.memory_space<semaphore_mem>>)
      %scan3A_276 = arith.constant 0 : i32
      %scan3A_277 = arith.constant 0 : i32
      %scan3A_278 = arith.constant 39 : i32
      %scan3A_279 = arith.addi %scan3A_277, %scan3A_278 : i32
      %scan3A_280 = arith.constant 1 : i32
      scf.for %scan3A_631 = %scan3A_277 to %scan3A_279 step %scan3A_280  : i32 {
        %mul3A_632 = arith.constant 4 : i32
        %mul3A_633 = arith.muli %scan3A_631, %mul3A_632 : i32
        %add3A_634 = arith.constant 0 : i32
        %add3A_635 = arith.addi %mul3A_633, %add3A_634 : i32
        %dma_wait3A_636 = arith.constant 0 : i32
        %dma_wait3A_637 = tpu.memref_slice %arg8[%add3A_635, %dma_wait3A_636] : memref<160x128xi32, #tpu.memory_space<vmem>> -> memref<1x128xi32, #tpu.memory_space<vmem>>
        %dma_wait3A_638 = tpu.memref_squeeze %dma_wait3A_637 : memref<1x128xi32, #tpu.memory_space<vmem>> -> memref<128xi32, #tpu.memory_space<vmem>>
        %dma_wait3A_639 = arith.constant 0 : i32
        %dma_wait3A_640 = arith.constant 0 : i32
        %dma_wait3A_641 = tpu.memref_slice %arg7[%dma_wait3A_639, %dma_wait3A_640] : memref<20480x64xf32, #tpu.memory_space<hbm>> -> memref<20480x64xf32, #tpu.memory_space<hbm>>
        tpu.wait_indirect_dma semaphore(%arg18 : memref<!tpu.dma_semaphore, #tpu.memory_space<semaphore_mem>>) src(%dma_wait3A_641 : memref<20480x64xf32, #tpu.memory_space<hbm>>) dst(%arg10 : memref<128x64xf32, #tpu.memory_space<vmem>>)
        %add3A_642 = arith.constant 0 : i32
        %add3A_643 = arith.addi %mul3A_633, %add3A_642 : i32
        "tpu.region"() ({
          %run_scoped3A_714 = tpu.sem_alloc : memref<!tpu.dma_semaphore, #tpu.memory_space<semaphore_mem>>
          %dma_start3A_715 = arith.constant 0 : i32
          %dma_start3A_716 = tpu.memref_slice %arg9[%add3A_643, %dma_start3A_715] : memref<160x128xi32, #tpu.memory_space<vmem>> -> memref<1x128xi32, #tpu.memory_space<vmem>>
          %dma_start3A_717 = tpu.memref_squeeze %dma_start3A_716 : memref<1x128xi32, #tpu.memory_space<vmem>> -> memref<128xi32, #tpu.memory_space<vmem>>
          %dma_start3A_718 = arith.constant 0 : i32
          %dma_start3A_719 = arith.constant 0 : i32
          %dma_start3A_720 = tpu.memref_slice %arg16[%dma_start3A_718, %dma_start3A_719] : memref<10256x64xf32, #tpu.memory_space<vmem_shared>> -> memref<10256x64xf32, #tpu.memory_space<vmem_shared>>
          tpu.enqueue_indirect_dma source(%arg10 : memref<128x64xf32, #tpu.memory_space<vmem>>) target(%dma_start3A_720 : memref<10256x64xf32, #tpu.memory_space<vmem_shared>>) offsets(%dma_start3A_717 : memref<128xi32, #tpu.memory_space<vmem>>) semaphore(%run_scoped3A_714 : memref<!tpu.dma_semaphore, #tpu.memory_space<semaphore_mem>>) {add = true}
          %dma_wait3A_721 = arith.constant 0 : i32
          %dma_wait3A_722 = tpu.memref_slice %arg9[%add3A_643, %dma_wait3A_721] : memref<160x128xi32, #tpu.memory_space<vmem>> -> memref<1x128xi32, #tpu.memory_space<vmem>>
          %dma_wait3A_723 = tpu.memref_squeeze %dma_wait3A_722 : memref<1x128xi32, #tpu.memory_space<vmem>> -> memref<128xi32, #tpu.memory_space<vmem>>
          %dma_wait3A_724 = arith.constant 0 : i32
          %dma_wait3A_725 = arith.constant 0 : i32
          %dma_wait3A_726 = tpu.memref_slice %arg16[%dma_wait3A_724, %dma_wait3A_725] : memref<10256x64xf32, #tpu.memory_space<vmem_shared>> -> memref<10256x64xf32, #tpu.memory_space<vmem_shared>>
          tpu.wait_indirect_dma semaphore(%run_scoped3A_714 : memref<!tpu.dma_semaphore, #tpu.memory_space<semaphore_mem>>) src(%arg10 : memref<128x64xf32, #tpu.memory_space<vmem>>) dst(%dma_wait3A_726 : memref<10256x64xf32, #tpu.memory_space<vmem_shared>>)
          tpu.yield
        }) : () -> ()
        %add3A_644 = arith.constant 0 : i32
        %add3A_645 = arith.addi %mul3A_633, %add3A_644 : i32
        %add3A_646 = arith.constant 4 : i32
        %add3A_647 = arith.addi %add3A_645, %add3A_646 : i32
        %dma_start3A_648 = arith.constant 0 : i32
        %dma_start3A_649 = tpu.memref_slice %arg8[%add3A_647, %dma_start3A_648] : memref<160x128xi32, #tpu.memory_space<vmem>> -> memref<1x128xi32, #tpu.memory_space<vmem>>
        %dma_start3A_650 = tpu.memref_squeeze %dma_start3A_649 : memref<1x128xi32, #tpu.memory_space<vmem>> -> memref<128xi32, #tpu.memory_space<vmem>>
        %dma_start3A_651 = arith.constant 0 : i32
        %dma_start3A_652 = arith.constant 0 : i32
        %dma_start3A_653 = tpu.memref_slice %arg7[%dma_start3A_651, %dma_start3A_652] : memref<20480x64xf32, #tpu.memory_space<hbm>> -> memref<20480x64xf32, #tpu.memory_space<hbm>>
        tpu.enqueue_indirect_dma source(%dma_start3A_653 : memref<20480x64xf32, #tpu.memory_space<hbm>>) target(%arg10 : memref<128x64xf32, #tpu.memory_space<vmem>>) offsets(%dma_start3A_650 : memref<128xi32, #tpu.memory_space<vmem>>) semaphore(%arg18 : memref<!tpu.dma_semaphore, #tpu.memory_space<semaphore_mem>>)
        %add3A_654 = arith.constant 1 : i32
        %add3A_655 = arith.addi %mul3A_633, %add3A_654 : i32
        %dma_wait3A_656 = arith.constant 0 : i32
        %dma_wait3A_657 = tpu.memref_slice %arg8[%add3A_655, %dma_wait3A_656] : memref<160x128xi32, #tpu.memory_space<vmem>> -> memref<1x128xi32, #tpu.memory_space<vmem>>
        %dma_wait3A_658 = tpu.memref_squeeze %dma_wait3A_657 : memref<1x128xi32, #tpu.memory_space<vmem>> -> memref<128xi32, #tpu.memory_space<vmem>>
        %dma_wait3A_659 = arith.constant 0 : i32
        %dma_wait3A_660 = arith.constant 0 : i32
        %dma_wait3A_661 = tpu.memref_slice %arg7[%dma_wait3A_659, %dma_wait3A_660] : memref<20480x64xf32, #tpu.memory_space<hbm>> -> memref<20480x64xf32, #tpu.memory_space<hbm>>
        tpu.wait_indirect_dma semaphore(%arg19 : memref<!tpu.dma_semaphore, #tpu.memory_space<semaphore_mem>>) src(%dma_wait3A_661 : memref<20480x64xf32, #tpu.memory_space<hbm>>) dst(%arg11 : memref<128x64xf32, #tpu.memory_space<vmem>>)
        %add3A_662 = arith.constant 1 : i32
        %add3A_663 = arith.addi %mul3A_633, %add3A_662 : i32
        "tpu.region"() ({
          %run_scoped3A_714 = tpu.sem_alloc : memref<!tpu.dma_semaphore, #tpu.memory_space<semaphore_mem>>
          %dma_start3A_715 = arith.constant 0 : i32
          %dma_start3A_716 = tpu.memref_slice %arg9[%add3A_663, %dma_start3A_715] : memref<160x128xi32, #tpu.memory_space<vmem>> -> memref<1x128xi32, #tpu.memory_space<vmem>>
          %dma_start3A_717 = tpu.memref_squeeze %dma_start3A_716 : memref<1x128xi32, #tpu.memory_space<vmem>> -> memref<128xi32, #tpu.memory_space<vmem>>
          %dma_start3A_718 = arith.constant 0 : i32
          %dma_start3A_719 = arith.constant 0 : i32
          %dma_start3A_720 = tpu.memref_slice %arg16[%dma_start3A_718, %dma_start3A_719] : memref<10256x64xf32, #tpu.memory_space<vmem_shared>> -> memref<10256x64xf32, #tpu.memory_space<vmem_shared>>
          tpu.enqueue_indirect_dma source(%arg11 : memref<128x64xf32, #tpu.memory_space<vmem>>) target(%dma_start3A_720 : memref<10256x64xf32, #tpu.memory_space<vmem_shared>>) offsets(%dma_start3A_717 : memref<128xi32, #tpu.memory_space<vmem>>) semaphore(%run_scoped3A_714 : memref<!tpu.dma_semaphore, #tpu.memory_space<semaphore_mem>>) {add = true}
          %dma_wait3A_721 = arith.constant 0 : i32
          %dma_wait3A_722 = tpu.memref_slice %arg9[%add3A_663, %dma_wait3A_721] : memref<160x128xi32, #tpu.memory_space<vmem>> -> memref<1x128xi32, #tpu.memory_space<vmem>>
          %dma_wait3A_723 = tpu.memref_squeeze %dma_wait3A_722 : memref<1x128xi32, #tpu.memory_space<vmem>> -> memref<128xi32, #tpu.memory_space<vmem>>
          %dma_wait3A_724 = arith.constant 0 : i32
          %dma_wait3A_725 = arith.constant 0 : i32
          %dma_wait3A_726 = tpu.memref_slice %arg16[%dma_wait3A_724, %dma_wait3A_725] : memref<10256x64xf32, #tpu.memory_space<vmem_shared>> -> memref<10256x64xf32, #tpu.memory_space<vmem_shared>>
          tpu.wait_indirect_dma semaphore(%run_scoped3A_714 : memref<!tpu.dma_semaphore, #tpu.memory_space<semaphore_mem>>) src(%arg11 : memref<128x64xf32, #tpu.memory_space<vmem>>) dst(%dma_wait3A_726 : memref<10256x64xf32, #tpu.memory_space<vmem_shared>>)
          tpu.yield
        }) : () -> ()
        %add3A_664 = arith.constant 1 : i32
        %add3A_665 = arith.addi %mul3A_633, %add3A_664 : i32
        %add3A_666 = arith.constant 4 : i32
        %add3A_667 = arith.addi %add3A_665, %add3A_666 : i32
        %dma_start3A_668 = arith.constant 0 : i32
        %dma_start3A_669 = tpu.memref_slice %arg8[%add3A_667, %dma_start3A_668] : memref<160x128xi32, #tpu.memory_space<vmem>> -> memref<1x128xi32, #tpu.memory_space<vmem>>
        %dma_start3A_670 = tpu.memref_squeeze %dma_start3A_669 : memref<1x128xi32, #tpu.memory_space<vmem>> -> memref<128xi32, #tpu.memory_space<vmem>>
        %dma_start3A_671 = arith.constant 0 : i32
        %dma_start3A_672 = arith.constant 0 : i32
        %dma_start3A_673 = tpu.memref_slice %arg7[%dma_start3A_671, %dma_start3A_672] : memref<20480x64xf32, #tpu.memory_space<hbm>> -> memref<20480x64xf32, #tpu.memory_space<hbm>>
        tpu.enqueue_indirect_dma source(%dma_start3A_673 : memref<20480x64xf32, #tpu.memory_space<hbm>>) target(%arg11 : memref<128x64xf32, #tpu.memory_space<vmem>>) offsets(%dma_start3A_670 : memref<128xi32, #tpu.memory_space<vmem>>) semaphore(%arg19 : memref<!tpu.dma_semaphore, #tpu.memory_space<semaphore_mem>>)
        %add3A_674 = arith.constant 2 : i32
        %add3A_675 = arith.addi %mul3A_633, %add3A_674 : i32
        %dma_wait3A_676 = arith.constant 0 : i32
        %dma_wait3A_677 = tpu.memref_slice %arg8[%add3A_675, %dma_wait3A_676] : memref<160x128xi32, #tpu.memory_space<vmem>> -> memref<1x128xi32, #tpu.memory_space<vmem>>
        %dma_wait3A_678 = tpu.memref_squeeze %dma_wait3A_677 : memref<1x128xi32, #tpu.memory_space<vmem>> -> memref<128xi32, #tpu.memory_space<vmem>>
        %dma_wait3A_679 = arith.constant 0 : i32
        %dma_wait3A_680 = arith.constant 0 : i32
        %dma_wait3A_681 = tpu.memref_slice %arg7[%dma_wait3A_679, %dma_wait3A_680] : memref<20480x64xf32, #tpu.memory_space<hbm>> -> memref<20480x64xf32, #tpu.memory_space<hbm>>
        tpu.wait_indirect_dma semaphore(%arg20 : memref<!tpu.dma_semaphore, #tpu.memory_space<semaphore_mem>>) src(%dma_wait3A_681 : memref<20480x64xf32, #tpu.memory_space<hbm>>) dst(%arg12 : memref<128x64xf32, #tpu.memory_space<vmem>>)
        %add3A_682 = arith.constant 2 : i32
        %add3A_683 = arith.addi %mul3A_633, %add3A_682 : i32
        "tpu.region"() ({
          %run_scoped3A_714 = tpu.sem_alloc : memref<!tpu.dma_semaphore, #tpu.memory_space<semaphore_mem>>
          %dma_start3A_715 = arith.constant 0 : i32
          %dma_start3A_716 = tpu.memref_slice %arg9[%add3A_683, %dma_start3A_715] : memref<160x128xi32, #tpu.memory_space<vmem>> -> memref<1x128xi32, #tpu.memory_space<vmem>>
          %dma_start3A_717 = tpu.memref_squeeze %dma_start3A_716 : memref<1x128xi32, #tpu.memory_space<vmem>> -> memref<128xi32, #tpu.memory_space<vmem>>
          %dma_start3A_718 = arith.constant 0 : i32
          %dma_start3A_719 = arith.constant 0 : i32
          %dma_start3A_720 = tpu.memref_slice %arg16[%dma_start3A_718, %dma_start3A_719] : memref<10256x64xf32, #tpu.memory_space<vmem_shared>> -> memref<10256x64xf32, #tpu.memory_space<vmem_shared>>
          tpu.enqueue_indirect_dma source(%arg12 : memref<128x64xf32, #tpu.memory_space<vmem>>) target(%dma_start3A_720 : memref<10256x64xf32, #tpu.memory_space<vmem_shared>>) offsets(%dma_start3A_717 : memref<128xi32, #tpu.memory_space<vmem>>) semaphore(%run_scoped3A_714 : memref<!tpu.dma_semaphore, #tpu.memory_space<semaphore_mem>>) {add = true}
          %dma_wait3A_721 = arith.constant 0 : i32
          %dma_wait3A_722 = tpu.memref_slice %arg9[%add3A_683, %dma_wait3A_721] : memref<160x128xi32, #tpu.memory_space<vmem>> -> memref<1x128xi32, #tpu.memory_space<vmem>>
          %dma_wait3A_723 = tpu.memref_squeeze %dma_wait3A_722 : memref<1x128xi32, #tpu.memory_space<vmem>> -> memref<128xi32, #tpu.memory_space<vmem>>
          %dma_wait3A_724 = arith.constant 0 : i32
          %dma_wait3A_725 = arith.constant 0 : i32
          %dma_wait3A_726 = tpu.memref_slice %arg16[%dma_wait3A_724, %dma_wait3A_725] : memref<10256x64xf32, #tpu.memory_space<vmem_shared>> -> memref<10256x64xf32, #tpu.memory_space<vmem_shared>>
          tpu.wait_indirect_dma semaphore(%run_scoped3A_714 : memref<!tpu.dma_semaphore, #tpu.memory_space<semaphore_mem>>) src(%arg12 : memref<128x64xf32, #tpu.memory_space<vmem>>) dst(%dma_wait3A_726 : memref<10256x64xf32, #tpu.memory_space<vmem_shared>>)
          tpu.yield
        }) : () -> ()
        %add3A_684 = arith.constant 2 : i32
        %add3A_685 = arith.addi %mul3A_633, %add3A_684 : i32
        %add3A_686 = arith.constant 4 : i32
        %add3A_687 = arith.addi %add3A_685, %add3A_686 : i32
        %dma_start3A_688 = arith.constant 0 : i32
        %dma_start3A_689 = tpu.memref_slice %arg8[%add3A_687, %dma_start3A_688] : memref<160x128xi32, #tpu.memory_space<vmem>> -> memref<1x128xi32, #tpu.memory_space<vmem>>
        %dma_start3A_690 = tpu.memref_squeeze %dma_start3A_689 : memref<1x128xi32, #tpu.memory_space<vmem>> -> memref<128xi32, #tpu.memory_space<vmem>>
        %dma_start3A_691 = arith.constant 0 : i32
        %dma_start3A_692 = arith.constant 0 : i32
        %dma_start3A_693 = tpu.memref_slice %arg7[%dma_start3A_691, %dma_start3A_692] : memref<20480x64xf32, #tpu.memory_space<hbm>> -> memref<20480x64xf32, #tpu.memory_space<hbm>>
        tpu.enqueue_indirect_dma source(%dma_start3A_693 : memref<20480x64xf32, #tpu.memory_space<hbm>>) target(%arg12 : memref<128x64xf32, #tpu.memory_space<vmem>>) offsets(%dma_start3A_690 : memref<128xi32, #tpu.memory_space<vmem>>) semaphore(%arg20 : memref<!tpu.dma_semaphore, #tpu.memory_space<semaphore_mem>>)
        %add3A_694 = arith.constant 3 : i32
        %add3A_695 = arith.addi %mul3A_633, %add3A_694 : i32
        %dma_wait3A_696 = arith.constant 0 : i32
        %dma_wait3A_697 = tpu.memref_slice %arg8[%add3A_695, %dma_wait3A_696] : memref<160x128xi32, #tpu.memory_space<vmem>> -> memref<1x128xi32, #tpu.memory_space<vmem>>
        %dma_wait3A_698 = tpu.memref_squeeze %dma_wait3A_697 : memref<1x128xi32, #tpu.memory_space<vmem>> -> memref<128xi32, #tpu.memory_space<vmem>>
        %dma_wait3A_699 = arith.constant 0 : i32
        %dma_wait3A_700 = arith.constant 0 : i32
        %dma_wait3A_701 = tpu.memref_slice %arg7[%dma_wait3A_699, %dma_wait3A_700] : memref<20480x64xf32, #tpu.memory_space<hbm>> -> memref<20480x64xf32, #tpu.memory_space<hbm>>
        tpu.wait_indirect_dma semaphore(%arg21 : memref<!tpu.dma_semaphore, #tpu.memory_space<semaphore_mem>>) src(%dma_wait3A_701 : memref<20480x64xf32, #tpu.memory_space<hbm>>) dst(%arg13 : memref<128x64xf32, #tpu.memory_space<vmem>>)
        %add3A_702 = arith.constant 3 : i32
        %add3A_703 = arith.addi %mul3A_633, %add3A_702 : i32
        "tpu.region"() ({
          %run_scoped3A_714 = tpu.sem_alloc : memref<!tpu.dma_semaphore, #tpu.memory_space<semaphore_mem>>
          %dma_start3A_715 = arith.constant 0 : i32
          %dma_start3A_716 = tpu.memref_slice %arg9[%add3A_703, %dma_start3A_715] : memref<160x128xi32, #tpu.memory_space<vmem>> -> memref<1x128xi32, #tpu.memory_space<vmem>>
          %dma_start3A_717 = tpu.memref_squeeze %dma_start3A_716 : memref<1x128xi32, #tpu.memory_space<vmem>> -> memref<128xi32, #tpu.memory_space<vmem>>
          %dma_start3A_718 = arith.constant 0 : i32
          %dma_start3A_719 = arith.constant 0 : i32
          %dma_start3A_720 = tpu.memref_slice %arg16[%dma_start3A_718, %dma_start3A_719] : memref<10256x64xf32, #tpu.memory_space<vmem_shared>> -> memref<10256x64xf32, #tpu.memory_space<vmem_shared>>
          tpu.enqueue_indirect_dma source(%arg13 : memref<128x64xf32, #tpu.memory_space<vmem>>) target(%dma_start3A_720 : memref<10256x64xf32, #tpu.memory_space<vmem_shared>>) offsets(%dma_start3A_717 : memref<128xi32, #tpu.memory_space<vmem>>) semaphore(%run_scoped3A_714 : memref<!tpu.dma_semaphore, #tpu.memory_space<semaphore_mem>>) {add = true}
          %dma_wait3A_721 = arith.constant 0 : i32
          %dma_wait3A_722 = tpu.memref_slice %arg9[%add3A_703, %dma_wait3A_721] : memref<160x128xi32, #tpu.memory_space<vmem>> -> memref<1x128xi32, #tpu.memory_space<vmem>>
          %dma_wait3A_723 = tpu.memref_squeeze %dma_wait3A_722 : memref<1x128xi32, #tpu.memory_space<vmem>> -> memref<128xi32, #tpu.memory_space<vmem>>
          %dma_wait3A_724 = arith.constant 0 : i32
          %dma_wait3A_725 = arith.constant 0 : i32
          %dma_wait3A_726 = tpu.memref_slice %arg16[%dma_wait3A_724, %dma_wait3A_725] : memref<10256x64xf32, #tpu.memory_space<vmem_shared>> -> memref<10256x64xf32, #tpu.memory_space<vmem_shared>>
          tpu.wait_indirect_dma semaphore(%run_scoped3A_714 : memref<!tpu.dma_semaphore, #tpu.memory_space<semaphore_mem>>) src(%arg13 : memref<128x64xf32, #tpu.memory_space<vmem>>) dst(%dma_wait3A_726 : memref<10256x64xf32, #tpu.memory_space<vmem_shared>>)
          tpu.yield
        }) : () -> ()
        %add3A_704 = arith.constant 3 : i32
        %add3A_705 = arith.addi %mul3A_633, %add3A_704 : i32
        %add3A_706 = arith.constant 4 : i32
        %add3A_707 = arith.addi %add3A_705, %add3A_706 : i32
        %dma_start3A_708 = arith.constant 0 : i32
        %dma_start3A_709 = tpu.memref_slice %arg8[%add3A_707, %dma_start3A_708] : memref<160x128xi32, #tpu.memory_space<vmem>> -> memref<1x128xi32, #tpu.memory_space<vmem>>
        %dma_start3A_710 = tpu.memref_squeeze %dma_start3A_709 : memref<1x128xi32, #tpu.memory_space<vmem>> -> memref<128xi32, #tpu.memory_space<vmem>>
        %dma_start3A_711 = arith.constant 0 : i32
        %dma_start3A_712 = arith.constant 0 : i32
        %dma_start3A_713 = tpu.memref_slice %arg7[%dma_start3A_711, %dma_start3A_712] : memref<20480x64xf32, #tpu.memory_space<hbm>> -> memref<20480x64xf32, #tpu.memory_space<hbm>>
        tpu.enqueue_indirect_dma source(%dma_start3A_713 : memref<20480x64xf32, #tpu.memory_space<hbm>>) target(%arg13 : memref<128x64xf32, #tpu.memory_space<vmem>>) offsets(%dma_start3A_710 : memref<128xi32, #tpu.memory_space<vmem>>) semaphore(%arg21 : memref<!tpu.dma_semaphore, #tpu.memory_space<semaphore_mem>>)
      }
      %scan3A_281 = arith.constant 39 : i32
      %dma_wait3A_282 = arith.constant 156 : i32
      %dma_wait3A_283 = arith.constant 0 : i32
      %dma_wait3A_284 = tpu.memref_slice %arg8[%dma_wait3A_282, %dma_wait3A_283] : memref<160x128xi32, #tpu.memory_space<vmem>> -> memref<1x128xi32, #tpu.memory_space<vmem>>
      %dma_wait3A_285 = tpu.memref_squeeze %dma_wait3A_284 : memref<1x128xi32, #tpu.memory_space<vmem>> -> memref<128xi32, #tpu.memory_space<vmem>>
      %dma_wait3A_286 = arith.constant 0 : i32
      %dma_wait3A_287 = arith.constant 0 : i32
      %dma_wait3A_288 = tpu.memref_slice %arg7[%dma_wait3A_286, %dma_wait3A_287] : memref<20480x64xf32, #tpu.memory_space<hbm>> -> memref<20480x64xf32, #tpu.memory_space<hbm>>
      tpu.wait_indirect_dma semaphore(%arg18 : memref<!tpu.dma_semaphore, #tpu.memory_space<semaphore_mem>>) src(%dma_wait3A_288 : memref<20480x64xf32, #tpu.memory_space<hbm>>) dst(%arg10 : memref<128x64xf32, #tpu.memory_space<vmem>>)
      %run_scoped3A = arith.constant 156 : i32
      "tpu.region"() ({
        %run_scoped3A_631 = tpu.sem_alloc : memref<!tpu.dma_semaphore, #tpu.memory_space<semaphore_mem>>
        %dma_start3A_632 = arith.constant 0 : i32
        %dma_start3A_633 = tpu.memref_slice %arg9[%run_scoped3A, %dma_start3A_632] : memref<160x128xi32, #tpu.memory_space<vmem>> -> memref<1x128xi32, #tpu.memory_space<vmem>>
        %dma_start3A_634 = tpu.memref_squeeze %dma_start3A_633 : memref<1x128xi32, #tpu.memory_space<vmem>> -> memref<128xi32, #tpu.memory_space<vmem>>
        %dma_start3A_635 = arith.constant 0 : i32
        %dma_start3A_636 = arith.constant 0 : i32
        %dma_start3A_637 = tpu.memref_slice %arg16[%dma_start3A_635, %dma_start3A_636] : memref<10256x64xf32, #tpu.memory_space<vmem_shared>> -> memref<10256x64xf32, #tpu.memory_space<vmem_shared>>
        tpu.enqueue_indirect_dma source(%arg10 : memref<128x64xf32, #tpu.memory_space<vmem>>) target(%dma_start3A_637 : memref<10256x64xf32, #tpu.memory_space<vmem_shared>>) offsets(%dma_start3A_634 : memref<128xi32, #tpu.memory_space<vmem>>) semaphore(%run_scoped3A_631 : memref<!tpu.dma_semaphore, #tpu.memory_space<semaphore_mem>>) {add = true}
        %dma_wait3A_638 = arith.constant 0 : i32
        %dma_wait3A_639 = tpu.memref_slice %arg9[%run_scoped3A, %dma_wait3A_638] : memref<160x128xi32, #tpu.memory_space<vmem>> -> memref<1x128xi32, #tpu.memory_space<vmem>>
        %dma_wait3A_640 = tpu.memref_squeeze %dma_wait3A_639 : memref<1x128xi32, #tpu.memory_space<vmem>> -> memref<128xi32, #tpu.memory_space<vmem>>
        %dma_wait3A_641 = arith.constant 0 : i32
        %dma_wait3A_642 = arith.constant 0 : i32
        %dma_wait3A_643 = tpu.memref_slice %arg16[%dma_wait3A_641, %dma_wait3A_642] : memref<10256x64xf32, #tpu.memory_space<vmem_shared>> -> memref<10256x64xf32, #tpu.memory_space<vmem_shared>>
        tpu.wait_indirect_dma semaphore(%run_scoped3A_631 : memref<!tpu.dma_semaphore, #tpu.memory_space<semaphore_mem>>) src(%arg10 : memref<128x64xf32, #tpu.memory_space<vmem>>) dst(%dma_wait3A_643 : memref<10256x64xf32, #tpu.memory_space<vmem_shared>>)
        tpu.yield
      }) : () -> ()
      %dma_wait3A_289 = arith.constant 157 : i32
      %dma_wait3A_290 = arith.constant 0 : i32
      %dma_wait3A_291 = tpu.memref_slice %arg8[%dma_wait3A_289, %dma_wait3A_290] : memref<160x128xi32, #tpu.memory_space<vmem>> -> memref<1x128xi32, #tpu.memory_space<vmem>>
      %dma_wait3A_292 = tpu.memref_squeeze %dma_wait3A_291 : memref<1x128xi32, #tpu.memory_space<vmem>> -> memref<128xi32, #tpu.memory_space<vmem>>
      %dma_wait3A_293 = arith.constant 0 : i32
      %dma_wait3A_294 = arith.constant 0 : i32
      %dma_wait3A_295 = tpu.memref_slice %arg7[%dma_wait3A_293, %dma_wait3A_294] : memref<20480x64xf32, #tpu.memory_space<hbm>> -> memref<20480x64xf32, #tpu.memory_space<hbm>>
      tpu.wait_indirect_dma semaphore(%arg19 : memref<!tpu.dma_semaphore, #tpu.memory_space<semaphore_mem>>) src(%dma_wait3A_295 : memref<20480x64xf32, #tpu.memory_space<hbm>>) dst(%arg11 : memref<128x64xf32, #tpu.memory_space<vmem>>)
      %run_scoped3A_296 = arith.constant 157 : i32
      "tpu.region"() ({
        %run_scoped3A_631 = tpu.sem_alloc : memref<!tpu.dma_semaphore, #tpu.memory_space<semaphore_mem>>
        %dma_start3A_632 = arith.constant 0 : i32
        %dma_start3A_633 = tpu.memref_slice %arg9[%run_scoped3A_296, %dma_start3A_632] : memref<160x128xi32, #tpu.memory_space<vmem>> -> memref<1x128xi32, #tpu.memory_space<vmem>>
        %dma_start3A_634 = tpu.memref_squeeze %dma_start3A_633 : memref<1x128xi32, #tpu.memory_space<vmem>> -> memref<128xi32, #tpu.memory_space<vmem>>
        %dma_start3A_635 = arith.constant 0 : i32
        %dma_start3A_636 = arith.constant 0 : i32
        %dma_start3A_637 = tpu.memref_slice %arg16[%dma_start3A_635, %dma_start3A_636] : memref<10256x64xf32, #tpu.memory_space<vmem_shared>> -> memref<10256x64xf32, #tpu.memory_space<vmem_shared>>
        tpu.enqueue_indirect_dma source(%arg11 : memref<128x64xf32, #tpu.memory_space<vmem>>) target(%dma_start3A_637 : memref<10256x64xf32, #tpu.memory_space<vmem_shared>>) offsets(%dma_start3A_634 : memref<128xi32, #tpu.memory_space<vmem>>) semaphore(%run_scoped3A_631 : memref<!tpu.dma_semaphore, #tpu.memory_space<semaphore_mem>>) {add = true}
        %dma_wait3A_638 = arith.constant 0 : i32
        %dma_wait3A_639 = tpu.memref_slice %arg9[%run_scoped3A_296, %dma_wait3A_638] : memref<160x128xi32, #tpu.memory_space<vmem>> -> memref<1x128xi32, #tpu.memory_space<vmem>>
        %dma_wait3A_640 = tpu.memref_squeeze %dma_wait3A_639 : memref<1x128xi32, #tpu.memory_space<vmem>> -> memref<128xi32, #tpu.memory_space<vmem>>
        %dma_wait3A_641 = arith.constant 0 : i32
        %dma_wait3A_642 = arith.constant 0 : i32
        %dma_wait3A_643 = tpu.memref_slice %arg16[%dma_wait3A_641, %dma_wait3A_642] : memref<10256x64xf32, #tpu.memory_space<vmem_shared>> -> memref<10256x64xf32, #tpu.memory_space<vmem_shared>>
        tpu.wait_indirect_dma semaphore(%run_scoped3A_631 : memref<!tpu.dma_semaphore, #tpu.memory_space<semaphore_mem>>) src(%arg11 : memref<128x64xf32, #tpu.memory_space<vmem>>) dst(%dma_wait3A_643 : memref<10256x64xf32, #tpu.memory_space<vmem_shared>>)
        tpu.yield
      }) : () -> ()
      %dma_wait3A_297 = arith.constant 158 : i32
      %dma_wait3A_298 = arith.constant 0 : i32
      %dma_wait3A_299 = tpu.memref_slice %arg8[%dma_wait3A_297, %dma_wait3A_298] : memref<160x128xi32, #tpu.memory_space<vmem>> -> memref<1x128xi32, #tpu.memory_space<vmem>>
      %dma_wait3A_300 = tpu.memref_squeeze %dma_wait3A_299 : memref<1x128xi32, #tpu.memory_space<vmem>> -> memref<128xi32, #tpu.memory_space<vmem>>
      %dma_wait3A_301 = arith.constant 0 : i32
      %dma_wait3A_302 = arith.constant 0 : i32
      %dma_wait3A_303 = tpu.memref_slice %arg7[%dma_wait3A_301, %dma_wait3A_302] : memref<20480x64xf32, #tpu.memory_space<hbm>> -> memref<20480x64xf32, #tpu.memory_space<hbm>>
      tpu.wait_indirect_dma semaphore(%arg20 : memref<!tpu.dma_semaphore, #tpu.memory_space<semaphore_mem>>) src(%dma_wait3A_303 : memref<20480x64xf32, #tpu.memory_space<hbm>>) dst(%arg12 : memref<128x64xf32, #tpu.memory_space<vmem>>)
      %run_scoped3A_304 = arith.constant 158 : i32
      "tpu.region"() ({
        %run_scoped3A_631 = tpu.sem_alloc : memref<!tpu.dma_semaphore, #tpu.memory_space<semaphore_mem>>
        %dma_start3A_632 = arith.constant 0 : i32
        %dma_start3A_633 = tpu.memref_slice %arg9[%run_scoped3A_304, %dma_start3A_632] : memref<160x128xi32, #tpu.memory_space<vmem>> -> memref<1x128xi32, #tpu.memory_space<vmem>>
        %dma_start3A_634 = tpu.memref_squeeze %dma_start3A_633 : memref<1x128xi32, #tpu.memory_space<vmem>> -> memref<128xi32, #tpu.memory_space<vmem>>
        %dma_start3A_635 = arith.constant 0 : i32
        %dma_start3A_636 = arith.constant 0 : i32
        %dma_start3A_637 = tpu.memref_slice %arg16[%dma_start3A_635, %dma_start3A_636] : memref<10256x64xf32, #tpu.memory_space<vmem_shared>> -> memref<10256x64xf32, #tpu.memory_space<vmem_shared>>
        tpu.enqueue_indirect_dma source(%arg12 : memref<128x64xf32, #tpu.memory_space<vmem>>) target(%dma_start3A_637 : memref<10256x64xf32, #tpu.memory_space<vmem_shared>>) offsets(%dma_start3A_634 : memref<128xi32, #tpu.memory_space<vmem>>) semaphore(%run_scoped3A_631 : memref<!tpu.dma_semaphore, #tpu.memory_space<semaphore_mem>>) {add = true}
        %dma_wait3A_638 = arith.constant 0 : i32
        %dma_wait3A_639 = tpu.memref_slice %arg9[%run_scoped3A_304, %dma_wait3A_638] : memref<160x128xi32, #tpu.memory_space<vmem>> -> memref<1x128xi32, #tpu.memory_space<vmem>>
        %dma_wait3A_640 = tpu.memref_squeeze %dma_wait3A_639 : memref<1x128xi32, #tpu.memory_space<vmem>> -> memref<128xi32, #tpu.memory_space<vmem>>
        %dma_wait3A_641 = arith.constant 0 : i32
        %dma_wait3A_642 = arith.constant 0 : i32
        %dma_wait3A_643 = tpu.memref_slice %arg16[%dma_wait3A_641, %dma_wait3A_642] : memref<10256x64xf32, #tpu.memory_space<vmem_shared>> -> memref<10256x64xf32, #tpu.memory_space<vmem_shared>>
        tpu.wait_indirect_dma semaphore(%run_scoped3A_631 : memref<!tpu.dma_semaphore, #tpu.memory_space<semaphore_mem>>) src(%arg12 : memref<128x64xf32, #tpu.memory_space<vmem>>) dst(%dma_wait3A_643 : memref<10256x64xf32, #tpu.memory_space<vmem_shared>>)
        tpu.yield
      }) : () -> ()
      %dma_wait3A_305 = arith.constant 159 : i32
      %dma_wait3A_306 = arith.constant 0 : i32
      %dma_wait3A_307 = tpu.memref_slice %arg8[%dma_wait3A_305, %dma_wait3A_306] : memref<160x128xi32, #tpu.memory_space<vmem>> -> memref<1x128xi32, #tpu.memory_space<vmem>>
      %dma_wait3A_308 = tpu.memref_squeeze %dma_wait3A_307 : memref<1x128xi32, #tpu.memory_space<vmem>> -> memref<128xi32, #tpu.memory_space<vmem>>
      %dma_wait3A_309 = arith.constant 0 : i32
      %dma_wait3A_310 = arith.constant 0 : i32
      %dma_wait3A_311 = tpu.memref_slice %arg7[%dma_wait3A_309, %dma_wait3A_310] : memref<20480x64xf32, #tpu.memory_space<hbm>> -> memref<20480x64xf32, #tpu.memory_space<hbm>>
      tpu.wait_indirect_dma semaphore(%arg21 : memref<!tpu.dma_semaphore, #tpu.memory_space<semaphore_mem>>) src(%dma_wait3A_311 : memref<20480x64xf32, #tpu.memory_space<hbm>>) dst(%arg13 : memref<128x64xf32, #tpu.memory_space<vmem>>)
      %run_scoped3A_312 = arith.constant 159 : i32
      "tpu.region"() ({
        %run_scoped3A_631 = tpu.sem_alloc : memref<!tpu.dma_semaphore, #tpu.memory_space<semaphore_mem>>
        %dma_start3A_632 = arith.constant 0 : i32
        %dma_start3A_633 = tpu.memref_slice %arg9[%run_scoped3A_312, %dma_start3A_632] : memref<160x128xi32, #tpu.memory_space<vmem>> -> memref<1x128xi32, #tpu.memory_space<vmem>>
        %dma_start3A_634 = tpu.memref_squeeze %dma_start3A_633 : memref<1x128xi32, #tpu.memory_space<vmem>> -> memref<128xi32, #tpu.memory_space<vmem>>
        %dma_start3A_635 = arith.constant 0 : i32
        %dma_start3A_636 = arith.constant 0 : i32
        %dma_start3A_637 = tpu.memref_slice %arg16[%dma_start3A_635, %dma_start3A_636] : memref<10256x64xf32, #tpu.memory_space<vmem_shared>> -> memref<10256x64xf32, #tpu.memory_space<vmem_shared>>
        tpu.enqueue_indirect_dma source(%arg13 : memref<128x64xf32, #tpu.memory_space<vmem>>) target(%dma_start3A_637 : memref<10256x64xf32, #tpu.memory_space<vmem_shared>>) offsets(%dma_start3A_634 : memref<128xi32, #tpu.memory_space<vmem>>) semaphore(%run_scoped3A_631 : memref<!tpu.dma_semaphore, #tpu.memory_space<semaphore_mem>>) {add = true}
        %dma_wait3A_638 = arith.constant 0 : i32
        %dma_wait3A_639 = tpu.memref_slice %arg9[%run_scoped3A_312, %dma_wait3A_638] : memref<160x128xi32, #tpu.memory_space<vmem>> -> memref<1x128xi32, #tpu.memory_space<vmem>>
        %dma_wait3A_640 = tpu.memref_squeeze %dma_wait3A_639 : memref<1x128xi32, #tpu.memory_space<vmem>> -> memref<128xi32, #tpu.memory_space<vmem>>
        %dma_wait3A_641 = arith.constant 0 : i32
        %dma_wait3A_642 = arith.constant 0 : i32
        %dma_wait3A_643 = tpu.memref_slice %arg16[%dma_wait3A_641, %dma_wait3A_642] : memref<10256x64xf32, #tpu.memory_space<vmem_shared>> -> memref<10256x64xf32, #tpu.memory_space<vmem_shared>>
        tpu.wait_indirect_dma semaphore(%run_scoped3A_631 : memref<!tpu.dma_semaphore, #tpu.memory_space<semaphore_mem>>) src(%arg13 : memref<128x64xf32, #tpu.memory_space<vmem>>) dst(%dma_wait3A_643 : memref<10256x64xf32, #tpu.memory_space<vmem_shared>>)
        tpu.yield
      }) : () -> ()
      %barrier3A_313 = arith.constant 0 : index
      tpu.barrier barrier_id(%barrier3A_313)
      %add3A_314 = arith.constant 1 : i32
      %add3A_315 = arith.addi %scan3A_247, %add3A_314 : i32
      %get3A_316 = arith.index_cast %add3A_315 : i32 to index
      %get3A_317 = arith.constant 0 : index
      %get3A_318 = tpu.vector_load %arg15[%get3A_316, %get3A_317] {strides = array<i32>} : memref<11x16xf32, #tpu.memory_space<vmem>>, vector<1x16xf32>,
      %get3A_319 = vector.shape_cast %get3A_318 : vector<1x16xf32> to vector<16xf32>
      %add3A_320 = arith.constant 0 : i32
      %add3A_321 = arith.addi %mul3A_0, %add3A_320 : i32
      %dma_start3A_322 = arith.constant 0 : i32
      %dma_start3A_323 = tpu.memref_slice %arg6[%arg0, %add3A_321, %dma_start3A_322] : memref<2x10240x64xf32, #tpu.memory_space<hbm>> -> memref<1x128x64xf32, #tpu.memory_space<hbm>>
      %dma_start3A_324 = tpu.memref_squeeze %dma_start3A_323 : memref<1x128x64xf32, #tpu.memory_space<hbm>> -> memref<128x64xf32, #tpu.memory_space<hbm>>
      %dma_start3A_325 = arith.constant 0 : i32
      %dma_start3A_326 = tpu.memref_slice %arg6[%arg0, %add3A_321, %dma_start3A_325] : memref<2x10240x64xf32, #tpu.memory_space<hbm>> -> memref<1x128x64xf32, #tpu.memory_space<hbm>>
      %dma_start3A_327 = tpu.memref_squeeze %dma_start3A_326 : memref<1x128x64xf32, #tpu.memory_space<hbm>> -> memref<128x64xf32, #tpu.memory_space<hbm>>
      tpu.enqueue_dma source(%dma_start3A_327 : memref<128x64xf32, #tpu.memory_space<hbm>>) target(%arg11 : memref<128x64xf32, #tpu.memory_space<vmem>>) target_semaphore(%arg18 : memref<!tpu.dma_semaphore, #tpu.memory_space<semaphore_mem>>)
      %add3A_328 = arith.constant 128 : i32
      %add3A_329 = arith.addi %mul3A_0, %add3A_328 : i32
      %dma_start3A_330 = arith.constant 0 : i32
      %dma_start3A_331 = tpu.memref_slice %arg6[%arg0, %add3A_329, %dma_start3A_330] : memref<2x10240x64xf32, #tpu.memory_space<hbm>> -> memref<1x128x64xf32, #tpu.memory_space<hbm>>
      %dma_start3A_332 = tpu.memref_squeeze %dma_start3A_331 : memref<1x128x64xf32, #tpu.memory_space<hbm>> -> memref<128x64xf32, #tpu.memory_space<hbm>>
      %dma_start3A_333 = arith.constant 0 : i32
      %dma_start3A_334 = tpu.memref_slice %arg6[%arg0, %add3A_329, %dma_start3A_333] : memref<2x10240x64xf32, #tpu.memory_space<hbm>> -> memref<1x128x64xf32, #tpu.memory_space<hbm>>
      %dma_start3A_335 = tpu.memref_squeeze %dma_start3A_334 : memref<1x128x64xf32, #tpu.memory_space<hbm>> -> memref<128x64xf32, #tpu.memory_space<hbm>>
      tpu.enqueue_dma source(%dma_start3A_335 : memref<128x64xf32, #tpu.memory_space<hbm>>) target(%arg13 : memref<128x64xf32, #tpu.memory_space<vmem>>) target_semaphore(%arg19 : memref<!tpu.dma_semaphore, #tpu.memory_space<semaphore_mem>>)
      %add3A_336 = arith.constant 0 : i32
      %add3A_337 = arith.addi %mul3A_0, %add3A_336 : i32
      "tpu.region"() ({
        %run_scoped3A_631 = tpu.sem_alloc : memref<!tpu.dma_semaphore, #tpu.memory_space<semaphore_mem>>
        %dma_start3A_632 = arith.constant 0 : i32
        %dma_start3A_633 = tpu.memref_slice %arg16[%add3A_337, %dma_start3A_632] : memref<10256x64xf32, #tpu.memory_space<vmem_shared>> -> memref<128x64xf32, #tpu.memory_space<vmem_shared>>
        %dma_start3A_634 = arith.constant 0 : i32
        %dma_start3A_635 = tpu.memref_slice %arg16[%add3A_337, %dma_start3A_634] : memref<10256x64xf32, #tpu.memory_space<vmem_shared>> -> memref<128x64xf32, #tpu.memory_space<vmem_shared>>
        tpu.enqueue_dma source(%dma_start3A_635 : memref<128x64xf32, #tpu.memory_space<vmem_shared>>) target(%arg10 : memref<128x64xf32, #tpu.memory_space<vmem>>) target_semaphore(%run_scoped3A_631 : memref<!tpu.dma_semaphore, #tpu.memory_space<semaphore_mem>>)
        %dma_wait3A_636 = arith.constant 0 : i32
        %dma_wait3A_637 = tpu.memref_slice %arg16[%add3A_337, %dma_wait3A_636] : memref<10256x64xf32, #tpu.memory_space<vmem_shared>> -> memref<128x64xf32, #tpu.memory_space<vmem_shared>>
        %dma_wait3A_638 = arith.constant 0 : i32
        %dma_wait3A_639 = tpu.memref_slice %arg16[%add3A_337, %dma_wait3A_638] : memref<10256x64xf32, #tpu.memory_space<vmem_shared>> -> memref<128x64xf32, #tpu.memory_space<vmem_shared>>
        tpu.wait_dma2 semaphore(%run_scoped3A_631 : memref<!tpu.dma_semaphore, #tpu.memory_space<semaphore_mem>>) src(%dma_wait3A_639 : memref<128x64xf32, #tpu.memory_space<vmem_shared>>) dst(%arg10 : memref<128x64xf32, #tpu.memory_space<vmem>>)
        tpu.yield
      }) : () -> ()
      %add3A_338 = arith.constant 0 : i32
      %add3A_339 = arith.addi %mul3A_0, %add3A_338 : i32
      "tpu.region"() ({
        %run_scoped3A_631 = tpu.sem_alloc : memref<!tpu.dma_semaphore, #tpu.memory_space<semaphore_mem>>
        %dma_start3A_632 = arith.constant 0 : i32
        %dma_start3A_633 = tpu.memref_slice %arg17[%add3A_339, %dma_start3A_632] : memref<10256x16xf32, #tpu.memory_space<vmem_shared>> -> memref<128x16xf32, #tpu.memory_space<vmem_shared>>
        %dma_start3A_634 = arith.constant 0 : i32
        %dma_start3A_635 = tpu.memref_slice %arg17[%add3A_339, %dma_start3A_634] : memref<10256x16xf32, #tpu.memory_space<vmem_shared>> -> memref<128x16xf32, #tpu.memory_space<vmem_shared>>
        tpu.enqueue_dma source(%dma_start3A_635 : memref<128x16xf32, #tpu.memory_space<vmem_shared>>) target(%arg14 : memref<128x16xf32, #tpu.memory_space<vmem>>) target_semaphore(%run_scoped3A_631 : memref<!tpu.dma_semaphore, #tpu.memory_space<semaphore_mem>>)
        %dma_wait3A_636 = arith.constant 0 : i32
        %dma_wait3A_637 = tpu.memref_slice %arg17[%add3A_339, %dma_wait3A_636] : memref<10256x16xf32, #tpu.memory_space<vmem_shared>> -> memref<128x16xf32, #tpu.memory_space<vmem_shared>>
        %dma_wait3A_638 = arith.constant 0 : i32
        %dma_wait3A_639 = tpu.memref_slice %arg17[%add3A_339, %dma_wait3A_638] : memref<10256x16xf32, #tpu.memory_space<vmem_shared>> -> memref<128x16xf32, #tpu.memory_space<vmem_shared>>
        tpu.wait_dma2 semaphore(%run_scoped3A_631 : memref<!tpu.dma_semaphore, #tpu.memory_space<semaphore_mem>>) src(%dma_wait3A_639 : memref<128x16xf32, #tpu.memory_space<vmem_shared>>) dst(%arg14 : memref<128x16xf32, #tpu.memory_space<vmem>>)
        tpu.yield
      }) : () -> ()
      %add3A_340 = arith.constant 0 : i32
      %add3A_341 = arith.addi %mul3A_0, %add3A_340 : i32
      %dma_wait3A_342 = arith.constant 0 : i32
      %dma_wait3A_343 = tpu.memref_slice %arg6[%arg0, %add3A_341, %dma_wait3A_342] : memref<2x10240x64xf32, #tpu.memory_space<hbm>> -> memref<1x128x64xf32, #tpu.memory_space<hbm>>
      %dma_wait3A_344 = tpu.memref_squeeze %dma_wait3A_343 : memref<1x128x64xf32, #tpu.memory_space<hbm>> -> memref<128x64xf32, #tpu.memory_space<hbm>>
      %dma_wait3A_345 = arith.constant 0 : i32
      %dma_wait3A_346 = tpu.memref_slice %arg6[%arg0, %add3A_341, %dma_wait3A_345] : memref<2x10240x64xf32, #tpu.memory_space<hbm>> -> memref<1x128x64xf32, #tpu.memory_space<hbm>>
      %dma_wait3A_347 = tpu.memref_squeeze %dma_wait3A_346 : memref<1x128x64xf32, #tpu.memory_space<hbm>> -> memref<128x64xf32, #tpu.memory_space<hbm>>
      tpu.wait_dma2 semaphore(%arg18 : memref<!tpu.dma_semaphore, #tpu.memory_space<semaphore_mem>>) src(%dma_wait3A_347 : memref<128x64xf32, #tpu.memory_space<hbm>>) dst(%arg11 : memref<128x64xf32, #tpu.memory_space<vmem>>)
      %scan3A_348 = arith.constant 0 : i32
      %scan3A_349 = arith.constant 0 : i32
      %scan3A_350 = arith.constant 128 : i32
      %scan3A_351 = arith.addi %scan3A_349, %scan3A_350 : i32
      %scan3A_352 = arith.constant 1 : i32
      scf.for %scan3A_631 = %scan3A_349 to %scan3A_351 step %scan3A_352  : i32 {
        %get3A_632 = arith.index_cast %scan3A_631 : i32 to index
        %get3A_633 = arith.constant 0 : index
        %get3A_634 = tpu.vector_load %arg14[%get3A_632, %get3A_633] {strides = array<i32>} : memref<128x16xf32, #tpu.memory_space<vmem>>, vector<1x16xf32>,
        %get3A_635 = vector.shape_cast %get3A_634 : vector<1x16xf32> to vector<16xf32>
        %get3A_636 = arith.index_cast %scan3A_631 : i32 to index
        %get3A_637 = arith.constant 0 : index
        %get3A_638 = tpu.vector_load %arg10[%get3A_636, %get3A_637] {strides = array<i32>} : memref<128x64xf32, #tpu.memory_space<vmem>>, vector<1x16xf32>,
        %get3A_639 = vector.shape_cast %get3A_638 : vector<1x16xf32> to vector<16xf32>
        %mul3A_640 = arith.mulf %get3A_639, %get3A_635 : vector<16xf32>
        %get3A_641 = arith.index_cast %scan3A_631 : i32 to index
        %get3A_642 = arith.constant 0 : index
        %get3A_643 = tpu.vector_load %arg11[%get3A_641, %get3A_642] {strides = array<i32>} : memref<128x64xf32, #tpu.memory_space<vmem>>, vector<1x16xf32>,
        %get3A_644 = vector.shape_cast %get3A_643 : vector<1x16xf32> to vector<16xf32>
        %mul3A_645 = arith.mulf %get3A_319, %mul3A_640 : vector<16xf32>
        %add3A_646 = arith.addf %get3A_644, %mul3A_645 : vector<16xf32>
        %swap3A = arith.index_cast %scan3A_631 : i32 to index
        %swap3A_647 = arith.constant 0 : index
        %swap3A_648 = tpu.vector_load %arg11[%swap3A, %swap3A_647] {strides = array<i32>} : memref<128x64xf32, #tpu.memory_space<vmem>>, vector<1x16xf32>,
        %swap3A_649 = vector.shape_cast %swap3A_648 : vector<1x16xf32> to vector<16xf32>
        %swap3A_650 = vector.shape_cast %add3A_646 : vector<16xf32> to vector<1x16xf32>
        tpu.vector_store %arg11[%swap3A, %swap3A_647], %swap3A_650 {strides = array<i32>} : memref<128x64xf32, #tpu.memory_space<vmem>>, vector<1x16xf32>,
        %mul3A_651 = arith.mulf %mul3A_640, %get3A_635 : vector<16xf32>
        %swap3A_652 = arith.index_cast %scan3A_631 : i32 to index
        %swap3A_653 = arith.constant 0 : index
        %swap3A_654 = tpu.vector_load %arg10[%swap3A_652, %swap3A_653] {strides = array<i32>} : memref<128x64xf32, #tpu.memory_space<vmem>>, vector<1x16xf32>,
        %swap3A_655 = vector.shape_cast %swap3A_654 : vector<1x16xf32> to vector<16xf32>
        %swap3A_656 = vector.shape_cast %mul3A_651 : vector<16xf32> to vector<1x16xf32>
        tpu.vector_store %arg10[%swap3A_652, %swap3A_653], %swap3A_656 {strides = array<i32>} : memref<128x64xf32, #tpu.memory_space<vmem>>, vector<1x16xf32>,
        %get3A_657 = arith.index_cast %scan3A_631 : i32 to index
        %get3A_658 = arith.constant 16 : index
        %get3A_659 = tpu.vector_load %arg10[%get3A_657, %get3A_658] {strides = array<i32>} : memref<128x64xf32, #tpu.memory_space<vmem>>, vector<1x16xf32>,
        %get3A_660 = vector.shape_cast %get3A_659 : vector<1x16xf32> to vector<16xf32>
        %mul3A_661 = arith.mulf %get3A_660, %get3A_635 : vector<16xf32>
        %get3A_662 = arith.index_cast %scan3A_631 : i32 to index
        %get3A_663 = arith.constant 16 : index
        %get3A_664 = tpu.vector_load %arg11[%get3A_662, %get3A_663] {strides = array<i32>} : memref<128x64xf32, #tpu.memory_space<vmem>>, vector<1x16xf32>,
        %get3A_665 = vector.shape_cast %get3A_664 : vector<1x16xf32> to vector<16xf32>
        %mul3A_666 = arith.mulf %get3A_319, %mul3A_661 : vector<16xf32>
        %add3A_667 = arith.addf %get3A_665, %mul3A_666 : vector<16xf32>
        %swap3A_668 = arith.index_cast %scan3A_631 : i32 to index
        %swap3A_669 = arith.constant 16 : index
        %swap3A_670 = tpu.vector_load %arg11[%swap3A_668, %swap3A_669] {strides = array<i32>} : memref<128x64xf32, #tpu.memory_space<vmem>>, vector<1x16xf32>,
        %swap3A_671 = vector.shape_cast %swap3A_670 : vector<1x16xf32> to vector<16xf32>
        %swap3A_672 = vector.shape_cast %add3A_667 : vector<16xf32> to vector<1x16xf32>
        tpu.vector_store %arg11[%swap3A_668, %swap3A_669], %swap3A_672 {strides = array<i32>} : memref<128x64xf32, #tpu.memory_space<vmem>>, vector<1x16xf32>,
        %mul3A_673 = arith.mulf %mul3A_661, %get3A_635 : vector<16xf32>
        %swap3A_674 = arith.index_cast %scan3A_631 : i32 to index
        %swap3A_675 = arith.constant 16 : index
        %swap3A_676 = tpu.vector_load %arg10[%swap3A_674, %swap3A_675] {strides = array<i32>} : memref<128x64xf32, #tpu.memory_space<vmem>>, vector<1x16xf32>,
        %swap3A_677 = vector.shape_cast %swap3A_676 : vector<1x16xf32> to vector<16xf32>
        %swap3A_678 = vector.shape_cast %mul3A_673 : vector<16xf32> to vector<1x16xf32>
        tpu.vector_store %arg10[%swap3A_674, %swap3A_675], %swap3A_678 {strides = array<i32>} : memref<128x64xf32, #tpu.memory_space<vmem>>, vector<1x16xf32>,
        %get3A_679 = arith.index_cast %scan3A_631 : i32 to index
        %get3A_680 = arith.constant 32 : index
        %get3A_681 = tpu.vector_load %arg10[%get3A_679, %get3A_680] {strides = array<i32>} : memref<128x64xf32, #tpu.memory_space<vmem>>, vector<1x16xf32>,
        %get3A_682 = vector.shape_cast %get3A_681 : vector<1x16xf32> to vector<16xf32>
        %mul3A_683 = arith.mulf %get3A_682, %get3A_635 : vector<16xf32>
        %get3A_684 = arith.index_cast %scan3A_631 : i32 to index
        %get3A_685 = arith.constant 32 : index
        %get3A_686 = tpu.vector_load %arg11[%get3A_684, %get3A_685] {strides = array<i32>} : memref<128x64xf32, #tpu.memory_space<vmem>>, vector<1x16xf32>,
        %get3A_687 = vector.shape_cast %get3A_686 : vector<1x16xf32> to vector<16xf32>
        %mul3A_688 = arith.mulf %get3A_319, %mul3A_683 : vector<16xf32>
        %add3A_689 = arith.addf %get3A_687, %mul3A_688 : vector<16xf32>
        %swap3A_690 = arith.index_cast %scan3A_631 : i32 to index
        %swap3A_691 = arith.constant 32 : index
        %swap3A_692 = tpu.vector_load %arg11[%swap3A_690, %swap3A_691] {strides = array<i32>} : memref<128x64xf32, #tpu.memory_space<vmem>>, vector<1x16xf32>,
        %swap3A_693 = vector.shape_cast %swap3A_692 : vector<1x16xf32> to vector<16xf32>
        %swap3A_694 = vector.shape_cast %add3A_689 : vector<16xf32> to vector<1x16xf32>
        tpu.vector_store %arg11[%swap3A_690, %swap3A_691], %swap3A_694 {strides = array<i32>} : memref<128x64xf32, #tpu.memory_space<vmem>>, vector<1x16xf32>,
        %mul3A_695 = arith.mulf %mul3A_683, %get3A_635 : vector<16xf32>
        %swap3A_696 = arith.index_cast %scan3A_631 : i32 to index
        %swap3A_697 = arith.constant 32 : index
        %swap3A_698 = tpu.vector_load %arg10[%swap3A_696, %swap3A_697] {strides = array<i32>} : memref<128x64xf32, #tpu.memory_space<vmem>>, vector<1x16xf32>,
        %swap3A_699 = vector.shape_cast %swap3A_698 : vector<1x16xf32> to vector<16xf32>
        %swap3A_700 = vector.shape_cast %mul3A_695 : vector<16xf32> to vector<1x16xf32>
        tpu.vector_store %arg10[%swap3A_696, %swap3A_697], %swap3A_700 {strides = array<i32>} : memref<128x64xf32, #tpu.memory_space<vmem>>, vector<1x16xf32>,
        %get3A_701 = arith.index_cast %scan3A_631 : i32 to index
        %get3A_702 = arith.constant 48 : index
        %get3A_703 = tpu.vector_load %arg10[%get3A_701, %get3A_702] {strides = array<i32>} : memref<128x64xf32, #tpu.memory_space<vmem>>, vector<1x16xf32>,
        %get3A_704 = vector.shape_cast %get3A_703 : vector<1x16xf32> to vector<16xf32>
        %mul3A_705 = arith.mulf %get3A_704, %get3A_635 : vector<16xf32>
        %get3A_706 = arith.index_cast %scan3A_631 : i32 to index
        %get3A_707 = arith.constant 48 : index
        %get3A_708 = tpu.vector_load %arg11[%get3A_706, %get3A_707] {strides = array<i32>} : memref<128x64xf32, #tpu.memory_space<vmem>>, vector<1x16xf32>,
        %get3A_709 = vector.shape_cast %get3A_708 : vector<1x16xf32> to vector<16xf32>
        %mul3A_710 = arith.mulf %get3A_319, %mul3A_705 : vector<16xf32>
        %add3A_711 = arith.addf %get3A_709, %mul3A_710 : vector<16xf32>
        %swap3A_712 = arith.index_cast %scan3A_631 : i32 to index
        %swap3A_713 = arith.constant 48 : index
        %swap3A_714 = tpu.vector_load %arg11[%swap3A_712, %swap3A_713] {strides = array<i32>} : memref<128x64xf32, #tpu.memory_space<vmem>>, vector<1x16xf32>,
        %swap3A_715 = vector.shape_cast %swap3A_714 : vector<1x16xf32> to vector<16xf32>
        %swap3A_716 = vector.shape_cast %add3A_711 : vector<16xf32> to vector<1x16xf32>
        tpu.vector_store %arg11[%swap3A_712, %swap3A_713], %swap3A_716 {strides = array<i32>} : memref<128x64xf32, #tpu.memory_space<vmem>>, vector<1x16xf32>,
        %mul3A_717 = arith.mulf %mul3A_705, %get3A_635 : vector<16xf32>
        %swap3A_718 = arith.index_cast %scan3A_631 : i32 to index
        %swap3A_719 = arith.constant 48 : index
        %swap3A_720 = tpu.vector_load %arg10[%swap3A_718, %swap3A_719] {strides = array<i32>} : memref<128x64xf32, #tpu.memory_space<vmem>>, vector<1x16xf32>,
        %swap3A_721 = vector.shape_cast %swap3A_720 : vector<1x16xf32> to vector<16xf32>
        %swap3A_722 = vector.shape_cast %mul3A_717 : vector<16xf32> to vector<1x16xf32>
        tpu.vector_store %arg10[%swap3A_718, %swap3A_719], %swap3A_722 {strides = array<i32>} : memref<128x64xf32, #tpu.memory_space<vmem>>, vector<1x16xf32>,
      }
      %scan3A_353 = arith.constant 128 : i32
      %add3A_354 = arith.constant 0 : i32
      %add3A_355 = arith.addi %mul3A_0, %add3A_354 : i32
      %dma_start3A_356 = arith.constant 0 : i32
      %dma_start3A_357 = tpu.memref_slice %arg6[%arg0, %add3A_355, %dma_start3A_356] : memref<2x10240x64xf32, #tpu.memory_space<hbm>> -> memref<1x128x64xf32, #tpu.memory_space<hbm>>
      %dma_start3A_358 = tpu.memref_squeeze %dma_start3A_357 : memref<1x128x64xf32, #tpu.memory_space<hbm>> -> memref<128x64xf32, #tpu.memory_space<hbm>>
      %dma_start3A_359 = arith.constant 0 : i32
      %dma_start3A_360 = tpu.memref_slice %arg6[%arg0, %add3A_355, %dma_start3A_359] : memref<2x10240x64xf32, #tpu.memory_space<hbm>> -> memref<1x128x64xf32, #tpu.memory_space<hbm>>
      %dma_start3A_361 = tpu.memref_squeeze %dma_start3A_360 : memref<1x128x64xf32, #tpu.memory_space<hbm>> -> memref<128x64xf32, #tpu.memory_space<hbm>>
      tpu.enqueue_dma source(%arg11 : memref<128x64xf32, #tpu.memory_space<vmem>>) target(%dma_start3A_361 : memref<128x64xf32, #tpu.memory_space<hbm>>) target_semaphore(%arg20 : memref<!tpu.dma_semaphore, #tpu.memory_space<semaphore_mem>>)
      %mul3A_362 = arith.constant 10240 : i32
      %mul3A_363 = arith.muli %arg0, %mul3A_362 : i32
      %add3A_364 = arith.addi %mul3A_363, %mul3A_0 : i32
      %add3A_365 = arith.constant 0 : i32
      %add3A_366 = arith.addi %add3A_364, %add3A_365 : i32
      %dma_start3A_367 = arith.constant 0 : i32
      %dma_start3A_368 = tpu.memref_slice %arg7[%add3A_366, %dma_start3A_367] : memref<20480x64xf32, #tpu.memory_space<hbm>> -> memref<128x64xf32, #tpu.memory_space<hbm>>
      %dma_start3A_369 = arith.constant 0 : i32
      %dma_start3A_370 = tpu.memref_slice %arg7[%add3A_366, %dma_start3A_369] : memref<20480x64xf32, #tpu.memory_space<hbm>> -> memref<128x64xf32, #tpu.memory_space<hbm>>
      tpu.enqueue_dma source(%arg10 : memref<128x64xf32, #tpu.memory_space<vmem>>) target(%dma_start3A_370 : memref<128x64xf32, #tpu.memory_space<hbm>>) target_semaphore(%arg20 : memref<!tpu.dma_semaphore, #tpu.memory_space<semaphore_mem>>)
      %add3A_371 = arith.constant 0 : i32
      %add3A_372 = arith.addi %mul3A_0, %add3A_371 : i32
      "tpu.region"() ({
        %run_scoped3A_631 = tpu.sem_alloc : memref<!tpu.dma_semaphore, #tpu.memory_space<semaphore_mem>>
        %dma_start3A_632 = arith.constant 0 : i32
        %dma_start3A_633 = tpu.memref_slice %arg16[%add3A_372, %dma_start3A_632] : memref<10256x64xf32, #tpu.memory_space<vmem_shared>> -> memref<128x64xf32, #tpu.memory_space<vmem_shared>>
        %dma_start3A_634 = arith.constant 0 : i32
        %dma_start3A_635 = tpu.memref_slice %arg16[%add3A_372, %dma_start3A_634] : memref<10256x64xf32, #tpu.memory_space<vmem_shared>> -> memref<128x64xf32, #tpu.memory_space<vmem_shared>>
        tpu.enqueue_dma source(%arg10 : memref<128x64xf32, #tpu.memory_space<vmem>>) target(%dma_start3A_635 : memref<128x64xf32, #tpu.memory_space<vmem_shared>>) target_semaphore(%run_scoped3A_631 : memref<!tpu.dma_semaphore, #tpu.memory_space<semaphore_mem>>)
        %dma_wait3A_636 = arith.constant 0 : i32
        %dma_wait3A_637 = tpu.memref_slice %arg16[%add3A_372, %dma_wait3A_636] : memref<10256x64xf32, #tpu.memory_space<vmem_shared>> -> memref<128x64xf32, #tpu.memory_space<vmem_shared>>
        %dma_wait3A_638 = arith.constant 0 : i32
        %dma_wait3A_639 = tpu.memref_slice %arg16[%add3A_372, %dma_wait3A_638] : memref<10256x64xf32, #tpu.memory_space<vmem_shared>> -> memref<128x64xf32, #tpu.memory_space<vmem_shared>>
        tpu.wait_dma2 semaphore(%run_scoped3A_631 : memref<!tpu.dma_semaphore, #tpu.memory_space<semaphore_mem>>) src(%arg10 : memref<128x64xf32, #tpu.memory_space<vmem>>) dst(%dma_wait3A_639 : memref<128x64xf32, #tpu.memory_space<vmem_shared>>)
        tpu.yield
      }) : () -> ()
      %add3A_373 = arith.constant 0 : i32
      %add3A_374 = arith.addi %mul3A_0, %add3A_373 : i32
      %dma_wait3A_375 = arith.constant 0 : i32
      %dma_wait3A_376 = tpu.memref_slice %arg6[%arg0, %add3A_374, %dma_wait3A_375] : memref<2x10240x64xf32, #tpu.memory_space<hbm>> -> memref<1x128x64xf32, #tpu.memory_space<hbm>>
      %dma_wait3A_377 = tpu.memref_squeeze %dma_wait3A_376 : memref<1x128x64xf32, #tpu.memory_space<hbm>> -> memref<128x64xf32, #tpu.memory_space<hbm>>
      %dma_wait3A_378 = arith.constant 0 : i32
      %dma_wait3A_379 = tpu.memref_slice %arg6[%arg0, %add3A_374, %dma_wait3A_378] : memref<2x10240x64xf32, #tpu.memory_space<hbm>> -> memref<1x128x64xf32, #tpu.memory_space<hbm>>
      %dma_wait3A_380 = tpu.memref_squeeze %dma_wait3A_379 : memref<1x128x64xf32, #tpu.memory_space<hbm>> -> memref<128x64xf32, #tpu.memory_space<hbm>>
      tpu.wait_dma2 semaphore(%arg20 : memref<!tpu.dma_semaphore, #tpu.memory_space<semaphore_mem>>) src(%arg11 : memref<128x64xf32, #tpu.memory_space<vmem>>) dst(%dma_wait3A_380 : memref<128x64xf32, #tpu.memory_space<hbm>>)
      %mul3A_381 = arith.constant 10240 : i32
      %mul3A_382 = arith.muli %arg0, %mul3A_381 : i32
      %add3A_383 = arith.addi %mul3A_382, %mul3A_0 : i32
      %add3A_384 = arith.constant 0 : i32
      %add3A_385 = arith.addi %add3A_383, %add3A_384 : i32
      %dma_wait3A_386 = arith.constant 0 : i32
      %dma_wait3A_387 = tpu.memref_slice %arg7[%add3A_385, %dma_wait3A_386] : memref<20480x64xf32, #tpu.memory_space<hbm>> -> memref<128x64xf32, #tpu.memory_space<hbm>>
      %dma_wait3A_388 = arith.constant 0 : i32
      %dma_wait3A_389 = tpu.memref_slice %arg7[%add3A_385, %dma_wait3A_388] : memref<20480x64xf32, #tpu.memory_space<hbm>> -> memref<128x64xf32, #tpu.memory_space<hbm>>
      tpu.wait_dma2 semaphore(%arg20 : memref<!tpu.dma_semaphore, #tpu.memory_space<semaphore_mem>>) src(%arg10 : memref<128x64xf32, #tpu.memory_space<vmem>>) dst(%dma_wait3A_389 : memref<128x64xf32, #tpu.memory_space<hbm>>)
      %add3A_390 = arith.constant 256 : i32
      %add3A_391 = arith.addi %mul3A_0, %add3A_390 : i32
      %dma_start3A_392 = arith.constant 0 : i32
      %dma_start3A_393 = tpu.memref_slice %arg6[%arg0, %add3A_391, %dma_start3A_392] : memref<2x10240x64xf32, #tpu.memory_space<hbm>> -> memref<1x128x64xf32, #tpu.memory_space<hbm>>
      %dma_start3A_394 = tpu.memref_squeeze %dma_start3A_393 : memref<1x128x64xf32, #tpu.memory_space<hbm>> -> memref<128x64xf32, #tpu.memory_space<hbm>>
      %dma_start3A_395 = arith.constant 0 : i32
      %dma_start3A_396 = tpu.memref_slice %arg6[%arg0, %add3A_391, %dma_start3A_395] : memref<2x10240x64xf32, #tpu.memory_space<hbm>> -> memref<1x128x64xf32, #tpu.memory_space<hbm>>
      %dma_start3A_397 = tpu.memref_squeeze %dma_start3A_396 : memref<1x128x64xf32, #tpu.memory_space<hbm>> -> memref<128x64xf32, #tpu.memory_space<hbm>>
      tpu.enqueue_dma source(%dma_start3A_397 : memref<128x64xf32, #tpu.memory_space<hbm>>) target(%arg11 : memref<128x64xf32, #tpu.memory_space<vmem>>) target_semaphore(%arg18 : memref<!tpu.dma_semaphore, #tpu.memory_space<semaphore_mem>>)
      %add3A_398 = arith.constant 128 : i32
      %add3A_399 = arith.addi %mul3A_0, %add3A_398 : i32
      "tpu.region"() ({
        %run_scoped3A_631 = tpu.sem_alloc : memref<!tpu.dma_semaphore, #tpu.memory_space<semaphore_mem>>
        %dma_start3A_632 = arith.constant 0 : i32
        %dma_start3A_633 = tpu.memref_slice %arg16[%add3A_399, %dma_start3A_632] : memref<10256x64xf32, #tpu.memory_space<vmem_shared>> -> memref<128x64xf32, #tpu.memory_space<vmem_shared>>
        %dma_start3A_634 = arith.constant 0 : i32
        %dma_start3A_635 = tpu.memref_slice %arg16[%add3A_399, %dma_start3A_634] : memref<10256x64xf32, #tpu.memory_space<vmem_shared>> -> memref<128x64xf32, #tpu.memory_space<vmem_shared>>
        tpu.enqueue_dma source(%dma_start3A_635 : memref<128x64xf32, #tpu.memory_space<vmem_shared>>) target(%arg12 : memref<128x64xf32, #tpu.memory_space<vmem>>) target_semaphore(%run_scoped3A_631 : memref<!tpu.dma_semaphore, #tpu.memory_space<semaphore_mem>>)
        %dma_wait3A_636 = arith.constant 0 : i32
        %dma_wait3A_637 = tpu.memref_slice %arg16[%add3A_399, %dma_wait3A_636] : memref<10256x64xf32, #tpu.memory_space<vmem_shared>> -> memref<128x64xf32, #tpu.memory_space<vmem_shared>>
        %dma_wait3A_638 = arith.constant 0 : i32
        %dma_wait3A_639 = tpu.memref_slice %arg16[%add3A_399, %dma_wait3A_638] : memref<10256x64xf32, #tpu.memory_space<vmem_shared>> -> memref<128x64xf32, #tpu.memory_space<vmem_shared>>
        tpu.wait_dma2 semaphore(%run_scoped3A_631 : memref<!tpu.dma_semaphore, #tpu.memory_space<semaphore_mem>>) src(%dma_wait3A_639 : memref<128x64xf32, #tpu.memory_space<vmem_shared>>) dst(%arg12 : memref<128x64xf32, #tpu.memory_space<vmem>>)
        tpu.yield
      }) : () -> ()
      %add3A_400 = arith.constant 128 : i32
      %add3A_401 = arith.addi %mul3A_0, %add3A_400 : i32
      "tpu.region"() ({
        %run_scoped3A_631 = tpu.sem_alloc : memref<!tpu.dma_semaphore, #tpu.memory_space<semaphore_mem>>
        %dma_start3A_632 = arith.constant 0 : i32
        %dma_start3A_633 = tpu.memref_slice %arg17[%add3A_401, %dma_start3A_632] : memref<10256x16xf32, #tpu.memory_space<vmem_shared>> -> memref<128x16xf32, #tpu.memory_space<vmem_shared>>
        %dma_start3A_634 = arith.constant 0 : i32
        %dma_start3A_635 = tpu.memref_slice %arg17[%add3A_401, %dma_start3A_634] : memref<10256x16xf32, #tpu.memory_space<vmem_shared>> -> memref<128x16xf32, #tpu.memory_space<vmem_shared>>
        tpu.enqueue_dma source(%dma_start3A_635 : memref<128x16xf32, #tpu.memory_space<vmem_shared>>) target(%arg14 : memref<128x16xf32, #tpu.memory_space<vmem>>) target_semaphore(%run_scoped3A_631 : memref<!tpu.dma_semaphore, #tpu.memory_space<semaphore_mem>>)
        %dma_wait3A_636 = arith.constant 0 : i32
        %dma_wait3A_637 = tpu.memref_slice %arg17[%add3A_401, %dma_wait3A_636] : memref<10256x16xf32, #tpu.memory_space<vmem_shared>> -> memref<128x16xf32, #tpu.memory_space<vmem_shared>>
        %dma_wait3A_638 = arith.constant 0 : i32
        %dma_wait3A_639 = tpu.memref_slice %arg17[%add3A_401, %dma_wait3A_638] : memref<10256x16xf32, #tpu.memory_space<vmem_shared>> -> memref<128x16xf32, #tpu.memory_space<vmem_shared>>
        tpu.wait_dma2 semaphore(%run_scoped3A_631 : memref<!tpu.dma_semaphore, #tpu.memory_space<semaphore_mem>>) src(%dma_wait3A_639 : memref<128x16xf32, #tpu.memory_space<vmem_shared>>) dst(%arg14 : memref<128x16xf32, #tpu.memory_space<vmem>>)
        tpu.yield
      }) : () -> ()
      %add3A_402 = arith.constant 128 : i32
      %add3A_403 = arith.addi %mul3A_0, %add3A_402 : i32
      %dma_wait3A_404 = arith.constant 0 : i32
      %dma_wait3A_405 = tpu.memref_slice %arg6[%arg0, %add3A_403, %dma_wait3A_404] : memref<2x10240x64xf32, #tpu.memory_space<hbm>> -> memref<1x128x64xf32, #tpu.memory_space<hbm>>
      %dma_wait3A_406 = tpu.memref_squeeze %dma_wait3A_405 : memref<1x128x64xf32, #tpu.memory_space<hbm>> -> memref<128x64xf32, #tpu.memory_space<hbm>>
      %dma_wait3A_407 = arith.constant 0 : i32
      %dma_wait3A_408 = tpu.memref_slice %arg6[%arg0, %add3A_403, %dma_wait3A_407] : memref<2x10240x64xf32, #tpu.memory_space<hbm>> -> memref<1x128x64xf32, #tpu.memory_space<hbm>>
      %dma_wait3A_409 = tpu.memref_squeeze %dma_wait3A_408 : memref<1x128x64xf32, #tpu.memory_space<hbm>> -> memref<128x64xf32, #tpu.memory_space<hbm>>
      tpu.wait_dma2 semaphore(%arg19 : memref<!tpu.dma_semaphore, #tpu.memory_space<semaphore_mem>>) src(%dma_wait3A_409 : memref<128x64xf32, #tpu.memory_space<hbm>>) dst(%arg13 : memref<128x64xf32, #tpu.memory_space<vmem>>)
      %scan3A_410 = arith.constant 0 : i32
      %scan3A_411 = arith.constant 0 : i32
      %scan3A_412 = arith.constant 128 : i32
      %scan3A_413 = arith.addi %scan3A_411, %scan3A_412 : i32
      %scan3A_414 = arith.constant 1 : i32
      scf.for %scan3A_631 = %scan3A_411 to %scan3A_413 step %scan3A_414  : i32 {
        %get3A_632 = arith.index_cast %scan3A_631 : i32 to index
        %get3A_633 = arith.constant 0 : index
        %get3A_634 = tpu.vector_load %arg14[%get3A_632, %get3A_633] {strides = array<i32>} : memref<128x16xf32, #tpu.memory_space<vmem>>, vector<1x16xf32>,
        %get3A_635 = vector.shape_cast %get3A_634 : vector<1x16xf32> to vector<16xf32>
        %get3A_636 = arith.index_cast %scan3A_631 : i32 to index
        %get3A_637 = arith.constant 0 : index
        %get3A_638 = tpu.vector_load %arg12[%get3A_636, %get3A_637] {strides = array<i32>} : memref<128x64xf32, #tpu.memory_space<vmem>>, vector<1x16xf32>,
        %get3A_639 = vector.shape_cast %get3A_638 : vector<1x16xf32> to vector<16xf32>
        %mul3A_640 = arith.mulf %get3A_639, %get3A_635 : vector<16xf32>
        %get3A_641 = arith.index_cast %scan3A_631 : i32 to index
        %get3A_642 = arith.constant 0 : index
        %get3A_643 = tpu.vector_load %arg13[%get3A_641, %get3A_642] {strides = array<i32>} : memref<128x64xf32, #tpu.memory_space<vmem>>, vector<1x16xf32>,
        %get3A_644 = vector.shape_cast %get3A_643 : vector<1x16xf32> to vector<16xf32>
        %mul3A_645 = arith.mulf %get3A_319, %mul3A_640 : vector<16xf32>
        %add3A_646 = arith.addf %get3A_644, %mul3A_645 : vector<16xf32>
        %swap3A = arith.index_cast %scan3A_631 : i32 to index
        %swap3A_647 = arith.constant 0 : index
        %swap3A_648 = tpu.vector_load %arg13[%swap3A, %swap3A_647] {strides = array<i32>} : memref<128x64xf32, #tpu.memory_space<vmem>>, vector<1x16xf32>,
        %swap3A_649 = vector.shape_cast %swap3A_648 : vector<1x16xf32> to vector<16xf32>
        %swap3A_650 = vector.shape_cast %add3A_646 : vector<16xf32> to vector<1x16xf32>
        tpu.vector_store %arg13[%swap3A, %swap3A_647], %swap3A_650 {strides = array<i32>} : memref<128x64xf32, #tpu.memory_space<vmem>>, vector<1x16xf32>,
        %mul3A_651 = arith.mulf %mul3A_640, %get3A_635 : vector<16xf32>
        %swap3A_652 = arith.index_cast %scan3A_631 : i32 to index
        %swap3A_653 = arith.constant 0 : index
        %swap3A_654 = tpu.vector_load %arg12[%swap3A_652, %swap3A_653] {strides = array<i32>} : memref<128x64xf32, #tpu.memory_space<vmem>>, vector<1x16xf32>,
        %swap3A_655 = vector.shape_cast %swap3A_654 : vector<1x16xf32> to vector<16xf32>
        %swap3A_656 = vector.shape_cast %mul3A_651 : vector<16xf32> to vector<1x16xf32>
        tpu.vector_store %arg12[%swap3A_652, %swap3A_653], %swap3A_656 {strides = array<i32>} : memref<128x64xf32, #tpu.memory_space<vmem>>, vector<1x16xf32>,
        %get3A_657 = arith.index_cast %scan3A_631 : i32 to index
        %get3A_658 = arith.constant 16 : index
        %get3A_659 = tpu.vector_load %arg12[%get3A_657, %get3A_658] {strides = array<i32>} : memref<128x64xf32, #tpu.memory_space<vmem>>, vector<1x16xf32>,
        %get3A_660 = vector.shape_cast %get3A_659 : vector<1x16xf32> to vector<16xf32>
        %mul3A_661 = arith.mulf %get3A_660, %get3A_635 : vector<16xf32>
        %get3A_662 = arith.index_cast %scan3A_631 : i32 to index
        %get3A_663 = arith.constant 16 : index
        %get3A_664 = tpu.vector_load %arg13[%get3A_662, %get3A_663] {strides = array<i32>} : memref<128x64xf32, #tpu.memory_space<vmem>>, vector<1x16xf32>,
        %get3A_665 = vector.shape_cast %get3A_664 : vector<1x16xf32> to vector<16xf32>
        %mul3A_666 = arith.mulf %get3A_319, %mul3A_661 : vector<16xf32>
        %add3A_667 = arith.addf %get3A_665, %mul3A_666 : vector<16xf32>
        %swap3A_668 = arith.index_cast %scan3A_631 : i32 to index
        %swap3A_669 = arith.constant 16 : index
        %swap3A_670 = tpu.vector_load %arg13[%swap3A_668, %swap3A_669] {strides = array<i32>} : memref<128x64xf32, #tpu.memory_space<vmem>>, vector<1x16xf32>,
        %swap3A_671 = vector.shape_cast %swap3A_670 : vector<1x16xf32> to vector<16xf32>
        %swap3A_672 = vector.shape_cast %add3A_667 : vector<16xf32> to vector<1x16xf32>
        tpu.vector_store %arg13[%swap3A_668, %swap3A_669], %swap3A_672 {strides = array<i32>} : memref<128x64xf32, #tpu.memory_space<vmem>>, vector<1x16xf32>,
        %mul3A_673 = arith.mulf %mul3A_661, %get3A_635 : vector<16xf32>
        %swap3A_674 = arith.index_cast %scan3A_631 : i32 to index
        %swap3A_675 = arith.constant 16 : index
        %swap3A_676 = tpu.vector_load %arg12[%swap3A_674, %swap3A_675] {strides = array<i32>} : memref<128x64xf32, #tpu.memory_space<vmem>>, vector<1x16xf32>,
        %swap3A_677 = vector.shape_cast %swap3A_676 : vector<1x16xf32> to vector<16xf32>
        %swap3A_678 = vector.shape_cast %mul3A_673 : vector<16xf32> to vector<1x16xf32>
        tpu.vector_store %arg12[%swap3A_674, %swap3A_675], %swap3A_678 {strides = array<i32>} : memref<128x64xf32, #tpu.memory_space<vmem>>, vector<1x16xf32>,
        %get3A_679 = arith.index_cast %scan3A_631 : i32 to index
        %get3A_680 = arith.constant 32 : index
        %get3A_681 = tpu.vector_load %arg12[%get3A_679, %get3A_680] {strides = array<i32>} : memref<128x64xf32, #tpu.memory_space<vmem>>, vector<1x16xf32>,
        %get3A_682 = vector.shape_cast %get3A_681 : vector<1x16xf32> to vector<16xf32>
        %mul3A_683 = arith.mulf %get3A_682, %get3A_635 : vector<16xf32>
        %get3A_684 = arith.index_cast %scan3A_631 : i32 to index
        %get3A_685 = arith.constant 32 : index
        %get3A_686 = tpu.vector_load %arg13[%get3A_684, %get3A_685] {strides = array<i32>} : memref<128x64xf32, #tpu.memory_space<vmem>>, vector<1x16xf32>,
        %get3A_687 = vector.shape_cast %get3A_686 : vector<1x16xf32> to vector<16xf32>
        %mul3A_688 = arith.mulf %get3A_319, %mul3A_683 : vector<16xf32>
        %add3A_689 = arith.addf %get3A_687, %mul3A_688 : vector<16xf32>
        %swap3A_690 = arith.index_cast %scan3A_631 : i32 to index
        %swap3A_691 = arith.constant 32 : index
        %swap3A_692 = tpu.vector_load %arg13[%swap3A_690, %swap3A_691] {strides = array<i32>} : memref<128x64xf32, #tpu.memory_space<vmem>>, vector<1x16xf32>,
        %swap3A_693 = vector.shape_cast %swap3A_692 : vector<1x16xf32> to vector<16xf32>
        %swap3A_694 = vector.shape_cast %add3A_689 : vector<16xf32> to vector<1x16xf32>
        tpu.vector_store %arg13[%swap3A_690, %swap3A_691], %swap3A_694 {strides = array<i32>} : memref<128x64xf32, #tpu.memory_space<vmem>>, vector<1x16xf32>,
        %mul3A_695 = arith.mulf %mul3A_683, %get3A_635 : vector<16xf32>
        %swap3A_696 = arith.index_cast %scan3A_631 : i32 to index
        %swap3A_697 = arith.constant 32 : index
        %swap3A_698 = tpu.vector_load %arg12[%swap3A_696, %swap3A_697] {strides = array<i32>} : memref<128x64xf32, #tpu.memory_space<vmem>>, vector<1x16xf32>,
        %swap3A_699 = vector.shape_cast %swap3A_698 : vector<1x16xf32> to vector<16xf32>
        %swap3A_700 = vector.shape_cast %mul3A_695 : vector<16xf32> to vector<1x16xf32>
        tpu.vector_store %arg12[%swap3A_696, %swap3A_697], %swap3A_700 {strides = array<i32>} : memref<128x64xf32, #tpu.memory_space<vmem>>, vector<1x16xf32>,
        %get3A_701 = arith.index_cast %scan3A_631 : i32 to index
        %get3A_702 = arith.constant 48 : index
        %get3A_703 = tpu.vector_load %arg12[%get3A_701, %get3A_702] {strides = array<i32>} : memref<128x64xf32, #tpu.memory_space<vmem>>, vector<1x16xf32>,
        %get3A_704 = vector.shape_cast %get3A_703 : vector<1x16xf32> to vector<16xf32>
        %mul3A_705 = arith.mulf %get3A_704, %get3A_635 : vector<16xf32>
        %get3A_706 = arith.index_cast %scan3A_631 : i32 to index
        %get3A_707 = arith.constant 48 : index
        %get3A_708 = tpu.vector_load %arg13[%get3A_706, %get3A_707] {strides = array<i32>} : memref<128x64xf32, #tpu.memory_space<vmem>>, vector<1x16xf32>,
        %get3A_709 = vector.shape_cast %get3A_708 : vector<1x16xf32> to vector<16xf32>
        %mul3A_710 = arith.mulf %get3A_319, %mul3A_705 : vector<16xf32>
        %add3A_711 = arith.addf %get3A_709, %mul3A_710 : vector<16xf32>
        %swap3A_712 = arith.index_cast %scan3A_631 : i32 to index
        %swap3A_713 = arith.constant 48 : index
        %swap3A_714 = tpu.vector_load %arg13[%swap3A_712, %swap3A_713] {strides = array<i32>} : memref<128x64xf32, #tpu.memory_space<vmem>>, vector<1x16xf32>,
        %swap3A_715 = vector.shape_cast %swap3A_714 : vector<1x16xf32> to vector<16xf32>
        %swap3A_716 = vector.shape_cast %add3A_711 : vector<16xf32> to vector<1x16xf32>
        tpu.vector_store %arg13[%swap3A_712, %swap3A_713], %swap3A_716 {strides = array<i32>} : memref<128x64xf32, #tpu.memory_space<vmem>>, vector<1x16xf32>,
        %mul3A_717 = arith.mulf %mul3A_705, %get3A_635 : vector<16xf32>
        %swap3A_718 = arith.index_cast %scan3A_631 : i32 to index
        %swap3A_719 = arith.constant 48 : index
        %swap3A_720 = tpu.vector_load %arg12[%swap3A_718, %swap3A_719] {strides = array<i32>} : memref<128x64xf32, #tpu.memory_space<vmem>>, vector<1x16xf32>,
        %swap3A_721 = vector.shape_cast %swap3A_720 : vector<1x16xf32> to vector<16xf32>
        %swap3A_722 = vector.shape_cast %mul3A_717 : vector<16xf32> to vector<1x16xf32>
        tpu.vector_store %arg12[%swap3A_718, %swap3A_719], %swap3A_722 {strides = array<i32>} : memref<128x64xf32, #tpu.memory_space<vmem>>, vector<1x16xf32>,
      }
      %scan3A_415 = arith.constant 128 : i32
      %add3A_416 = arith.constant 128 : i32
      %add3A_417 = arith.addi %mul3A_0, %add3A_416 : i32
      %dma_start3A_418 = arith.constant 0 : i32
      %dma_start3A_419 = tpu.memref_slice %arg6[%arg0, %add3A_417, %dma_start3A_418] : memref<2x10240x64xf32, #tpu.memory_space<hbm>> -> memref<1x128x64xf32, #tpu.memory_space<hbm>>
      %dma_start3A_420 = tpu.memref_squeeze %dma_start3A_419 : memref<1x128x64xf32, #tpu.memory_space<hbm>> -> memref<128x64xf32, #tpu.memory_space<hbm>>
      %dma_start3A_421 = arith.constant 0 : i32
      %dma_start3A_422 = tpu.memref_slice %arg6[%arg0, %add3A_417, %dma_start3A_421] : memref<2x10240x64xf32, #tpu.memory_space<hbm>> -> memref<1x128x64xf32, #tpu.memory_space<hbm>>
      %dma_start3A_423 = tpu.memref_squeeze %dma_start3A_422 : memref<1x128x64xf32, #tpu.memory_space<hbm>> -> memref<128x64xf32, #tpu.memory_space<hbm>>
      tpu.enqueue_dma source(%arg13 : memref<128x64xf32, #tpu.memory_space<vmem>>) target(%dma_start3A_423 : memref<128x64xf32, #tpu.memory_space<hbm>>) target_semaphore(%arg21 : memref<!tpu.dma_semaphore, #tpu.memory_space<semaphore_mem>>)
      %mul3A_424 = arith.constant 10240 : i32
      %mul3A_425 = arith.muli %arg0, %mul3A_424 : i32
      %add3A_426 = arith.addi %mul3A_425, %mul3A_0 : i32
      %add3A_427 = arith.constant 128 : i32
      %add3A_428 = arith.addi %add3A_426, %add3A_427 : i32
      %dma_start3A_429 = arith.constant 0 : i32
      %dma_start3A_430 = tpu.memref_slice %arg7[%add3A_428, %dma_start3A_429] : memref<20480x64xf32, #tpu.memory_space<hbm>> -> memref<128x64xf32, #tpu.memory_space<hbm>>
      %dma_start3A_431 = arith.constant 0 : i32
      %dma_start3A_432 = tpu.memref_slice %arg7[%add3A_428, %dma_start3A_431] : memref<20480x64xf32, #tpu.memory_space<hbm>> -> memref<128x64xf32, #tpu.memory_space<hbm>>
      tpu.enqueue_dma source(%arg12 : memref<128x64xf32, #tpu.memory_space<vmem>>) target(%dma_start3A_432 : memref<128x64xf32, #tpu.memory_space<hbm>>) target_semaphore(%arg21 : memref<!tpu.dma_semaphore, #tpu.memory_space<semaphore_mem>>)
      %add3A_433 = arith.constant 128 : i32
      %add3A_434 = arith.addi %mul3A_0, %add3A_433 : i32
      "tpu.region"() ({
        %run_scoped3A_631 = tpu.sem_alloc : memref<!tpu.dma_semaphore, #tpu.memory_space<semaphore_mem>>
        %dma_start3A_632 = arith.constant 0 : i32
        %dma_start3A_633 = tpu.memref_slice %arg16[%add3A_434, %dma_start3A_632] : memref<10256x64xf32, #tpu.memory_space<vmem_shared>> -> memref<128x64xf32, #tpu.memory_space<vmem_shared>>
        %dma_start3A_634 = arith.constant 0 : i32
        %dma_start3A_635 = tpu.memref_slice %arg16[%add3A_434, %dma_start3A_634] : memref<10256x64xf32, #tpu.memory_space<vmem_shared>> -> memref<128x64xf32, #tpu.memory_space<vmem_shared>>
        tpu.enqueue_dma source(%arg12 : memref<128x64xf32, #tpu.memory_space<vmem>>) target(%dma_start3A_635 : memref<128x64xf32, #tpu.memory_space<vmem_shared>>) target_semaphore(%run_scoped3A_631 : memref<!tpu.dma_semaphore, #tpu.memory_space<semaphore_mem>>)
        %dma_wait3A_636 = arith.constant 0 : i32
        %dma_wait3A_637 = tpu.memref_slice %arg16[%add3A_434, %dma_wait3A_636] : memref<10256x64xf32, #tpu.memory_space<vmem_shared>> -> memref<128x64xf32, #tpu.memory_space<vmem_shared>>
        %dma_wait3A_638 = arith.constant 0 : i32
        %dma_wait3A_639 = tpu.memref_slice %arg16[%add3A_434, %dma_wait3A_638] : memref<10256x64xf32, #tpu.memory_space<vmem_shared>> -> memref<128x64xf32, #tpu.memory_space<vmem_shared>>
        tpu.wait_dma2 semaphore(%run_scoped3A_631 : memref<!tpu.dma_semaphore, #tpu.memory_space<semaphore_mem>>) src(%arg12 : memref<128x64xf32, #tpu.memory_space<vmem>>) dst(%dma_wait3A_639 : memref<128x64xf32, #tpu.memory_space<vmem_shared>>)
        tpu.yield
      }) : () -> ()
      %add3A_435 = arith.constant 128 : i32
      %add3A_436 = arith.addi %mul3A_0, %add3A_435 : i32
      %dma_wait3A_437 = arith.constant 0 : i32
      %dma_wait3A_438 = tpu.memref_slice %arg6[%arg0, %add3A_436, %dma_wait3A_437] : memref<2x10240x64xf32, #tpu.memory_space<hbm>> -> memref<1x128x64xf32, #tpu.memory_space<hbm>>
      %dma_wait3A_439 = tpu.memref_squeeze %dma_wait3A_438 : memref<1x128x64xf32, #tpu.memory_space<hbm>> -> memref<128x64xf32, #tpu.memory_space<hbm>>
      %dma_wait3A_440 = arith.constant 0 : i32
      %dma_wait3A_441 = tpu.memref_slice %arg6[%arg0, %add3A_436, %dma_wait3A_440] : memref<2x10240x64xf32, #tpu.memory_space<hbm>> -> memref<1x128x64xf32, #tpu.memory_space<hbm>>
      %dma_wait3A_442 = tpu.memref_squeeze %dma_wait3A_441 : memref<1x128x64xf32, #tpu.memory_space<hbm>> -> memref<128x64xf32, #tpu.memory_space<hbm>>
      tpu.wait_dma2 semaphore(%arg21 : memref<!tpu.dma_semaphore, #tpu.memory_space<semaphore_mem>>) src(%arg13 : memref<128x64xf32, #tpu.memory_space<vmem>>) dst(%dma_wait3A_442 : memref<128x64xf32, #tpu.memory_space<hbm>>)
      %mul3A_443 = arith.constant 10240 : i32
      %mul3A_444 = arith.muli %arg0, %mul3A_443 : i32
      %add3A_445 = arith.addi %mul3A_444, %mul3A_0 : i32
      %add3A_446 = arith.constant 128 : i32
      %add3A_447 = arith.addi %add3A_445, %add3A_446 : i32
      %dma_wait3A_448 = arith.constant 0 : i32
      %dma_wait3A_449 = tpu.memref_slice %arg7[%add3A_447, %dma_wait3A_448] : memref<20480x64xf32, #tpu.memory_space<hbm>> -> memref<128x64xf32, #tpu.memory_space<hbm>>
      %dma_wait3A_450 = arith.constant 0 : i32
      %dma_wait3A_451 = tpu.memref_slice %arg7[%add3A_447, %dma_wait3A_450] : memref<20480x64xf32, #tpu.memory_space<hbm>> -> memref<128x64xf32, #tpu.memory_space<hbm>>
      tpu.wait_dma2 semaphore(%arg21 : memref<!tpu.dma_semaphore, #tpu.memory_space<semaphore_mem>>) src(%arg12 : memref<128x64xf32, #tpu.memory_space<vmem>>) dst(%dma_wait3A_451 : memref<128x64xf32, #tpu.memory_space<hbm>>)
      %add3A_452 = arith.constant 384 : i32
      %add3A_453 = arith.addi %mul3A_0, %add3A_452 : i32
      %dma_start3A_454 = arith.constant 0 : i32
      %dma_start3A_455 = tpu.memref_slice %arg6[%arg0, %add3A_453, %dma_start3A_454] : memref<2x10240x64xf32, #tpu.memory_space<hbm>> -> memref<1x128x64xf32, #tpu.memory_space<hbm>>
      %dma_start3A_456 = tpu.memref_squeeze %dma_start3A_455 : memref<1x128x64xf32, #tpu.memory_space<hbm>> -> memref<128x64xf32, #tpu.memory_space<hbm>>
      %dma_start3A_457 = arith.constant 0 : i32
      %dma_start3A_458 = tpu.memref_slice %arg6[%arg0, %add3A_453, %dma_start3A_457] : memref<2x10240x64xf32, #tpu.memory_space<hbm>> -> memref<1x128x64xf32, #tpu.memory_space<hbm>>
      %dma_start3A_459 = tpu.memref_squeeze %dma_start3A_458 : memref<1x128x64xf32, #tpu.memory_space<hbm>> -> memref<128x64xf32, #tpu.memory_space<hbm>>
      tpu.enqueue_dma source(%dma_start3A_459 : memref<128x64xf32, #tpu.memory_space<hbm>>) target(%arg13 : memref<128x64xf32, #tpu.memory_space<vmem>>) target_semaphore(%arg19 : memref<!tpu.dma_semaphore, #tpu.memory_space<semaphore_mem>>)
      %add3A_460 = arith.constant 256 : i32
      %add3A_461 = arith.addi %mul3A_0, %add3A_460 : i32
      "tpu.region"() ({
        %run_scoped3A_631 = tpu.sem_alloc : memref<!tpu.dma_semaphore, #tpu.memory_space<semaphore_mem>>
        %dma_start3A_632 = arith.constant 0 : i32
        %dma_start3A_633 = tpu.memref_slice %arg16[%add3A_461, %dma_start3A_632] : memref<10256x64xf32, #tpu.memory_space<vmem_shared>> -> memref<128x64xf32, #tpu.memory_space<vmem_shared>>
        %dma_start3A_634 = arith.constant 0 : i32
        %dma_start3A_635 = tpu.memref_slice %arg16[%add3A_461, %dma_start3A_634] : memref<10256x64xf32, #tpu.memory_space<vmem_shared>> -> memref<128x64xf32, #tpu.memory_space<vmem_shared>>
        tpu.enqueue_dma source(%dma_start3A_635 : memref<128x64xf32, #tpu.memory_space<vmem_shared>>) target(%arg10 : memref<128x64xf32, #tpu.memory_space<vmem>>) target_semaphore(%run_scoped3A_631 : memref<!tpu.dma_semaphore, #tpu.memory_space<semaphore_mem>>)
        %dma_wait3A_636 = arith.constant 0 : i32
        %dma_wait3A_637 = tpu.memref_slice %arg16[%add3A_461, %dma_wait3A_636] : memref<10256x64xf32, #tpu.memory_space<vmem_shared>> -> memref<128x64xf32, #tpu.memory_space<vmem_shared>>
        %dma_wait3A_638 = arith.constant 0 : i32
        %dma_wait3A_639 = tpu.memref_slice %arg16[%add3A_461, %dma_wait3A_638] : memref<10256x64xf32, #tpu.memory_space<vmem_shared>> -> memref<128x64xf32, #tpu.memory_space<vmem_shared>>
        tpu.wait_dma2 semaphore(%run_scoped3A_631 : memref<!tpu.dma_semaphore, #tpu.memory_space<semaphore_mem>>) src(%dma_wait3A_639 : memref<128x64xf32, #tpu.memory_space<vmem_shared>>) dst(%arg10 : memref<128x64xf32, #tpu.memory_space<vmem>>)
        tpu.yield
      }) : () -> ()
      %add3A_462 = arith.constant 256 : i32
      %add3A_463 = arith.addi %mul3A_0, %add3A_462 : i32
      "tpu.region"() ({
        %run_scoped3A_631 = tpu.sem_alloc : memref<!tpu.dma_semaphore, #tpu.memory_space<semaphore_mem>>
        %dma_start3A_632 = arith.constant 0 : i32
        %dma_start3A_633 = tpu.memref_slice %arg17[%add3A_463, %dma_start3A_632] : memref<10256x16xf32, #tpu.memory_space<vmem_shared>> -> memref<128x16xf32, #tpu.memory_space<vmem_shared>>
        %dma_start3A_634 = arith.constant 0 : i32
        %dma_start3A_635 = tpu.memref_slice %arg17[%add3A_463, %dma_start3A_634] : memref<10256x16xf32, #tpu.memory_space<vmem_shared>> -> memref<128x16xf32, #tpu.memory_space<vmem_shared>>
        tpu.enqueue_dma source(%dma_start3A_635 : memref<128x16xf32, #tpu.memory_space<vmem_shared>>) target(%arg14 : memref<128x16xf32, #tpu.memory_space<vmem>>) target_semaphore(%run_scoped3A_631 : memref<!tpu.dma_semaphore, #tpu.memory_space<semaphore_mem>>)
        %dma_wait3A_636 = arith.constant 0 : i32
        %dma_wait3A_637 = tpu.memref_slice %arg17[%add3A_463, %dma_wait3A_636] : memref<10256x16xf32, #tpu.memory_space<vmem_shared>> -> memref<128x16xf32, #tpu.memory_space<vmem_shared>>
        %dma_wait3A_638 = arith.constant 0 : i32
        %dma_wait3A_639 = tpu.memref_slice %arg17[%add3A_463, %dma_wait3A_638] : memref<10256x16xf32, #tpu.memory_space<vmem_shared>> -> memref<128x16xf32, #tpu.memory_space<vmem_shared>>
        tpu.wait_dma2 semaphore(%run_scoped3A_631 : memref<!tpu.dma_semaphore, #tpu.memory_space<semaphore_mem>>) src(%dma_wait3A_639 : memref<128x16xf32, #tpu.memory_space<vmem_shared>>) dst(%arg14 : memref<128x16xf32, #tpu.memory_space<vmem>>)
        tpu.yield
      }) : () -> ()
      %add3A_464 = arith.constant 256 : i32
      %add3A_465 = arith.addi %mul3A_0, %add3A_464 : i32
      %dma_wait3A_466 = arith.constant 0 : i32
      %dma_wait3A_467 = tpu.memref_slice %arg6[%arg0, %add3A_465, %dma_wait3A_466] : memref<2x10240x64xf32, #tpu.memory_space<hbm>> -> memref<1x128x64xf32, #tpu.memory_space<hbm>>
      %dma_wait3A_468 = tpu.memref_squeeze %dma_wait3A_467 : memref<1x128x64xf32, #tpu.memory_space<hbm>> -> memref<128x64xf32, #tpu.memory_space<hbm>>
      %dma_wait3A_469 = arith.constant 0 : i32
      %dma_wait3A_470 = tpu.memref_slice %arg6[%arg0, %add3A_465, %dma_wait3A_469] : memref<2x10240x64xf32, #tpu.memory_space<hbm>> -> memref<1x128x64xf32, #tpu.memory_space<hbm>>
      %dma_wait3A_471 = tpu.memref_squeeze %dma_wait3A_470 : memref<1x128x64xf32, #tpu.memory_space<hbm>> -> memref<128x64xf32, #tpu.memory_space<hbm>>
      tpu.wait_dma2 semaphore(%arg18 : memref<!tpu.dma_semaphore, #tpu.memory_space<semaphore_mem>>) src(%dma_wait3A_471 : memref<128x64xf32, #tpu.memory_space<hbm>>) dst(%arg11 : memref<128x64xf32, #tpu.memory_space<vmem>>)
      %scan3A_472 = arith.constant 0 : i32
      %scan3A_473 = arith.constant 0 : i32
      %scan3A_474 = arith.constant 128 : i32
      %scan3A_475 = arith.addi %scan3A_473, %scan3A_474 : i32
      %scan3A_476 = arith.constant 1 : i32
      scf.for %scan3A_631 = %scan3A_473 to %scan3A_475 step %scan3A_476  : i32 {
        %get3A_632 = arith.index_cast %scan3A_631 : i32 to index
        %get3A_633 = arith.constant 0 : index
        %get3A_634 = tpu.vector_load %arg14[%get3A_632, %get3A_633] {strides = array<i32>} : memref<128x16xf32, #tpu.memory_space<vmem>>, vector<1x16xf32>,
        %get3A_635 = vector.shape_cast %get3A_634 : vector<1x16xf32> to vector<16xf32>
        %get3A_636 = arith.index_cast %scan3A_631 : i32 to index
        %get3A_637 = arith.constant 0 : index
        %get3A_638 = tpu.vector_load %arg10[%get3A_636, %get3A_637] {strides = array<i32>} : memref<128x64xf32, #tpu.memory_space<vmem>>, vector<1x16xf32>,
        %get3A_639 = vector.shape_cast %get3A_638 : vector<1x16xf32> to vector<16xf32>
        %mul3A_640 = arith.mulf %get3A_639, %get3A_635 : vector<16xf32>
        %get3A_641 = arith.index_cast %scan3A_631 : i32 to index
        %get3A_642 = arith.constant 0 : index
        %get3A_643 = tpu.vector_load %arg11[%get3A_641, %get3A_642] {strides = array<i32>} : memref<128x64xf32, #tpu.memory_space<vmem>>, vector<1x16xf32>,
        %get3A_644 = vector.shape_cast %get3A_643 : vector<1x16xf32> to vector<16xf32>
        %mul3A_645 = arith.mulf %get3A_319, %mul3A_640 : vector<16xf32>
        %add3A_646 = arith.addf %get3A_644, %mul3A_645 : vector<16xf32>
        %swap3A = arith.index_cast %scan3A_631 : i32 to index
        %swap3A_647 = arith.constant 0 : index
        %swap3A_648 = tpu.vector_load %arg11[%swap3A, %swap3A_647] {strides = array<i32>} : memref<128x64xf32, #tpu.memory_space<vmem>>, vector<1x16xf32>,
        %swap3A_649 = vector.shape_cast %swap3A_648 : vector<1x16xf32> to vector<16xf32>
        %swap3A_650 = vector.shape_cast %add3A_646 : vector<16xf32> to vector<1x16xf32>
        tpu.vector_store %arg11[%swap3A, %swap3A_647], %swap3A_650 {strides = array<i32>} : memref<128x64xf32, #tpu.memory_space<vmem>>, vector<1x16xf32>,
        %mul3A_651 = arith.mulf %mul3A_640, %get3A_635 : vector<16xf32>
        %swap3A_652 = arith.index_cast %scan3A_631 : i32 to index
        %swap3A_653 = arith.constant 0 : index
        %swap3A_654 = tpu.vector_load %arg10[%swap3A_652, %swap3A_653] {strides = array<i32>} : memref<128x64xf32, #tpu.memory_space<vmem>>, vector<1x16xf32>,
        %swap3A_655 = vector.shape_cast %swap3A_654 : vector<1x16xf32> to vector<16xf32>
        %swap3A_656 = vector.shape_cast %mul3A_651 : vector<16xf32> to vector<1x16xf32>
        tpu.vector_store %arg10[%swap3A_652, %swap3A_653], %swap3A_656 {strides = array<i32>} : memref<128x64xf32, #tpu.memory_space<vmem>>, vector<1x16xf32>,
        %get3A_657 = arith.index_cast %scan3A_631 : i32 to index
        %get3A_658 = arith.constant 16 : index
        %get3A_659 = tpu.vector_load %arg10[%get3A_657, %get3A_658] {strides = array<i32>} : memref<128x64xf32, #tpu.memory_space<vmem>>, vector<1x16xf32>,
        %get3A_660 = vector.shape_cast %get3A_659 : vector<1x16xf32> to vector<16xf32>
        %mul3A_661 = arith.mulf %get3A_660, %get3A_635 : vector<16xf32>
        %get3A_662 = arith.index_cast %scan3A_631 : i32 to index
        %get3A_663 = arith.constant 16 : index
        %get3A_664 = tpu.vector_load %arg11[%get3A_662, %get3A_663] {strides = array<i32>} : memref<128x64xf32, #tpu.memory_space<vmem>>, vector<1x16xf32>,
        %get3A_665 = vector.shape_cast %get3A_664 : vector<1x16xf32> to vector<16xf32>
        %mul3A_666 = arith.mulf %get3A_319, %mul3A_661 : vector<16xf32>
        %add3A_667 = arith.addf %get3A_665, %mul3A_666 : vector<16xf32>
        %swap3A_668 = arith.index_cast %scan3A_631 : i32 to index
        %swap3A_669 = arith.constant 16 : index
        %swap3A_670 = tpu.vector_load %arg11[%swap3A_668, %swap3A_669] {strides = array<i32>} : memref<128x64xf32, #tpu.memory_space<vmem>>, vector<1x16xf32>,
        %swap3A_671 = vector.shape_cast %swap3A_670 : vector<1x16xf32> to vector<16xf32>
        %swap3A_672 = vector.shape_cast %add3A_667 : vector<16xf32> to vector<1x16xf32>
        tpu.vector_store %arg11[%swap3A_668, %swap3A_669], %swap3A_672 {strides = array<i32>} : memref<128x64xf32, #tpu.memory_space<vmem>>, vector<1x16xf32>,
        %mul3A_673 = arith.mulf %mul3A_661, %get3A_635 : vector<16xf32>
        %swap3A_674 = arith.index_cast %scan3A_631 : i32 to index
        %swap3A_675 = arith.constant 16 : index
        %swap3A_676 = tpu.vector_load %arg10[%swap3A_674, %swap3A_675] {strides = array<i32>} : memref<128x64xf32, #tpu.memory_space<vmem>>, vector<1x16xf32>,
        %swap3A_677 = vector.shape_cast %swap3A_676 : vector<1x16xf32> to vector<16xf32>
        %swap3A_678 = vector.shape_cast %mul3A_673 : vector<16xf32> to vector<1x16xf32>
        tpu.vector_store %arg10[%swap3A_674, %swap3A_675], %swap3A_678 {strides = array<i32>} : memref<128x64xf32, #tpu.memory_space<vmem>>, vector<1x16xf32>,
        %get3A_679 = arith.index_cast %scan3A_631 : i32 to index
        %get3A_680 = arith.constant 32 : index
        %get3A_681 = tpu.vector_load %arg10[%get3A_679, %get3A_680] {strides = array<i32>} : memref<128x64xf32, #tpu.memory_space<vmem>>, vector<1x16xf32>,
        %get3A_682 = vector.shape_cast %get3A_681 : vector<1x16xf32> to vector<16xf32>
        %mul3A_683 = arith.mulf %get3A_682, %get3A_635 : vector<16xf32>
        %get3A_684 = arith.index_cast %scan3A_631 : i32 to index
        %get3A_685 = arith.constant 32 : index
        %get3A_686 = tpu.vector_load %arg11[%get3A_684, %get3A_685] {strides = array<i32>} : memref<128x64xf32, #tpu.memory_space<vmem>>, vector<1x16xf32>,
        %get3A_687 = vector.shape_cast %get3A_686 : vector<1x16xf32> to vector<16xf32>
        %mul3A_688 = arith.mulf %get3A_319, %mul3A_683 : vector<16xf32>
        %add3A_689 = arith.addf %get3A_687, %mul3A_688 : vector<16xf32>
        %swap3A_690 = arith.index_cast %scan3A_631 : i32 to index
        %swap3A_691 = arith.constant 32 : index
        %swap3A_692 = tpu.vector_load %arg11[%swap3A_690, %swap3A_691] {strides = array<i32>} : memref<128x64xf32, #tpu.memory_space<vmem>>, vector<1x16xf32>,
        %swap3A_693 = vector.shape_cast %swap3A_692 : vector<1x16xf32> to vector<16xf32>
        %swap3A_694 = vector.shape_cast %add3A_689 : vector<16xf32> to vector<1x16xf32>
        tpu.vector_store %arg11[%swap3A_690, %swap3A_691], %swap3A_694 {strides = array<i32>} : memref<128x64xf32, #tpu.memory_space<vmem>>, vector<1x16xf32>,
        %mul3A_695 = arith.mulf %mul3A_683, %get3A_635 : vector<16xf32>
        %swap3A_696 = arith.index_cast %scan3A_631 : i32 to index
        %swap3A_697 = arith.constant 32 : index
        %swap3A_698 = tpu.vector_load %arg10[%swap3A_696, %swap3A_697] {strides = array<i32>} : memref<128x64xf32, #tpu.memory_space<vmem>>, vector<1x16xf32>,
        %swap3A_699 = vector.shape_cast %swap3A_698 : vector<1x16xf32> to vector<16xf32>
        %swap3A_700 = vector.shape_cast %mul3A_695 : vector<16xf32> to vector<1x16xf32>
        tpu.vector_store %arg10[%swap3A_696, %swap3A_697], %swap3A_700 {strides = array<i32>} : memref<128x64xf32, #tpu.memory_space<vmem>>, vector<1x16xf32>,
        %get3A_701 = arith.index_cast %scan3A_631 : i32 to index
        %get3A_702 = arith.constant 48 : index
        %get3A_703 = tpu.vector_load %arg10[%get3A_701, %get3A_702] {strides = array<i32>} : memref<128x64xf32, #tpu.memory_space<vmem>>, vector<1x16xf32>,
        %get3A_704 = vector.shape_cast %get3A_703 : vector<1x16xf32> to vector<16xf32>
        %mul3A_705 = arith.mulf %get3A_704, %get3A_635 : vector<16xf32>
        %get3A_706 = arith.index_cast %scan3A_631 : i32 to index
        %get3A_707 = arith.constant 48 : index
        %get3A_708 = tpu.vector_load %arg11[%get3A_706, %get3A_707] {strides = array<i32>} : memref<128x64xf32, #tpu.memory_space<vmem>>, vector<1x16xf32>,
        %get3A_709 = vector.shape_cast %get3A_708 : vector<1x16xf32> to vector<16xf32>
        %mul3A_710 = arith.mulf %get3A_319, %mul3A_705 : vector<16xf32>
        %add3A_711 = arith.addf %get3A_709, %mul3A_710 : vector<16xf32>
        %swap3A_712 = arith.index_cast %scan3A_631 : i32 to index
        %swap3A_713 = arith.constant 48 : index
        %swap3A_714 = tpu.vector_load %arg11[%swap3A_712, %swap3A_713] {strides = array<i32>} : memref<128x64xf32, #tpu.memory_space<vmem>>, vector<1x16xf32>,
        %swap3A_715 = vector.shape_cast %swap3A_714 : vector<1x16xf32> to vector<16xf32>
        %swap3A_716 = vector.shape_cast %add3A_711 : vector<16xf32> to vector<1x16xf32>
        tpu.vector_store %arg11[%swap3A_712, %swap3A_713], %swap3A_716 {strides = array<i32>} : memref<128x64xf32, #tpu.memory_space<vmem>>, vector<1x16xf32>,
        %mul3A_717 = arith.mulf %mul3A_705, %get3A_635 : vector<16xf32>
        %swap3A_718 = arith.index_cast %scan3A_631 : i32 to index
        %swap3A_719 = arith.constant 48 : index
        %swap3A_720 = tpu.vector_load %arg10[%swap3A_718, %swap3A_719] {strides = array<i32>} : memref<128x64xf32, #tpu.memory_space<vmem>>, vector<1x16xf32>,
        %swap3A_721 = vector.shape_cast %swap3A_720 : vector<1x16xf32> to vector<16xf32>
        %swap3A_722 = vector.shape_cast %mul3A_717 : vector<16xf32> to vector<1x16xf32>
        tpu.vector_store %arg10[%swap3A_718, %swap3A_719], %swap3A_722 {strides = array<i32>} : memref<128x64xf32, #tpu.memory_space<vmem>>, vector<1x16xf32>,
      }
      %scan3A_477 = arith.constant 128 : i32
      %add3A_478 = arith.constant 256 : i32
      %add3A_479 = arith.addi %mul3A_0, %add3A_478 : i32
      %dma_start3A_480 = arith.constant 0 : i32
      %dma_start3A_481 = tpu.memref_slice %arg6[%arg0, %add3A_479, %dma_start3A_480] : memref<2x10240x64xf32, #tpu.memory_space<hbm>> -> memref<1x128x64xf32, #tpu.memory_space<hbm>>
      %dma_start3A_482 = tpu.memref_squeeze %dma_start3A_481 : memref<1x128x64xf32, #tpu.memory_space<hbm>> -> memref<128x64xf32, #tpu.memory_space<hbm>>
      %dma_start3A_483 = arith.constant 0 : i32
      %dma_start3A_484 = tpu.memref_slice %arg6[%arg0, %add3A_479, %dma_start3A_483] : memref<2x10240x64xf32, #tpu.memory_space<hbm>> -> memref<1x128x64xf32, #tpu.memory_space<hbm>>
      %dma_start3A_485 = tpu.memref_squeeze %dma_start3A_484 : memref<1x128x64xf32, #tpu.memory_space<hbm>> -> memref<128x64xf32, #tpu.memory_space<hbm>>
      tpu.enqueue_dma source(%arg11 : memref<128x64xf32, #tpu.memory_space<vmem>>) target(%dma_start3A_485 : memref<128x64xf32, #tpu.memory_space<hbm>>) target_semaphore(%arg20 : memref<!tpu.dma_semaphore, #tpu.memory_space<semaphore_mem>>)
      %mul3A_486 = arith.constant 10240 : i32
      %mul3A_487 = arith.muli %arg0, %mul3A_486 : i32
      %add3A_488 = arith.addi %mul3A_487, %mul3A_0 : i32
      %add3A_489 = arith.constant 256 : i32
      %add3A_490 = arith.addi %add3A_488, %add3A_489 : i32
      %dma_start3A_491 = arith.constant 0 : i32
      %dma_start3A_492 = tpu.memref_slice %arg7[%add3A_490, %dma_start3A_491] : memref<20480x64xf32, #tpu.memory_space<hbm>> -> memref<128x64xf32, #tpu.memory_space<hbm>>
      %dma_start3A_493 = arith.constant 0 : i32
      %dma_start3A_494 = tpu.memref_slice %arg7[%add3A_490, %dma_start3A_493] : memref<20480x64xf32, #tpu.memory_space<hbm>> -> memref<128x64xf32, #tpu.memory_space<hbm>>
      tpu.enqueue_dma source(%arg10 : memref<128x64xf32, #tpu.memory_space<vmem>>) target(%dma_start3A_494 : memref<128x64xf32, #tpu.memory_space<hbm>>) target_semaphore(%arg20 : memref<!tpu.dma_semaphore, #tpu.memory_space<semaphore_mem>>)
      %add3A_495 = arith.constant 256 : i32
      %add3A_496 = arith.addi %mul3A_0, %add3A_495 : i32
      "tpu.region"() ({
        %run_scoped3A_631 = tpu.sem_alloc : memref<!tpu.dma_semaphore, #tpu.memory_space<semaphore_mem>>
        %dma_start3A_632 = arith.constant 0 : i32
        %dma_start3A_633 = tpu.memref_slice %arg16[%add3A_496, %dma_start3A_632] : memref<10256x64xf32, #tpu.memory_space<vmem_shared>> -> memref<128x64xf32, #tpu.memory_space<vmem_shared>>
        %dma_start3A_634 = arith.constant 0 : i32
        %dma_start3A_635 = tpu.memref_slice %arg16[%add3A_496, %dma_start3A_634] : memref<10256x64xf32, #tpu.memory_space<vmem_shared>> -> memref<128x64xf32, #tpu.memory_space<vmem_shared>>
        tpu.enqueue_dma source(%arg10 : memref<128x64xf32, #tpu.memory_space<vmem>>) target(%dma_start3A_635 : memref<128x64xf32, #tpu.memory_space<vmem_shared>>) target_semaphore(%run_scoped3A_631 : memref<!tpu.dma_semaphore, #tpu.memory_space<semaphore_mem>>)
        %dma_wait3A_636 = arith.constant 0 : i32
        %dma_wait3A_637 = tpu.memref_slice %arg16[%add3A_496, %dma_wait3A_636] : memref<10256x64xf32, #tpu.memory_space<vmem_shared>> -> memref<128x64xf32, #tpu.memory_space<vmem_shared>>
        %dma_wait3A_638 = arith.constant 0 : i32
        %dma_wait3A_639 = tpu.memref_slice %arg16[%add3A_496, %dma_wait3A_638] : memref<10256x64xf32, #tpu.memory_space<vmem_shared>> -> memref<128x64xf32, #tpu.memory_space<vmem_shared>>
        tpu.wait_dma2 semaphore(%run_scoped3A_631 : memref<!tpu.dma_semaphore, #tpu.memory_space<semaphore_mem>>) src(%arg10 : memref<128x64xf32, #tpu.memory_space<vmem>>) dst(%dma_wait3A_639 : memref<128x64xf32, #tpu.memory_space<vmem_shared>>)
        tpu.yield
      }) : () -> ()
      %add3A_497 = arith.constant 256 : i32
      %add3A_498 = arith.addi %mul3A_0, %add3A_497 : i32
      %dma_wait3A_499 = arith.constant 0 : i32
      %dma_wait3A_500 = tpu.memref_slice %arg6[%arg0, %add3A_498, %dma_wait3A_499] : memref<2x10240x64xf32, #tpu.memory_space<hbm>> -> memref<1x128x64xf32, #tpu.memory_space<hbm>>
      %dma_wait3A_501 = tpu.memref_squeeze %dma_wait3A_500 : memref<1x128x64xf32, #tpu.memory_space<hbm>> -> memref<128x64xf32, #tpu.memory_space<hbm>>
      %dma_wait3A_502 = arith.constant 0 : i32
      %dma_wait3A_503 = tpu.memref_slice %arg6[%arg0, %add3A_498, %dma_wait3A_502] : memref<2x10240x64xf32, #tpu.memory_space<hbm>> -> memref<1x128x64xf32, #tpu.memory_space<hbm>>
      %dma_wait3A_504 = tpu.memref_squeeze %dma_wait3A_503 : memref<1x128x64xf32, #tpu.memory_space<hbm>> -> memref<128x64xf32, #tpu.memory_space<hbm>>
      tpu.wait_dma2 semaphore(%arg20 : memref<!tpu.dma_semaphore, #tpu.memory_space<semaphore_mem>>) src(%arg11 : memref<128x64xf32, #tpu.memory_space<vmem>>) dst(%dma_wait3A_504 : memref<128x64xf32, #tpu.memory_space<hbm>>)
      %mul3A_505 = arith.constant 10240 : i32
      %mul3A_506 = arith.muli %arg0, %mul3A_505 : i32
      %add3A_507 = arith.addi %mul3A_506, %mul3A_0 : i32
      %add3A_508 = arith.constant 256 : i32
      %add3A_509 = arith.addi %add3A_507, %add3A_508 : i32
      %dma_wait3A_510 = arith.constant 0 : i32
      %dma_wait3A_511 = tpu.memref_slice %arg7[%add3A_509, %dma_wait3A_510] : memref<20480x64xf32, #tpu.memory_space<hbm>> -> memref<128x64xf32, #tpu.memory_space<hbm>>
      %dma_wait3A_512 = arith.constant 0 : i32
      %dma_wait3A_513 = tpu.memref_slice %arg7[%add3A_509, %dma_wait3A_512] : memref<20480x64xf32, #tpu.memory_space<hbm>> -> memref<128x64xf32, #tpu.memory_space<hbm>>
      tpu.wait_dma2 semaphore(%arg20 : memref<!tpu.dma_semaphore, #tpu.memory_space<semaphore_mem>>) src(%arg10 : memref<128x64xf32, #tpu.memory_space<vmem>>) dst(%dma_wait3A_513 : memref<128x64xf32, #tpu.memory_space<hbm>>)
      %add3A_514 = arith.constant 512 : i32
      %add3A_515 = arith.addi %mul3A_0, %add3A_514 : i32
      %dma_start3A_516 = arith.constant 0 : i32
      %dma_start3A_517 = tpu.memref_slice %arg6[%arg0, %add3A_515, %dma_start3A_516] : memref<2x10240x64xf32, #tpu.memory_space<hbm>> -> memref<1x128x64xf32, #tpu.memory_space<hbm>>
      %dma_start3A_518 = tpu.memref_squeeze %dma_start3A_517 : memref<1x128x64xf32, #tpu.memory_space<hbm>> -> memref<128x64xf32, #tpu.memory_space<hbm>>
      %dma_start3A_519 = arith.constant 0 : i32
      %dma_start3A_520 = tpu.memref_slice %arg6[%arg0, %add3A_515, %dma_start3A_519] : memref<2x10240x64xf32, #tpu.memory_space<hbm>> -> memref<1x128x64xf32, #tpu.memory_space<hbm>>
      %dma_start3A_521 = tpu.memref_squeeze %dma_start3A_520 : memref<1x128x64xf32, #tpu.memory_space<hbm>> -> memref<128x64xf32, #tpu.memory_space<hbm>>
      tpu.enqueue_dma source(%dma_start3A_521 : memref<128x64xf32, #tpu.memory_space<hbm>>) target(%arg11 : memref<128x64xf32, #tpu.memory_space<vmem>>) target_semaphore(%arg18 : memref<!tpu.dma_semaphore, #tpu.memory_space<semaphore_mem>>)
      %add3A_522 = arith.constant 384 : i32
      %add3A_523 = arith.addi %mul3A_0, %add3A_522 : i32
      "tpu.region"() ({
        %run_scoped3A_631 = tpu.sem_alloc : memref<!tpu.dma_semaphore, #tpu.memory_space<semaphore_mem>>
        %dma_start3A_632 = arith.constant 0 : i32
        %dma_start3A_633 = tpu.memref_slice %arg16[%add3A_523, %dma_start3A_632] : memref<10256x64xf32, #tpu.memory_space<vmem_shared>> -> memref<128x64xf32, #tpu.memory_space<vmem_shared>>
        %dma_start3A_634 = arith.constant 0 : i32
        %dma_start3A_635 = tpu.memref_slice %arg16[%add3A_523, %dma_start3A_634] : memref<10256x64xf32, #tpu.memory_space<vmem_shared>> -> memref<128x64xf32, #tpu.memory_space<vmem_shared>>
        tpu.enqueue_dma source(%dma_start3A_635 : memref<128x64xf32, #tpu.memory_space<vmem_shared>>) target(%arg12 : memref<128x64xf32, #tpu.memory_space<vmem>>) target_semaphore(%run_scoped3A_631 : memref<!tpu.dma_semaphore, #tpu.memory_space<semaphore_mem>>)
        %dma_wait3A_636 = arith.constant 0 : i32
        %dma_wait3A_637 = tpu.memref_slice %arg16[%add3A_523, %dma_wait3A_636] : memref<10256x64xf32, #tpu.memory_space<vmem_shared>> -> memref<128x64xf32, #tpu.memory_space<vmem_shared>>
        %dma_wait3A_638 = arith.constant 0 : i32
        %dma_wait3A_639 = tpu.memref_slice %arg16[%add3A_523, %dma_wait3A_638] : memref<10256x64xf32, #tpu.memory_space<vmem_shared>> -> memref<128x64xf32, #tpu.memory_space<vmem_shared>>
        tpu.wait_dma2 semaphore(%run_scoped3A_631 : memref<!tpu.dma_semaphore, #tpu.memory_space<semaphore_mem>>) src(%dma_wait3A_639 : memref<128x64xf32, #tpu.memory_space<vmem_shared>>) dst(%arg12 : memref<128x64xf32, #tpu.memory_space<vmem>>)
        tpu.yield
      }) : () -> ()
      %add3A_524 = arith.constant 384 : i32
      %add3A_525 = arith.addi %mul3A_0, %add3A_524 : i32
      "tpu.region"() ({
        %run_scoped3A_631 = tpu.sem_alloc : memref<!tpu.dma_semaphore, #tpu.memory_space<semaphore_mem>>
        %dma_start3A_632 = arith.constant 0 : i32
        %dma_start3A_633 = tpu.memref_slice %arg17[%add3A_525, %dma_start3A_632] : memref<10256x16xf32, #tpu.memory_space<vmem_shared>> -> memref<128x16xf32, #tpu.memory_space<vmem_shared>>
        %dma_start3A_634 = arith.constant 0 : i32
        %dma_start3A_635 = tpu.memref_slice %arg17[%add3A_525, %dma_start3A_634] : memref<10256x16xf32, #tpu.memory_space<vmem_shared>> -> memref<128x16xf32, #tpu.memory_space<vmem_shared>>
        tpu.enqueue_dma source(%dma_start3A_635 : memref<128x16xf32, #tpu.memory_space<vmem_shared>>) target(%arg14 : memref<128x16xf32, #tpu.memory_space<vmem>>) target_semaphore(%run_scoped3A_631 : memref<!tpu.dma_semaphore, #tpu.memory_space<semaphore_mem>>)
        %dma_wait3A_636 = arith.constant 0 : i32
        %dma_wait3A_637 = tpu.memref_slice %arg17[%add3A_525, %dma_wait3A_636] : memref<10256x16xf32, #tpu.memory_space<vmem_shared>> -> memref<128x16xf32, #tpu.memory_space<vmem_shared>>
        %dma_wait3A_638 = arith.constant 0 : i32
        %dma_wait3A_639 = tpu.memref_slice %arg17[%add3A_525, %dma_wait3A_638] : memref<10256x16xf32, #tpu.memory_space<vmem_shared>> -> memref<128x16xf32, #tpu.memory_space<vmem_shared>>
        tpu.wait_dma2 semaphore(%run_scoped3A_631 : memref<!tpu.dma_semaphore, #tpu.memory_space<semaphore_mem>>) src(%dma_wait3A_639 : memref<128x16xf32, #tpu.memory_space<vmem_shared>>) dst(%arg14 : memref<128x16xf32, #tpu.memory_space<vmem>>)
        tpu.yield
      }) : () -> ()
      %add3A_526 = arith.constant 384 : i32
      %add3A_527 = arith.addi %mul3A_0, %add3A_526 : i32
      %dma_wait3A_528 = arith.constant 0 : i32
      %dma_wait3A_529 = tpu.memref_slice %arg6[%arg0, %add3A_527, %dma_wait3A_528] : memref<2x10240x64xf32, #tpu.memory_space<hbm>> -> memref<1x128x64xf32, #tpu.memory_space<hbm>>
      %dma_wait3A_530 = tpu.memref_squeeze %dma_wait3A_529 : memref<1x128x64xf32, #tpu.memory_space<hbm>> -> memref<128x64xf32, #tpu.memory_space<hbm>>
      %dma_wait3A_531 = arith.constant 0 : i32
      %dma_wait3A_532 = tpu.memref_slice %arg6[%arg0, %add3A_527, %dma_wait3A_531] : memref<2x10240x64xf32, #tpu.memory_space<hbm>> -> memref<1x128x64xf32, #tpu.memory_space<hbm>>
      %dma_wait3A_533 = tpu.memref_squeeze %dma_wait3A_532 : memref<1x128x64xf32, #tpu.memory_space<hbm>> -> memref<128x64xf32, #tpu.memory_space<hbm>>
      tpu.wait_dma2 semaphore(%arg19 : memref<!tpu.dma_semaphore, #tpu.memory_space<semaphore_mem>>) src(%dma_wait3A_533 : memref<128x64xf32, #tpu.memory_space<hbm>>) dst(%arg13 : memref<128x64xf32, #tpu.memory_space<vmem>>)
      %scan3A_534 = arith.constant 0 : i32
      %scan3A_535 = arith.constant 0 : i32
      %scan3A_536 = arith.constant 128 : i32
      %scan3A_537 = arith.addi %scan3A_535, %scan3A_536 : i32
      %scan3A_538 = arith.constant 1 : i32
      scf.for %scan3A_631 = %scan3A_535 to %scan3A_537 step %scan3A_538  : i32 {
        %get3A_632 = arith.index_cast %scan3A_631 : i32 to index
        %get3A_633 = arith.constant 0 : index
        %get3A_634 = tpu.vector_load %arg14[%get3A_632, %get3A_633] {strides = array<i32>} : memref<128x16xf32, #tpu.memory_space<vmem>>, vector<1x16xf32>,
        %get3A_635 = vector.shape_cast %get3A_634 : vector<1x16xf32> to vector<16xf32>
        %get3A_636 = arith.index_cast %scan3A_631 : i32 to index
        %get3A_637 = arith.constant 0 : index
        %get3A_638 = tpu.vector_load %arg12[%get3A_636, %get3A_637] {strides = array<i32>} : memref<128x64xf32, #tpu.memory_space<vmem>>, vector<1x16xf32>,
        %get3A_639 = vector.shape_cast %get3A_638 : vector<1x16xf32> to vector<16xf32>
        %mul3A_640 = arith.mulf %get3A_639, %get3A_635 : vector<16xf32>
        %get3A_641 = arith.index_cast %scan3A_631 : i32 to index
        %get3A_642 = arith.constant 0 : index
        %get3A_643 = tpu.vector_load %arg13[%get3A_641, %get3A_642] {strides = array<i32>} : memref<128x64xf32, #tpu.memory_space<vmem>>, vector<1x16xf32>,
        %get3A_644 = vector.shape_cast %get3A_643 : vector<1x16xf32> to vector<16xf32>
        %mul3A_645 = arith.mulf %get3A_319, %mul3A_640 : vector<16xf32>
        %add3A_646 = arith.addf %get3A_644, %mul3A_645 : vector<16xf32>
        %swap3A = arith.index_cast %scan3A_631 : i32 to index
        %swap3A_647 = arith.constant 0 : index
        %swap3A_648 = tpu.vector_load %arg13[%swap3A, %swap3A_647] {strides = array<i32>} : memref<128x64xf32, #tpu.memory_space<vmem>>, vector<1x16xf32>,
        %swap3A_649 = vector.shape_cast %swap3A_648 : vector<1x16xf32> to vector<16xf32>
        %swap3A_650 = vector.shape_cast %add3A_646 : vector<16xf32> to vector<1x16xf32>
        tpu.vector_store %arg13[%swap3A, %swap3A_647], %swap3A_650 {strides = array<i32>} : memref<128x64xf32, #tpu.memory_space<vmem>>, vector<1x16xf32>,
        %mul3A_651 = arith.mulf %mul3A_640, %get3A_635 : vector<16xf32>
        %swap3A_652 = arith.index_cast %scan3A_631 : i32 to index
        %swap3A_653 = arith.constant 0 : index
        %swap3A_654 = tpu.vector_load %arg12[%swap3A_652, %swap3A_653] {strides = array<i32>} : memref<128x64xf32, #tpu.memory_space<vmem>>, vector<1x16xf32>,
        %swap3A_655 = vector.shape_cast %swap3A_654 : vector<1x16xf32> to vector<16xf32>
        %swap3A_656 = vector.shape_cast %mul3A_651 : vector<16xf32> to vector<1x16xf32>
        tpu.vector_store %arg12[%swap3A_652, %swap3A_653], %swap3A_656 {strides = array<i32>} : memref<128x64xf32, #tpu.memory_space<vmem>>, vector<1x16xf32>,
        %get3A_657 = arith.index_cast %scan3A_631 : i32 to index
        %get3A_658 = arith.constant 16 : index
        %get3A_659 = tpu.vector_load %arg12[%get3A_657, %get3A_658] {strides = array<i32>} : memref<128x64xf32, #tpu.memory_space<vmem>>, vector<1x16xf32>,
        %get3A_660 = vector.shape_cast %get3A_659 : vector<1x16xf32> to vector<16xf32>
        %mul3A_661 = arith.mulf %get3A_660, %get3A_635 : vector<16xf32>
        %get3A_662 = arith.index_cast %scan3A_631 : i32 to index
        %get3A_663 = arith.constant 16 : index
        %get3A_664 = tpu.vector_load %arg13[%get3A_662, %get3A_663] {strides = array<i32>} : memref<128x64xf32, #tpu.memory_space<vmem>>, vector<1x16xf32>,
        %get3A_665 = vector.shape_cast %get3A_664 : vector<1x16xf32> to vector<16xf32>
        %mul3A_666 = arith.mulf %get3A_319, %mul3A_661 : vector<16xf32>
        %add3A_667 = arith.addf %get3A_665, %mul3A_666 : vector<16xf32>
        %swap3A_668 = arith.index_cast %scan3A_631 : i32 to index
        %swap3A_669 = arith.constant 16 : index
        %swap3A_670 = tpu.vector_load %arg13[%swap3A_668, %swap3A_669] {strides = array<i32>} : memref<128x64xf32, #tpu.memory_space<vmem>>, vector<1x16xf32>,
        %swap3A_671 = vector.shape_cast %swap3A_670 : vector<1x16xf32> to vector<16xf32>
        %swap3A_672 = vector.shape_cast %add3A_667 : vector<16xf32> to vector<1x16xf32>
        tpu.vector_store %arg13[%swap3A_668, %swap3A_669], %swap3A_672 {strides = array<i32>} : memref<128x64xf32, #tpu.memory_space<vmem>>, vector<1x16xf32>,
        %mul3A_673 = arith.mulf %mul3A_661, %get3A_635 : vector<16xf32>
        %swap3A_674 = arith.index_cast %scan3A_631 : i32 to index
        %swap3A_675 = arith.constant 16 : index
        %swap3A_676 = tpu.vector_load %arg12[%swap3A_674, %swap3A_675] {strides = array<i32>} : memref<128x64xf32, #tpu.memory_space<vmem>>, vector<1x16xf32>,
        %swap3A_677 = vector.shape_cast %swap3A_676 : vector<1x16xf32> to vector<16xf32>
        %swap3A_678 = vector.shape_cast %mul3A_673 : vector<16xf32> to vector<1x16xf32>
        tpu.vector_store %arg12[%swap3A_674, %swap3A_675], %swap3A_678 {strides = array<i32>} : memref<128x64xf32, #tpu.memory_space<vmem>>, vector<1x16xf32>,
        %get3A_679 = arith.index_cast %scan3A_631 : i32 to index
        %get3A_680 = arith.constant 32 : index
        %get3A_681 = tpu.vector_load %arg12[%get3A_679, %get3A_680] {strides = array<i32>} : memref<128x64xf32, #tpu.memory_space<vmem>>, vector<1x16xf32>,
        %get3A_682 = vector.shape_cast %get3A_681 : vector<1x16xf32> to vector<16xf32>
        %mul3A_683 = arith.mulf %get3A_682, %get3A_635 : vector<16xf32>
        %get3A_684 = arith.index_cast %scan3A_631 : i32 to index
        %get3A_685 = arith.constant 32 : index
        %get3A_686 = tpu.vector_load %arg13[%get3A_684, %get3A_685] {strides = array<i32>} : memref<128x64xf32, #tpu.memory_space<vmem>>, vector<1x16xf32>,
        %get3A_687 = vector.shape_cast %get3A_686 : vector<1x16xf32> to vector<16xf32>
        %mul3A_688 = arith.mulf %get3A_319, %mul3A_683 : vector<16xf32>
        %add3A_689 = arith.addf %get3A_687, %mul3A_688 : vector<16xf32>
        %swap3A_690 = arith.index_cast %scan3A_631 : i32 to index
        %swap3A_691 = arith.constant 32 : index
        %swap3A_692 = tpu.vector_load %arg13[%swap3A_690, %swap3A_691] {strides = array<i32>} : memref<128x64xf32, #tpu.memory_space<vmem>>, vector<1x16xf32>,
        %swap3A_693 = vector.shape_cast %swap3A_692 : vector<1x16xf32> to vector<16xf32>
        %swap3A_694 = vector.shape_cast %add3A_689 : vector<16xf32> to vector<1x16xf32>
        tpu.vector_store %arg13[%swap3A_690, %swap3A_691], %swap3A_694 {strides = array<i32>} : memref<128x64xf32, #tpu.memory_space<vmem>>, vector<1x16xf32>,
        %mul3A_695 = arith.mulf %mul3A_683, %get3A_635 : vector<16xf32>
        %swap3A_696 = arith.index_cast %scan3A_631 : i32 to index
        %swap3A_697 = arith.constant 32 : index
        %swap3A_698 = tpu.vector_load %arg12[%swap3A_696, %swap3A_697] {strides = array<i32>} : memref<128x64xf32, #tpu.memory_space<vmem>>, vector<1x16xf32>,
        %swap3A_699 = vector.shape_cast %swap3A_698 : vector<1x16xf32> to vector<16xf32>
        %swap3A_700 = vector.shape_cast %mul3A_695 : vector<16xf32> to vector<1x16xf32>
        tpu.vector_store %arg12[%swap3A_696, %swap3A_697], %swap3A_700 {strides = array<i32>} : memref<128x64xf32, #tpu.memory_space<vmem>>, vector<1x16xf32>,
        %get3A_701 = arith.index_cast %scan3A_631 : i32 to index
        %get3A_702 = arith.constant 48 : index
        %get3A_703 = tpu.vector_load %arg12[%get3A_701, %get3A_702] {strides = array<i32>} : memref<128x64xf32, #tpu.memory_space<vmem>>, vector<1x16xf32>,
        %get3A_704 = vector.shape_cast %get3A_703 : vector<1x16xf32> to vector<16xf32>
        %mul3A_705 = arith.mulf %get3A_704, %get3A_635 : vector<16xf32>
        %get3A_706 = arith.index_cast %scan3A_631 : i32 to index
        %get3A_707 = arith.constant 48 : index
        %get3A_708 = tpu.vector_load %arg13[%get3A_706, %get3A_707] {strides = array<i32>} : memref<128x64xf32, #tpu.memory_space<vmem>>, vector<1x16xf32>,
        %get3A_709 = vector.shape_cast %get3A_708 : vector<1x16xf32> to vector<16xf32>
        %mul3A_710 = arith.mulf %get3A_319, %mul3A_705 : vector<16xf32>
        %add3A_711 = arith.addf %get3A_709, %mul3A_710 : vector<16xf32>
        %swap3A_712 = arith.index_cast %scan3A_631 : i32 to index
        %swap3A_713 = arith.constant 48 : index
        %swap3A_714 = tpu.vector_load %arg13[%swap3A_712, %swap3A_713] {strides = array<i32>} : memref<128x64xf32, #tpu.memory_space<vmem>>, vector<1x16xf32>,
        %swap3A_715 = vector.shape_cast %swap3A_714 : vector<1x16xf32> to vector<16xf32>
        %swap3A_716 = vector.shape_cast %add3A_711 : vector<16xf32> to vector<1x16xf32>
        tpu.vector_store %arg13[%swap3A_712, %swap3A_713], %swap3A_716 {strides = array<i32>} : memref<128x64xf32, #tpu.memory_space<vmem>>, vector<1x16xf32>,
        %mul3A_717 = arith.mulf %mul3A_705, %get3A_635 : vector<16xf32>
        %swap3A_718 = arith.index_cast %scan3A_631 : i32 to index
        %swap3A_719 = arith.constant 48 : index
        %swap3A_720 = tpu.vector_load %arg12[%swap3A_718, %swap3A_719] {strides = array<i32>} : memref<128x64xf32, #tpu.memory_space<vmem>>, vector<1x16xf32>,
        %swap3A_721 = vector.shape_cast %swap3A_720 : vector<1x16xf32> to vector<16xf32>
        %swap3A_722 = vector.shape_cast %mul3A_717 : vector<16xf32> to vector<1x16xf32>
        tpu.vector_store %arg12[%swap3A_718, %swap3A_719], %swap3A_722 {strides = array<i32>} : memref<128x64xf32, #tpu.memory_space<vmem>>, vector<1x16xf32>,
      }
      %scan3A_539 = arith.constant 128 : i32
      %add3A_540 = arith.constant 384 : i32
      %add3A_541 = arith.addi %mul3A_0, %add3A_540 : i32
      %dma_start3A_542 = arith.constant 0 : i32
      %dma_start3A_543 = tpu.memref_slice %arg6[%arg0, %add3A_541, %dma_start3A_542] : memref<2x10240x64xf32, #tpu.memory_space<hbm>> -> memref<1x128x64xf32, #tpu.memory_space<hbm>>
      %dma_start3A_544 = tpu.memref_squeeze %dma_start3A_543 : memref<1x128x64xf32, #tpu.memory_space<hbm>> -> memref<128x64xf32, #tpu.memory_space<hbm>>
      %dma_start3A_545 = arith.constant 0 : i32
      %dma_start3A_546 = tpu.memref_slice %arg6[%arg0, %add3A_541, %dma_start3A_545] : memref<2x10240x64xf32, #tpu.memory_space<hbm>> -> memref<1x128x64xf32, #tpu.memory_space<hbm>>
      %dma_start3A_547 = tpu.memref_squeeze %dma_start3A_546 : memref<1x128x64xf32, #tpu.memory_space<hbm>> -> memref<128x64xf32, #tpu.memory_space<hbm>>
      tpu.enqueue_dma source(%arg13 : memref<128x64xf32, #tpu.memory_space<vmem>>) target(%dma_start3A_547 : memref<128x64xf32, #tpu.memory_space<hbm>>) target_semaphore(%arg21 : memref<!tpu.dma_semaphore, #tpu.memory_space<semaphore_mem>>)
      %mul3A_548 = arith.constant 10240 : i32
      %mul3A_549 = arith.muli %arg0, %mul3A_548 : i32
      %add3A_550 = arith.addi %mul3A_549, %mul3A_0 : i32
      %add3A_551 = arith.constant 384 : i32
      %add3A_552 = arith.addi %add3A_550, %add3A_551 : i32
      %dma_start3A_553 = arith.constant 0 : i32
      %dma_start3A_554 = tpu.memref_slice %arg7[%add3A_552, %dma_start3A_553] : memref<20480x64xf32, #tpu.memory_space<hbm>> -> memref<128x64xf32, #tpu.memory_space<hbm>>
      %dma_start3A_555 = arith.constant 0 : i32
      %dma_start3A_556 = tpu.memref_slice %arg7[%add3A_552, %dma_start3A_555] : memref<20480x64xf32, #tpu.memory_space<hbm>> -> memref<128x64xf32, #tpu.memory_space<hbm>>
      tpu.enqueue_dma source(%arg12 : memref<128x64xf32, #tpu.memory_space<vmem>>) target(%dma_start3A_556 : memref<128x64xf32, #tpu.memory_space<hbm>>) target_semaphore(%arg21 : memref<!tpu.dma_semaphore, #tpu.memory_space<semaphore_mem>>)
      %add3A_557 = arith.constant 384 : i32
      %add3A_558 = arith.addi %mul3A_0, %add3A_557 : i32
      "tpu.region"() ({
        %run_scoped3A_631 = tpu.sem_alloc : memref<!tpu.dma_semaphore, #tpu.memory_space<semaphore_mem>>
        %dma_start3A_632 = arith.constant 0 : i32
        %dma_start3A_633 = tpu.memref_slice %arg16[%add3A_558, %dma_start3A_632] : memref<10256x64xf32, #tpu.memory_space<vmem_shared>> -> memref<128x64xf32, #tpu.memory_space<vmem_shared>>
        %dma_start3A_634 = arith.constant 0 : i32
        %dma_start3A_635 = tpu.memref_slice %arg16[%add3A_558, %dma_start3A_634] : memref<10256x64xf32, #tpu.memory_space<vmem_shared>> -> memref<128x64xf32, #tpu.memory_space<vmem_shared>>
        tpu.enqueue_dma source(%arg12 : memref<128x64xf32, #tpu.memory_space<vmem>>) target(%dma_start3A_635 : memref<128x64xf32, #tpu.memory_space<vmem_shared>>) target_semaphore(%run_scoped3A_631 : memref<!tpu.dma_semaphore, #tpu.memory_space<semaphore_mem>>)
        %dma_wait3A_636 = arith.constant 0 : i32
        %dma_wait3A_637 = tpu.memref_slice %arg16[%add3A_558, %dma_wait3A_636] : memref<10256x64xf32, #tpu.memory_space<vmem_shared>> -> memref<128x64xf32, #tpu.memory_space<vmem_shared>>
        %dma_wait3A_638 = arith.constant 0 : i32
        %dma_wait3A_639 = tpu.memref_slice %arg16[%add3A_558, %dma_wait3A_638] : memref<10256x64xf32, #tpu.memory_space<vmem_shared>> -> memref<128x64xf32, #tpu.memory_space<vmem_shared>>
        tpu.wait_dma2 semaphore(%run_scoped3A_631 : memref<!tpu.dma_semaphore, #tpu.memory_space<semaphore_mem>>) src(%arg12 : memref<128x64xf32, #tpu.memory_space<vmem>>) dst(%dma_wait3A_639 : memref<128x64xf32, #tpu.memory_space<vmem_shared>>)
        tpu.yield
      }) : () -> ()
      %add3A_559 = arith.constant 512 : i32
      %add3A_560 = arith.addi %mul3A_0, %add3A_559 : i32
      "tpu.region"() ({
        %run_scoped3A_631 = tpu.sem_alloc : memref<!tpu.dma_semaphore, #tpu.memory_space<semaphore_mem>>
        %dma_start3A_632 = arith.constant 0 : i32
        %dma_start3A_633 = tpu.memref_slice %arg16[%add3A_560, %dma_start3A_632] : memref<10256x64xf32, #tpu.memory_space<vmem_shared>> -> memref<128x64xf32, #tpu.memory_space<vmem_shared>>
        %dma_start3A_634 = arith.constant 0 : i32
        %dma_start3A_635 = tpu.memref_slice %arg16[%add3A_560, %dma_start3A_634] : memref<10256x64xf32, #tpu.memory_space<vmem_shared>> -> memref<128x64xf32, #tpu.memory_space<vmem_shared>>
        tpu.enqueue_dma source(%dma_start3A_635 : memref<128x64xf32, #tpu.memory_space<vmem_shared>>) target(%arg10 : memref<128x64xf32, #tpu.memory_space<vmem>>) target_semaphore(%run_scoped3A_631 : memref<!tpu.dma_semaphore, #tpu.memory_space<semaphore_mem>>)
        %dma_wait3A_636 = arith.constant 0 : i32
        %dma_wait3A_637 = tpu.memref_slice %arg16[%add3A_560, %dma_wait3A_636] : memref<10256x64xf32, #tpu.memory_space<vmem_shared>> -> memref<128x64xf32, #tpu.memory_space<vmem_shared>>
        %dma_wait3A_638 = arith.constant 0 : i32
        %dma_wait3A_639 = tpu.memref_slice %arg16[%add3A_560, %dma_wait3A_638] : memref<10256x64xf32, #tpu.memory_space<vmem_shared>> -> memref<128x64xf32, #tpu.memory_space<vmem_shared>>
        tpu.wait_dma2 semaphore(%run_scoped3A_631 : memref<!tpu.dma_semaphore, #tpu.memory_space<semaphore_mem>>) src(%dma_wait3A_639 : memref<128x64xf32, #tpu.memory_space<vmem_shared>>) dst(%arg10 : memref<128x64xf32, #tpu.memory_space<vmem>>)
        tpu.yield
      }) : () -> ()
      %add3A_561 = arith.constant 512 : i32
      %add3A_562 = arith.addi %mul3A_0, %add3A_561 : i32
      "tpu.region"() ({
        %run_scoped3A_631 = tpu.sem_alloc : memref<!tpu.dma_semaphore, #tpu.memory_space<semaphore_mem>>
        %dma_start3A_632 = arith.constant 0 : i32
        %dma_start3A_633 = tpu.memref_slice %arg17[%add3A_562, %dma_start3A_632] : memref<10256x16xf32, #tpu.memory_space<vmem_shared>> -> memref<128x16xf32, #tpu.memory_space<vmem_shared>>
        %dma_start3A_634 = arith.constant 0 : i32
        %dma_start3A_635 = tpu.memref_slice %arg17[%add3A_562, %dma_start3A_634] : memref<10256x16xf32, #tpu.memory_space<vmem_shared>> -> memref<128x16xf32, #tpu.memory_space<vmem_shared>>
        tpu.enqueue_dma source(%dma_start3A_635 : memref<128x16xf32, #tpu.memory_space<vmem_shared>>) target(%arg14 : memref<128x16xf32, #tpu.memory_space<vmem>>) target_semaphore(%run_scoped3A_631 : memref<!tpu.dma_semaphore, #tpu.memory_space<semaphore_mem>>)
        %dma_wait3A_636 = arith.constant 0 : i32
        %dma_wait3A_637 = tpu.memref_slice %arg17[%add3A_562, %dma_wait3A_636] : memref<10256x16xf32, #tpu.memory_space<vmem_shared>> -> memref<128x16xf32, #tpu.memory_space<vmem_shared>>
        %dma_wait3A_638 = arith.constant 0 : i32
        %dma_wait3A_639 = tpu.memref_slice %arg17[%add3A_562, %dma_wait3A_638] : memref<10256x16xf32, #tpu.memory_space<vmem_shared>> -> memref<128x16xf32, #tpu.memory_space<vmem_shared>>
        tpu.wait_dma2 semaphore(%run_scoped3A_631 : memref<!tpu.dma_semaphore, #tpu.memory_space<semaphore_mem>>) src(%dma_wait3A_639 : memref<128x16xf32, #tpu.memory_space<vmem_shared>>) dst(%arg14 : memref<128x16xf32, #tpu.memory_space<vmem>>)
        tpu.yield
      }) : () -> ()
      %add3A_563 = arith.constant 512 : i32
      %add3A_564 = arith.addi %mul3A_0, %add3A_563 : i32
      %dma_wait3A_565 = arith.constant 0 : i32
      %dma_wait3A_566 = tpu.memref_slice %arg6[%arg0, %add3A_564, %dma_wait3A_565] : memref<2x10240x64xf32, #tpu.memory_space<hbm>> -> memref<1x128x64xf32, #tpu.memory_space<hbm>>
      %dma_wait3A_567 = tpu.memref_squeeze %dma_wait3A_566 : memref<1x128x64xf32, #tpu.memory_space<hbm>> -> memref<128x64xf32, #tpu.memory_space<hbm>>
      %dma_wait3A_568 = arith.constant 0 : i32
      %dma_wait3A_569 = tpu.memref_slice %arg6[%arg0, %add3A_564, %dma_wait3A_568] : memref<2x10240x64xf32, #tpu.memory_space<hbm>> -> memref<1x128x64xf32, #tpu.memory_space<hbm>>
      %dma_wait3A_570 = tpu.memref_squeeze %dma_wait3A_569 : memref<1x128x64xf32, #tpu.memory_space<hbm>> -> memref<128x64xf32, #tpu.memory_space<hbm>>
      tpu.wait_dma2 semaphore(%arg18 : memref<!tpu.dma_semaphore, #tpu.memory_space<semaphore_mem>>) src(%dma_wait3A_570 : memref<128x64xf32, #tpu.memory_space<hbm>>) dst(%arg11 : memref<128x64xf32, #tpu.memory_space<vmem>>)
      %scan3A_571 = arith.constant 0 : i32
      %scan3A_572 = arith.constant 0 : i32
      %scan3A_573 = arith.constant 128 : i32
      %scan3A_574 = arith.addi %scan3A_572, %scan3A_573 : i32
      %scan3A_575 = arith.constant 1 : i32
      scf.for %scan3A_631 = %scan3A_572 to %scan3A_574 step %scan3A_575  : i32 {
        %get3A_632 = arith.index_cast %scan3A_631 : i32 to index
        %get3A_633 = arith.constant 0 : index
        %get3A_634 = tpu.vector_load %arg14[%get3A_632, %get3A_633] {strides = array<i32>} : memref<128x16xf32, #tpu.memory_space<vmem>>, vector<1x16xf32>,
        %get3A_635 = vector.shape_cast %get3A_634 : vector<1x16xf32> to vector<16xf32>
        %get3A_636 = arith.index_cast %scan3A_631 : i32 to index
        %get3A_637 = arith.constant 0 : index
        %get3A_638 = tpu.vector_load %arg10[%get3A_636, %get3A_637] {strides = array<i32>} : memref<128x64xf32, #tpu.memory_space<vmem>>, vector<1x16xf32>,
        %get3A_639 = vector.shape_cast %get3A_638 : vector<1x16xf32> to vector<16xf32>
        %mul3A_640 = arith.mulf %get3A_639, %get3A_635 : vector<16xf32>
        %get3A_641 = arith.index_cast %scan3A_631 : i32 to index
        %get3A_642 = arith.constant 0 : index
        %get3A_643 = tpu.vector_load %arg11[%get3A_641, %get3A_642] {strides = array<i32>} : memref<128x64xf32, #tpu.memory_space<vmem>>, vector<1x16xf32>,
        %get3A_644 = vector.shape_cast %get3A_643 : vector<1x16xf32> to vector<16xf32>
        %mul3A_645 = arith.mulf %get3A_319, %mul3A_640 : vector<16xf32>
        %add3A_646 = arith.addf %get3A_644, %mul3A_645 : vector<16xf32>
        %swap3A = arith.index_cast %scan3A_631 : i32 to index
        %swap3A_647 = arith.constant 0 : index
        %swap3A_648 = tpu.vector_load %arg11[%swap3A, %swap3A_647] {strides = array<i32>} : memref<128x64xf32, #tpu.memory_space<vmem>>, vector<1x16xf32>,
        %swap3A_649 = vector.shape_cast %swap3A_648 : vector<1x16xf32> to vector<16xf32>
        %swap3A_650 = vector.shape_cast %add3A_646 : vector<16xf32> to vector<1x16xf32>
        tpu.vector_store %arg11[%swap3A, %swap3A_647], %swap3A_650 {strides = array<i32>} : memref<128x64xf32, #tpu.memory_space<vmem>>, vector<1x16xf32>,
        %mul3A_651 = arith.mulf %mul3A_640, %get3A_635 : vector<16xf32>
        %swap3A_652 = arith.index_cast %scan3A_631 : i32 to index
        %swap3A_653 = arith.constant 0 : index
        %swap3A_654 = tpu.vector_load %arg10[%swap3A_652, %swap3A_653] {strides = array<i32>} : memref<128x64xf32, #tpu.memory_space<vmem>>, vector<1x16xf32>,
        %swap3A_655 = vector.shape_cast %swap3A_654 : vector<1x16xf32> to vector<16xf32>
        %swap3A_656 = vector.shape_cast %mul3A_651 : vector<16xf32> to vector<1x16xf32>
        tpu.vector_store %arg10[%swap3A_652, %swap3A_653], %swap3A_656 {strides = array<i32>} : memref<128x64xf32, #tpu.memory_space<vmem>>, vector<1x16xf32>,
        %get3A_657 = arith.index_cast %scan3A_631 : i32 to index
        %get3A_658 = arith.constant 16 : index
        %get3A_659 = tpu.vector_load %arg10[%get3A_657, %get3A_658] {strides = array<i32>} : memref<128x64xf32, #tpu.memory_space<vmem>>, vector<1x16xf32>,
        %get3A_660 = vector.shape_cast %get3A_659 : vector<1x16xf32> to vector<16xf32>
        %mul3A_661 = arith.mulf %get3A_660, %get3A_635 : vector<16xf32>
        %get3A_662 = arith.index_cast %scan3A_631 : i32 to index
        %get3A_663 = arith.constant 16 : index
        %get3A_664 = tpu.vector_load %arg11[%get3A_662, %get3A_663] {strides = array<i32>} : memref<128x64xf32, #tpu.memory_space<vmem>>, vector<1x16xf32>,
        %get3A_665 = vector.shape_cast %get3A_664 : vector<1x16xf32> to vector<16xf32>
        %mul3A_666 = arith.mulf %get3A_319, %mul3A_661 : vector<16xf32>
        %add3A_667 = arith.addf %get3A_665, %mul3A_666 : vector<16xf32>
        %swap3A_668 = arith.index_cast %scan3A_631 : i32 to index
        %swap3A_669 = arith.constant 16 : index
        %swap3A_670 = tpu.vector_load %arg11[%swap3A_668, %swap3A_669] {strides = array<i32>} : memref<128x64xf32, #tpu.memory_space<vmem>>, vector<1x16xf32>,
        %swap3A_671 = vector.shape_cast %swap3A_670 : vector<1x16xf32> to vector<16xf32>
        %swap3A_672 = vector.shape_cast %add3A_667 : vector<16xf32> to vector<1x16xf32>
        tpu.vector_store %arg11[%swap3A_668, %swap3A_669], %swap3A_672 {strides = array<i32>} : memref<128x64xf32, #tpu.memory_space<vmem>>, vector<1x16xf32>,
        %mul3A_673 = arith.mulf %mul3A_661, %get3A_635 : vector<16xf32>
        %swap3A_674 = arith.index_cast %scan3A_631 : i32 to index
        %swap3A_675 = arith.constant 16 : index
        %swap3A_676 = tpu.vector_load %arg10[%swap3A_674, %swap3A_675] {strides = array<i32>} : memref<128x64xf32, #tpu.memory_space<vmem>>, vector<1x16xf32>,
        %swap3A_677 = vector.shape_cast %swap3A_676 : vector<1x16xf32> to vector<16xf32>
        %swap3A_678 = vector.shape_cast %mul3A_673 : vector<16xf32> to vector<1x16xf32>
        tpu.vector_store %arg10[%swap3A_674, %swap3A_675], %swap3A_678 {strides = array<i32>} : memref<128x64xf32, #tpu.memory_space<vmem>>, vector<1x16xf32>,
        %get3A_679 = arith.index_cast %scan3A_631 : i32 to index
        %get3A_680 = arith.constant 32 : index
        %get3A_681 = tpu.vector_load %arg10[%get3A_679, %get3A_680] {strides = array<i32>} : memref<128x64xf32, #tpu.memory_space<vmem>>, vector<1x16xf32>,
        %get3A_682 = vector.shape_cast %get3A_681 : vector<1x16xf32> to vector<16xf32>
        %mul3A_683 = arith.mulf %get3A_682, %get3A_635 : vector<16xf32>
        %get3A_684 = arith.index_cast %scan3A_631 : i32 to index
        %get3A_685 = arith.constant 32 : index
        %get3A_686 = tpu.vector_load %arg11[%get3A_684, %get3A_685] {strides = array<i32>} : memref<128x64xf32, #tpu.memory_space<vmem>>, vector<1x16xf32>,
        %get3A_687 = vector.shape_cast %get3A_686 : vector<1x16xf32> to vector<16xf32>
        %mul3A_688 = arith.mulf %get3A_319, %mul3A_683 : vector<16xf32>
        %add3A_689 = arith.addf %get3A_687, %mul3A_688 : vector<16xf32>
        %swap3A_690 = arith.index_cast %scan3A_631 : i32 to index
        %swap3A_691 = arith.constant 32 : index
        %swap3A_692 = tpu.vector_load %arg11[%swap3A_690, %swap3A_691] {strides = array<i32>} : memref<128x64xf32, #tpu.memory_space<vmem>>, vector<1x16xf32>,
        %swap3A_693 = vector.shape_cast %swap3A_692 : vector<1x16xf32> to vector<16xf32>
        %swap3A_694 = vector.shape_cast %add3A_689 : vector<16xf32> to vector<1x16xf32>
        tpu.vector_store %arg11[%swap3A_690, %swap3A_691], %swap3A_694 {strides = array<i32>} : memref<128x64xf32, #tpu.memory_space<vmem>>, vector<1x16xf32>,
        %mul3A_695 = arith.mulf %mul3A_683, %get3A_635 : vector<16xf32>
        %swap3A_696 = arith.index_cast %scan3A_631 : i32 to index
        %swap3A_697 = arith.constant 32 : index
        %swap3A_698 = tpu.vector_load %arg10[%swap3A_696, %swap3A_697] {strides = array<i32>} : memref<128x64xf32, #tpu.memory_space<vmem>>, vector<1x16xf32>,
        %swap3A_699 = vector.shape_cast %swap3A_698 : vector<1x16xf32> to vector<16xf32>
        %swap3A_700 = vector.shape_cast %mul3A_695 : vector<16xf32> to vector<1x16xf32>
        tpu.vector_store %arg10[%swap3A_696, %swap3A_697], %swap3A_700 {strides = array<i32>} : memref<128x64xf32, #tpu.memory_space<vmem>>, vector<1x16xf32>,
        %get3A_701 = arith.index_cast %scan3A_631 : i32 to index
        %get3A_702 = arith.constant 48 : index
        %get3A_703 = tpu.vector_load %arg10[%get3A_701, %get3A_702] {strides = array<i32>} : memref<128x64xf32, #tpu.memory_space<vmem>>, vector<1x16xf32>,
        %get3A_704 = vector.shape_cast %get3A_703 : vector<1x16xf32> to vector<16xf32>
        %mul3A_705 = arith.mulf %get3A_704, %get3A_635 : vector<16xf32>
        %get3A_706 = arith.index_cast %scan3A_631 : i32 to index
        %get3A_707 = arith.constant 48 : index
        %get3A_708 = tpu.vector_load %arg11[%get3A_706, %get3A_707] {strides = array<i32>} : memref<128x64xf32, #tpu.memory_space<vmem>>, vector<1x16xf32>,
        %get3A_709 = vector.shape_cast %get3A_708 : vector<1x16xf32> to vector<16xf32>
        %mul3A_710 = arith.mulf %get3A_319, %mul3A_705 : vector<16xf32>
        %add3A_711 = arith.addf %get3A_709, %mul3A_710 : vector<16xf32>
        %swap3A_712 = arith.index_cast %scan3A_631 : i32 to index
        %swap3A_713 = arith.constant 48 : index
        %swap3A_714 = tpu.vector_load %arg11[%swap3A_712, %swap3A_713] {strides = array<i32>} : memref<128x64xf32, #tpu.memory_space<vmem>>, vector<1x16xf32>,
        %swap3A_715 = vector.shape_cast %swap3A_714 : vector<1x16xf32> to vector<16xf32>
        %swap3A_716 = vector.shape_cast %add3A_711 : vector<16xf32> to vector<1x16xf32>
        tpu.vector_store %arg11[%swap3A_712, %swap3A_713], %swap3A_716 {strides = array<i32>} : memref<128x64xf32, #tpu.memory_space<vmem>>, vector<1x16xf32>,
        %mul3A_717 = arith.mulf %mul3A_705, %get3A_635 : vector<16xf32>
        %swap3A_718 = arith.index_cast %scan3A_631 : i32 to index
        %swap3A_719 = arith.constant 48 : index
        %swap3A_720 = tpu.vector_load %arg10[%swap3A_718, %swap3A_719] {strides = array<i32>} : memref<128x64xf32, #tpu.memory_space<vmem>>, vector<1x16xf32>,
        %swap3A_721 = vector.shape_cast %swap3A_720 : vector<1x16xf32> to vector<16xf32>
        %swap3A_722 = vector.shape_cast %mul3A_717 : vector<16xf32> to vector<1x16xf32>
        tpu.vector_store %arg10[%swap3A_718, %swap3A_719], %swap3A_722 {strides = array<i32>} : memref<128x64xf32, #tpu.memory_space<vmem>>, vector<1x16xf32>,
      }
      %scan3A_576 = arith.constant 128 : i32
      %add3A_577 = arith.constant 512 : i32
      %add3A_578 = arith.addi %mul3A_0, %add3A_577 : i32
      %dma_start3A_579 = arith.constant 0 : i32
      %dma_start3A_580 = tpu.memref_slice %arg6[%arg0, %add3A_578, %dma_start3A_579] : memref<2x10240x64xf32, #tpu.memory_space<hbm>> -> memref<1x128x64xf32, #tpu.memory_space<hbm>>
      %dma_start3A_581 = tpu.memref_squeeze %dma_start3A_580 : memref<1x128x64xf32, #tpu.memory_space<hbm>> -> memref<128x64xf32, #tpu.memory_space<hbm>>
      %dma_start3A_582 = arith.constant 0 : i32
      %dma_start3A_583 = tpu.memref_slice %arg6[%arg0, %add3A_578, %dma_start3A_582] : memref<2x10240x64xf32, #tpu.memory_space<hbm>> -> memref<1x128x64xf32, #tpu.memory_space<hbm>>
      %dma_start3A_584 = tpu.memref_squeeze %dma_start3A_583 : memref<1x128x64xf32, #tpu.memory_space<hbm>> -> memref<128x64xf32, #tpu.memory_space<hbm>>
      tpu.enqueue_dma source(%arg11 : memref<128x64xf32, #tpu.memory_space<vmem>>) target(%dma_start3A_584 : memref<128x64xf32, #tpu.memory_space<hbm>>) target_semaphore(%arg20 : memref<!tpu.dma_semaphore, #tpu.memory_space<semaphore_mem>>)
      %mul3A_585 = arith.constant 10240 : i32
      %mul3A_586 = arith.muli %arg0, %mul3A_585 : i32
      %add3A_587 = arith.addi %mul3A_586, %mul3A_0 : i32
      %add3A_588 = arith.constant 512 : i32
      %add3A_589 = arith.addi %add3A_587, %add3A_588 : i32
      %dma_start3A_590 = arith.constant 0 : i32
      %dma_start3A_591 = tpu.memref_slice %arg7[%add3A_589, %dma_start3A_590] : memref<20480x64xf32, #tpu.memory_space<hbm>> -> memref<128x64xf32, #tpu.memory_space<hbm>>
      %dma_start3A_592 = arith.constant 0 : i32
      %dma_start3A_593 = tpu.memref_slice %arg7[%add3A_589, %dma_start3A_592] : memref<20480x64xf32, #tpu.memory_space<hbm>> -> memref<128x64xf32, #tpu.memory_space<hbm>>
      tpu.enqueue_dma source(%arg10 : memref<128x64xf32, #tpu.memory_space<vmem>>) target(%dma_start3A_593 : memref<128x64xf32, #tpu.memory_space<hbm>>) target_semaphore(%arg20 : memref<!tpu.dma_semaphore, #tpu.memory_space<semaphore_mem>>)
      %add3A_594 = arith.constant 512 : i32
      %add3A_595 = arith.addi %mul3A_0, %add3A_594 : i32
      "tpu.region"() ({
        %run_scoped3A_631 = tpu.sem_alloc : memref<!tpu.dma_semaphore, #tpu.memory_space<semaphore_mem>>
        %dma_start3A_632 = arith.constant 0 : i32
        %dma_start3A_633 = tpu.memref_slice %arg16[%add3A_595, %dma_start3A_632] : memref<10256x64xf32, #tpu.memory_space<vmem_shared>> -> memref<128x64xf32, #tpu.memory_space<vmem_shared>>
        %dma_start3A_634 = arith.constant 0 : i32
        %dma_start3A_635 = tpu.memref_slice %arg16[%add3A_595, %dma_start3A_634] : memref<10256x64xf32, #tpu.memory_space<vmem_shared>> -> memref<128x64xf32, #tpu.memory_space<vmem_shared>>
        tpu.enqueue_dma source(%arg10 : memref<128x64xf32, #tpu.memory_space<vmem>>) target(%dma_start3A_635 : memref<128x64xf32, #tpu.memory_space<vmem_shared>>) target_semaphore(%run_scoped3A_631 : memref<!tpu.dma_semaphore, #tpu.memory_space<semaphore_mem>>)
        %dma_wait3A_636 = arith.constant 0 : i32
        %dma_wait3A_637 = tpu.memref_slice %arg16[%add3A_595, %dma_wait3A_636] : memref<10256x64xf32, #tpu.memory_space<vmem_shared>> -> memref<128x64xf32, #tpu.memory_space<vmem_shared>>
        %dma_wait3A_638 = arith.constant 0 : i32
        %dma_wait3A_639 = tpu.memref_slice %arg16[%add3A_595, %dma_wait3A_638] : memref<10256x64xf32, #tpu.memory_space<vmem_shared>> -> memref<128x64xf32, #tpu.memory_space<vmem_shared>>
        tpu.wait_dma2 semaphore(%run_scoped3A_631 : memref<!tpu.dma_semaphore, #tpu.memory_space<semaphore_mem>>) src(%arg10 : memref<128x64xf32, #tpu.memory_space<vmem>>) dst(%dma_wait3A_639 : memref<128x64xf32, #tpu.memory_space<vmem_shared>>)
        tpu.yield
      }) : () -> ()
      %add3A_596 = arith.constant 384 : i32
      %add3A_597 = arith.addi %mul3A_0, %add3A_596 : i32
      %dma_wait3A_598 = arith.constant 0 : i32
      %dma_wait3A_599 = tpu.memref_slice %arg6[%arg0, %add3A_597, %dma_wait3A_598] : memref<2x10240x64xf32, #tpu.memory_space<hbm>> -> memref<1x128x64xf32, #tpu.memory_space<hbm>>
      %dma_wait3A_600 = tpu.memref_squeeze %dma_wait3A_599 : memref<1x128x64xf32, #tpu.memory_space<hbm>> -> memref<128x64xf32, #tpu.memory_space<hbm>>
      %dma_wait3A_601 = arith.constant 0 : i32
      %dma_wait3A_602 = tpu.memref_slice %arg6[%arg0, %add3A_597, %dma_wait3A_601] : memref<2x10240x64xf32, #tpu.memory_space<hbm>> -> memref<1x128x64xf32, #tpu.memory_space<hbm>>
      %dma_wait3A_603 = tpu.memref_squeeze %dma_wait3A_602 : memref<1x128x64xf32, #tpu.memory_space<hbm>> -> memref<128x64xf32, #tpu.memory_space<hbm>>
      tpu.wait_dma2 semaphore(%arg21 : memref<!tpu.dma_semaphore, #tpu.memory_space<semaphore_mem>>) src(%arg13 : memref<128x64xf32, #tpu.memory_space<vmem>>) dst(%dma_wait3A_603 : memref<128x64xf32, #tpu.memory_space<hbm>>)
      %mul3A_604 = arith.constant 10240 : i32
      %mul3A_605 = arith.muli %arg0, %mul3A_604 : i32
      %add3A_606 = arith.addi %mul3A_605, %mul3A_0 : i32
      %add3A_607 = arith.constant 384 : i32
      %add3A_608 = arith.addi %add3A_606, %add3A_607 : i32
      %dma_wait3A_609 = arith.constant 0 : i32
      %dma_wait3A_610 = tpu.memref_slice %arg7[%add3A_608, %dma_wait3A_609] : memref<20480x64xf32, #tpu.memory_space<hbm>> -> memref<128x64xf32, #tpu.memory_space<hbm>>
      %dma_wait3A_611 = arith.constant 0 : i32
      %dma_wait3A_612 = tpu.memref_slice %arg7[%add3A_608, %dma_wait3A_611] : memref<20480x64xf32, #tpu.memory_space<hbm>> -> memref<128x64xf32, #tpu.memory_space<hbm>>
      tpu.wait_dma2 semaphore(%arg21 : memref<!tpu.dma_semaphore, #tpu.memory_space<semaphore_mem>>) src(%arg12 : memref<128x64xf32, #tpu.memory_space<vmem>>) dst(%dma_wait3A_612 : memref<128x64xf32, #tpu.memory_space<hbm>>)
      %add3A_613 = arith.constant 512 : i32
      %add3A_614 = arith.addi %mul3A_0, %add3A_613 : i32
      %dma_wait3A_615 = arith.constant 0 : i32
      %dma_wait3A_616 = tpu.memref_slice %arg6[%arg0, %add3A_614, %dma_wait3A_615] : memref<2x10240x64xf32, #tpu.memory_space<hbm>> -> memref<1x128x64xf32, #tpu.memory_space<hbm>>
      %dma_wait3A_617 = tpu.memref_squeeze %dma_wait3A_616 : memref<1x128x64xf32, #tpu.memory_space<hbm>> -> memref<128x64xf32, #tpu.memory_space<hbm>>
      %dma_wait3A_618 = arith.constant 0 : i32
      %dma_wait3A_619 = tpu.memref_slice %arg6[%arg0, %add3A_614, %dma_wait3A_618] : memref<2x10240x64xf32, #tpu.memory_space<hbm>> -> memref<1x128x64xf32, #tpu.memory_space<hbm>>
      %dma_wait3A_620 = tpu.memref_squeeze %dma_wait3A_619 : memref<1x128x64xf32, #tpu.memory_space<hbm>> -> memref<128x64xf32, #tpu.memory_space<hbm>>
      tpu.wait_dma2 semaphore(%arg20 : memref<!tpu.dma_semaphore, #tpu.memory_space<semaphore_mem>>) src(%arg11 : memref<128x64xf32, #tpu.memory_space<vmem>>) dst(%dma_wait3A_620 : memref<128x64xf32, #tpu.memory_space<hbm>>)
      %mul3A_621 = arith.constant 10240 : i32
      %mul3A_622 = arith.muli %arg0, %mul3A_621 : i32
      %add3A_623 = arith.addi %mul3A_622, %mul3A_0 : i32
      %add3A_624 = arith.constant 512 : i32
      %add3A_625 = arith.addi %add3A_623, %add3A_624 : i32
      %dma_wait3A_626 = arith.constant 0 : i32
      %dma_wait3A_627 = tpu.memref_slice %arg7[%add3A_625, %dma_wait3A_626] : memref<20480x64xf32, #tpu.memory_space<hbm>> -> memref<128x64xf32, #tpu.memory_space<hbm>>
      %dma_wait3A_628 = arith.constant 0 : i32
      %dma_wait3A_629 = tpu.memref_slice %arg7[%add3A_625, %dma_wait3A_628] : memref<20480x64xf32, #tpu.memory_space<hbm>> -> memref<128x64xf32, #tpu.memory_space<hbm>>
      tpu.wait_dma2 semaphore(%arg20 : memref<!tpu.dma_semaphore, #tpu.memory_space<semaphore_mem>>) src(%arg10 : memref<128x64xf32, #tpu.memory_space<vmem>>) dst(%dma_wait3A_629 : memref<128x64xf32, #tpu.memory_space<hbm>>)
      %barrier3A_630 = arith.constant 0 : index
      tpu.barrier barrier_id(%barrier3A_630)
    }
    %scan3A_246 = arith.constant 10 : i32
    return
  }
}

module attributes {stable_mosaic.version = 14 : i64} {
  func.func @_mlp_body(%arg0: i32, %arg1: memref<1024x128xf32, #tpu.memory_space<vmem>>, %arg2: memref<128x128xf32, #tpu.memory_space<vmem>>, %arg3: memref<1x128xf32, #tpu.memory_space<vmem>>, %arg4: memref<128x128xf32, #tpu.memory_space<vmem>>, %arg5: memref<1x128xf32, #tpu.memory_space<vmem>>, %arg6: memref<2x1024x64xf32, #tpu.memory_space<vmem>>) attributes {dimension_semantics = [#tpu.dimension_semantics<arbitrary>], iteration_bounds = array<i64: 10>, scalar_prefetch = 0 : i64, scratch_operands = 0 : i64, tpu.core_type = #tpu.core_type<tc>, window_params = [{transform_indices = @transform_0, window_bounds = array<i64: 1024, 128>}, {pipeline_mode = #tpu.pipeline_mode<synchronous>, transform_indices = @transform_1, window_bounds = array<i64: 128, 128>}, {pipeline_mode = #tpu.pipeline_mode<synchronous>, transform_indices = @transform_2, window_bounds = array<i64: 1, 128>}, {pipeline_mode = #tpu.pipeline_mode<synchronous>, transform_indices = @transform_3, window_bounds = array<i64: 128, 128>}, {pipeline_mode = #tpu.pipeline_mode<synchronous>, transform_indices = @transform_4, window_bounds = array<i64: 1, 128>}, {transform_indices = @transform_5, window_bounds = array<i64: 2, 1024, 64>}]} {
    %get3A = arith.constant 0 : index
    %get3A_0 = arith.constant 0 : index
    %get3A_1 = vector.load %arg1[%get3A, %get3A_0] : memref<1024x128xf32, #tpu.memory_space<vmem>>, vector<1024x128xf32>
    %get3A_2 = arith.constant 0 : index
    %get3A_3 = arith.constant 0 : index
    %get3A_4 = vector.load %arg2[%get3A_2, %get3A_3] : memref<128x128xf32, #tpu.memory_space<vmem>>, vector<128x128xf32>
    %dot_general3A = arith.constant dense<0.000000e+00> : vector<1024x128xf32>
    %dot_general3A_5 = tpu.matmul %get3A_1, %get3A_4, %dot_general3A {dimension_numbers = #tpu.dot_dimension_numbers<[1], [0], [0], [1], [0, 0, 1, 1], [], []>, transpose_lhs_hint = false} : vector<1024x128xf32>, vector<128x128xf32>, vector<1024x128xf32> -> vector<1024x128xf32>
    %get3A_6 = arith.constant 0 : index
    %get3A_7 = arith.constant 0 : index
    %get3A_8 = vector.load %arg3[%get3A_6, %get3A_7] : memref<1x128xf32, #tpu.memory_space<vmem>>, vector<1x128xf32>
    %add3A = vector.broadcast %get3A_8 : vector<1x128xf32> to vector<1024x128xf32>
    %add3A_9 = arith.addf %dot_general3A_5, %add3A : vector<1024x128xf32>
    %max3A = arith.constant 0.000000e+00 : f32
    %max3A_10 = vector.broadcast %max3A : f32 to vector<1024x128xf32>
    %max3A_11 = arith.maximumf %add3A_9, %max3A_10 : vector<1024x128xf32>
    %get3A_12 = arith.constant 0 : index
    %get3A_13 = arith.constant 0 : index
    %get3A_14 = vector.load %arg4[%get3A_12, %get3A_13] : memref<128x128xf32, #tpu.memory_space<vmem>>, vector<128x128xf32>
    %dot_general3A_15 = arith.constant dense<0.000000e+00> : vector<1024x128xf32>
    %dot_general3A_16 = tpu.matmul %max3A_11, %get3A_14, %dot_general3A_15 {dimension_numbers = #tpu.dot_dimension_numbers<[1], [0], [0], [1], [0, 0, 1, 1], [], []>, transpose_lhs_hint = false} : vector<1024x128xf32>, vector<128x128xf32>, vector<1024x128xf32> -> vector<1024x128xf32>
    %get3A_17 = arith.constant 0 : index
    %get3A_18 = arith.constant 0 : index
    %get3A_19 = vector.load %arg5[%get3A_17, %get3A_18] : memref<1x128xf32, #tpu.memory_space<vmem>>, vector<1x128xf32>
    %add3A_20 = vector.broadcast %get3A_19 : vector<1x128xf32> to vector<1024x128xf32>
    %add3A_21 = arith.addf %dot_general3A_16, %add3A_20 : vector<1024x128xf32>
    %slice3A = vector.extract_strided_slice %add3A_21 {offsets = [0, 0], sizes = [1024, 64], strides = [1, 1]} : vector<1024x128xf32> to vector<1024x64xf32>
    %swap3A = arith.constant 0 : index
    %swap3A_22 = arith.constant 0 : index
    %swap3A_23 = arith.constant 0 : index
    %swap3A_24 = vector.load %arg6[%swap3A, %swap3A_22, %swap3A_23] : memref<2x1024x64xf32, #tpu.memory_space<vmem>>, vector<1x1024x64xf32>
    %swap3A_25 = vector.shape_cast %swap3A_24 : vector<1x1024x64xf32> to vector<1024x64xf32>
    %swap3A_26 = vector.shape_cast %slice3A : vector<1024x64xf32> to vector<1x1024x64xf32>
    tpu.vector_store %arg6[%swap3A, %swap3A_22, %swap3A_23], %swap3A_26 {strides = array<i32>} : memref<2x1024x64xf32, #tpu.memory_space<vmem>>, vector<1x1024x64xf32>,
    %slice3A_27 = vector.extract_strided_slice %add3A_21 {offsets = [0, 64], sizes = [1024, 64], strides = [1, 1]} : vector<1024x128xf32> to vector<1024x64xf32>
    %swap3A_28 = arith.constant 1 : index
    %swap3A_29 = arith.constant 0 : index
    %swap3A_30 = arith.constant 0 : index
    %swap3A_31 = vector.load %arg6[%swap3A_28, %swap3A_29, %swap3A_30] : memref<2x1024x64xf32, #tpu.memory_space<vmem>>, vector<1x1024x64xf32>
    %swap3A_32 = vector.shape_cast %swap3A_31 : vector<1x1024x64xf32> to vector<1024x64xf32>
    %swap3A_33 = vector.shape_cast %slice3A_27 : vector<1024x64xf32> to vector<1x1024x64xf32>
    tpu.vector_store %arg6[%swap3A_28, %swap3A_29, %swap3A_30], %swap3A_33 {strides = array<i32>} : memref<2x1024x64xf32, #tpu.memory_space<vmem>>, vector<1x1024x64xf32>,
    return
  }
  func.func @transform_0(%arg0: i32) -> (i32, i32) {
    %c0_i32 = arith.constant 0 : i32
    %c0_i32_0 = arith.constant 0 : i32
    return %arg0, %c0_i32 : i32, i32
  }
  func.func @transform_1(%arg0: i32) -> (i32, i32) {
    %c0_i32 = arith.constant 0 : i32
    %c0_i32_0 = arith.constant 0 : i32
    %c0_i32_1 = arith.constant 0 : i32
    return %c0_i32, %c0_i32_0 : i32, i32
  }
  func.func @transform_2(%arg0: i32) -> (i32, i32) {
    %c0_i32 = arith.constant 0 : i32
    %c0_i32_0 = arith.constant 0 : i32
    %c0_i32_1 = arith.constant 0 : i32
    return %c0_i32, %c0_i32_0 : i32, i32
  }
  func.func @transform_3(%arg0: i32) -> (i32, i32) {
    %c0_i32 = arith.constant 0 : i32
    %c0_i32_0 = arith.constant 0 : i32
    %c0_i32_1 = arith.constant 0 : i32
    return %c0_i32, %c0_i32_0 : i32, i32
  }
  func.func @transform_4(%arg0: i32) -> (i32, i32) {
    %c0_i32 = arith.constant 0 : i32
    %c0_i32_0 = arith.constant 0 : i32
    %c0_i32_1 = arith.constant 0 : i32
    return %c0_i32, %c0_i32_0 : i32, i32
  }
  func.func @transform_5(%arg0: i32) -> (i32, i32, i32) {
    %c0_i32 = arith.constant 0 : i32
    %c0_i32_0 = arith.constant 0 : i32
    %c0_i32_1 = arith.constant 0 : i32
    return %c0_i32, %arg0, %c0_i32_0 : i32, i32, i32
  }
}

</mosaic_0001>

<sc_bundles>
// kernel: kernel.4.cloned.1.call-start
scs
__scs_entry_jumppad:
0x0: {  	(pc) =	sbr.rel $0x88, $3  }
0x1: {  	(tag) =	ssettag $0x0;
	lr =	simm.s32 $0x1  }
0x2: {  	[smem:$0x3F9A] =	sst lr;
	_ =	strace $0xD0000000  }
0x3: {  	_ = 	snop  }
0x4: {  	_ = 	snop  }
0x5: {  	_ = 	snop  }
0x6: {  	_ = 	snop  }
0x7: {  	_ = 	snop  }
__scs_overlays_trampoline_lowered:
0x8: {  	[smem:$0x3FA9] =	sst s0  }
0x9: {  	[smem:$0x3FAA] =	sst s1  }
0xa: {  	[smem:$0x3FAB] =	sst s2  }
0xb: {  	[smem:$0x3FAC] =	sst s3  }
0xc: {  	[smem:$0x3FAD] =	sst s4  }
0xd: {  	[smem:$0x3FAE] =	sst s5  }
0xe: {  	[smem:$0x3FAF] =	sst s6  }
0xf: {  	[smem:$0x3FB0] =	sst s7  }
0x10: {  	[smem:$0x3FB1] =	sst s8  }
0x11: {  	[smem:$0x3FB2] =	sst s9;
	s0 =	simm.s32 @!p0 $0x0  }
0x12: {  	s1 =	sld [smem:$0x3F98];
	s0 =	simm.s32 @p0 $0x1  }
0x13: {  	[smem:$0x3FB3] =	sst s0;
	s0 =	simm.s32 @!p1 $0x0  }
0x14: {  	s2 =	sld [smem:$0x3F97];
	s0 =	simm.s32 @p1 $0x1  }
0x15: {  	[smem:$0x3FB4] =	sst s0;
	s0 =	simm.s32 @!p2 $0x0  }
0x16: {  	s3 =	sld [smem:$0x3FDB];
	s0 =	simm.s32 @p2 $0x1  }
0x17: {  	s4 =	simm.s32 $0x1BF5;
	[smem:$0x3FB6] =	sst s0  }
0x18: {  	s0 =	sld [smem:$0x3F99];
	_ =	swait.ge [sflag:s4], $0x0  }
0x19: {  	s7 =	sld [smem:$0x3F9A]  }
0x1a: {  	s8 =	sadd.s32 $0xFFFFE003, lr  }
0x1b: {  	s9 =	sadd.s32 $0xFFFFFEF7, lr;
	s5 =	simm.s32 $0xFFFFFFFF;
	p2 =	slt.u32 s8, $0xFFFFF086  }
0x1c: {  	p1 =	slt.u32 s9, $0xF7A;
	s5 =	simm.s32 @!p2 $0x0  }
0x1d: {  	s5 =	simm.s32 @p1 $0x1;
	p0 =	seq.s32 s7, s2  }
0x1e: {  	s7 =	smul.u32 @!p0 $0xF7A, s2;
	p2 =	seq.s32 @!p0 s5, $0x0  }
0x1f: {  	s9 =	smul.u32 $0xF7A, s1;
	s8 =	simm.s32 @!p0 $0x1BF5;
	p2 =	por !p2, p0  }
0x20: {  	[sflag:s8] =	ssyncset.s32 @!p0 $0xFFFFF086;
	s6 =	sadd.s32 @!p0 s3, s7;
	s7 =	simm.s32 @!p0 $0x108  }
0x21: {  	s3 =	sadd.s32 s3, s9;
	s6 =	sadd.s32 @!p0 $0x88, s6;
	s7 =	simm.s32 @p2 $0x1082  }
0x22: {  	[simem:s7], [sflag:s8] =	dma.local @!p0 [hbm:s6], $0xF7A  }
0x23: {  	s9 =	sor.u32 $0xD0000000, s2;
	s6 =	simm.s32 $0x108;
	_ =	swait.ge @!p0 [sflag:s8], $0x0  }
0x24: {  	s3 =	sadd.s32 $0x88, s3;
	s6 =	simm.s32 @!p1 $0x1082;
	[sflag:s4] =	ssyncset.s32 $0xFFFFF086  }
0x25: {  	[simem:s6], [sflag:s4] =	dma.local [hbm:s3], $0xF7A  }
0x26: {  	[smem:$0x3F9A] =	sst s1;
	(tag) =	ssettag s2;
	_ =	strace s9  }
0x27: {  	s1 =	sld [smem:$0x3FAA]  }
0x28: {  	s2 =	sld [smem:$0x3FAB]  }
0x29: {  	s4 =	sld [smem:$0x3FAD]  }
0x2a: {  	p0 =	seq.s32 s5, $0x0;
	s5 =	sld [smem:$0x3FAE]  }
0x2b: {  	s6 =	sld [smem:$0x3FAF]  }
0x2c: {  	s7 =	sld [smem:$0x3FB0]  }
0x2d: {  	s3 =	simm.s32 $0x108;
	s8 =	sld [smem:$0x3FB1]  }
0x2e: {  	s3 =	simm.s32 @!p0 $0x1082;
	s9 =	sld [smem:$0x3FB2]  }
0x2f: {  	lr =	sadd.s32 s0, s3;
	s0 =	sld [smem:$0x3FA9]  }
0x30: {  	s3 =	sld [smem:$0x3FAC]  }
0x31: {  	[smem:$0x3FB5] =	sst s10  }
0x32: {  	s10 =	sld [smem:$0x3FB3];
	_ =	sdelay $0x3  }
0x33: {  	p0 =	seq.s32 s10, $0x1;
	s10 =	sld [smem:$0x3FB5];
	_ =	sdelay $0x3  }
0x34: {  	[smem:$0x3FB5] =	sst s10  }
0x35: {  	s10 =	sld [smem:$0x3FB4];
	_ =	sdelay $0x3  }
0x36: {  	p1 =	seq.s32 s10, $0x1;
	s10 =	sld [smem:$0x3FB5];
	_ =	sdelay $0x3  }
0x37: {  	[smem:$0x3FB5] =	sst s10  }
0x38: {  	s10 =	sld [smem:$0x3FB6]  }
0x39: {  	_ = 	snop;
	(pc) =	sbr.ind lr, $3  }
0x3a: {  	_ = 	snop  }
0x3b: {  	_ = 	snop  }
0x3c: {  	p2 =	seq.s32 s10, $0x1;
	s10 =	sld [smem:$0x3FB5]  }
0x3d: {  	_ =	shalt  }
0x3e: {  	_ =	shalt  }
0x3f: {  	_ =	shalt  }
0x40: {  	_ =	shalt  }
0x41: {  	_ =	shalt  }
0x42: {  	_ =	shalt  }
0x43: {  	_ =	shalt  }
0x44: {  	_ =	shalt  }
0x45: {  	_ =	shalt  }
0x46: {  	_ =	shalt  }
0x47: {  	_ =	shalt  }
0x48: {  	_ =	shalt  }
0x49: {  	_ =	shalt  }
0x4a: {  	_ =	shalt  }
0x4b: {  	_ =	shalt  }
0x4c: {  	_ =	shalt  }
0x4d: {  	_ =	shalt  }
0x4e: {  	_ =	shalt  }
0x4f: {  	_ =	shalt  }
0x50: {  	_ =	shalt  }
0x51: {  	_ =	shalt  }
0x52: {  	_ =	shalt  }
0x53: {  	_ =	shalt  }
0x54: {  	_ =	shalt  }
0x55: {  	_ =	shalt  }
0x56: {  	_ =	shalt  }
0x57: {  	_ =	shalt  }
0x58: {  	_ =	shalt  }
0x59: {  	_ =	shalt  }
0x5a: {  	_ =	shalt  }
0x5b: {  	_ =	shalt  }
0x5c: {  	_ =	shalt  }
0x5d: {  	_ =	shalt  }
0x5e: {  	_ =	shalt  }
0x5f: {  	_ =	shalt  }
0x60: {  	_ =	shalt  }
0x61: {  	_ =	shalt  }
0x62: {  	_ =	shalt  }
0x63: {  	_ =	shalt  }
0x64: {  	_ =	shalt  }
0x65: {  	_ =	shalt  }
0x66: {  	_ =	shalt  }
0x67: {  	_ =	shalt  }
0x68: {  	_ =	shalt  }
0x69: {  	_ =	shalt  }
0x6a: {  	_ =	shalt  }
0x6b: {  	_ =	shalt  }
0x6c: {  	_ =	shalt  }
0x6d: {  	_ =	shalt  }
0x6e: {  	_ =	shalt  }
0x6f: {  	_ =	shalt  }
0x70: {  	_ =	shalt  }
0x71: {  	_ =	shalt  }
0x72: {  	_ =	shalt  }
0x73: {  	_ =	shalt  }
0x74: {  	_ =	shalt  }
0x75: {  	_ =	shalt  }
0x76: {  	_ =	shalt  }
0x77: {  	_ =	shalt  }
0x78: {  	_ =	shalt  }
0x79: {  	_ =	shalt  }
0x7a: {  	_ =	shalt  }
0x7b: {  	_ =	shalt  }
0x7c: {  	_ =	shalt  }
0x7d: {  	_ =	shalt  }
0x7e: {  	_ =	shalt  }
0x7f: {  	_ =	shalt  }
0x80: {  	_ =	shalt  }
0x81: {  	_ =	shalt  }
0x82: {  	_ =	shalt  }
0x83: {  	_ =	shalt  }
0x84: {  	_ =	shalt  }
0x85: {  	_ =	shalt  }
0x86: {  	_ =	shalt  }
0x87: {  	_ =	shalt  }
.Lfunc_end0:
.L_simem_size_0:
called_computation_lowered:
.L_overlay_start_0:
0x88: {  	s2 =	sld [smem:$0x3FD9]  }
0x89: {  	s3 =	sld [smem:$0x3FFE];
	_ =	sdelay $0x1  }
0x8a: {  	s1 =	srdreg.scid  }
0x8b: {  	s0 =	sand.u32 $0x1, s1  }
0x8c: {  	s17 =	sshll.u32 s0, $0xA;
	s2 =	sadd.s32 s3, s2  }
0x8d: {  	s2 =	sadd.s32 s2, s17  }
0x8e: {  	[smem:$0x3FC1] =	sst s2  }
0x8f: {  	_ = 	snop  }
0x90: {  	s2 =	sld [smem:$0x3FD0];
	(tm) =	ssettm $0x1  }
0x91: {  	s18 =	sld [smem:$0x3FFB];
	_ =	sdelay $0x3  }
0x92: {  	_ =	strace s18  }
0x93: {  	s3 =	sld [smem:$0x3FFC];
	_ =	sdelay $0x3  }
0x94: {  	_ =	strace s3  }
0x95: {  	s3 =	sld [smem:$0x3FFD];
	_ =	sdelay $0x3  }
0x96: {  	_ =	strace s3  }
0x97: {  	_ =	strace $0x8FFFFFFF  }
0x98: {  	s19 =	sld [smem:$0x3FDB];
	_ =	sdelay $0x1  }
0x99: {  	s4 =	simm.s32 $_scs_section_size  }
0x9a: {  	s5 =	simm.s32 $_size__tile_overlayer_lowered;
	s6 =	simm.s32 $_tile_overlayer_lowered  }
0x9b: {  	s22 =	simm.s32 $0x1BFF;
	s21 =	sshll.u32 s6, $0x1;
	s3 =	sadd.s32 s4, s19  }
0x9c: {  	s7 =	simm.s32 $0x0;
	s20 =	sshll.u32 s5, $0x1;
	s5 =	sadd.s32 s21, s3  }
0x9d: {  	[timem:s7], [sflag:s22] =	dma.local [hbm:s5], s20  }
0x9e: {  	_ =	swait.ge [sflag:s22], s20  }
0x9f: {  	s4 =	ssub.s32 $0x0, s20;
	[sflag:s22] =	ssyncset.done $0x0  }
0xa0: {  	[sflag:s22] =	ssyncadd.s32 s4;
	_ =	sdelay $0x1  }
0xa1: {  	s23 =	simm.s32 $0x1B8B  }
0xa2: {  	_ =	swait.ge [sflag:s23], $0x1  }
0xa3: {  	[sflag:s23] =	ssyncset.done $0x0  }
0xa4: {  	s25 =	simm.s32 $0x1B8E;
	s24 =	sld [smem:$0x3FFE];
	[sflag:s23] =	ssyncadd.s32 $0xFFFFFFFF  }
0xa5: {  	s26 =	simm.s32 $execute0_lowered;
	[smem:$0x3FD2] =	sst s25  }
0xa6: {  	s5 =	sshll.u32 s26, $0x1;
	_ =	strace $0x80000046;
	[dreg:$0x1] =	wrdreg $0xFFFFFFFF  }
0xa7: {  	s28 =	simm.s32 $_size_execute0_lowered;
	s3 =	sadd.s32 s3, s5;
	[dreg:$0x0] =	wrdreg $0x0  }
0xa8: {  	s5 =	sshll.u32 s28, $0x1;
	[dreg:$0x2] =	wrdreg s3  }
0xa9: {  	[dreg:$0x3] =	wrdreg s5  }
0xaa: {  	[dreg:$0x4] =	wrdreg $0xC0  }
0xab: {  	_ =	task [dreg:s7], $0x5FFFF  }
0xac: {  	[dreg:$0x1] =	wrdreg $0xFFFFFFFF  }
0xad: {  	[dreg:$0x0] =	wrdreg $0x60  }
0xae: {  	[dreg:$0x2] =	wrdreg s24  }
0xaf: {  	[dreg:$0x3] =	wrdreg s2  }
0xb0: {  	[dreg:$0x4] =	wrdreg $0x1C8F00  }
0xb1: {  	[dreg:$0x5] =	wrdreg $0x128B00  }
0xb2: {  	[dreg:$0x6] =	wrdreg $0x9  }
0xb3: {  	_ =	task.clear_ibuf [dreg:s7], $0x7FFFF;
	_ =	strace $0x90000046  }
0xb4: {  	s29 =	simm.s32 $0x9;
	_ =	strace $0x80000048  }
0xb5: {  	_ =	swait.ge [sflag:s29], $0x1  }
0xb6: {  	[sflag:s29] =	ssyncadd.s32 $0xFFFFFFFF  }
0xb7: {  	_ =	strace $0x90000048  }
0xb8: {  	_ =	sfence  }
0xb9: {  	s30 =	sld [smem:$0x0];
	_ =	sdelay $0x2  }
0xba: {  	s31 =	sshll.u32 s1, $0xD;
	s1 =	sshrl.u32 s1, $0x2  }
0xbb: {  	s3 =	sand.u32 $0x4000, s31;
	s1 =	sadd.s32 s1, s30  }
0xbc: {  	s0 =	sor.u32 s3, s0;
	s1 =	sshll.u32 s1, $0x11  }
0xbd: {  	s0 =	sor.u32 s1, s0  }
0xbe: {  	s0 =	sadd.s32 $0x8F2B, s0  }
0xbf: {  	[sflag:s0] =	ssyncadd.remote.s32 $0x1  }
0xc0: {  	_ =	sfence.sel $0xFFFF  }
0xc1: {  	[dreg:$0x0] =	wrdreg $0xFFFFFFFF;
	(pc) =	sbr.abs _section_cstart, $3  }
0xc2: {  	[dreg:$0x1] =	wrdreg $0xFFFFFFFF  }
0xc3: {  	_ =	task.clear_ibuf [dreg:s7], $0x2FFFF;
	_ =	strace $0x9FFFFFFF  }
0xc4: {  	(tm) =	ssettm $0x7FFFFFFF  }
0xc5: {  	_ =	shalt  }
tec
execute0_lowered:
.L_overlay_start_1:
0x0: {  	(tag) =	ssettag $0x1  }
0x1: {  	s0 =	rddreg [dreg:$0x0]  }
0x2: {  	s1 =	rddreg [dreg:$0x1];
	s19 =	stileid.u32  }
0x3: {  	s4 =	srdreg.scid;
	s6 =	simm.s32 $0x0;
	s5 =	smul.u32 $0x5000, s19  }
0x4: {  	[smem:$0x7FF] =	sst s6;
	s6 =	smul.u32 $0xA000, s19  }
0x5: {  	s2 =	rddreg [dreg:$0x2];
	s4 =	sand.u32 $0x1, s4;
	s26 =	smul.u32 $0x280, s19  }
0x6: {  	s3 =	rddreg [dreg:$0x3];
	s25 =	smul.u32 $0x50000, s4  }
0x7: {  	s8 =	sadd.s32 $0xB400, s0;
	s12 =	sadd.s32 $0x5B400, s0;
	s13 =	smul.u32 $0xA0000, s4  }
0x8: {  	s7 =	ssub.s32 $0x2, s4;
	s4 =	smul.u32 $0x2800, s4;
	s10 =	sshrl.u32 s5, $0x3  }
0x9: {  	s9 =	sshrl.u32 s7, $0x1;
	s16 =	sadd.s32 $0x6000, s6;
	s18 =	sadd.s32 $0x8000, s6  }
0xa: {  	s5 =	sadd.s32 s5, s25;
	s14 =	ssub.s32 s7, s9;
	s15 =	sadd.s32 s6, s13  }
0xb: {  	s4 =	sadd.s32 s26, s4;
	s23 =	sadd.s32 s13, s18;
	s26 =	smul.u32 $0xA040, s19  }
0xc: {  	s10 =	sadd.s32 s10, s0;
	s30 =	sadd.s32 s16, s3;
	s31 =	sadd.s32 s18, s3  }
0xd: {  	s5 =	sshrl.u32 s5, $0x3;
	s7 =	sshrl.u32 s15, $0x3;
	s25 =	sshrl.u32 s23, $0x3  }
0xe: {  	s19 =	sadd.s32 $0x1400, s10;
	s14 =	smax.u32 s14, $0x1;
	s1 =	sadd.s32 s1, s5  }
0xf: {  	s5 =	sadd.s32 $0x4000, s6;
	s11 =	sadd.s32 s8, s7;
	[dreg:$0x5] =	wrdreg s1  }
0x10: {  	s7 =	sadd.s32 s12, s7;
	s1 =	sadd.s32 $0x2000, s6;
	[dreg:$0x6] =	wrdreg s11  }
0x11: {  	s15 =	sadd.s32 s13, s5;
	s29 =	sadd.s32 s5, s3;
	s17 =	sadd.s32 s13, s1  }
0x12: {  	s15 =	sshrl.u32 s15, $0x3;
	s28 =	sadd.s32 s1, s3;
	s11 =	sshrl.u32 s17, $0x3  }
0x13: {  	s21 =	sadd.s32 s8, s15;
	s17 =	sadd.s32 s13, s16;
	s20 =	sadd.s32 s8, s11  }
0x14: {  	s9 =	sadd.s32 s12, s11;
	[dreg:$0x8] =	wrdreg s21;
	s11 =	sadd.s32 s12, s15  }
0x15: {  	s22 =	sshrl.u32 s17, $0x3;
	s15 =	sadd.s32 s12, s25;
	s17 =	sadd.s32 $0x1200, s0  }
0x16: {  	s21 =	sshrl.u32 s6, $0x2;
	[dreg:$0x7] =	wrdreg s20;
	s24 =	sadd.s32 s8, s22  }
0x17: {  	s13 =	sadd.s32 s12, s22;
	s8 =	sadd.s32 s8, s25;
	[dreg:$0x9] =	wrdreg s24  }
0x18: {  	s20 =	sshrl.u32 s26, $0x2;
	s22 =	sshrl.u32 s1, $0x2;
	[dreg:$0xa] =	wrdreg s8  }
0x19: {  	s25 =	sshrl.u32 s16, $0x2;
	_ =	strace $0x80000047;
	[dreg:$0xb] =	wrdreg s17  }
0x1a: {  	s26 =	sshrl.u32 s18, $0x2;
	s23 =	sadd.s32 s22, s2;
	[dreg:$0xc] =	wrdreg s19  }
0x1b: {  	s12 =	sshll.u32 s4, $0x3;
	s1 =	simm.s32 $0x12000;
	[dreg:$0xf] =	wrdreg s23  }
0x1c: {  	s4 =	simm.s32 $0xA000;
	s10 =	sadd.s32 s20, s2;
	[dreg:$0x13] =	wrdreg s14  }
0x1d: {  	s17 =	sadd.s32 $0x33400, s0;
	s0 =	sadd.s32 s21, s2;
	[dreg:$0xd] =	wrdreg s10  }
0x1e: {  	s24 =	sshrl.u32 s5, $0x2;
	s16 =	sadd.s32 $0x800, s10;
	[dreg:$0xe] =	wrdreg s0  }
0x1f: {  	s5 =	simm.s32 $0x80;
	s18 =	sadd.s32 $0x1000, s10;
	[dreg:$0x14] =	wrdreg s16  }
0x20: {  	s8 =	simm.s32 $0x2;
	s19 =	sadd.s32 $0x1800, s10;
	[dreg:$0x15] =	wrdreg s18  }
0x21: {  	s20 =	sadd.s32 $0x2000, s10;
	s21 =	sadd.s32 $0x2800, s10;
	[dreg:$0x16] =	wrdreg s19  }
0x22: {  	s10 =	simm.s32 $0x3;
	s14 =	simm.s32 $0x10000;
	[dreg:$0x17] =	wrdreg s20  }
0x23: {  	s0 =	sadd.s32 s24, s2;
	s24 =	sadd.s32 s26, s2;
	[dreg:$0x18] =	wrdreg s21  }
0x24: {  	s26 =	sadd.s32 s6, s3;
	[dreg:$0x10] =	wrdreg s0;
	s0 =	sadd.s32 s25, s2  }
0x25: {  	s20 =	simm.s32 $0x5000;
	[dreg:$0x11] =	wrdreg s0;
	s0 =	sadd.s32 s17, s12  }
0x26: {  	s6 =	simm.s32 $0x1;
	s22 =	sadd.s32 $0x400, s0;
	[dreg:$0x12] =	wrdreg s0  }
0x27: {  	s19 =	simm.s32 $0x4;
	s23 =	sadd.s32 $0x800, s0;
	[dreg:$0x19] =	wrdreg s22  }
0x28: {  	s18 =	simm.s32 $0x0;
	s25 =	sadd.s32 $0xC00, s0;
	[dreg:$0x1a] =	wrdreg s23  }
0x29: {  	s12 =	simm.s32 $0xE000;
	s0 =	sadd.s32 $0x1000, s0;
	[dreg:$0x1b] =	wrdreg s25  }
0x2a: {  	v0 =	vimm.f32 $1.000000000e+00;
	[dreg:$0x1c] =	wrdreg s0;
	s0 =	simm.s32 $0x5;
	s25 =	simm.s32 $0xC000  }
.LBB2_1:
0x2b: {  	[dreg:$0x1d] =	wrdreg s18  }
0x2c: {  	s16 =	simm.s32 $0x0;
	s21 =	rddreg [dreg:$0x5]  }
0x2d: {  	[tilespmem:s16], [sflag:$0x5] =	stream.linear.gather [hbm4b:s21+s16], $0x5000, $0x38;
	[tilespmem:$0x1F100] =	vst v63  }
0x2e: {  	_ =	swait.ge [sflag:s0], $0x5000  }
0x2f: {  	[sflag:s0] =	ssyncset.done $0x0  }
0x30: {  	s22 =	rddreg [dreg:$0xc];
	[sflag:s0] =	ssyncadd.s32 $0xFFFFB000  }
0x31: {  	[tilespmem:s20], [sflag:$0x5] =	stream.linear.gather [hbm4b:s22+s16], $0x5000, $0x38;
	[tilespmem:$0x1F100] =	vst v63  }
0x32: {  	_ =	swait.ge [sflag:s0], $0x5000  }
0x33: {  	[sflag:s0] =	ssyncset.done $0x0  }
0x34: {  	s21 =	simm.s32 $0x12800;
	s23 =	rddreg [dreg:$0xb];
	[sflag:s0] =	ssyncadd.s32 $0xFFFFB000  }
0x35: {  	[tilespmem:s21], [sflag:$0x5] =	stream.linear.gather [hbm4b:s23+s16], $0xB0, $0x38;
	[tilespmem:$0x1F100] =	vst v63  }
0x36: {  	_ =	swait.ge [sflag:s0], $0xB0  }
0x37: {  	[sflag:s0] =	ssyncset.done $0x0  }
0x38: {  	s18 =	simm.s32 $0x0;
	s16 =	simm.s32 $0x40;
	[sflag:s0] =	ssyncadd.s32 $0xFFFFFF50  }
.LBB2_2:
0x39: {  	p0 =	sne.s32 s16, $0x1FC0;
	[tilespmem:s18+$0x12000] =	vst v0;
	s18 =	smov.u32 s16;
	s16 =	sadd.s32 $0x40, s16  }
.Ltmp0:
0x3a: {  	(pc) =	sbr.rel @p0 .LBB2_2-.Ltmp0, $2  }
0x3b: {  	_ =	sdelay $0x2  }
0x3c: {  	s18 =	sshra.s32 s18, $0x2  }
0x3d: {  	[tilespmem:s18+$0x12000] =	vst v0;
	s16 =	rddreg [dreg:$0xd]  }
0x3e: {  	[spmem:s16] =	stream.linear.scatter [tilespmem:s1], [sflag:$0x5], $0x800, $0x38;
	[tilespmem:$0x1F100] =	vst v63  }
0x3f: {  	_ =	swait.ge [sflag:s0], $0x800  }
0x40: {  	[sflag:s0] =	ssyncset.done $0x0  }
0x41: {  	s22 =	rddreg [dreg:$0x14];
	[sflag:s0] =	ssyncadd.s32 $0xFFFFF800  }
0x42: {  	[spmem:s22] =	stream.linear.scatter [tilespmem:s1], [sflag:$0x5], $0x800, $0x38;
	[tilespmem:$0x1F100] =	vst v63  }
0x43: {  	_ =	swait.ge [sflag:s0], $0x800  }
0x44: {  	[sflag:s0] =	ssyncset.done $0x0  }
0x45: {  	s23 =	rddreg [dreg:$0x15];
	[sflag:s0] =	ssyncadd.s32 $0xFFFFF800  }
0x46: {  	[spmem:s23] =	stream.linear.scatter [tilespmem:s1], [sflag:$0x5], $0x800, $0x38;
	[tilespmem:$0x1F100] =	vst v63  }
0x47: {  	_ =	swait.ge [sflag:s0], $0x800  }
0x48: {  	[sflag:s0] =	ssyncset.done $0x0  }
0x49: {  	s18 =	rddreg [dreg:$0x16];
	[sflag:s0] =	ssyncadd.s32 $0xFFFFF800  }
0x4a: {  	[spmem:s18] =	stream.linear.scatter [tilespmem:s1], [sflag:$0x5], $0x800, $0x38;
	[tilespmem:$0x1F100] =	vst v63  }
0x4b: {  	_ =	swait.ge [sflag:s0], $0x800  }
0x4c: {  	[sflag:s0] =	ssyncset.done $0x0  }
0x4d: {  	s21 =	rddreg [dreg:$0x17];
	[sflag:s0] =	ssyncadd.s32 $0xFFFFF800  }
0x4e: {  	[spmem:s21] =	stream.linear.scatter [tilespmem:s1], [sflag:$0x5], $0x800, $0x38;
	[tilespmem:$0x1F100] =	vst v63  }
0x4f: {  	_ =	swait.ge [sflag:s0], $0x800  }
0x50: {  	[sflag:s0] =	ssyncset.done $0x0  }
0x51: {  	s22 =	rddreg [dreg:$0x18];
	[sflag:s0] =	ssyncadd.s32 $0xFFFFF800  }
0x52: {  	[spmem:s22] =	stream.linear.scatter [tilespmem:s1], [sflag:$0x5], $0x10, $0x38;
	[tilespmem:$0x1F100] =	vst v63  }
0x53: {  	_ =	swait.ge [sflag:s0], $0x10  }
0x54: {  	[sflag:s0] =	ssyncset.done $0x0  }
0x55: {  	[sflag:s0] =	ssyncadd.s32 $0xFFFFFFF0  }
0x56: {  	[bflag:$0x0] =	sbarrier.arrive $0xFFFF  }
0x57: {  	[spmem:s2] =	stream.indirect.scatter.add.f32 [tilespmem:s1], [sflag:$0x1], $0x10, s20, s5, $0xb8;
	[tilespmem:$0x1F100] =	vst v63  }
0x58: {  	s23 =	simm.s32 $0x5080  }
0x59: {  	[spmem:s2] =	stream.indirect.scatter.add.f32 [tilespmem:s1], [sflag:$0x2], $0x10, s23, s5, $0xb8;
	[tilespmem:$0x1F100] =	vst v63  }
0x5a: {  	s18 =	simm.s32 $0x5100  }
0x5b: {  	[spmem:s2] =	stream.indirect.scatter.add.f32 [tilespmem:s1], [sflag:$0x3], $0x10, s18, s5, $0xb8;
	[tilespmem:$0x1F100] =	vst v63  }
0x5c: {  	s20 =	simm.s32 $0x5180  }
0x5d: {  	[spmem:s2] =	stream.indirect.scatter.add.f32 [tilespmem:s1], [sflag:$0x4], $0x10, s20, s5, $0xb8;
	[tilespmem:$0x1F100] =	vst v63  }
0x5e: {  	_ =	swait.ge [sflag:s6], $0x800  }
0x5f: {  	[sflag:s6] =	ssyncset.done $0x0  }
0x60: {  	s21 =	simm.s32 $0x5200;
	[sflag:s6] =	ssyncadd.s32 $0xFFFFF800  }
0x61: {  	[spmem:s2] =	stream.indirect.scatter.add.f32 [tilespmem:s1], [sflag:$0x1], $0x10, s21, s5, $0xb8;
	[tilespmem:$0x1F100] =	vst v63  }
0x62: {  	_ =	swait.ge [sflag:s8], $0x800  }
0x63: {  	[sflag:s8] =	ssyncset.done $0x0  }
0x64: {  	s22 =	simm.s32 $0x5280;
	[sflag:s8] =	ssyncadd.s32 $0xFFFFF800  }
0x65: {  	[spmem:s2] =	stream.indirect.scatter.add.f32 [tilespmem:s1], [sflag:$0x2], $0x10, s22, s5, $0xb8;
	[tilespmem:$0x1F100] =	vst v63  }
0x66: {  	_ =	swait.ge [sflag:s10], $0x800  }
0x67: {  	[sflag:s10] =	ssyncset.done $0x0  }
0x68: {  	s23 =	simm.s32 $0x5300;
	[sflag:s10] =	ssyncadd.s32 $0xFFFFF800  }
0x69: {  	[spmem:s2] =	stream.indirect.scatter.add.f32 [tilespmem:s1], [sflag:$0x3], $0x10, s23, s5, $0xb8;
	[tilespmem:$0x1F100] =	vst v63  }
0x6a: {  	_ =	swait.ge [sflag:s19], $0x800  }
0x6b: {  	[sflag:s19] =	ssyncset.done $0x0  }
0x6c: {  	s16 =	simm.s32 $0xFFFED000;
	s18 =	simm.s32 $0x5380;
	[sflag:s19] =	ssyncadd.s32 $0xFFFFF800  }
.LBB2_4:
0x6d: {  	[spmem:s2] =	stream.indirect.scatter.add.f32 [tilespmem:s1], [sflag:$0x4], $0x10, s18, s5, $0xb8;
	[tilespmem:$0x1F100] =	vst v63  }
0x6e: {  	s18 =	smov.u32 s16  }
0x6f: {  	p0 =	sne.s32 s16, $0xFFFFF800;
	s16 =	sadd.s32 $0x800, s16;
	_ =	swait.ge [sflag:s6], $0x800  }
0x70: {  	s18 =	sshra.s32 s18, $0x2;
	[sflag:s6] =	ssyncset.done $0x0  }
0x71: {  	s20 =	sadd.s32 $0xA000, s18;
	[sflag:s6] =	ssyncadd.s32 $0xFFFFF800  }
0x72: {  	[spmem:s2] =	stream.indirect.scatter.add.f32 [tilespmem:s1], [sflag:$0x1], $0x10, s20, s5, $0xb8;
	[tilespmem:$0x1F100] =	vst v63  }
0x73: {  	_ =	swait.ge [sflag:s8], $0x800  }
0x74: {  	[sflag:s8] =	ssyncset.done $0x0  }
0x75: {  	s20 =	sadd.s32 $0xA080, s18;
	[sflag:s8] =	ssyncadd.s32 $0xFFFFF800  }
0x76: {  	[spmem:s2] =	stream.indirect.scatter.add.f32 [tilespmem:s1], [sflag:$0x2], $0x10, s20, s5, $0xb8;
	[tilespmem:$0x1F100] =	vst v63  }
0x77: {  	_ =	swait.ge [sflag:s10], $0x800  }
0x78: {  	[sflag:s10] =	ssyncset.done $0x0  }
.Ltmp1:
0x79: {  	s20 =	sadd.s32 $0xA100, s18;
	[sflag:s10] =	ssyncadd.s32 $0xFFFFF800;
	(pc) =	sbr.rel @p0 .LBB2_4-.Ltmp1, $4  }
0x7a: {  	[spmem:s2] =	stream.indirect.scatter.add.f32 [tilespmem:s1], [sflag:$0x3], $0x10, s20, s5, $0xb8;
	[tilespmem:$0x1F100] =	vst v63  }
0x7b: {  	_ =	swait.ge [sflag:s19], $0x800  }
0x7c: {  	[sflag:s19] =	ssyncset.done $0x0  }
0x7d: {  	s18 =	sadd.s32 $0xA180, s18;
	[sflag:s19] =	ssyncadd.s32 $0xFFFFF800  }
0x7e: {  	[spmem:s2] =	stream.indirect.scatter.add.f32 [tilespmem:s1], [sflag:$0x4], $0x10, s18, s5, $0xb8;
	[tilespmem:$0x1F100] =	vst v63  }
0x7f: {  	_ =	swait.ge [sflag:s6], $0x800  }
0x80: {  	[sflag:s6] =	ssyncset.done $0x0  }
0x81: {  	[sflag:s6] =	ssyncadd.s32 $0xFFFFF800  }
0x82: {  	_ =	swait.ge [sflag:s8], $0x800  }
0x83: {  	[sflag:s8] =	ssyncset.done $0x0  }
0x84: {  	[sflag:s8] =	ssyncadd.s32 $0xFFFFF800  }
0x85: {  	_ =	swait.ge [sflag:s10], $0x800  }
0x86: {  	[sflag:s10] =	ssyncset.done $0x0  }
0x87: {  	[sflag:s10] =	ssyncadd.s32 $0xFFFFF800  }
0x88: {  	_ =	swait.ge [sflag:s19], $0x800  }
0x89: {  	[sflag:s19] =	ssyncset.done $0x0  }
0x8a: {  	[sflag:s19] =	ssyncadd.s32 $0xFFFFF800  }
0x8b: {  	[bflag:$0x0] =	sbarrier.arrive $0xFFFF  }
0x8c: {  	s16 =	rddreg [dreg:$0xe]  }
0x8d: {  	[tilespmem:s1], [sflag:$0x5] =	stream.linear.gather [spmem:s16], $0x800, $0x38;
	[tilespmem:$0x1F100] =	vst v63  }
0x8e: {  	_ =	swait.ge [sflag:s0], $0x800  }
0x8f: {  	[sflag:s0] =	ssyncset.done $0x0  }
0x90: {  	s18 =	simm.s32 $0x40;
	s16 =	simm.s32 $0x0;
	[sflag:s0] =	ssyncadd.s32 $0xFFFFF800  }
.LBB2_6:
0x91: {  	p0 =	sne.s32 s18, $0x1FC0;
	v1 =	vld [tilespmem:s16+$0x12000];
	_ =	sdelay $0x4  }
0x92: {  	v2 =	vshra.s32 v1, $0x1;
	v1 =	vmul.f32 $5.000000000e-01, v1  }
0x93: {  	v2 =	vsub.s32 $0x5F3759DF, v2  }
0x94: {  	v3 =	vmul.f32 v2, v1;
	_ =	sdelay $0x1  }
0x95: {  	v3 =	vmul.f32 v2, v3;
	_ =	sdelay $0x1  }
0x96: {  	v3 =	vsub.f32 $1.500000000e+00, v3;
	_ =	sdelay $0x1  }
0x97: {  	v2 =	vmul.f32 v2, v3;
	_ =	sdelay $0x1  }
0x98: {  	v3 =	vmul.f32 v2, v1;
	_ =	sdelay $0x1  }
0x99: {  	v3 =	vmul.f32 v3, v2;
	_ =	sdelay $0x1  }
0x9a: {  	v3 =	vsub.f32 $1.500000000e+00, v3;
	_ =	sdelay $0x1  }
0x9b: {  	v2 =	vmul.f32 v3, v2;
	_ =	sdelay $0x1  }
0x9c: {  	v1 =	vmul.f32 v2, v1;
	_ =	sdelay $0x1  }
0x9d: {  	v1 =	vmul.f32 v1, v2;
	_ =	sdelay $0x1  }
.Ltmp2:
0x9e: {  	v1 =	vsub.f32 $1.500000000e+00, v1;
	(pc) =	sbr.rel @p0 .LBB2_6-.Ltmp2, $3  }
0x9f: {  	_ = 	snop  }
0xa0: {  	v1 =	vmul.f32 v1, v2;
	_ =	sdelay $0x1  }
0xa1: {  	[tilespmem:s16+$0x12000] =	vst v1;
	s16 =	sshra.s32 s18, $0x2;
	s18 =	sadd.s32 $0x40, s18  }
0xa2: {  	v1 =	vld [tilespmem:s16+$0x12000];
	_ =	sdelay $0x4  }
0xa3: {  	v2 =	vshra.s32 v1, $0x1;
	v1 =	vmul.f32 $5.000000000e-01, v1  }
0xa4: {  	v2 =	vsub.s32 $0x5F3759DF, v2  }
0xa5: {  	v3 =	vmul.f32 v2, v1;
	_ =	sdelay $0x1  }
0xa6: {  	v3 =	vmul.f32 v2, v3;
	_ =	sdelay $0x1  }
0xa7: {  	v3 =	vsub.f32 $1.500000000e+00, v3;
	_ =	sdelay $0x1  }
0xa8: {  	v2 =	vmul.f32 v2, v3;
	_ =	sdelay $0x1  }
0xa9: {  	v3 =	vmul.f32 v2, v1;
	_ =	sdelay $0x1  }
0xaa: {  	v3 =	vmul.f32 v3, v2;
	_ =	sdelay $0x1  }
0xab: {  	v3 =	vsub.f32 $1.500000000e+00, v3;
	_ =	sdelay $0x1  }
0xac: {  	v2 =	vmul.f32 v3, v2;
	_ =	sdelay $0x1  }
0xad: {  	v1 =	vmul.f32 v2, v1;
	_ =	sdelay $0x1  }
0xae: {  	v1 =	vmul.f32 v1, v2;
	_ =	sdelay $0x1  }
0xaf: {  	v1 =	vsub.f32 $1.500000000e+00, v1;
	_ =	sdelay $0x1  }
0xb0: {  	v1 =	vmul.f32 v1, v2;
	_ =	sdelay $0x1  }
0xb1: {  	s22 =	rddreg [dreg:$0xe];
	[tilespmem:s16+$0x12000] =	vst v1  }
0xb2: {  	[spmem:s22] =	stream.linear.scatter [tilespmem:s1], [sflag:$0x5], $0x800, $0x38;
	[tilespmem:$0x1F100] =	vst v63  }
0xb3: {  	_ =	swait.ge [sflag:s0], $0x800  }
0xb4: {  	[sflag:s0] =	ssyncset.done $0x0  }
0xb5: {  	s23 =	rddreg [dreg:$0xf];
	[sflag:s0] =	ssyncadd.s32 $0xFFFFF800  }
0xb6: {  	[tilespmem:s1], [sflag:$0x5] =	stream.linear.gather [spmem:s23], $0x800, $0x38;
	[tilespmem:$0x1F100] =	vst v63  }
0xb7: {  	_ =	swait.ge [sflag:s0], $0x800  }
0xb8: {  	[sflag:s0] =	ssyncset.done $0x0  }
0xb9: {  	s18 =	simm.s32 $0x40;
	s16 =	simm.s32 $0x0;
	[sflag:s0] =	ssyncadd.s32 $0xFFFFF800  }
.LBB2_8:
0xba: {  	p0 =	sne.s32 s18, $0x1FC0;
	v1 =	vld [tilespmem:s16+$0x12000];
	_ =	sdelay $0x4  }
0xbb: {  	v2 =	vshra.s32 v1, $0x1;
	v1 =	vmul.f32 $5.000000000e-01, v1  }
0xbc: {  	v2 =	vsub.s32 $0x5F3759DF, v2  }
0xbd: {  	v3 =	vmul.f32 v2, v1;
	_ =	sdelay $0x1  }
0xbe: {  	v3 =	vmul.f32 v2, v3;
	_ =	sdelay $0x1  }
0xbf: {  	v3 =	vsub.f32 $1.500000000e+00, v3;
	_ =	sdelay $0x1  }
0xc0: {  	v2 =	vmul.f32 v2, v3;
	_ =	sdelay $0x1  }
0xc1: {  	v3 =	vmul.f32 v2, v1;
	_ =	sdelay $0x1  }
0xc2: {  	v3 =	vmul.f32 v3, v2;
	_ =	sdelay $0x1  }
0xc3: {  	v3 =	vsub.f32 $1.500000000e+00, v3;
	_ =	sdelay $0x1  }
0xc4: {  	v2 =	vmul.f32 v3, v2;
	_ =	sdelay $0x1  }
0xc5: {  	v1 =	vmul.f32 v2, v1;
	_ =	sdelay $0x1  }
0xc6: {  	v1 =	vmul.f32 v1, v2;
	_ =	sdelay $0x1  }
.Ltmp3:
0xc7: {  	v1 =	vsub.f32 $1.500000000e+00, v1;
	(pc) =	sbr.rel @p0 .LBB2_8-.Ltmp3, $3  }
0xc8: {  	_ = 	snop  }
0xc9: {  	v1 =	vmul.f32 v1, v2;
	_ =	sdelay $0x1  }
0xca: {  	[tilespmem:s16+$0x12000] =	vst v1;
	s16 =	sshra.s32 s18, $0x2;
	s18 =	sadd.s32 $0x40, s18  }
0xcb: {  	v1 =	vld [tilespmem:s16+$0x12000];
	_ =	sdelay $0x4  }
0xcc: {  	v2 =	vshra.s32 v1, $0x1;
	v1 =	vmul.f32 $5.000000000e-01, v1  }
0xcd: {  	v2 =	vsub.s32 $0x5F3759DF, v2  }
0xce: {  	v3 =	vmul.f32 v2, v1;
	_ =	sdelay $0x1  }
0xcf: {  	v3 =	vmul.f32 v2, v3;
	_ =	sdelay $0x1  }
0xd0: {  	v3 =	vsub.f32 $1.500000000e+00, v3;
	_ =	sdelay $0x1  }
0xd1: {  	v2 =	vmul.f32 v2, v3;
	_ =	sdelay $0x1  }
0xd2: {  	v3 =	vmul.f32 v2, v1;
	_ =	sdelay $0x1  }
0xd3: {  	v3 =	vmul.f32 v3, v2;
	_ =	sdelay $0x1  }
0xd4: {  	v3 =	vsub.f32 $1.500000000e+00, v3;
	_ =	sdelay $0x1  }
0xd5: {  	v2 =	vmul.f32 v3, v2;
	_ =	sdelay $0x1  }
0xd6: {  	v1 =	vmul.f32 v2, v1;
	_ =	sdelay $0x1  }
0xd7: {  	v1 =	vmul.f32 v1, v2;
	_ =	sdelay $0x1  }
0xd8: {  	v1 =	vsub.f32 $1.500000000e+00, v1;
	_ =	sdelay $0x1  }
0xd9: {  	v1 =	vmul.f32 v1, v2;
	_ =	sdelay $0x1  }
0xda: {  	s22 =	rddreg [dreg:$0xf];
	[tilespmem:s16+$0x12000] =	vst v1  }
0xdb: {  	[spmem:s22] =	stream.linear.scatter [tilespmem:s1], [sflag:$0x5], $0x800, $0x38;
	[tilespmem:$0x1F100] =	vst v63  }
0xdc: {  	_ =	swait.ge [sflag:s0], $0x800  }
0xdd: {  	[sflag:s0] =	ssyncset.done $0x0  }
0xde: {  	s23 =	rddreg [dreg:$0x10];
	[sflag:s0] =	ssyncadd.s32 $0xFFFFF800  }
0xdf: {  	[tilespmem:s1], [sflag:$0x5] =	stream.linear.gather [spmem:s23], $0x800, $0x38;
	[tilespmem:$0x1F100] =	vst v63  }
0xe0: {  	_ =	swait.ge [sflag:s0], $0x800  }
0xe1: {  	[sflag:s0] =	ssyncset.done $0x0  }
0xe2: {  	s18 =	simm.s32 $0x40;
	s16 =	simm.s32 $0x0;
	[sflag:s0] =	ssyncadd.s32 $0xFFFFF800  }
.LBB2_10:
0xe3: {  	p0 =	sne.s32 s18, $0x1FC0;
	v1 =	vld [tilespmem:s16+$0x12000];
	_ =	sdelay $0x4  }
0xe4: {  	v2 =	vshra.s32 v1, $0x1;
	v1 =	vmul.f32 $5.000000000e-01, v1  }
0xe5: {  	v2 =	vsub.s32 $0x5F3759DF, v2  }
0xe6: {  	v3 =	vmul.f32 v2, v1;
	_ =	sdelay $0x1  }
0xe7: {  	v3 =	vmul.f32 v2, v3;
	_ =	sdelay $0x1  }
0xe8: {  	v3 =	vsub.f32 $1.500000000e+00, v3;
	_ =	sdelay $0x1  }
0xe9: {  	v2 =	vmul.f32 v2, v3;
	_ =	sdelay $0x1  }
0xea: {  	v3 =	vmul.f32 v2, v1;
	_ =	sdelay $0x1  }
0xeb: {  	v3 =	vmul.f32 v3, v2;
	_ =	sdelay $0x1  }
0xec: {  	v3 =	vsub.f32 $1.500000000e+00, v3;
	_ =	sdelay $0x1  }
0xed: {  	v2 =	vmul.f32 v3, v2;
	_ =	sdelay $0x1  }
0xee: {  	v1 =	vmul.f32 v2, v1;
	_ =	sdelay $0x1  }
0xef: {  	v1 =	vmul.f32 v1, v2;
	_ =	sdelay $0x1  }
.Ltmp4:
0xf0: {  	v1 =	vsub.f32 $1.500000000e+00, v1;
	(pc) =	sbr.rel @p0 .LBB2_10-.Ltmp4, $3  }
0xf1: {  	_ = 	snop  }
0xf2: {  	v1 =	vmul.f32 v1, v2;
	_ =	sdelay $0x1  }
0xf3: {  	[tilespmem:s16+$0x12000] =	vst v1;
	s16 =	sshra.s32 s18, $0x2;
	s18 =	sadd.s32 $0x40, s18  }
0xf4: {  	v1 =	vld [tilespmem:s16+$0x12000];
	_ =	sdelay $0x4  }
0xf5: {  	v2 =	vshra.s32 v1, $0x1;
	v1 =	vmul.f32 $5.000000000e-01, v1  }
0xf6: {  	v2 =	vsub.s32 $0x5F3759DF, v2  }
0xf7: {  	v3 =	vmul.f32 v2, v1;
	_ =	sdelay $0x1  }
0xf8: {  	v3 =	vmul.f32 v2, v3;
	_ =	sdelay $0x1  }
0xf9: {  	v3 =	vsub.f32 $1.500000000e+00, v3;
	_ =	sdelay $0x1  }
0xfa: {  	v2 =	vmul.f32 v2, v3;
	_ =	sdelay $0x1  }
0xfb: {  	v3 =	vmul.f32 v2, v1;
	_ =	sdelay $0x1  }
0xfc: {  	v3 =	vmul.f32 v3, v2;
	_ =	sdelay $0x1  }
0xfd: {  	v3 =	vsub.f32 $1.500000000e+00, v3;
	_ =	sdelay $0x1  }
0xfe: {  	v2 =	vmul.f32 v3, v2;
	_ =	sdelay $0x1  }
0xff: {  	v1 =	vmul.f32 v2, v1;
	_ =	sdelay $0x1  }
0x100: {  	v1 =	vmul.f32 v1, v2;
	_ =	sdelay $0x1  }
0x101: {  	v1 =	vsub.f32 $1.500000000e+00, v1;
	_ =	sdelay $0x1  }
0x102: {  	v1 =	vmul.f32 v1, v2;
	_ =	sdelay $0x1  }
0x103: {  	s22 =	rddreg [dreg:$0x10];
	[tilespmem:s16+$0x12000] =	vst v1  }
0x104: {  	[spmem:s22] =	stream.linear.scatter [tilespmem:s1], [sflag:$0x5], $0x800, $0x38;
	[tilespmem:$0x1F100] =	vst v63  }
0x105: {  	_ =	swait.ge [sflag:s0], $0x800  }
0x106: {  	[sflag:s0] =	ssyncset.done $0x0  }
0x107: {  	s23 =	rddreg [dreg:$0x11];
	[sflag:s0] =	ssyncadd.s32 $0xFFFFF800  }
0x108: {  	[tilespmem:s1], [sflag:$0x5] =	stream.linear.gather [spmem:s23], $0x800, $0x38;
	[tilespmem:$0x1F100] =	vst v63  }
0x109: {  	_ =	swait.ge [sflag:s0], $0x800  }
0x10a: {  	[sflag:s0] =	ssyncset.done $0x0  }
0x10b: {  	s18 =	simm.s32 $0x40;
	s16 =	simm.s32 $0x0;
	[sflag:s0] =	ssyncadd.s32 $0xFFFFF800  }
.LBB2_12:
0x10c: {  	p0 =	sne.s32 s18, $0x1FC0;
	v1 =	vld [tilespmem:s16+$0x12000];
	_ =	sdelay $0x4  }
0x10d: {  	v2 =	vshra.s32 v1, $0x1;
	v1 =	vmul.f32 $5.000000000e-01, v1  }
0x10e: {  	v2 =	vsub.s32 $0x5F3759DF, v2  }
0x10f: {  	v3 =	vmul.f32 v2, v1;
	_ =	sdelay $0x1  }
0x110: {  	v3 =	vmul.f32 v2, v3;
	_ =	sdelay $0x1  }
0x111: {  	v3 =	vsub.f32 $1.500000000e+00, v3;
	_ =	sdelay $0x1  }
0x112: {  	v2 =	vmul.f32 v2, v3;
	_ =	sdelay $0x1  }
0x113: {  	v3 =	vmul.f32 v2, v1;
	_ =	sdelay $0x1  }
0x114: {  	v3 =	vmul.f32 v3, v2;
	_ =	sdelay $0x1  }
0x115: {  	v3 =	vsub.f32 $1.500000000e+00, v3;
	_ =	sdelay $0x1  }
0x116: {  	v2 =	vmul.f32 v3, v2;
	_ =	sdelay $0x1  }
0x117: {  	v1 =	vmul.f32 v2, v1;
	_ =	sdelay $0x1  }
0x118: {  	v1 =	vmul.f32 v1, v2;
	_ =	sdelay $0x1  }
.Ltmp5:
0x119: {  	v1 =	vsub.f32 $1.500000000e+00, v1;
	(pc) =	sbr.rel @p0 .LBB2_12-.Ltmp5, $3  }
0x11a: {  	_ = 	snop  }
0x11b: {  	v1 =	vmul.f32 v1, v2;
	_ =	sdelay $0x1  }
0x11c: {  	[tilespmem:s16+$0x12000] =	vst v1;
	s16 =	sshra.s32 s18, $0x2;
	s18 =	sadd.s32 $0x40, s18  }
0x11d: {  	v1 =	vld [tilespmem:s16+$0x12000];
	_ =	sdelay $0x4  }
0x11e: {  	v2 =	vshra.s32 v1, $0x1;
	v1 =	vmul.f32 $5.000000000e-01, v1  }
0x11f: {  	v2 =	vsub.s32 $0x5F3759DF, v2  }
0x120: {  	v3 =	vmul.f32 v2, v1;
	_ =	sdelay $0x1  }
0x121: {  	v3 =	vmul.f32 v2, v3;
	_ =	sdelay $0x1  }
0x122: {  	v3 =	vsub.f32 $1.500000000e+00, v3;
	_ =	sdelay $0x1  }
0x123: {  	v2 =	vmul.f32 v2, v3;
	_ =	sdelay $0x1  }
0x124: {  	v3 =	vmul.f32 v2, v1;
	_ =	sdelay $0x1  }
0x125: {  	v3 =	vmul.f32 v3, v2;
	_ =	sdelay $0x1  }
0x126: {  	v3 =	vsub.f32 $1.500000000e+00, v3;
	_ =	sdelay $0x1  }
0x127: {  	v2 =	vmul.f32 v3, v2;
	_ =	sdelay $0x1  }
0x128: {  	v1 =	vmul.f32 v2, v1;
	_ =	sdelay $0x1  }
0x129: {  	v1 =	vmul.f32 v1, v2;
	_ =	sdelay $0x1  }
0x12a: {  	v1 =	vsub.f32 $1.500000000e+00, v1;
	_ =	sdelay $0x1  }
0x12b: {  	v1 =	vmul.f32 v1, v2;
	_ =	sdelay $0x1  }
0x12c: {  	s23 =	rddreg [dreg:$0x11];
	[tilespmem:s16+$0x12000] =	vst v1  }
0x12d: {  	[spmem:s23] =	stream.linear.scatter [tilespmem:s1], [sflag:$0x5], $0x800, $0x38;
	[tilespmem:$0x1F100] =	vst v63  }
0x12e: {  	_ =	swait.ge [sflag:s0], $0x800  }
0x12f: {  	[sflag:s0] =	ssyncset.done $0x0  }
0x130: {  	[sflag:s0] =	ssyncadd.s32 $0xFFFFF800  }
0x131: {  	[tilespmem:s1], [sflag:$0x5] =	stream.linear.gather [spmem:s24], $0x800, $0x38;
	[tilespmem:$0x1F100] =	vst v63  }
0x132: {  	_ =	swait.ge [sflag:s0], $0x800  }
0x133: {  	[sflag:s0] =	ssyncset.done $0x0  }
0x134: {  	s18 =	simm.s32 $0x40;
	s16 =	simm.s32 $0x0;
	[sflag:s0] =	ssyncadd.s32 $0xFFFFF800  }
.LBB2_14:
0x135: {  	p0 =	sne.s32 s18, $0x1FC0;
	v1 =	vld [tilespmem:s16+$0x12000];
	_ =	sdelay $0x4  }
0x136: {  	v2 =	vshra.s32 v1, $0x1;
	v1 =	vmul.f32 $5.000000000e-01, v1  }
0x137: {  	v2 =	vsub.s32 $0x5F3759DF, v2  }
0x138: {  	v3 =	vmul.f32 v2, v1;
	_ =	sdelay $0x1  }
0x139: {  	v3 =	vmul.f32 v2, v3;
	_ =	sdelay $0x1  }
0x13a: {  	v3 =	vsub.f32 $1.500000000e+00, v3;
	_ =	sdelay $0x1  }
0x13b: {  	v2 =	vmul.f32 v2, v3;
	_ =	sdelay $0x1  }
0x13c: {  	v3 =	vmul.f32 v2, v1;
	_ =	sdelay $0x1  }
0x13d: {  	v3 =	vmul.f32 v3, v2;
	_ =	sdelay $0x1  }
0x13e: {  	v3 =	vsub.f32 $1.500000000e+00, v3;
	_ =	sdelay $0x1  }
0x13f: {  	v2 =	vmul.f32 v3, v2;
	_ =	sdelay $0x1  }
0x140: {  	v1 =	vmul.f32 v2, v1;
	_ =	sdelay $0x1  }
0x141: {  	v1 =	vmul.f32 v1, v2;
	_ =	sdelay $0x1  }
.Ltmp6:
0x142: {  	v1 =	vsub.f32 $1.500000000e+00, v1;
	(pc) =	sbr.rel @p0 .LBB2_14-.Ltmp6, $3  }
0x143: {  	_ = 	snop  }
0x144: {  	v1 =	vmul.f32 v1, v2;
	_ =	sdelay $0x1  }
0x145: {  	[tilespmem:s16+$0x12000] =	vst v1;
	s16 =	sshra.s32 s18, $0x2;
	s18 =	sadd.s32 $0x40, s18  }
0x146: {  	v1 =	vld [tilespmem:s16+$0x12000];
	_ =	sdelay $0x4  }
0x147: {  	v2 =	vshra.s32 v1, $0x1;
	v1 =	vmul.f32 $5.000000000e-01, v1  }
0x148: {  	v2 =	vsub.s32 $0x5F3759DF, v2  }
0x149: {  	v3 =	vmul.f32 v2, v1;
	_ =	sdelay $0x1  }
0x14a: {  	v3 =	vmul.f32 v2, v3;
	_ =	sdelay $0x1  }
0x14b: {  	v3 =	vsub.f32 $1.500000000e+00, v3;
	_ =	sdelay $0x1  }
0x14c: {  	v2 =	vmul.f32 v2, v3;
	_ =	sdelay $0x1  }
0x14d: {  	v3 =	vmul.f32 v2, v1;
	_ =	sdelay $0x1  }
0x14e: {  	v3 =	vmul.f32 v3, v2;
	_ =	sdelay $0x1  }
0x14f: {  	v3 =	vsub.f32 $1.500000000e+00, v3;
	_ =	sdelay $0x1  }
0x150: {  	v2 =	vmul.f32 v3, v2;
	_ =	sdelay $0x1  }
0x151: {  	v1 =	vmul.f32 v2, v1;
	_ =	sdelay $0x1  }
0x152: {  	v1 =	vmul.f32 v1, v2;
	_ =	sdelay $0x1  }
0x153: {  	v1 =	vsub.f32 $1.500000000e+00, v1;
	_ =	sdelay $0x1  }
0x154: {  	v1 =	vmul.f32 v1, v2;
	_ =	sdelay $0x1  }
0x155: {  	[tilespmem:s16+$0x12000] =	vst v1;
	s16 =	simm.s32 $0x12000  }
0x156: {  	[spmem:s24] =	stream.linear.scatter [tilespmem:s16], [sflag:$0x5], $0x800, $0x38;
	[tilespmem:$0x1F100] =	vst v63  }
0x157: {  	_ =	swait.ge [sflag:s0], $0x800  }
0x158: {  	[sflag:s0] =	ssyncset.done $0x0  }
0x159: {  	s18 =	simm.s32 $0x0;
	s20 =	rddreg [dreg:$0x6];
	[sflag:s0] =	ssyncadd.s32 $0xFFFFF800  }
0x15a: {  	v1 =	vld [tilespmem:$0x12800];
	[tilespmem:s4], [sflag:$0x5] =	stream.linear.gather [hbm4b:s20+s18], $0x2000, $0x38  }
0x15b: {  	_ =	swait.ge [sflag:s0], $0x2000  }
0x15c: {  	[sflag:s0] =	ssyncset.done $0x0  }
0x15d: {  	s23 =	rddreg [dreg:$0xe];
	[sflag:s0] =	ssyncadd.s32 $0xFFFFE000  }
0x15e: {  	[tilespmem:s16], [sflag:$0x5] =	stream.linear.gather [spmem:s23], $0x800, $0x38;
	[tilespmem:$0x1F100] =	vst v63  }
0x15f: {  	_ =	swait.ge [sflag:s0], $0x800  }
0x160: {  	[sflag:s0] =	ssyncset.done $0x0  }
0x161: {  	s18 =	simm.s32 $0x0;
	[sflag:s0] =	ssyncadd.s32 $0xFFFFF800  }
0x162: {  	v5 =	vld [tilespmem:s18+$0xA000]  }
0x163: {  	v4 =	vld [tilespmem:s18+$0xA010]  }
0x164: {  	v2 =	vld [tilespmem:s18+$0xA020]  }
0x165: {  	v3 =	vld [tilespmem:s18+$0xA030];
	_ =	sdelay $0x1  }
0x166: {  	v6 =	vmul.f32 v5, v1  }
0x167: {  	s20 =	simm.s32 $0x100;
	v7 =	vmul.f32 v4, v1  }
.LBB2_16:
0x168: {  	p0 =	sne.s32 s20, $0x7F00;
	v8 =	vld [tilespmem:s16+$0x0];
	[tilespmem:s18+$0xC000] =	vst v6;
	v6 =	vmul.f32 v2, v1  }
0x169: {  	[tilespmem:s18+$0xC010] =	vst v7;
	v7 =	vmul.f32 v3, v1  }
0x16a: {  	[tilespmem:s18+$0xC020] =	vst v6  }
0x16b: {  	s21 =	sshra.s32 s20, $0x2;
	[tilespmem:s18+$0xC030] =	vst v7  }
0x16c: {  	v7 =	vld [tilespmem:s21+$0xA000]  }
0x16d: {  	v5 =	vmul.f32 v5, v8;
	v6 =	vmul.f32 v4, v8;
	v4 =	vld [tilespmem:s21+$0xA010]  }
.Ltmp7:
0x16e: {  	v9 =	vmul.f32 v2, v8;
	v8 =	vmul.f32 v3, v8;
	v2 =	vld [tilespmem:s21+$0xA020];
	(pc) =	sbr.rel @p0 .LBB2_16-.Ltmp7, $4  }
0x16f: {  	v3 =	vld [tilespmem:s21+$0xA030];
	[tilespmem:s18+$0xE000] =	vst v5  }
0x170: {  	[tilespmem:s18+$0xE010] =	vst v6  }
0x171: {  	v6 =	vmul.f32 v7, v1;
	[tilespmem:s18+$0xE020] =	vst v9;
	v5 =	vmov v7  }
0x172: {  	s20 =	sadd.s32 $0x100, s20;
	s16 =	sadd.s32 $0x10, s16;
	v7 =	vmul.f32 v4, v1;
	[tilespmem:s18+$0xE030] =	vst v8;
	s18 =	smov.u32 s21  }
0x173: {  	v8 =	vld [tilespmem:s16+$0x0];
	_ =	sdelay $0x2  }
0x174: {  	[tilespmem:s18+$0xC000] =	vst v6;
	v6 =	vmul.f32 v2, v1  }
0x175: {  	[tilespmem:s18+$0xC010] =	vst v7;
	v7 =	vmul.f32 v3, v1  }
0x176: {  	[tilespmem:s18+$0xC020] =	vst v6;
	v5 =	vmul.f32 v5, v8  }
0x177: {  	[tilespmem:s18+$0xC030] =	vst v7;
	v4 =	vmul.f32 v4, v8  }
0x178: {  	v2 =	vmul.f32 v2, v8;
	[tilespmem:s18+$0xE000] =	vst v5  }
0x179: {  	v3 =	vmul.f32 v3, v8;
	[tilespmem:s18+$0xE010] =	vst v4  }
0x17a: {  	[tilespmem:s18+$0xE020] =	vst v2  }
0x17b: {  	s20 =	simm.s32 $0x0;
	[tilespmem:s18+$0xE030] =	vst v3  }
0x17c: {  	[hbm4b:s7+s20] =	stream.linear.scatter [tilespmem:s25], [sflag:$0x5], $0x2000, $0x38;
	[tilespmem:$0x1F100] =	vst v63  }
0x17d: {  	_ =	swait.ge [sflag:s0], $0x2000  }
0x17e: {  	[sflag:s0] =	ssyncset.done $0x0  }
0x17f: {  	s21 =	rddreg [dreg:$0x12];
	[sflag:s0] =	ssyncadd.s32 $0xFFFFE000  }
0x180: {  	[hbm4b:s21+s20] =	stream.linear.scatter [tilespmem:s12], [sflag:$0x5], $0x2000, $0x38;
	[tilespmem:$0x1F100] =	vst v63  }
0x181: {  	_ =	swait.ge [sflag:s0], $0x2000  }
0x182: {  	[sflag:s0] =	ssyncset.done $0x0  }
0x183: {  	[sflag:s0] =	ssyncadd.s32 $0xFFFFE000  }
0x184: {  	[spmem:s26] =	stream.linear.scatter [tilespmem:s12], [sflag:$0x5], $0x2000, $0x38;
	[tilespmem:$0x1F100] =	vst v63  }
0x185: {  	_ =	swait.ge [sflag:s0], $0x2000  }
0x186: {  	[sflag:s0] =	ssyncset.done $0x0  }
0x187: {  	s22 =	rddreg [dreg:$0x7];
	[sflag:s0] =	ssyncadd.s32 $0xFFFFE000  }
0x188: {  	[tilespmem:s4], [sflag:$0x5] =	stream.linear.gather [hbm4b:s22+s20], $0x2000, $0x38;
	[tilespmem:$0x1F100] =	vst v63  }
0x189: {  	_ =	swait.ge [sflag:s0], $0x2000  }
0x18a: {  	[sflag:s0] =	ssyncset.done $0x0  }
0x18b: {  	s18 =	simm.s32 $0x12000;
	s23 =	rddreg [dreg:$0xf];
	[sflag:s0] =	ssyncadd.s32 $0xFFFFE000  }
0x18c: {  	[tilespmem:s18], [sflag:$0x5] =	stream.linear.gather [spmem:s23], $0x800, $0x38;
	[tilespmem:$0x1F100] =	vst v63  }
0x18d: {  	_ =	swait.ge [sflag:s0], $0x800  }
0x18e: {  	[sflag:s0] =	ssyncset.done $0x0  }
0x18f: {  	s16 =	simm.s32 $0x0;
	[sflag:s0] =	ssyncadd.s32 $0xFFFFF800  }
0x190: {  	v5 =	vld [tilespmem:s16+$0xA000]  }
0x191: {  	v4 =	vld [tilespmem:s16+$0xA010]  }
0x192: {  	v2 =	vld [tilespmem:s16+$0xA020]  }
0x193: {  	v3 =	vld [tilespmem:s16+$0xA030];
	_ =	sdelay $0x1  }
0x194: {  	v6 =	vmul.f32 v5, v1  }
0x195: {  	s20 =	simm.s32 $0x100;
	v7 =	vmul.f32 v4, v1  }
.LBB2_18:
0x196: {  	p0 =	sne.s32 s20, $0x7F00;
	v8 =	vld [tilespmem:s18+$0x0];
	[tilespmem:s16+$0xC000] =	vst v6;
	v6 =	vmul.f32 v2, v1  }
0x197: {  	[tilespmem:s16+$0xC010] =	vst v7;
	v7 =	vmul.f32 v3, v1  }
0x198: {  	[tilespmem:s16+$0xC020] =	vst v6  }
0x199: {  	s21 =	sshra.s32 s20, $0x2;
	[tilespmem:s16+$0xC030] =	vst v7  }
0x19a: {  	v7 =	vld [tilespmem:s21+$0xA000]  }
0x19b: {  	v5 =	vmul.f32 v5, v8;
	v6 =	vmul.f32 v4, v8;
	v4 =	vld [tilespmem:s21+$0xA010]  }
.Ltmp8:
0x19c: {  	v9 =	vmul.f32 v2, v8;
	v8 =	vmul.f32 v3, v8;
	v2 =	vld [tilespmem:s21+$0xA020];
	(pc) =	sbr.rel @p0 .LBB2_18-.Ltmp8, $4  }
0x19d: {  	v3 =	vld [tilespmem:s21+$0xA030];
	[tilespmem:s16+$0xE000] =	vst v5  }
0x19e: {  	[tilespmem:s16+$0xE010] =	vst v6  }
0x19f: {  	v6 =	vmul.f32 v7, v1;
	[tilespmem:s16+$0xE020] =	vst v9;
	v5 =	vmov v7  }
0x1a0: {  	s20 =	sadd.s32 $0x100, s20;
	s18 =	sadd.s32 $0x10, s18;
	v7 =	vmul.f32 v4, v1;
	[tilespmem:s16+$0xE030] =	vst v8;
	s16 =	smov.u32 s21  }
0x1a1: {  	v8 =	vld [tilespmem:s18+$0x0];
	_ =	sdelay $0x2  }
0x1a2: {  	[tilespmem:s16+$0xC000] =	vst v6;
	v6 =	vmul.f32 v2, v1  }
0x1a3: {  	[tilespmem:s16+$0xC010] =	vst v7;
	v7 =	vmul.f32 v3, v1  }
0x1a4: {  	[tilespmem:s16+$0xC020] =	vst v6;
	v5 =	vmul.f32 v5, v8  }
0x1a5: {  	[tilespmem:s16+$0xC030] =	vst v7;
	v4 =	vmul.f32 v4, v8  }
0x1a6: {  	v2 =	vmul.f32 v2, v8;
	[tilespmem:s16+$0xE000] =	vst v5  }
0x1a7: {  	v3 =	vmul.f32 v3, v8;
	[tilespmem:s16+$0xE010] =	vst v4  }
0x1a8: {  	[tilespmem:s16+$0xE020] =	vst v2  }
0x1a9: {  	s20 =	simm.s32 $0x0;
	[tilespmem:s16+$0xE030] =	vst v3  }
0x1aa: {  	[hbm4b:s9+s20] =	stream.linear.scatter [tilespmem:s25], [sflag:$0x5], $0x2000, $0x38;
	[tilespmem:$0x1F100] =	vst v63  }
0x1ab: {  	_ =	swait.ge [sflag:s0], $0x2000  }
0x1ac: {  	[sflag:s0] =	ssyncset.done $0x0  }
0x1ad: {  	s21 =	rddreg [dreg:$0x19];
	[sflag:s0] =	ssyncadd.s32 $0xFFFFE000  }
0x1ae: {  	[hbm4b:s21+s20] =	stream.linear.scatter [tilespmem:s12], [sflag:$0x5], $0x2000, $0x38;
	[tilespmem:$0x1F100] =	vst v63  }
0x1af: {  	_ =	swait.ge [sflag:s0], $0x2000  }
0x1b0: {  	[sflag:s0] =	ssyncset.done $0x0  }
0x1b1: {  	[sflag:s0] =	ssyncadd.s32 $0xFFFFE000  }
0x1b2: {  	[spmem:s28] =	stream.linear.scatter [tilespmem:s12], [sflag:$0x5], $0x2000, $0x38;
	[tilespmem:$0x1F100] =	vst v63  }
0x1b3: {  	_ =	swait.ge [sflag:s0], $0x2000  }
0x1b4: {  	[sflag:s0] =	ssyncset.done $0x0  }
0x1b5: {  	s22 =	rddreg [dreg:$0x8];
	[sflag:s0] =	ssyncadd.s32 $0xFFFFE000  }
0x1b6: {  	[tilespmem:s4], [sflag:$0x5] =	stream.linear.gather [hbm4b:s22+s20], $0x2000, $0x38;
	[tilespmem:$0x1F100] =	vst v63  }
0x1b7: {  	_ =	swait.ge [sflag:s0], $0x2000  }
0x1b8: {  	[sflag:s0] =	ssyncset.done $0x0  }
0x1b9: {  	s18 =	simm.s32 $0x12000;
	s23 =	rddreg [dreg:$0x10];
	[sflag:s0] =	ssyncadd.s32 $0xFFFFE000  }
0x1ba: {  	[tilespmem:s18], [sflag:$0x5] =	stream.linear.gather [spmem:s23], $0x800, $0x38;
	[tilespmem:$0x1F100] =	vst v63  }
0x1bb: {  	_ =	swait.ge [sflag:s0], $0x800  }
0x1bc: {  	[sflag:s0] =	ssyncset.done $0x0  }
0x1bd: {  	s16 =	simm.s32 $0x0;
	[sflag:s0] =	ssyncadd.s32 $0xFFFFF800  }
0x1be: {  	v5 =	vld [tilespmem:s16+$0xA000]  }
0x1bf: {  	v4 =	vld [tilespmem:s16+$0xA010]  }
0x1c0: {  	v2 =	vld [tilespmem:s16+$0xA020]  }
0x1c1: {  	v3 =	vld [tilespmem:s16+$0xA030];
	_ =	sdelay $0x1  }
0x1c2: {  	v6 =	vmul.f32 v5, v1  }
0x1c3: {  	s20 =	simm.s32 $0x100;
	v7 =	vmul.f32 v4, v1  }
.LBB2_20:
0x1c4: {  	p0 =	sne.s32 s20, $0x7F00;
	v8 =	vld [tilespmem:s18+$0x0];
	[tilespmem:s16+$0xC000] =	vst v6;
	v6 =	vmul.f32 v2, v1  }
0x1c5: {  	[tilespmem:s16+$0xC010] =	vst v7;
	v7 =	vmul.f32 v3, v1  }
0x1c6: {  	[tilespmem:s16+$0xC020] =	vst v6  }
0x1c7: {  	s21 =	sshra.s32 s20, $0x2;
	[tilespmem:s16+$0xC030] =	vst v7  }
0x1c8: {  	v7 =	vld [tilespmem:s21+$0xA000]  }
0x1c9: {  	v5 =	vmul.f32 v5, v8;
	v6 =	vmul.f32 v4, v8;
	v4 =	vld [tilespmem:s21+$0xA010]  }
.Ltmp9:
0x1ca: {  	v9 =	vmul.f32 v2, v8;
	v8 =	vmul.f32 v3, v8;
	v2 =	vld [tilespmem:s21+$0xA020];
	(pc) =	sbr.rel @p0 .LBB2_20-.Ltmp9, $4  }
0x1cb: {  	v3 =	vld [tilespmem:s21+$0xA030];
	[tilespmem:s16+$0xE000] =	vst v5  }
0x1cc: {  	[tilespmem:s16+$0xE010] =	vst v6  }
0x1cd: {  	v6 =	vmul.f32 v7, v1;
	[tilespmem:s16+$0xE020] =	vst v9;
	v5 =	vmov v7  }
0x1ce: {  	s20 =	sadd.s32 $0x100, s20;
	s18 =	sadd.s32 $0x10, s18;
	v7 =	vmul.f32 v4, v1;
	[tilespmem:s16+$0xE030] =	vst v8;
	s16 =	smov.u32 s21  }
0x1cf: {  	v8 =	vld [tilespmem:s18+$0x0];
	_ =	sdelay $0x2  }
0x1d0: {  	[tilespmem:s16+$0xC000] =	vst v6;
	v6 =	vmul.f32 v2, v1  }
0x1d1: {  	[tilespmem:s16+$0xC010] =	vst v7;
	v7 =	vmul.f32 v3, v1  }
0x1d2: {  	[tilespmem:s16+$0xC020] =	vst v6;
	v5 =	vmul.f32 v5, v8  }
0x1d3: {  	[tilespmem:s16+$0xC030] =	vst v7;
	v4 =	vmul.f32 v4, v8  }
0x1d4: {  	v2 =	vmul.f32 v2, v8;
	[tilespmem:s16+$0xE000] =	vst v5  }
0x1d5: {  	v3 =	vmul.f32 v3, v8;
	[tilespmem:s16+$0xE010] =	vst v4  }
0x1d6: {  	[tilespmem:s16+$0xE020] =	vst v2  }
0x1d7: {  	s20 =	simm.s32 $0x0;
	[tilespmem:s16+$0xE030] =	vst v3  }
0x1d8: {  	[hbm4b:s11+s20] =	stream.linear.scatter [tilespmem:s25], [sflag:$0x5], $0x2000, $0x38;
	[tilespmem:$0x1F100] =	vst v63  }
0x1d9: {  	_ =	swait.ge [sflag:s0], $0x2000  }
0x1da: {  	[sflag:s0] =	ssyncset.done $0x0  }
0x1db: {  	s21 =	rddreg [dreg:$0x1a];
	[sflag:s0] =	ssyncadd.s32 $0xFFFFE000  }
0x1dc: {  	[hbm4b:s21+s20] =	stream.linear.scatter [tilespmem:s12], [sflag:$0x5], $0x2000, $0x38;
	[tilespmem:$0x1F100] =	vst v63  }
0x1dd: {  	_ =	swait.ge [sflag:s0], $0x2000  }
0x1de: {  	[sflag:s0] =	ssyncset.done $0x0  }
0x1df: {  	[sflag:s0] =	ssyncadd.s32 $0xFFFFE000  }
0x1e0: {  	[spmem:s29] =	stream.linear.scatter [tilespmem:s12], [sflag:$0x5], $0x2000, $0x38;
	[tilespmem:$0x1F100] =	vst v63  }
0x1e1: {  	_ =	swait.ge [sflag:s0], $0x2000  }
0x1e2: {  	[sflag:s0] =	ssyncset.done $0x0  }
0x1e3: {  	s22 =	rddreg [dreg:$0x9];
	[sflag:s0] =	ssyncadd.s32 $0xFFFFE000  }
0x1e4: {  	[tilespmem:s4], [sflag:$0x5] =	stream.linear.gather [hbm4b:s22+s20], $0x2000, $0x38;
	[tilespmem:$0x1F100] =	vst v63  }
0x1e5: {  	_ =	swait.ge [sflag:s0], $0x2000  }
0x1e6: {  	[sflag:s0] =	ssyncset.done $0x0  }
0x1e7: {  	s18 =	simm.s32 $0x12000;
	s23 =	rddreg [dreg:$0x11];
	[sflag:s0] =	ssyncadd.s32 $0xFFFFE000  }
0x1e8: {  	[tilespmem:s18], [sflag:$0x5] =	stream.linear.gather [spmem:s23], $0x800, $0x38;
	[tilespmem:$0x1F100] =	vst v63  }
0x1e9: {  	_ =	swait.ge [sflag:s0], $0x800  }
0x1ea: {  	[sflag:s0] =	ssyncset.done $0x0  }
0x1eb: {  	s16 =	simm.s32 $0x0;
	[sflag:s0] =	ssyncadd.s32 $0xFFFFF800  }
0x1ec: {  	v5 =	vld [tilespmem:s16+$0xA000]  }
0x1ed: {  	v4 =	vld [tilespmem:s16+$0xA010]  }
0x1ee: {  	v2 =	vld [tilespmem:s16+$0xA020]  }
0x1ef: {  	v3 =	vld [tilespmem:s16+$0xA030];
	_ =	sdelay $0x1  }
0x1f0: {  	v6 =	vmul.f32 v5, v1  }
0x1f1: {  	s20 =	simm.s32 $0x100;
	v7 =	vmul.f32 v4, v1  }
.LBB2_22:
0x1f2: {  	p0 =	sne.s32 s20, $0x7F00;
	v8 =	vld [tilespmem:s18+$0x0];
	[tilespmem:s16+$0xC000] =	vst v6;
	v6 =	vmul.f32 v2, v1  }
0x1f3: {  	[tilespmem:s16+$0xC010] =	vst v7;
	v7 =	vmul.f32 v3, v1  }
0x1f4: {  	[tilespmem:s16+$0xC020] =	vst v6  }
0x1f5: {  	s21 =	sshra.s32 s20, $0x2;
	[tilespmem:s16+$0xC030] =	vst v7  }
0x1f6: {  	v7 =	vld [tilespmem:s21+$0xA000]  }
0x1f7: {  	v5 =	vmul.f32 v5, v8;
	v6 =	vmul.f32 v4, v8;
	v4 =	vld [tilespmem:s21+$0xA010]  }
.Ltmp10:
0x1f8: {  	v9 =	vmul.f32 v2, v8;
	v8 =	vmul.f32 v3, v8;
	v2 =	vld [tilespmem:s21+$0xA020];
	(pc) =	sbr.rel @p0 .LBB2_22-.Ltmp10, $4  }
0x1f9: {  	v3 =	vld [tilespmem:s21+$0xA030];
	[tilespmem:s16+$0xE000] =	vst v5  }
0x1fa: {  	[tilespmem:s16+$0xE010] =	vst v6  }
0x1fb: {  	v6 =	vmul.f32 v7, v1;
	[tilespmem:s16+$0xE020] =	vst v9;
	v5 =	vmov v7  }
0x1fc: {  	s20 =	sadd.s32 $0x100, s20;
	s18 =	sadd.s32 $0x10, s18;
	v7 =	vmul.f32 v4, v1;
	[tilespmem:s16+$0xE030] =	vst v8;
	s16 =	smov.u32 s21  }
0x1fd: {  	v8 =	vld [tilespmem:s18+$0x0];
	_ =	sdelay $0x2  }
0x1fe: {  	[tilespmem:s16+$0xC000] =	vst v6;
	v6 =	vmul.f32 v2, v1  }
0x1ff: {  	[tilespmem:s16+$0xC010] =	vst v7;
	v7 =	vmul.f32 v3, v1  }
0x200: {  	[tilespmem:s16+$0xC020] =	vst v6;
	v5 =	vmul.f32 v5, v8  }
0x201: {  	[tilespmem:s16+$0xC030] =	vst v7;
	v4 =	vmul.f32 v4, v8  }
0x202: {  	v2 =	vmul.f32 v2, v8;
	[tilespmem:s16+$0xE000] =	vst v5  }
0x203: {  	v3 =	vmul.f32 v3, v8;
	[tilespmem:s16+$0xE010] =	vst v4  }
0x204: {  	[tilespmem:s16+$0xE020] =	vst v2  }
0x205: {  	s21 =	simm.s32 $0x0;
	[tilespmem:s16+$0xE030] =	vst v3  }
0x206: {  	[hbm4b:s13+s21] =	stream.linear.scatter [tilespmem:s25], [sflag:$0x5], $0x2000, $0x38;
	[tilespmem:$0x1F100] =	vst v63  }
0x207: {  	_ =	swait.ge [sflag:s0], $0x2000  }
0x208: {  	[sflag:s0] =	ssyncset.done $0x0  }
0x209: {  	s22 =	rddreg [dreg:$0x1b];
	[sflag:s0] =	ssyncadd.s32 $0xFFFFE000  }
0x20a: {  	[hbm4b:s22+s21] =	stream.linear.scatter [tilespmem:s12], [sflag:$0x5], $0x2000, $0x38;
	[tilespmem:$0x1F100] =	vst v63  }
0x20b: {  	_ =	swait.ge [sflag:s0], $0x2000  }
0x20c: {  	[sflag:s0] =	ssyncset.done $0x0  }
0x20d: {  	[sflag:s0] =	ssyncadd.s32 $0xFFFFE000  }
0x20e: {  	[spmem:s30] =	stream.linear.scatter [tilespmem:s12], [sflag:$0x5], $0x2000, $0x38;
	[tilespmem:$0x1F100] =	vst v63  }
0x20f: {  	_ =	swait.ge [sflag:s0], $0x2000  }
0x210: {  	[sflag:s0] =	ssyncset.done $0x0  }
0x211: {  	s23 =	rddreg [dreg:$0xa];
	[sflag:s0] =	ssyncadd.s32 $0xFFFFE000  }
0x212: {  	[tilespmem:s4], [sflag:$0x5] =	stream.linear.gather [hbm4b:s23+s21], $0x2000, $0x38;
	[tilespmem:$0x1F100] =	vst v63  }
0x213: {  	_ =	swait.ge [sflag:s0], $0x2000  }
0x214: {  	[sflag:s0] =	ssyncset.done $0x0  }
0x215: {  	s18 =	simm.s32 $0x12000;
	[sflag:s0] =	ssyncadd.s32 $0xFFFFE000  }
0x216: {  	[tilespmem:s18], [sflag:$0x5] =	stream.linear.gather [spmem:s24], $0x800, $0x38;
	[tilespmem:$0x1F100] =	vst v63  }
0x217: {  	_ =	swait.ge [sflag:s0], $0x800  }
0x218: {  	[sflag:s0] =	ssyncset.done $0x0  }
0x219: {  	s16 =	simm.s32 $0x0;
	[sflag:s0] =	ssyncadd.s32 $0xFFFFF800  }
0x21a: {  	v5 =	vld [tilespmem:s16+$0xA000]  }
0x21b: {  	v4 =	vld [tilespmem:s16+$0xA010]  }
0x21c: {  	v2 =	vld [tilespmem:s16+$0xA020]  }
0x21d: {  	v3 =	vld [tilespmem:s16+$0xA030];
	_ =	sdelay $0x1  }
0x21e: {  	v6 =	vmul.f32 v5, v1  }
0x21f: {  	s20 =	simm.s32 $0x100;
	v7 =	vmul.f32 v4, v1  }
.LBB2_24:
0x220: {  	p0 =	sne.s32 s20, $0x7F00;
	v8 =	vld [tilespmem:s18+$0x0];
	[tilespmem:s16+$0xC000] =	vst v6;
	v6 =	vmul.f32 v2, v1  }
0x221: {  	[tilespmem:s16+$0xC010] =	vst v7;
	v7 =	vmul.f32 v3, v1  }
0x222: {  	[tilespmem:s16+$0xC020] =	vst v6  }
0x223: {  	s21 =	sshra.s32 s20, $0x2;
	[tilespmem:s16+$0xC030] =	vst v7  }
0x224: {  	v7 =	vld [tilespmem:s21+$0xA000]  }
0x225: {  	v5 =	vmul.f32 v5, v8;
	v6 =	vmul.f32 v4, v8;
	v4 =	vld [tilespmem:s21+$0xA010]  }
.Ltmp11:
0x226: {  	v9 =	vmul.f32 v2, v8;
	v8 =	vmul.f32 v3, v8;
	v2 =	vld [tilespmem:s21+$0xA020];
	(pc) =	sbr.rel @p0 .LBB2_24-.Ltmp11, $4  }
0x227: {  	v3 =	vld [tilespmem:s21+$0xA030];
	[tilespmem:s16+$0xE000] =	vst v5  }
0x228: {  	[tilespmem:s16+$0xE010] =	vst v6  }
0x229: {  	v6 =	vmul.f32 v7, v1;
	[tilespmem:s16+$0xE020] =	vst v9;
	v5 =	vmov v7  }
0x22a: {  	s20 =	sadd.s32 $0x100, s20;
	s18 =	sadd.s32 $0x10, s18;
	v7 =	vmul.f32 v4, v1;
	[tilespmem:s16+$0xE030] =	vst v8;
	s16 =	smov.u32 s21  }
0x22b: {  	v8 =	vld [tilespmem:s18+$0x0];
	_ =	sdelay $0x2  }
0x22c: {  	[tilespmem:s16+$0xC000] =	vst v6;
	v63 =	vmul.f32 v2, v1  }
0x22d: {  	[tilespmem:s16+$0xC010] =	vst v7;
	v1 =	vmul.f32 v3, v1  }
0x22e: {  	[tilespmem:s16+$0xC020] =	vst v63;
	v5 =	vmul.f32 v5, v8  }
0x22f: {  	[tilespmem:s16+$0xC030] =	vst v1;
	v1 =	vmul.f32 v4, v8  }
0x230: {  	v2 =	vmul.f32 v2, v8;
	[tilespmem:s16+$0xE000] =	vst v5  }
0x231: {  	v3 =	vmul.f32 v3, v8;
	[tilespmem:s16+$0xE010] =	vst v1  }
0x232: {  	[tilespmem:s16+$0xE020] =	vst v2  }
0x233: {  	[tilespmem:s16+$0xE030] =	vst v3;
	s16 =	simm.s32 $0x0  }
0x234: {  	[hbm4b:s15+s16] =	stream.linear.scatter [tilespmem:s25], [sflag:$0x5], $0x2000, $0x38;
	[tilespmem:$0x1F100] =	vst v63  }
0x235: {  	_ =	swait.ge [sflag:s0], $0x2000  }
0x236: {  	[sflag:s0] =	ssyncset.done $0x0  }
0x237: {  	s23 =	rddreg [dreg:$0x1c];
	[sflag:s0] =	ssyncadd.s32 $0xFFFFE000  }
0x238: {  	[hbm4b:s23+s16] =	stream.linear.scatter [tilespmem:s12], [sflag:$0x5], $0x2000, $0x38;
	[tilespmem:$0x1F100] =	vst v63  }
0x239: {  	_ =	swait.ge [sflag:s0], $0x2000  }
0x23a: {  	[sflag:s0] =	ssyncset.done $0x0  }
0x23b: {  	[sflag:s0] =	ssyncadd.s32 $0xFFFFE000  }
0x23c: {  	[spmem:s31] =	stream.linear.scatter [tilespmem:s12], [sflag:$0x5], $0x2000, $0x38;
	[tilespmem:$0x1F100] =	vst v63  }
0x23d: {  	_ =	swait.ge [sflag:s0], $0x2000  }
0x23e: {  	[sflag:s0] =	ssyncset.done $0x0  }
0x23f: {  	[sflag:s0] =	ssyncadd.s32 $0xFFFFE000  }
0x240: {  	s18 =	simm.s32 $0x0;
	[bflag:$0x0] =	sbarrier.arrive $0xFFFF  }
.LBB2_26:
0x241: {  	[tilespmem:s4], [sflag:$0x1] =	stream.indirect.gather [hbm4b:s17+s5], $0x40, s16, s5, $0xb8;
	[tilespmem:$0x1F100] =	vst v63  }
0x242: {  	_ = 	snop  }
0x243: {  	[tilespmem:s25], [sflag:$0x2] =	stream.indirect.gather [hbm4b:s17+s5], $0x40, s5, s5, $0xb8;
	[tilespmem:$0x1F100] =	vst v63  }
0x244: {  	s20 =	simm.s32 $0x100  }
0x245: {  	[tilespmem:s12], [sflag:$0x3] =	stream.indirect.gather [hbm4b:s17+s5], $0x40, s20, s5, $0xb8;
	[tilespmem:$0x1F100] =	vst v63  }
0x246: {  	s22 =	simm.s32 $0x180  }
0x247: {  	[tilespmem:s14], [sflag:$0x4] =	stream.indirect.gather [hbm4b:s17+s5], $0x40, s22, s5, $0xb8;
	[tilespmem:$0x1F100] =	vst v63  }
0x248: {  	_ =	swait.ge [sflag:s6], $0x2000  }
0x249: {  	[sflag:s6] =	ssyncset.done $0x0  }
0x24a: {  	s23 =	simm.s32 $0x5000;
	[sflag:s6] =	ssyncadd.s32 $0xFFFFE000  }
0x24b: {  	[spmem:s3] =	stream.indirect.scatter.add.f32 [tilespmem:s4], [sflag:$0x5], $0x40, s23, s5, $0xb8;
	[tilespmem:$0x1F100] =	vst v63  }
0x24c: {  	_ =	swait.ge [sflag:s0], $0x2000  }
0x24d: {  	[sflag:s0] =	ssyncset.done $0x0  }
0x24e: {  	s21 =	simm.s32 $0x200;
	[sflag:s0] =	ssyncadd.s32 $0xFFFFE000  }
0x24f: {  	[tilespmem:s4], [sflag:$0x1] =	stream.indirect.gather [hbm4b:s17+s5], $0x40, s21, s5, $0xb8;
	[tilespmem:$0x1F100] =	vst v63  }
0x250: {  	_ =	swait.ge [sflag:s8], $0x2000  }
0x251: {  	[sflag:s8] =	ssyncset.done $0x0  }
0x252: {  	s22 =	simm.s32 $0x5080;
	[sflag:s8] =	ssyncadd.s32 $0xFFFFE000  }
0x253: {  	[spmem:s3] =	stream.indirect.scatter.add.f32 [tilespmem:s25], [sflag:$0x5], $0x40, s22, s5, $0xb8;
	[tilespmem:$0x1F100] =	vst v63  }
0x254: {  	_ =	swait.ge [sflag:s0], $0x2000  }
0x255: {  	[sflag:s0] =	ssyncset.done $0x0  }
0x256: {  	s23 =	simm.s32 $0x280;
	[sflag:s0] =	ssyncadd.s32 $0xFFFFE000  }
0x257: {  	[tilespmem:s25], [sflag:$0x2] =	stream.indirect.gather [hbm4b:s17+s5], $0x40, s23, s5, $0xb8;
	[tilespmem:$0x1F100] =	vst v63  }
0x258: {  	_ =	swait.ge [sflag:s10], $0x2000  }
0x259: {  	[sflag:s10] =	ssyncset.done $0x0  }
0x25a: {  	s21 =	simm.s32 $0x5100;
	[sflag:s10] =	ssyncadd.s32 $0xFFFFE000  }
0x25b: {  	[spmem:s3] =	stream.indirect.scatter.add.f32 [tilespmem:s12], [sflag:$0x5], $0x40, s21, s5, $0xb8;
	[tilespmem:$0x1F100] =	vst v63  }
0x25c: {  	_ =	swait.ge [sflag:s0], $0x2000  }
0x25d: {  	[sflag:s0] =	ssyncset.done $0x0  }
0x25e: {  	s22 =	simm.s32 $0x300;
	[sflag:s0] =	ssyncadd.s32 $0xFFFFE000  }
0x25f: {  	[tilespmem:s12], [sflag:$0x3] =	stream.indirect.gather [hbm4b:s17+s5], $0x40, s22, s5, $0xb8;
	[tilespmem:$0x1F100] =	vst v63  }
0x260: {  	_ =	swait.ge [sflag:s19], $0x2000  }
0x261: {  	[sflag:s19] =	ssyncset.done $0x0  }
0x262: {  	s23 =	simm.s32 $0x5180;
	[sflag:s19] =	ssyncadd.s32 $0xFFFFE000  }
0x263: {  	[spmem:s3] =	stream.indirect.scatter.add.f32 [tilespmem:s14], [sflag:$0x5], $0x40, s23, s5, $0xb8;
	[tilespmem:$0x1F100] =	vst v63  }
0x264: {  	_ =	swait.ge [sflag:s0], $0x2000  }
0x265: {  	[sflag:s0] =	ssyncset.done $0x0  }
0x266: {  	s20 =	simm.s32 $0x800;
	s21 =	simm.s32 $0x380;
	[sflag:s0] =	ssyncadd.s32 $0xFFFFE000  }
.LBB2_27:
0x267: {  	[tilespmem:s14], [sflag:$0x4] =	stream.indirect.gather [hbm4b:s17+s5], $0x40, s21, s5, $0xb8;
	[tilespmem:$0x1F100] =	vst v63  }
0x268: {  	s21 =	smov.u32 s20  }
0x269: {  	p0 =	sne.s32 s20, $0x13000;
	s20 =	sadd.s32 $0x800, s20;
	_ =	swait.ge [sflag:s6], $0x2000  }
0x26a: {  	s21 =	sshra.s32 s21, $0x2;
	[sflag:s6] =	ssyncset.done $0x0  }
0x26b: {  	s22 =	sadd.s32 $0x5000, s21;
	[sflag:s6] =	ssyncadd.s32 $0xFFFFE000  }
0x26c: {  	[spmem:s3] =	stream.indirect.scatter.add.f32 [tilespmem:s4], [sflag:$0x5], $0x40, s22, s5, $0xb8;
	[tilespmem:$0x1F100] =	vst v63  }
0x26d: {  	_ =	swait.ge [sflag:s0], $0x2000  }
0x26e: {  	[sflag:s0] =	ssyncset.done $0x0  }
0x26f: {  	s22 =	sadd.s32 $0x200, s21;
	[sflag:s0] =	ssyncadd.s32 $0xFFFFE000  }
0x270: {  	[tilespmem:s4], [sflag:$0x1] =	stream.indirect.gather [hbm4b:s17+s5], $0x40, s22, s5, $0xb8;
	[tilespmem:$0x1F100] =	vst v63  }
0x271: {  	_ =	swait.ge [sflag:s8], $0x2000  }
0x272: {  	[sflag:s8] =	ssyncset.done $0x0  }
0x273: {  	s22 =	sadd.s32 $0x5080, s21;
	[sflag:s8] =	ssyncadd.s32 $0xFFFFE000  }
0x274: {  	[spmem:s3] =	stream.indirect.scatter.add.f32 [tilespmem:s25], [sflag:$0x5], $0x40, s22, s5, $0xb8;
	[tilespmem:$0x1F100] =	vst v63  }
0x275: {  	_ =	swait.ge [sflag:s0], $0x2000  }
0x276: {  	[sflag:s0] =	ssyncset.done $0x0  }
0x277: {  	s22 =	sadd.s32 $0x280, s21;
	[sflag:s0] =	ssyncadd.s32 $0xFFFFE000  }
0x278: {  	[tilespmem:s25], [sflag:$0x2] =	stream.indirect.gather [hbm4b:s17+s5], $0x40, s22, s5, $0xb8;
	[tilespmem:$0x1F100] =	vst v63  }
0x279: {  	_ =	swait.ge [sflag:s10], $0x2000  }
0x27a: {  	[sflag:s10] =	ssyncset.done $0x0  }
0x27b: {  	s22 =	sadd.s32 $0x5100, s21;
	[sflag:s10] =	ssyncadd.s32 $0xFFFFE000  }
0x27c: {  	[spmem:s3] =	stream.indirect.scatter.add.f32 [tilespmem:s12], [sflag:$0x5], $0x40, s22, s5, $0xb8;
	[tilespmem:$0x1F100] =	vst v63  }
0x27d: {  	_ =	swait.ge [sflag:s0], $0x2000  }
0x27e: {  	[sflag:s0] =	ssyncset.done $0x0  }
0x27f: {  	s22 =	sadd.s32 $0x300, s21;
	[sflag:s0] =	ssyncadd.s32 $0xFFFFE000  }
0x280: {  	[tilespmem:s12], [sflag:$0x3] =	stream.indirect.gather [hbm4b:s17+s5], $0x40, s22, s5, $0xb8;
	[tilespmem:$0x1F100] =	vst v63  }
0x281: {  	_ =	swait.ge [sflag:s19], $0x2000  }
0x282: {  	[sflag:s19] =	ssyncset.done $0x0  }
.Ltmp12:
0x283: {  	s22 =	sadd.s32 $0x5180, s21;
	[sflag:s19] =	ssyncadd.s32 $0xFFFFE000;
	(pc) =	sbr.rel @p0 .LBB2_27-.Ltmp12, $4  }
0x284: {  	[spmem:s3] =	stream.indirect.scatter.add.f32 [tilespmem:s14], [sflag:$0x5], $0x40, s22, s5, $0xb8;
	[tilespmem:$0x1F100] =	vst v63  }
0x285: {  	_ =	swait.ge [sflag:s0], $0x2000  }
0x286: {  	[sflag:s0] =	ssyncset.done $0x0  }
0x287: {  	s21 =	sadd.s32 $0x380, s21;
	[sflag:s0] =	ssyncadd.s32 $0xFFFFE000  }
0x288: {  	[tilespmem:s14], [sflag:$0x4] =	stream.indirect.gather [hbm4b:s17+s5], $0x40, s21, s5, $0xb8;
	[tilespmem:$0x1F100] =	vst v63  }
0x289: {  	_ =	swait.ge [sflag:s6], $0x2000  }
0x28a: {  	[sflag:s6] =	ssyncset.done $0x0  }
0x28b: {  	s20 =	simm.s32 $0x9E00;
	[sflag:s6] =	ssyncadd.s32 $0xFFFFE000  }
0x28c: {  	[spmem:s3] =	stream.indirect.scatter.add.f32 [tilespmem:s4], [sflag:$0x5], $0x40, s20, s5, $0xb8;
	[tilespmem:$0x1F100] =	vst v63  }
0x28d: {  	_ =	swait.ge [sflag:s0], $0x2000  }
0x28e: {  	[sflag:s0] =	ssyncset.done $0x0  }
0x28f: {  	[sflag:s0] =	ssyncadd.s32 $0xFFFFE000  }
0x290: {  	_ =	swait.ge [sflag:s8], $0x2000  }
0x291: {  	[sflag:s8] =	ssyncset.done $0x0  }
0x292: {  	s21 =	simm.s32 $0x9E80;
	[sflag:s8] =	ssyncadd.s32 $0xFFFFE000  }
0x293: {  	[spmem:s3] =	stream.indirect.scatter.add.f32 [tilespmem:s25], [sflag:$0x5], $0x40, s21, s5, $0xb8;
	[tilespmem:$0x1F100] =	vst v63  }
0x294: {  	_ =	swait.ge [sflag:s0], $0x2000  }
0x295: {  	[sflag:s0] =	ssyncset.done $0x0  }
0x296: {  	[sflag:s0] =	ssyncadd.s32 $0xFFFFE000  }
0x297: {  	_ =	swait.ge [sflag:s10], $0x2000  }
0x298: {  	[sflag:s10] =	ssyncset.done $0x0  }
0x299: {  	s22 =	simm.s32 $0x9F00;
	[sflag:s10] =	ssyncadd.s32 $0xFFFFE000  }
0x29a: {  	[spmem:s3] =	stream.indirect.scatter.add.f32 [tilespmem:s12], [sflag:$0x5], $0x40, s22, s5, $0xb8;
	[tilespmem:$0x1F100] =	vst v63  }
0x29b: {  	_ =	swait.ge [sflag:s0], $0x2000  }
0x29c: {  	[sflag:s0] =	ssyncset.done $0x0  }
0x29d: {  	[sflag:s0] =	ssyncadd.s32 $0xFFFFE000  }
0x29e: {  	_ =	swait.ge [sflag:s19], $0x2000  }
0x29f: {  	[sflag:s19] =	ssyncset.done $0x0  }
0x2a0: {  	s23 =	simm.s32 $0x9F80;
	[sflag:s19] =	ssyncadd.s32 $0xFFFFE000  }
0x2a1: {  	[spmem:s3] =	stream.indirect.scatter.add.f32 [tilespmem:s14], [sflag:$0x5], $0x40, s23, s5, $0xb8;
	[tilespmem:$0x1F100] =	vst v63  }
0x2a2: {  	_ =	swait.ge [sflag:s0], $0x2000  }
0x2a3: {  	s18 =	sadd.s32 $0x1, s18;
	[sflag:s0] =	ssyncset.done $0x0  }
0x2a4: {  	s21 =	sshll.u32 s18, $0x4;
	[sflag:s0] =	ssyncadd.s32 $0xFFFFE000  }
0x2a5: {  	s20 =	sand.u32 $0x3FFFFFF0, s21;
	s22 =	simm.s32 $0x0;
	[bflag:$0x0] =	sbarrier.arrive $0xFFFF  }
0x2a6: {  	v1 =	vld [tilespmem:s20+$0x12800];
	[tilespmem:s25], [sflag:$0x1] =	stream.linear.gather [hbm4b:s7+s22], $0x2000, $0x38  }
0x2a7: {  	_ = 	snop  }
0x2a8: {  	[tilespmem:s14], [sflag:$0x2] =	stream.linear.gather [hbm4b:s9+s22], $0x2000, $0x38;
	[tilespmem:$0x1F100] =	vst v63  }
0x2a9: {  	_ = 	snop  }
0x2aa: {  	[tilespmem:s4], [sflag:$0x5] =	stream.linear.gather [spmem:s26], $0x2000, $0x38;
	[tilespmem:$0x1F100] =	vst v63  }
0x2ab: {  	_ =	swait.ge [sflag:s0], $0x2000  }
0x2ac: {  	[sflag:s0] =	ssyncset.done $0x0  }
0x2ad: {  	s21 =	simm.s32 $0x12000;
	s23 =	rddreg [dreg:$0xe];
	[sflag:s0] =	ssyncadd.s32 $0xFFFFE000  }
0x2ae: {  	[tilespmem:s21], [sflag:$0x5] =	stream.linear.gather [spmem:s23], $0x800, $0x38;
	[tilespmem:$0x1F100] =	vst v63  }
0x2af: {  	_ =	swait.ge [sflag:s0], $0x800  }
0x2b0: {  	[sflag:s0] =	ssyncset.done $0x0  }
0x2b1: {  	[sflag:s0] =	ssyncadd.s32 $0xFFFFF800  }
0x2b2: {  	_ =	swait.ge [sflag:s6], $0x2000  }
0x2b3: {  	[sflag:s6] =	ssyncset.done $0x0  }
0x2b4: {  	s20 =	simm.s32 $0x0;
	[sflag:s6] =	ssyncadd.s32 $0xFFFFE000  }
0x2b5: {  	v8 =	vld [tilespmem:s20+$0xA030]  }
0x2b6: {  	v3 =	vld [tilespmem:s20+$0xA020]  }
0x2b7: {  	v4 =	vld [tilespmem:s20+$0xA000]  }
0x2b8: {  	v2 =	vld [tilespmem:s21+$0x0]  }
0x2b9: {  	v9 =	vld [tilespmem:s20+$0xA010];
	_ =	sdelay $0x2  }
0x2ba: {  	v7 =	vld [tilespmem:s20+$0xC000]  }
0x2bb: {  	v5 =	vld [tilespmem:s20+$0xC030];
	v11 =	vmul.f32 v4, v2;
	v6 =	vmul.f32 v3, v2  }
0x2bc: {  	v3 =	vmul.f32 v9, v2;
	v4 =	vld [tilespmem:s20+$0xC010];
	v9 =	vmul.f32 v8, v2  }
0x2bd: {  	s22 =	simm.s32 $0x100;
	v8 =	vld [tilespmem:s20+$0xC020];
	v10 =	vmul.f32 v11, v1;
	v11 =	vmul.f32 v11, v2  }
.LBB2_29:
0x2be: {  	p0 =	sne.s32 s22, $0x7F00  }
0x2bf: {  	v12 =	vmul.f32 v6, v2;
	v13 =	vmul.f32 v9, v2;
	s21 =	sadd.s32 $0x10, s21;
	s23 =	smov.u32 s22;
	s22 =	sadd.s32 $0x100, s22  }
0x2c0: {  	v9 =	vmul.f32 v9, v1;
	v7 =	vadd.f32 v10, v7;
	[tilespmem:s20+$0xA000] =	vst v11;
	v10 =	vmul.f32 v3, v1  }
0x2c1: {  	v6 =	vmul.f32 v6, v1;
	[tilespmem:s20+$0xA020] =	vst v12  }
0x2c2: {  	v2 =	vmul.f32 v3, v2;
	v3 =	vadd.f32 v9, v5;
	v4 =	vadd.f32 v10, v4;
	[tilespmem:s20+$0xA030] =	vst v13  }
0x2c3: {  	[tilespmem:s20+$0xC000] =	vst v7;
	v5 =	vadd.f32 v6, v8  }
0x2c4: {  	s23 =	sshra.s32 s23, $0x2;
	[tilespmem:s20+$0xC030] =	vst v3  }
0x2c5: {  	v8 =	vld [tilespmem:s23+$0xA030];
	[tilespmem:s20+$0xC020] =	vst v5  }
0x2c6: {  	v3 =	vld [tilespmem:s23+$0xA020];
	[tilespmem:s20+$0xA010] =	vst v2  }
0x2c7: {  	v5 =	vld [tilespmem:s23+$0xA000];
	[tilespmem:s20+$0xC010] =	vst v4;
	s20 =	smov.u32 s23  }
0x2c8: {  	v2 =	vld [tilespmem:s21+$0x0]  }
0x2c9: {  	v4 =	vld [tilespmem:s20+$0xA010];
	_ =	sdelay $0x1  }
.Ltmp13:
0x2ca: {  	(pc) =	sbr.rel @p0 .LBB2_29-.Ltmp13, $4  }
0x2cb: {  	v7 =	vld [tilespmem:s20+$0xC000]  }
0x2cc: {  	v11 =	vmul.f32 v5, v2;
	v6 =	vmul.f32 v3, v2;
	v5 =	vld [tilespmem:s20+$0xC030]  }
0x2cd: {  	v9 =	vmul.f32 v8, v2;
	v3 =	vmul.f32 v4, v2;
	v4 =	vld [tilespmem:s20+$0xC010]  }
0x2ce: {  	v10 =	vmul.f32 v11, v1;
	v11 =	vmul.f32 v11, v2;
	v8 =	vld [tilespmem:s20+$0xC020]  }
0x2cf: {  	v12 =	vmul.f32 v6, v2  }
0x2d0: {  	v13 =	vmul.f32 v9, v2;
	[tilespmem:s20+$0xA000] =	vst v11  }
0x2d1: {  	v9 =	vmul.f32 v9, v1;
	v2 =	vmul.f32 v3, v2;
	[tilespmem:s20+$0xA020] =	vst v12  }
0x2d2: {  	v6 =	vmul.f32 v6, v1;
	v7 =	vadd.f32 v10, v7;
	[tilespmem:s20+$0xA030] =	vst v13  }
0x2d3: {  	v5 =	vadd.f32 v9, v5;
	v9 =	vmul.f32 v3, v1;
	[tilespmem:s20+$0xA010] =	vst v2  }
0x2d4: {  	[tilespmem:s20+$0xC000] =	vst v7;
	v6 =	vadd.f32 v6, v8  }
0x2d5: {  	[tilespmem:s20+$0xC030] =	vst v5;
	v3 =	vadd.f32 v9, v4  }
0x2d6: {  	[tilespmem:s20+$0xC020] =	vst v6  }
0x2d7: {  	s22 =	simm.s32 $0x0;
	[tilespmem:s20+$0xC010] =	vst v3  }
0x2d8: {  	[hbm4b:s7+s22] =	stream.linear.scatter [tilespmem:s25], [sflag:$0x3], $0x2000, $0x38;
	[tilespmem:$0x1F100] =	vst v63  }
0x2d9: {  	s21 =	rddreg [dreg:$0x12]  }
0x2da: {  	[hbm4b:s21+s22] =	stream.linear.scatter [tilespmem:s4], [sflag:$0x3], $0x2000, $0x38;
	[tilespmem:$0x1F100] =	vst v63  }
0x2db: {  	_ = 	snop  }
0x2dc: {  	[spmem:s26] =	stream.linear.scatter [tilespmem:s4], [sflag:$0x5], $0x2000, $0x38;
	[tilespmem:$0x1F100] =	vst v63  }
0x2dd: {  	_ =	swait.ge [sflag:s0], $0x2000  }
0x2de: {  	[sflag:s0] =	ssyncset.done $0x0  }
0x2df: {  	[sflag:s0] =	ssyncadd.s32 $0xFFFFE000  }
0x2e0: {  	_ =	swait.ge [sflag:s10], $0x2000  }
0x2e1: {  	[sflag:s10] =	ssyncset.done $0x0  }
0x2e2: {  	[sflag:s10] =	ssyncadd.s32 $0xFFFFE000  }
0x2e3: {  	_ =	swait.ge [sflag:s10], $0x2000  }
0x2e4: {  	[sflag:s10] =	ssyncset.done $0x0  }
0x2e5: {  	[sflag:s10] =	ssyncadd.s32 $0xFFFFE000  }
0x2e6: {  	[tilespmem:s25], [sflag:$0x1] =	stream.linear.gather [hbm4b:s11+s22], $0x2000, $0x38;
	[tilespmem:$0x1F100] =	vst v63  }
0x2e7: {  	_ = 	snop  }
0x2e8: {  	[tilespmem:s12], [sflag:$0x5] =	stream.linear.gather [spmem:s28], $0x2000, $0x38;
	[tilespmem:$0x1F100] =	vst v63  }
0x2e9: {  	_ =	swait.ge [sflag:s0], $0x2000  }
0x2ea: {  	[sflag:s0] =	ssyncset.done $0x0  }
0x2eb: {  	s21 =	simm.s32 $0x12000;
	s23 =	rddreg [dreg:$0xf];
	[sflag:s0] =	ssyncadd.s32 $0xFFFFE000  }
0x2ec: {  	[tilespmem:s21], [sflag:$0x5] =	stream.linear.gather [spmem:s23], $0x800, $0x38;
	[tilespmem:$0x1F100] =	vst v63  }
0x2ed: {  	_ =	swait.ge [sflag:s0], $0x800  }
0x2ee: {  	[sflag:s0] =	ssyncset.done $0x0  }
0x2ef: {  	[sflag:s0] =	ssyncadd.s32 $0xFFFFF800  }
0x2f0: {  	_ =	swait.ge [sflag:s8], $0x2000  }
0x2f1: {  	[sflag:s8] =	ssyncset.done $0x0  }
0x2f2: {  	s20 =	simm.s32 $0x0;
	[sflag:s8] =	ssyncadd.s32 $0xFFFFE000  }
0x2f3: {  	v8 =	vld [tilespmem:s20+$0xE030]  }
0x2f4: {  	v3 =	vld [tilespmem:s20+$0xE020]  }
0x2f5: {  	v4 =	vld [tilespmem:s20+$0xE000]  }
0x2f6: {  	v2 =	vld [tilespmem:s21+$0x0]  }
0x2f7: {  	v9 =	vld [tilespmem:s20+$0xE010];
	_ =	sdelay $0x2  }
0x2f8: {  	v7 =	vld [tilespmem:s20+$0x10000]  }
0x2f9: {  	v5 =	vld [tilespmem:s20+$0x10030];
	v11 =	vmul.f32 v4, v2;
	v6 =	vmul.f32 v3, v2  }
0x2fa: {  	v3 =	vmul.f32 v9, v2;
	v4 =	vld [tilespmem:s20+$0x10010];
	v9 =	vmul.f32 v8, v2  }
0x2fb: {  	s22 =	simm.s32 $0x100;
	v8 =	vld [tilespmem:s20+$0x10020];
	v10 =	vmul.f32 v11, v1;
	v11 =	vmul.f32 v11, v2  }
.LBB2_31:
0x2fc: {  	p0 =	sne.s32 s22, $0x7F00  }
0x2fd: {  	v12 =	vmul.f32 v6, v2;
	v13 =	vmul.f32 v9, v2;
	s21 =	sadd.s32 $0x10, s21;
	s23 =	smov.u32 s22;
	s22 =	sadd.s32 $0x100, s22  }
0x2fe: {  	v9 =	vmul.f32 v9, v1;
	v7 =	vadd.f32 v10, v7;
	[tilespmem:s20+$0xE000] =	vst v11;
	v10 =	vmul.f32 v3, v1  }
0x2ff: {  	v6 =	vmul.f32 v6, v1;
	[tilespmem:s20+$0xE020] =	vst v12  }
0x300: {  	v2 =	vmul.f32 v3, v2;
	v3 =	vadd.f32 v9, v5;
	v4 =	vadd.f32 v10, v4;
	[tilespmem:s20+$0xE030] =	vst v13  }
0x301: {  	[tilespmem:s20+$0x10000] =	vst v7;
	v5 =	vadd.f32 v6, v8  }
0x302: {  	s23 =	sshra.s32 s23, $0x2;
	[tilespmem:s20+$0x10030] =	vst v3  }
0x303: {  	v8 =	vld [tilespmem:s23+$0xE030];
	[tilespmem:s20+$0x10020] =	vst v5  }
0x304: {  	v3 =	vld [tilespmem:s23+$0xE020];
	[tilespmem:s20+$0xE010] =	vst v2  }
0x305: {  	v5 =	vld [tilespmem:s23+$0xE000];
	[tilespmem:s20+$0x10010] =	vst v4;
	s20 =	smov.u32 s23  }
0x306: {  	v2 =	vld [tilespmem:s21+$0x0]  }
0x307: {  	v4 =	vld [tilespmem:s20+$0xE010];
	_ =	sdelay $0x1  }
.Ltmp14:
0x308: {  	(pc) =	sbr.rel @p0 .LBB2_31-.Ltmp14, $4  }
0x309: {  	v7 =	vld [tilespmem:s20+$0x10000]  }
0x30a: {  	v11 =	vmul.f32 v5, v2;
	v6 =	vmul.f32 v3, v2;
	v5 =	vld [tilespmem:s20+$0x10030]  }
0x30b: {  	v9 =	vmul.f32 v8, v2;
	v3 =	vmul.f32 v4, v2;
	v4 =	vld [tilespmem:s20+$0x10010]  }
0x30c: {  	v10 =	vmul.f32 v11, v1;
	v11 =	vmul.f32 v11, v2;
	v8 =	vld [tilespmem:s20+$0x10020]  }
0x30d: {  	v12 =	vmul.f32 v6, v2  }
0x30e: {  	v13 =	vmul.f32 v9, v2;
	[tilespmem:s20+$0xE000] =	vst v11  }
0x30f: {  	v9 =	vmul.f32 v9, v1;
	v2 =	vmul.f32 v3, v2;
	[tilespmem:s20+$0xE020] =	vst v12  }
0x310: {  	v6 =	vmul.f32 v6, v1;
	v7 =	vadd.f32 v10, v7;
	[tilespmem:s20+$0xE030] =	vst v13  }
0x311: {  	v5 =	vadd.f32 v9, v5;
	v9 =	vmul.f32 v3, v1;
	[tilespmem:s20+$0xE010] =	vst v2  }
0x312: {  	[tilespmem:s20+$0x10000] =	vst v7;
	v6 =	vadd.f32 v6, v8  }
0x313: {  	[tilespmem:s20+$0x10030] =	vst v5;
	v3 =	vadd.f32 v9, v4  }
0x314: {  	[tilespmem:s20+$0x10020] =	vst v6  }
0x315: {  	s22 =	simm.s32 $0x0;
	[tilespmem:s20+$0x10010] =	vst v3  }
0x316: {  	[hbm4b:s9+s22] =	stream.linear.scatter [tilespmem:s14], [sflag:$0x4], $0x2000, $0x38;
	[tilespmem:$0x1F100] =	vst v63  }
0x317: {  	s21 =	rddreg [dreg:$0x19]  }
0x318: {  	[hbm4b:s21+s22] =	stream.linear.scatter [tilespmem:s12], [sflag:$0x4], $0x2000, $0x38;
	[tilespmem:$0x1F100] =	vst v63  }
0x319: {  	_ = 	snop  }
0x31a: {  	[spmem:s28] =	stream.linear.scatter [tilespmem:s12], [sflag:$0x5], $0x2000, $0x38;
	[tilespmem:$0x1F100] =	vst v63  }
0x31b: {  	_ =	swait.ge [sflag:s0], $0x2000  }
0x31c: {  	[sflag:s0] =	ssyncset.done $0x0  }
0x31d: {  	[sflag:s0] =	ssyncadd.s32 $0xFFFFE000  }
0x31e: {  	_ =	swait.ge [sflag:s19], $0x2000  }
0x31f: {  	[sflag:s19] =	ssyncset.done $0x0  }
0x320: {  	[sflag:s19] =	ssyncadd.s32 $0xFFFFE000  }
0x321: {  	_ =	swait.ge [sflag:s19], $0x2000  }
0x322: {  	[sflag:s19] =	ssyncset.done $0x0  }
0x323: {  	[sflag:s19] =	ssyncadd.s32 $0xFFFFE000  }
0x324: {  	[tilespmem:s14], [sflag:$0x2] =	stream.linear.gather [hbm4b:s13+s22], $0x2000, $0x38;
	[tilespmem:$0x1F100] =	vst v63  }
0x325: {  	_ = 	snop  }
0x326: {  	[tilespmem:s4], [sflag:$0x5] =	stream.linear.gather [spmem:s29], $0x2000, $0x38;
	[tilespmem:$0x1F100] =	vst v63  }
0x327: {  	_ =	swait.ge [sflag:s0], $0x2000  }
0x328: {  	[sflag:s0] =	ssyncset.done $0x0  }
0x329: {  	s21 =	simm.s32 $0x12000;
	s23 =	rddreg [dreg:$0x10];
	[sflag:s0] =	ssyncadd.s32 $0xFFFFE000  }
0x32a: {  	[tilespmem:s21], [sflag:$0x5] =	stream.linear.gather [spmem:s23], $0x800, $0x38;
	[tilespmem:$0x1F100] =	vst v63  }
0x32b: {  	_ =	swait.ge [sflag:s0], $0x800  }
0x32c: {  	[sflag:s0] =	ssyncset.done $0x0  }
0x32d: {  	[sflag:s0] =	ssyncadd.s32 $0xFFFFF800  }
0x32e: {  	_ =	swait.ge [sflag:s6], $0x2000  }
0x32f: {  	[sflag:s6] =	ssyncset.done $0x0  }
0x330: {  	s20 =	simm.s32 $0x0;
	[sflag:s6] =	ssyncadd.s32 $0xFFFFE000  }
0x331: {  	v8 =	vld [tilespmem:s20+$0xA030]  }
0x332: {  	v3 =	vld [tilespmem:s20+$0xA020]  }
0x333: {  	v4 =	vld [tilespmem:s20+$0xA000]  }
0x334: {  	v2 =	vld [tilespmem:s21+$0x0]  }
0x335: {  	v9 =	vld [tilespmem:s20+$0xA010];
	_ =	sdelay $0x2  }
0x336: {  	v7 =	vld [tilespmem:s20+$0xC000]  }
0x337: {  	v5 =	vld [tilespmem:s20+$0xC030];
	v11 =	vmul.f32 v4, v2;
	v6 =	vmul.f32 v3, v2  }
0x338: {  	v3 =	vmul.f32 v9, v2;
	v4 =	vld [tilespmem:s20+$0xC010];
	v9 =	vmul.f32 v8, v2  }
0x339: {  	s22 =	simm.s32 $0x100;
	v8 =	vld [tilespmem:s20+$0xC020];
	v10 =	vmul.f32 v11, v1;
	v11 =	vmul.f32 v11, v2  }
.LBB2_33:
0x33a: {  	p0 =	sne.s32 s22, $0x7F00  }
0x33b: {  	v12 =	vmul.f32 v6, v2;
	v13 =	vmul.f32 v9, v2;
	s21 =	sadd.s32 $0x10, s21;
	s23 =	smov.u32 s22;
	s22 =	sadd.s32 $0x100, s22  }
0x33c: {  	v9 =	vmul.f32 v9, v1;
	v7 =	vadd.f32 v10, v7;
	[tilespmem:s20+$0xA000] =	vst v11;
	v10 =	vmul.f32 v3, v1  }
0x33d: {  	v6 =	vmul.f32 v6, v1;
	[tilespmem:s20+$0xA020] =	vst v12  }
0x33e: {  	v2 =	vmul.f32 v3, v2;
	v3 =	vadd.f32 v9, v5;
	v4 =	vadd.f32 v10, v4;
	[tilespmem:s20+$0xA030] =	vst v13  }
0x33f: {  	[tilespmem:s20+$0xC000] =	vst v7;
	v5 =	vadd.f32 v6, v8  }
0x340: {  	s23 =	sshra.s32 s23, $0x2;
	[tilespmem:s20+$0xC030] =	vst v3  }
0x341: {  	v8 =	vld [tilespmem:s23+$0xA030];
	[tilespmem:s20+$0xC020] =	vst v5  }
0x342: {  	v3 =	vld [tilespmem:s23+$0xA020];
	[tilespmem:s20+$0xA010] =	vst v2  }
0x343: {  	v5 =	vld [tilespmem:s23+$0xA000];
	[tilespmem:s20+$0xC010] =	vst v4;
	s20 =	smov.u32 s23  }
0x344: {  	v2 =	vld [tilespmem:s21+$0x0]  }
0x345: {  	v4 =	vld [tilespmem:s20+$0xA010];
	_ =	sdelay $0x1  }
.Ltmp15:
0x346: {  	(pc) =	sbr.rel @p0 .LBB2_33-.Ltmp15, $4  }
0x347: {  	v7 =	vld [tilespmem:s20+$0xC000]  }
0x348: {  	v11 =	vmul.f32 v5, v2;
	v6 =	vmul.f32 v3, v2;
	v5 =	vld [tilespmem:s20+$0xC030]  }
0x349: {  	v9 =	vmul.f32 v8, v2;
	v3 =	vmul.f32 v4, v2;
	v4 =	vld [tilespmem:s20+$0xC010]  }
0x34a: {  	v10 =	vmul.f32 v11, v1;
	v11 =	vmul.f32 v11, v2;
	v8 =	vld [tilespmem:s20+$0xC020]  }
0x34b: {  	v12 =	vmul.f32 v6, v2  }
0x34c: {  	v13 =	vmul.f32 v9, v2;
	[tilespmem:s20+$0xA000] =	vst v11  }
0x34d: {  	v9 =	vmul.f32 v9, v1;
	v2 =	vmul.f32 v3, v2;
	[tilespmem:s20+$0xA020] =	vst v12  }
0x34e: {  	v6 =	vmul.f32 v6, v1;
	v7 =	vadd.f32 v10, v7;
	[tilespmem:s20+$0xA030] =	vst v13  }
0x34f: {  	v5 =	vadd.f32 v9, v5;
	v9 =	vmul.f32 v3, v1;
	[tilespmem:s20+$0xA010] =	vst v2  }
0x350: {  	[tilespmem:s20+$0xC000] =	vst v7;
	v6 =	vadd.f32 v6, v8  }
0x351: {  	[tilespmem:s20+$0xC030] =	vst v5;
	v3 =	vadd.f32 v9, v4  }
0x352: {  	[tilespmem:s20+$0xC020] =	vst v6  }
0x353: {  	s22 =	simm.s32 $0x0;
	[tilespmem:s20+$0xC010] =	vst v3  }
0x354: {  	[hbm4b:s11+s22] =	stream.linear.scatter [tilespmem:s25], [sflag:$0x3], $0x2000, $0x38;
	[tilespmem:$0x1F100] =	vst v63  }
0x355: {  	s21 =	rddreg [dreg:$0x1a]  }
0x356: {  	[hbm4b:s21+s22] =	stream.linear.scatter [tilespmem:s4], [sflag:$0x3], $0x2000, $0x38;
	[tilespmem:$0x1F100] =	vst v63  }
0x357: {  	_ = 	snop  }
0x358: {  	[spmem:s29] =	stream.linear.scatter [tilespmem:s4], [sflag:$0x5], $0x2000, $0x38;
	[tilespmem:$0x1F100] =	vst v63  }
0x359: {  	_ =	swait.ge [sflag:s0], $0x2000  }
0x35a: {  	[sflag:s0] =	ssyncset.done $0x0  }
0x35b: {  	[sflag:s0] =	ssyncadd.s32 $0xFFFFE000  }
0x35c: {  	_ =	swait.ge [sflag:s10], $0x2000  }
0x35d: {  	[sflag:s10] =	ssyncset.done $0x0  }
0x35e: {  	[sflag:s10] =	ssyncadd.s32 $0xFFFFE000  }
0x35f: {  	_ =	swait.ge [sflag:s10], $0x2000  }
0x360: {  	[sflag:s10] =	ssyncset.done $0x0  }
0x361: {  	[sflag:s10] =	ssyncadd.s32 $0xFFFFE000  }
0x362: {  	[tilespmem:s25], [sflag:$0x1] =	stream.linear.gather [hbm4b:s15+s22], $0x2000, $0x38;
	[tilespmem:$0x1F100] =	vst v63  }
0x363: {  	_ = 	snop  }
0x364: {  	[tilespmem:s12], [sflag:$0x5] =	stream.linear.gather [spmem:s30], $0x2000, $0x38;
	[tilespmem:$0x1F100] =	vst v63  }
0x365: {  	_ =	swait.ge [sflag:s0], $0x2000  }
0x366: {  	[sflag:s0] =	ssyncset.done $0x0  }
0x367: {  	s21 =	simm.s32 $0x12000;
	s23 =	rddreg [dreg:$0x11];
	[sflag:s0] =	ssyncadd.s32 $0xFFFFE000  }
0x368: {  	[tilespmem:s21], [sflag:$0x5] =	stream.linear.gather [spmem:s23], $0x800, $0x38;
	[tilespmem:$0x1F100] =	vst v63  }
0x369: {  	_ =	swait.ge [sflag:s0], $0x800  }
0x36a: {  	[sflag:s0] =	ssyncset.done $0x0  }
0x36b: {  	[sflag:s0] =	ssyncadd.s32 $0xFFFFF800  }
0x36c: {  	_ =	swait.ge [sflag:s8], $0x2000  }
0x36d: {  	[sflag:s8] =	ssyncset.done $0x0  }
0x36e: {  	s20 =	simm.s32 $0x0;
	[sflag:s8] =	ssyncadd.s32 $0xFFFFE000  }
0x36f: {  	v8 =	vld [tilespmem:s20+$0xE030]  }
0x370: {  	v3 =	vld [tilespmem:s20+$0xE020]  }
0x371: {  	v4 =	vld [tilespmem:s20+$0xE000]  }
0x372: {  	v2 =	vld [tilespmem:s21+$0x0]  }
0x373: {  	v9 =	vld [tilespmem:s20+$0xE010];
	_ =	sdelay $0x2  }
0x374: {  	v7 =	vld [tilespmem:s20+$0x10000]  }
0x375: {  	v5 =	vld [tilespmem:s20+$0x10030];
	v11 =	vmul.f32 v4, v2;
	v6 =	vmul.f32 v3, v2  }
0x376: {  	v3 =	vmul.f32 v9, v2;
	v4 =	vld [tilespmem:s20+$0x10010];
	v9 =	vmul.f32 v8, v2  }
0x377: {  	s22 =	simm.s32 $0x100;
	v8 =	vld [tilespmem:s20+$0x10020];
	v10 =	vmul.f32 v11, v1;
	v11 =	vmul.f32 v11, v2  }
.LBB2_35:
0x378: {  	p0 =	sne.s32 s22, $0x7F00  }
0x379: {  	v12 =	vmul.f32 v6, v2;
	v13 =	vmul.f32 v9, v2;
	s21 =	sadd.s32 $0x10, s21;
	s23 =	smov.u32 s22;
	s22 =	sadd.s32 $0x100, s22  }
0x37a: {  	v9 =	vmul.f32 v9, v1;
	v7 =	vadd.f32 v10, v7;
	[tilespmem:s20+$0xE000] =	vst v11;
	v10 =	vmul.f32 v3, v1  }
0x37b: {  	v6 =	vmul.f32 v6, v1;
	[tilespmem:s20+$0xE020] =	vst v12  }
0x37c: {  	v2 =	vmul.f32 v3, v2;
	v3 =	vadd.f32 v9, v5;
	v4 =	vadd.f32 v10, v4;
	[tilespmem:s20+$0xE030] =	vst v13  }
0x37d: {  	[tilespmem:s20+$0x10000] =	vst v7;
	v5 =	vadd.f32 v6, v8  }
0x37e: {  	s23 =	sshra.s32 s23, $0x2;
	[tilespmem:s20+$0x10030] =	vst v3  }
0x37f: {  	v8 =	vld [tilespmem:s23+$0xE030];
	[tilespmem:s20+$0x10020] =	vst v5  }
0x380: {  	v3 =	vld [tilespmem:s23+$0xE020];
	[tilespmem:s20+$0xE010] =	vst v2  }
0x381: {  	v5 =	vld [tilespmem:s23+$0xE000];
	[tilespmem:s20+$0x10010] =	vst v4;
	s20 =	smov.u32 s23  }
0x382: {  	v2 =	vld [tilespmem:s21+$0x0]  }
0x383: {  	v4 =	vld [tilespmem:s20+$0xE010];
	_ =	sdelay $0x1  }
.Ltmp16:
0x384: {  	(pc) =	sbr.rel @p0 .LBB2_35-.Ltmp16, $4  }
0x385: {  	v7 =	vld [tilespmem:s20+$0x10000]  }
0x386: {  	v11 =	vmul.f32 v5, v2;
	v6 =	vmul.f32 v3, v2;
	v5 =	vld [tilespmem:s20+$0x10030]  }
0x387: {  	v9 =	vmul.f32 v8, v2;
	v3 =	vmul.f32 v4, v2;
	v4 =	vld [tilespmem:s20+$0x10010]  }
0x388: {  	v10 =	vmul.f32 v11, v1;
	v11 =	vmul.f32 v11, v2;
	v8 =	vld [tilespmem:s20+$0x10020]  }
0x389: {  	v12 =	vmul.f32 v6, v2  }
0x38a: {  	v13 =	vmul.f32 v9, v2;
	[tilespmem:s20+$0xE000] =	vst v11  }
0x38b: {  	v9 =	vmul.f32 v9, v1;
	v2 =	vmul.f32 v3, v2;
	[tilespmem:s20+$0xE020] =	vst v12  }
0x38c: {  	v6 =	vmul.f32 v6, v1;
	v7 =	vadd.f32 v10, v7;
	[tilespmem:s20+$0xE030] =	vst v13  }
0x38d: {  	v5 =	vadd.f32 v9, v5;
	v9 =	vmul.f32 v3, v1;
	[tilespmem:s20+$0xE010] =	vst v2  }
0x38e: {  	[tilespmem:s20+$0x10000] =	vst v7;
	v6 =	vadd.f32 v6, v8  }
0x38f: {  	[tilespmem:s20+$0x10030] =	vst v5;
	v3 =	vadd.f32 v9, v4  }
0x390: {  	[tilespmem:s20+$0x10020] =	vst v6  }
0x391: {  	s23 =	simm.s32 $0x0;
	[tilespmem:s20+$0x10010] =	vst v3  }
0x392: {  	[hbm4b:s13+s23] =	stream.linear.scatter [tilespmem:s14], [sflag:$0x4], $0x2000, $0x38;
	[tilespmem:$0x1F100] =	vst v63  }
0x393: {  	s21 =	rddreg [dreg:$0x1b]  }
0x394: {  	[hbm4b:s21+s23] =	stream.linear.scatter [tilespmem:s12], [sflag:$0x4], $0x2000, $0x38;
	[tilespmem:$0x1F100] =	vst v63  }
0x395: {  	_ = 	snop  }
0x396: {  	[spmem:s30] =	stream.linear.scatter [tilespmem:s12], [sflag:$0x5], $0x2000, $0x38;
	[tilespmem:$0x1F100] =	vst v63  }
0x397: {  	_ =	swait.ge [sflag:s0], $0x2000  }
0x398: {  	[sflag:s0] =	ssyncset.done $0x0  }
0x399: {  	[sflag:s0] =	ssyncadd.s32 $0xFFFFE000  }
0x39a: {  	[tilespmem:s4], [sflag:$0x5] =	stream.linear.gather [spmem:s31], $0x2000, $0x38;
	[tilespmem:$0x1F100] =	vst v63  }
0x39b: {  	_ =	swait.ge [sflag:s0], $0x2000  }
0x39c: {  	[sflag:s0] =	ssyncset.done $0x0  }
0x39d: {  	s21 =	simm.s32 $0x12000;
	[sflag:s0] =	ssyncadd.s32 $0xFFFFE000  }
0x39e: {  	[tilespmem:s21], [sflag:$0x5] =	stream.linear.gather [spmem:s24], $0x800, $0x38;
	[tilespmem:$0x1F100] =	vst v63  }
0x39f: {  	_ =	swait.ge [sflag:s0], $0x800  }
0x3a0: {  	[sflag:s0] =	ssyncset.done $0x0  }
0x3a1: {  	[sflag:s0] =	ssyncadd.s32 $0xFFFFF800  }
0x3a2: {  	_ =	swait.ge [sflag:s6], $0x2000  }
0x3a3: {  	[sflag:s6] =	ssyncset.done $0x0  }
0x3a4: {  	s20 =	simm.s32 $0x0;
	[sflag:s6] =	ssyncadd.s32 $0xFFFFE000  }
0x3a5: {  	v8 =	vld [tilespmem:s20+$0xA030]  }
0x3a6: {  	v3 =	vld [tilespmem:s20+$0xA020]  }
0x3a7: {  	v4 =	vld [tilespmem:s20+$0xA000]  }
0x3a8: {  	v2 =	vld [tilespmem:s21+$0x0]  }
0x3a9: {  	v9 =	vld [tilespmem:s20+$0xA010];
	_ =	sdelay $0x2  }
0x3aa: {  	v7 =	vld [tilespmem:s20+$0xC000]  }
0x3ab: {  	v5 =	vld [tilespmem:s20+$0xC030];
	v11 =	vmul.f32 v4, v2;
	v6 =	vmul.f32 v3, v2  }
0x3ac: {  	v3 =	vmul.f32 v9, v2;
	v4 =	vld [tilespmem:s20+$0xC010];
	v9 =	vmul.f32 v8, v2  }
0x3ad: {  	s22 =	simm.s32 $0x100;
	v8 =	vld [tilespmem:s20+$0xC020];
	v10 =	vmul.f32 v11, v1;
	v11 =	vmul.f32 v11, v2  }
.LBB2_37:
0x3ae: {  	p0 =	sne.s32 s22, $0x7F00  }
0x3af: {  	v12 =	vmul.f32 v6, v2;
	v13 =	vmul.f32 v9, v2;
	s21 =	sadd.s32 $0x10, s21;
	s23 =	smov.u32 s22;
	s22 =	sadd.s32 $0x100, s22  }
0x3b0: {  	v9 =	vmul.f32 v9, v1;
	v7 =	vadd.f32 v10, v7;
	[tilespmem:s20+$0xA000] =	vst v11;
	v10 =	vmul.f32 v3, v1  }
0x3b1: {  	v6 =	vmul.f32 v6, v1;
	[tilespmem:s20+$0xA020] =	vst v12  }
0x3b2: {  	v2 =	vmul.f32 v3, v2;
	v3 =	vadd.f32 v9, v5;
	v4 =	vadd.f32 v10, v4;
	[tilespmem:s20+$0xA030] =	vst v13  }
0x3b3: {  	[tilespmem:s20+$0xC000] =	vst v7;
	v5 =	vadd.f32 v6, v8  }
0x3b4: {  	s23 =	sshra.s32 s23, $0x2;
	[tilespmem:s20+$0xC030] =	vst v3  }
0x3b5: {  	v8 =	vld [tilespmem:s23+$0xA030];
	[tilespmem:s20+$0xC020] =	vst v5  }
0x3b6: {  	v3 =	vld [tilespmem:s23+$0xA020];
	[tilespmem:s20+$0xA010] =	vst v2  }
0x3b7: {  	v5 =	vld [tilespmem:s23+$0xA000];
	[tilespmem:s20+$0xC010] =	vst v4;
	s20 =	smov.u32 s23  }
0x3b8: {  	v2 =	vld [tilespmem:s21+$0x0]  }
0x3b9: {  	v4 =	vld [tilespmem:s20+$0xA010];
	_ =	sdelay $0x1  }
.Ltmp17:
0x3ba: {  	(pc) =	sbr.rel @p0 .LBB2_37-.Ltmp17, $4  }
0x3bb: {  	v7 =	vld [tilespmem:s20+$0xC000]  }
0x3bc: {  	v11 =	vmul.f32 v5, v2;
	v6 =	vmul.f32 v3, v2;
	v5 =	vld [tilespmem:s20+$0xC030]  }
0x3bd: {  	v9 =	vmul.f32 v8, v2;
	v3 =	vmul.f32 v4, v2;
	v4 =	vld [tilespmem:s20+$0xC010]  }
0x3be: {  	v10 =	vmul.f32 v11, v1;
	v11 =	vmul.f32 v11, v2;
	v8 =	vld [tilespmem:s20+$0xC020]  }
0x3bf: {  	v12 =	vmul.f32 v6, v2  }
0x3c0: {  	v13 =	vmul.f32 v9, v2;
	[tilespmem:s20+$0xA000] =	vst v11  }
0x3c1: {  	v62 =	vmul.f32 v9, v1;
	v2 =	vmul.f32 v3, v2;
	[tilespmem:s20+$0xA020] =	vst v12  }
0x3c2: {  	v63 =	vmul.f32 v6, v1;
	v1 =	vmul.f32 v3, v1;
	v7 =	vadd.f32 v10, v7;
	[tilespmem:s20+$0xA030] =	vst v13  }
0x3c3: {  	v5 =	vadd.f32 v62, v5;
	[tilespmem:s20+$0xA010] =	vst v2  }
0x3c4: {  	[tilespmem:s20+$0xC000] =	vst v7;
	v1 =	vadd.f32 v1, v4  }
0x3c5: {  	v6 =	vadd.f32 v63, v8;
	[tilespmem:s20+$0xC030] =	vst v5  }
0x3c6: {  	[tilespmem:s20+$0xC010] =	vst v1  }
0x3c7: {  	s23 =	simm.s32 $0x0;
	[tilespmem:s20+$0xC020] =	vst v6  }
0x3c8: {  	[hbm4b:s15+s23] =	stream.linear.scatter [tilespmem:s25], [sflag:$0x3], $0x2000, $0x38;
	[tilespmem:$0x1F100] =	vst v63  }
0x3c9: {  	s21 =	rddreg [dreg:$0x1c]  }
0x3ca: {  	[hbm4b:s21+s23] =	stream.linear.scatter [tilespmem:s4], [sflag:$0x3], $0x2000, $0x38;
	[tilespmem:$0x1F100] =	vst v63  }
0x3cb: {  	_ = 	snop  }
0x3cc: {  	[spmem:s31] =	stream.linear.scatter [tilespmem:s4], [sflag:$0x5], $0x2000, $0x38;
	[tilespmem:$0x1F100] =	vst v63  }
0x3cd: {  	_ =	swait.ge [sflag:s0], $0x2000  }
0x3ce: {  	[sflag:s0] =	ssyncset.done $0x0  }
0x3cf: {  	[sflag:s0] =	ssyncadd.s32 $0xFFFFE000  }
0x3d0: {  	_ =	swait.ge [sflag:s19], $0x2000  }
0x3d1: {  	[sflag:s19] =	ssyncset.done $0x0  }
0x3d2: {  	[sflag:s19] =	ssyncadd.s32 $0xFFFFE000  }
0x3d3: {  	_ =	swait.ge [sflag:s19], $0x2000  }
0x3d4: {  	[sflag:s19] =	ssyncset.done $0x0  }
0x3d5: {  	[sflag:s19] =	ssyncadd.s32 $0xFFFFE000  }
0x3d6: {  	_ =	swait.ge [sflag:s10], $0x2000  }
0x3d7: {  	[sflag:s10] =	ssyncset.done $0x0  }
0x3d8: {  	p0 =	sne.s32 s18, $0xA;
	[sflag:s10] =	ssyncadd.s32 $0xFFFFE000  }
.Ltmp18:
0x3d9: {  	_ =	swait.ge [sflag:s10], $0x2000;
	(pc) =	sbr.rel @p0 .LBB2_26-.Ltmp18, $3  }
0x3da: {  	[sflag:s10] =	ssyncset.done $0x0  }
0x3db: {  	[sflag:s10] =	ssyncadd.s32 $0xFFFFE000  }
0x3dc: {  	[bflag:$0x0] =	sbarrier.arrive $0xFFFF;
	_ =	sdelay $0x1  }
0x3dd: {  	s18 =	rddreg [dreg:$0x1d]  }
0x3de: {  	s16 =	rddreg [dreg:$0x13];
	s18 =	sadd.s32 $0x1, s18  }
0x3df: {  	p0 =	sne.s32 s18, s16  }
.Ltmp19:
0x3e0: {  	_ = 	snop;
	(pc) =	sbr.rel @p0 .LBB2_1-.Ltmp19, $2  }
0x3e1: {  	_ =	sdelay $0x2  }
0x3e2: {  	s20 =	simm.s32 $0x5000  }
0x3e3: {  	_ =	sfence.sel $0x180000  }
0x3e4: {  	[bflag:$0x0] =	sbarrier.arrive $0xFFFF  }
0x3e5: {  	_ =	strace $0x90000047  }
0x3e6: {  	s0 =	stileid.u32;
	[bflag:$0x2] =	sbarrier.arrive $0xFFFF  }
0x3e7: {  	p0 =	sne.s32 s0, $0x0;
	s0 =	rddreg [dreg:$0x4]  }
0x3e8: {  	s0 =	sadd.s32 @!p0 $0x100000, s0  }
0x3e9: {  	[sflag:s0] =	ssyncadd.tile.s32 @!p0 $0x1;
	_ =	shalt  }
.Lfunc_end2:
_tile_overlayer_lowered:
.L_overlay_start_2:
0x3ea: {  	(tag) =	ssettag $0x2  }
0x3eb: {  	s0 =	rddreg [dreg:$0x0];
	s2 =	stileid.u32  }
0x3ec: {  	s1 =	rddreg [dreg:$0x1];
	p0 =	sne.s32 s2, $0x0  }
0x3ed: {  	s3 =	rddreg [dreg:$0x2];
	[bflag:$0x3] =	sbarrier.arrive $0xFFFF;
	s2 =	simm.s32 @!p0 $0x1C05  }
0x3ee: {  	[timem:s3], [sflag:s2] =	dma.local @!p0 [hbm:s0], s1  }
0x3ef: {  	s0 =	simm.s32 @!p0 $0x5  }
0x3f0: {  	_ =	swait.ge @!p0 [sflag:s0], s1  }
0x3f1: {  	s1 =	ssub.s32 @!p0 $0x0, s1;
	[sflag:s0] =	ssyncset.done @!p0 $0x0  }
0x3f2: {  	[sflag:s0] =	ssyncadd.s32 @!p0 s1  }
0x3f3: {  	[bflag:$0x3] =	sbarrier.arrive $0xFFFF  }
0x3f4: {  	_ =	shalt  }

</sc_bundles>
